<compile_context>
chip_gen: v7x
topology: tpu7x:2x2x1
jax: 0.10.2.dev20260603
libtpu: 0.0.44.dev20260713+nightly
codegen_flags: <defaults>
</compile_context>

<pallas_src>
import jax
import jax.numpy as jnp
from jax import lax
from jax.experimental import pallas as pl
from jax.experimental.pallas import tpu as pltpu
from jax.experimental.pallas import tpu_sc as plsc

N_USERS = 100000
N_ITEMS = 100000
DIM = 128
B = 16384
DECAY = 1e-4

NC = 2
NS = 16
NW = NC * NS
BPW = B // NW
CHUNK = 64
NCHUNK = BPW // CHUNK
NBUF = 3
LANES = 16
VPR = DIM // LANES
PROWS = BPW * LANES // DIM


def _sc_body(uemb, iemb, uidx, pidx, nidx,
             d_out, sq_out,
             idx_u, idx_p, idx_n, urows, prows, nrows, dbuf, sqbuf, sem, osem):
    wid = lax.axis_index("s") * NC + lax.axis_index("c")
    base = wid * BPW

    ci = pltpu.async_copy(uidx.at[pl.ds(base, BPW)], idx_u, sem)
    cj = pltpu.async_copy(pidx.at[pl.ds(base, BPW)], idx_p, sem)
    ck = pltpu.async_copy(nidx.at[pl.ds(base, BPW)], idx_n, sem)
    ci.wait()
    cj.wait()
    ck.wait()

    zero = jnp.zeros((LANES,), jnp.float32)

    def gather(c, buf):
        s = pl.ds(c * CHUNK, CHUNK)
        return (pltpu.async_copy(uemb.at[idx_u.at[s]], urows.at[buf], sem),
                pltpu.async_copy(iemb.at[idx_p.at[s]], prows.at[buf], sem),
                pltpu.async_copy(iemb.at[idx_n.at[s]], nrows.at[buf], sem))

    pend = [gather(0, 0), gather(1, 1)] + [None] * (NCHUNK - 2)
    sq_acc = tuple(zero for _ in range(3 * VPR))

    for c in range(NCHUNK):
        for cp in pend[c]:
            cp.wait()
        if c + 2 < NCHUNK:
            pend[c + 2] = gather(c + 2, (c + 2) % NBUF)
        buf = c % NBUF

        def row_body(r, carry):
            sq = list(carry)
            uv = [urows[buf, r, pl.ds(j * LANES, LANES)] for j in range(VPR)]
            pv = [prows[buf, r, pl.ds(j * LANES, LANES)] for j in range(VPR)]
            nv = [nrows[buf, r, pl.ds(j * LANES, LANES)] for j in range(VPR)]
            td = [uv[j] * (pv[j] - nv[j]) for j in range(VPR)]
            w = VPR
            while w > 1:
                w //= 2
                td = [td[j] + td[j + w] for j in range(w)]
            for j in range(VPR):
                sq[j] = sq[j] + uv[j] * uv[j]
                sq[VPR + j] = sq[VPR + j] + pv[j] * pv[j]
                sq[2 * VPR + j] = sq[2 * VPR + j] + nv[j] * nv[j]
            dbuf[c * (CHUNK // VPR) + r // VPR,
                 pl.ds((r % VPR) * LANES, LANES)] = td[0]
            return tuple(sq)

        sq_acc = lax.fori_loop(0, CHUNK, row_body, sq_acc)
        if c == NCHUNK // 2 - 1:
            half = PROWS // 2
            out_cp = pltpu.async_copy(
                dbuf.at[pl.ds(0, half)],
                d_out.at[pl.ds(wid * PROWS, half)], osem)

    half = PROWS // 2
    pltpu.sync_copy(dbuf.at[pl.ds(half, half)],
                    d_out.at[pl.ds(wid * PROWS + half, half)])
    out_cp.wait()
    su = sum(sq_acc[0:VPR], zero)
    sp = sum(sq_acc[VPR:2 * VPR], zero)
    sn = sum(sq_acc[2 * VPR:3 * VPR], zero)
    sqbuf[pl.ds(0, LANES)] = su
    sqbuf[pl.ds(LANES, LANES)] = sp
    sqbuf[pl.ds(2 * LANES, LANES)] = sn
    pltpu.sync_copy(sqbuf, sq_out.at[wid])


def _tc_body(d_ref, sq_ref, out_ref):
    dm = d_ref[...]
    kk = lax.broadcasted_iota(jnp.int32, (DIM, DIM // LANES), 0) // LANES
    jj = lax.broadcasted_iota(jnp.int32, (DIM, DIM // LANES), 1)
    sel = (kk == jj).astype(jnp.float32)
    d = jnp.dot(dm, sel, preferred_element_type=jnp.float32)
    bpr = jnp.sum(-jnp.log(1e-5 + jax.nn.sigmoid(d))) / B
    sq = sq_ref[...]
    s_u = jnp.sum(sq[:, 0:16])
    s_p = jnp.sum(sq[:, 16:32])
    s_n = jnp.sum(sq[:, 32:48])
    emb = (jnp.sqrt(s_u) + jnp.sqrt(s_p) + jnp.sqrt(s_n)) / B * DECAY
    out_ref[...] = jnp.reshape(bpr + emb / B, (1, 1))


@jax.jit
def kernel(users, pos_items, neg_items, user_emb, item_emb):
    uidx = users.astype(jnp.int32)
    pidx = pos_items.astype(jnp.int32)
    nidx = neg_items[:, 0].astype(jnp.int32)

    sc = pl.kernel(
        _sc_body,
        mesh=plsc.VectorSubcoreMesh(core_axis_name="c", subcore_axis_name="s"),
        out_type=(
            jax.ShapeDtypeStruct((B * LANES // DIM, DIM), jnp.float32),
            jax.ShapeDtypeStruct((NW, 3 * LANES), jnp.float32),
        ),
        scratch_types=[
            pltpu.VMEM((BPW,), jnp.int32),
            pltpu.VMEM((BPW,), jnp.int32),
            pltpu.VMEM((BPW,), jnp.int32),
            pltpu.VMEM((NBUF, CHUNK, DIM), jnp.float32),
            pltpu.VMEM((NBUF, CHUNK, DIM), jnp.float32),
            pltpu.VMEM((NBUF, CHUNK, DIM), jnp.float32),
            pltpu.VMEM((PROWS, DIM), jnp.float32),
            pltpu.VMEM((3 * LANES,), jnp.float32),
            pltpu.SemaphoreType.DMA,
            pltpu.SemaphoreType.DMA,
        ],
    )
    d_part, sq = sc(user_emb, item_emb, uidx, pidx, nidx)

    res = pl.pallas_call(
        _tc_body,
        out_shape=jax.ShapeDtypeStruct((1, 1), jnp.float32),
    )(d_part, sq)

    s = res[0, 0]
    return (s, s, s)

# --- scband reference (transcript-rebuilt; emitter-appended) ---
"""Pipeline reference for scband-matrix-factorization-17076789969193 (READ-ONLY COPY).

The authoritative reference and input builder live on the scoring server;
editing this copy changes nothing except your own understanding.
"""

import jax, jax.numpy as jnp
import numpy as np

N_USERS = 100000
N_ITEMS = 100000
DIM = 128
B = 16384
DECAY = 1e-4


def setup_inputs(seed: int = 0) -> dict:
    key = jax.random.key(seed)
    k1, k2, k3, k4, k5 = jax.random.split(key, 5)
    users = jax.random.randint(k1, (B,), 0, N_USERS, dtype=jnp.int64 if jax.config.jax_enable_x64 else jnp.int32)
    pos_items = jax.random.randint(k2, (B,), 0, N_ITEMS, dtype=jnp.int64 if jax.config.jax_enable_x64 else jnp.int32)
    neg_items = jax.random.randint(k3, (B, 1), 0, N_ITEMS, dtype=jnp.int64 if jax.config.jax_enable_x64 else jnp.int32)
    # xavier_uniform init: bound = sqrt(6 / (fan_in + fan_out))
    bu = float(np.sqrt(6.0 / (N_USERS + DIM)))
    bi = float(np.sqrt(6.0 / (N_ITEMS + DIM)))
    user_emb = jax.random.uniform(k4, (N_USERS, DIM), minval=-bu, maxval=bu, dtype=jnp.float32)
    item_emb = jax.random.uniform(k5, (N_ITEMS, DIM), minval=-bi, maxval=bi, dtype=jnp.float32)
    return {"users": users, "pos_items": pos_items, "neg_items": neg_items,
            "user_emb": user_emb, "item_emb": item_emb}


def reference(users, pos_items, neg_items, user_emb, item_emb):
    # ns == 'rns': take first negative per row
    neg_item_emb = jnp.take(item_emb, neg_items[:, :1], axis=0).reshape(-1, DIM)
    u = jnp.take(user_emb, users, axis=0)
    p = jnp.take(item_emb, pos_items, axis=0)
    pos_score = jnp.sum(u * p, axis=1)
    neg_score = jnp.sum(u * neg_item_emb, axis=1)
    bpr = jnp.mean(-jnp.log(1e-05 + jax.nn.sigmoid(pos_score - neg_score)))
    emb_loss = (jnp.linalg.norm(u) / u.shape[0]
                + jnp.linalg.norm(p) / p.shape[0]
                + jnp.linalg.norm(neg_item_emb) / neg_item_emb.shape[0]) * DECAY
    batch_loss = bpr + emb_loss / users.shape[0]
    return (batch_loss, batch_loss, batch_loss)

if __name__ == "__main__":
    import jax
    _d = setup_inputs()
    print(jax.jit(kernel)(*tuple(_d.values())))

</pallas_src>

<mosaic_0001>
#map = affine_map<(d0, d1) -> (0, 0)>
#map1 = affine_map<(d0, d1) -> (0)>
module attributes {stable_mosaic.version = 14 : i64} {
  func.func @_sc_body(%arg0: i32, %arg1: i32, %arg2: memref<100000x128xf32, #tpu.memory_space<hbm>>, %arg3: memref<100000x128xf32, #tpu.memory_space<hbm>>, %arg4: memref<16384xi32, #tpu.memory_space<hbm>>, %arg5: memref<16384xi32, #tpu.memory_space<hbm>>, %arg6: memref<16384xi32, #tpu.memory_space<hbm>>, %arg7: memref<2048x128xf32, #tpu.memory_space<hbm>>, %arg8: memref<32x48xf32, #tpu.memory_space<hbm>>, %arg9: memref<512xi32, #tpu.memory_space<vmem>>, %arg10: memref<512xi32, #tpu.memory_space<vmem>>, %arg11: memref<512xi32, #tpu.memory_space<vmem>>, %arg12: memref<3x64x128xf32, #tpu.memory_space<vmem>>, %arg13: memref<3x64x128xf32, #tpu.memory_space<vmem>>, %arg14: memref<3x64x128xf32, #tpu.memory_space<vmem>>, %arg15: memref<64x128xf32, #tpu.memory_space<vmem>>, %arg16: memref<48xf32, #tpu.memory_space<vmem>>, %arg17: memref<!tpu.dma_semaphore, #tpu.memory_space<semaphore_mem>>, %arg18: memref<!tpu.dma_semaphore, #tpu.memory_space<semaphore_mem>>) attributes {dimension_semantics = [#tpu.dimension_semantics<core_parallel>, #tpu.dimension_semantics<subcore_parallel>], iteration_bounds = array<i64: 2, 16>, scalar_prefetch = 0 : i64, scratch_operands = 10 : i64, tpu.core_type = #tpu.core_type<sc_vector_subcore>, window_params = [{transform_indices = #map}, {transform_indices = #map}, {transform_indices = #map1}, {transform_indices = #map1}, {transform_indices = #map1}, {transform_indices = #map}, {transform_indices = #map}]} {
    %mul3A = arith.constant 2 : i32
    %mul3A_0 = arith.muli %arg1, %mul3A : i32
    %add3A = arith.addi %mul3A_0, %arg0 : i32
    %mul3A_1 = arith.constant 512 : i32
    %mul3A_2 = arith.muli %add3A, %mul3A_1 : i32
    %dma_start3A = tpu.memref_slice %arg4[%mul3A_2] : memref<16384xi32, #tpu.memory_space<hbm>> -> memref<512xi32, #tpu.memory_space<hbm>>
    %dma_start3A_3 = tpu.memref_slice %arg4[%mul3A_2] : memref<16384xi32, #tpu.memory_space<hbm>> -> memref<512xi32, #tpu.memory_space<hbm>>
    tpu.enqueue_dma source(%dma_start3A_3 : memref<512xi32, #tpu.memory_space<hbm>>) target(%arg9 : memref<512xi32, #tpu.memory_space<vmem>>) target_semaphore(%arg17 : memref<!tpu.dma_semaphore, #tpu.memory_space<semaphore_mem>>)
    %dma_start3A_4 = tpu.memref_slice %arg5[%mul3A_2] : memref<16384xi32, #tpu.memory_space<hbm>> -> memref<512xi32, #tpu.memory_space<hbm>>
    %dma_start3A_5 = tpu.memref_slice %arg5[%mul3A_2] : memref<16384xi32, #tpu.memory_space<hbm>> -> memref<512xi32, #tpu.memory_space<hbm>>
    tpu.enqueue_dma source(%dma_start3A_5 : memref<512xi32, #tpu.memory_space<hbm>>) target(%arg10 : memref<512xi32, #tpu.memory_space<vmem>>) target_semaphore(%arg17 : memref<!tpu.dma_semaphore, #tpu.memory_space<semaphore_mem>>)
    %dma_start3A_6 = tpu.memref_slice %arg6[%mul3A_2] : memref<16384xi32, #tpu.memory_space<hbm>> -> memref<512xi32, #tpu.memory_space<hbm>>
    %dma_start3A_7 = tpu.memref_slice %arg6[%mul3A_2] : memref<16384xi32, #tpu.memory_space<hbm>> -> memref<512xi32, #tpu.memory_space<hbm>>
    tpu.enqueue_dma source(%dma_start3A_7 : memref<512xi32, #tpu.memory_space<hbm>>) target(%arg11 : memref<512xi32, #tpu.memory_space<vmem>>) target_semaphore(%arg17 : memref<!tpu.dma_semaphore, #tpu.memory_space<semaphore_mem>>)
    %dma_wait3A = tpu.memref_slice %arg4[%mul3A_2] : memref<16384xi32, #tpu.memory_space<hbm>> -> memref<512xi32, #tpu.memory_space<hbm>>
    %dma_wait3A_8 = tpu.memref_slice %arg4[%mul3A_2] : memref<16384xi32, #tpu.memory_space<hbm>> -> memref<512xi32, #tpu.memory_space<hbm>>
    tpu.wait_dma2 semaphore(%arg17 : memref<!tpu.dma_semaphore, #tpu.memory_space<semaphore_mem>>) src(%dma_wait3A_8 : memref<512xi32, #tpu.memory_space<hbm>>) dst(%arg9 : memref<512xi32, #tpu.memory_space<vmem>>)
    %dma_wait3A_9 = tpu.memref_slice %arg5[%mul3A_2] : memref<16384xi32, #tpu.memory_space<hbm>> -> memref<512xi32, #tpu.memory_space<hbm>>
    %dma_wait3A_10 = tpu.memref_slice %arg5[%mul3A_2] : memref<16384xi32, #tpu.memory_space<hbm>> -> memref<512xi32, #tpu.memory_space<hbm>>
    tpu.wait_dma2 semaphore(%arg17 : memref<!tpu.dma_semaphore, #tpu.memory_space<semaphore_mem>>) src(%dma_wait3A_10 : memref<512xi32, #tpu.memory_space<hbm>>) dst(%arg10 : memref<512xi32, #tpu.memory_space<vmem>>)
    %dma_wait3A_11 = tpu.memref_slice %arg6[%mul3A_2] : memref<16384xi32, #tpu.memory_space<hbm>> -> memref<512xi32, #tpu.memory_space<hbm>>
    %dma_wait3A_12 = tpu.memref_slice %arg6[%mul3A_2] : memref<16384xi32, #tpu.memory_space<hbm>> -> memref<512xi32, #tpu.memory_space<hbm>>
    tpu.wait_dma2 semaphore(%arg17 : memref<!tpu.dma_semaphore, #tpu.memory_space<semaphore_mem>>) src(%dma_wait3A_12 : memref<512xi32, #tpu.memory_space<hbm>>) dst(%arg11 : memref<512xi32, #tpu.memory_space<vmem>>)
    %broadcast_in_dim3A = arith.constant 0.000000e+00 : f32
    %broadcast_in_dim3A_13 = vector.broadcast %broadcast_in_dim3A : f32 to vector<16xf32>
    %dma_start3A_14 = arith.constant 0 : i32
    %dma_start3A_15 = arith.constant 0 : i32
    %dma_start3A_16 = arith.constant 0 : i32
    %dma_start3A_17 = tpu.memref_slice %arg12[%dma_start3A_14, %dma_start3A_15, %dma_start3A_16] : memref<3x64x128xf32, #tpu.memory_space<vmem>> -> memref<1x64x128xf32, #tpu.memory_space<vmem>>
    %dma_start3A_18 = tpu.memref_squeeze %dma_start3A_17 : memref<1x64x128xf32, #tpu.memory_space<vmem>> -> memref<64x128xf32, #tpu.memory_space<vmem>>
    %dma_start3A_19 = arith.constant 0 : i32
    %dma_start3A_20 = tpu.memref_slice %arg9[%dma_start3A_19] : memref<512xi32, #tpu.memory_space<vmem>> -> memref<64xi32, #tpu.memory_space<vmem>>
    %dma_start3A_21 = arith.constant 0 : i32
    %dma_start3A_22 = arith.constant 0 : i32
    %dma_start3A_23 = tpu.memref_slice %arg2[%dma_start3A_21, %dma_start3A_22] : memref<100000x128xf32, #tpu.memory_space<hbm>> -> memref<100000x128xf32, #tpu.memory_space<hbm>>
    tpu.enqueue_indirect_dma source(%dma_start3A_23 : memref<100000x128xf32, #tpu.memory_space<hbm>>) target(%dma_start3A_18 : memref<64x128xf32, #tpu.memory_space<vmem>>) offsets(%dma_start3A_20 : memref<64xi32, #tpu.memory_space<vmem>>) semaphore(%arg17 : memref<!tpu.dma_semaphore, #tpu.memory_space<semaphore_mem>>)
    %dma_start3A_24 = arith.constant 0 : i32
    %dma_start3A_25 = arith.constant 0 : i32
    %dma_start3A_26 = arith.constant 0 : i32
    %dma_start3A_27 = tpu.memref_slice %arg13[%dma_start3A_24, %dma_start3A_25, %dma_start3A_26] : memref<3x64x128xf32, #tpu.memory_space<vmem>> -> memref<1x64x128xf32, #tpu.memory_space<vmem>>
    %dma_start3A_28 = tpu.memref_squeeze %dma_start3A_27 : memref<1x64x128xf32, #tpu.memory_space<vmem>> -> memref<64x128xf32, #tpu.memory_space<vmem>>
    %dma_start3A_29 = arith.constant 0 : i32
    %dma_start3A_30 = tpu.memref_slice %arg10[%dma_start3A_29] : memref<512xi32, #tpu.memory_space<vmem>> -> memref<64xi32, #tpu.memory_space<vmem>>
    %dma_start3A_31 = arith.constant 0 : i32
    %dma_start3A_32 = arith.constant 0 : i32
    %dma_start3A_33 = tpu.memref_slice %arg3[%dma_start3A_31, %dma_start3A_32] : memref<100000x128xf32, #tpu.memory_space<hbm>> -> memref<100000x128xf32, #tpu.memory_space<hbm>>
    tpu.enqueue_indirect_dma source(%dma_start3A_33 : memref<100000x128xf32, #tpu.memory_space<hbm>>) target(%dma_start3A_28 : memref<64x128xf32, #tpu.memory_space<vmem>>) offsets(%dma_start3A_30 : memref<64xi32, #tpu.memory_space<vmem>>) semaphore(%arg17 : memref<!tpu.dma_semaphore, #tpu.memory_space<semaphore_mem>>)
    %dma_start3A_34 = arith.constant 0 : i32
    %dma_start3A_35 = arith.constant 0 : i32
    %dma_start3A_36 = arith.constant 0 : i32
    %dma_start3A_37 = tpu.memref_slice %arg14[%dma_start3A_34, %dma_start3A_35, %dma_start3A_36] : memref<3x64x128xf32, #tpu.memory_space<vmem>> -> memref<1x64x128xf32, #tpu.memory_space<vmem>>
    %dma_start3A_38 = tpu.memref_squeeze %dma_start3A_37 : memref<1x64x128xf32, #tpu.memory_space<vmem>> -> memref<64x128xf32, #tpu.memory_space<vmem>>
    %dma_start3A_39 = arith.constant 0 : i32
    %dma_start3A_40 = tpu.memref_slice %arg11[%dma_start3A_39] : memref<512xi32, #tpu.memory_space<vmem>> -> memref<64xi32, #tpu.memory_space<vmem>>
    %dma_start3A_41 = arith.constant 0 : i32
    %dma_start3A_42 = arith.constant 0 : i32
    %dma_start3A_43 = tpu.memref_slice %arg3[%dma_start3A_41, %dma_start3A_42] : memref<100000x128xf32, #tpu.memory_space<hbm>> -> memref<100000x128xf32, #tpu.memory_space<hbm>>
    tpu.enqueue_indirect_dma source(%dma_start3A_43 : memref<100000x128xf32, #tpu.memory_space<hbm>>) target(%dma_start3A_38 : memref<64x128xf32, #tpu.memory_space<vmem>>) offsets(%dma_start3A_40 : memref<64xi32, #tpu.memory_space<vmem>>) semaphore(%arg17 : memref<!tpu.dma_semaphore, #tpu.memory_space<semaphore_mem>>)
    %dma_start3A_44 = arith.constant 1 : i32
    %dma_start3A_45 = arith.constant 0 : i32
    %dma_start3A_46 = arith.constant 0 : i32
    %dma_start3A_47 = tpu.memref_slice %arg12[%dma_start3A_44, %dma_start3A_45, %dma_start3A_46] : memref<3x64x128xf32, #tpu.memory_space<vmem>> -> memref<1x64x128xf32, #tpu.memory_space<vmem>>
    %dma_start3A_48 = tpu.memref_squeeze %dma_start3A_47 : memref<1x64x128xf32, #tpu.memory_space<vmem>> -> memref<64x128xf32, #tpu.memory_space<vmem>>
    %dma_start3A_49 = arith.constant 64 : i32
    %dma_start3A_50 = tpu.memref_slice %arg9[%dma_start3A_49] : memref<512xi32, #tpu.memory_space<vmem>> -> memref<64xi32, #tpu.memory_space<vmem>>
    %dma_start3A_51 = arith.constant 0 : i32
    %dma_start3A_52 = arith.constant 0 : i32
    %dma_start3A_53 = tpu.memref_slice %arg2[%dma_start3A_51, %dma_start3A_52] : memref<100000x128xf32, #tpu.memory_space<hbm>> -> memref<100000x128xf32, #tpu.memory_space<hbm>>
    tpu.enqueue_indirect_dma source(%dma_start3A_53 : memref<100000x128xf32, #tpu.memory_space<hbm>>) target(%dma_start3A_48 : memref<64x128xf32, #tpu.memory_space<vmem>>) offsets(%dma_start3A_50 : memref<64xi32, #tpu.memory_space<vmem>>) semaphore(%arg17 : memref<!tpu.dma_semaphore, #tpu.memory_space<semaphore_mem>>)
    %dma_start3A_54 = arith.constant 1 : i32
    %dma_start3A_55 = arith.constant 0 : i32
    %dma_start3A_56 = arith.constant 0 : i32
    %dma_start3A_57 = tpu.memref_slice %arg13[%dma_start3A_54, %dma_start3A_55, %dma_start3A_56] : memref<3x64x128xf32, #tpu.memory_space<vmem>> -> memref<1x64x128xf32, #tpu.memory_space<vmem>>
    %dma_start3A_58 = tpu.memref_squeeze %dma_start3A_57 : memref<1x64x128xf32, #tpu.memory_space<vmem>> -> memref<64x128xf32, #tpu.memory_space<vmem>>
    %dma_start3A_59 = arith.constant 64 : i32
    %dma_start3A_60 = tpu.memref_slice %arg10[%dma_start3A_59] : memref<512xi32, #tpu.memory_space<vmem>> -> memref<64xi32, #tpu.memory_space<vmem>>
    %dma_start3A_61 = arith.constant 0 : i32
    %dma_start3A_62 = arith.constant 0 : i32
    %dma_start3A_63 = tpu.memref_slice %arg3[%dma_start3A_61, %dma_start3A_62] : memref<100000x128xf32, #tpu.memory_space<hbm>> -> memref<100000x128xf32, #tpu.memory_space<hbm>>
    tpu.enqueue_indirect_dma source(%dma_start3A_63 : memref<100000x128xf32, #tpu.memory_space<hbm>>) target(%dma_start3A_58 : memref<64x128xf32, #tpu.memory_space<vmem>>) offsets(%dma_start3A_60 : memref<64xi32, #tpu.memory_space<vmem>>) semaphore(%arg17 : memref<!tpu.dma_semaphore, #tpu.memory_space<semaphore_mem>>)
    %dma_start3A_64 = arith.constant 1 : i32
    %dma_start3A_65 = arith.constant 0 : i32
    %dma_start3A_66 = arith.constant 0 : i32
    %dma_start3A_67 = tpu.memref_slice %arg14[%dma_start3A_64, %dma_start3A_65, %dma_start3A_66] : memref<3x64x128xf32, #tpu.memory_space<vmem>> -> memref<1x64x128xf32, #tpu.memory_space<vmem>>
    %dma_start3A_68 = tpu.memref_squeeze %dma_start3A_67 : memref<1x64x128xf32, #tpu.memory_space<vmem>> -> memref<64x128xf32, #tpu.memory_space<vmem>>
    %dma_start3A_69 = arith.constant 64 : i32
    %dma_start3A_70 = tpu.memref_slice %arg11[%dma_start3A_69] : memref<512xi32, #tpu.memory_space<vmem>> -> memref<64xi32, #tpu.memory_space<vmem>>
    %dma_start3A_71 = arith.constant 0 : i32
    %dma_start3A_72 = arith.constant 0 : i32
    %dma_start3A_73 = tpu.memref_slice %arg3[%dma_start3A_71, %dma_start3A_72] : memref<100000x128xf32, #tpu.memory_space<hbm>> -> memref<100000x128xf32, #tpu.memory_space<hbm>>
    tpu.enqueue_indirect_dma source(%dma_start3A_73 : memref<100000x128xf32, #tpu.memory_space<hbm>>) target(%dma_start3A_68 : memref<64x128xf32, #tpu.memory_space<vmem>>) offsets(%dma_start3A_70 : memref<64xi32, #tpu.memory_space<vmem>>) semaphore(%arg17 : memref<!tpu.dma_semaphore, #tpu.memory_space<semaphore_mem>>)
    %dma_wait3A_74 = arith.constant 0 : i32
    %dma_wait3A_75 = arith.constant 0 : i32
    %dma_wait3A_76 = arith.constant 0 : i32
    %dma_wait3A_77 = tpu.memref_slice %arg12[%dma_wait3A_74, %dma_wait3A_75, %dma_wait3A_76] : memref<3x64x128xf32, #tpu.memory_space<vmem>> -> memref<1x64x128xf32, #tpu.memory_space<vmem>>
    %dma_wait3A_78 = tpu.memref_squeeze %dma_wait3A_77 : memref<1x64x128xf32, #tpu.memory_space<vmem>> -> memref<64x128xf32, #tpu.memory_space<vmem>>
    %dma_wait3A_79 = arith.constant 0 : i32
    %dma_wait3A_80 = tpu.memref_slice %arg9[%dma_wait3A_79] : memref<512xi32, #tpu.memory_space<vmem>> -> memref<64xi32, #tpu.memory_space<vmem>>
    %dma_wait3A_81 = arith.constant 0 : i32
    %dma_wait3A_82 = arith.constant 0 : i32
    %dma_wait3A_83 = tpu.memref_slice %arg2[%dma_wait3A_81, %dma_wait3A_82] : memref<100000x128xf32, #tpu.memory_space<hbm>> -> memref<100000x128xf32, #tpu.memory_space<hbm>>
    tpu.wait_indirect_dma semaphore(%arg17 : memref<!tpu.dma_semaphore, #tpu.memory_space<semaphore_mem>>) src(%dma_wait3A_83 : memref<100000x128xf32, #tpu.memory_space<hbm>>) dst(%dma_wait3A_78 : memref<64x128xf32, #tpu.memory_space<vmem>>)
    %dma_wait3A_84 = arith.constant 0 : i32
    %dma_wait3A_85 = arith.constant 0 : i32
    %dma_wait3A_86 = arith.constant 0 : i32
    %dma_wait3A_87 = tpu.memref_slice %arg13[%dma_wait3A_84, %dma_wait3A_85, %dma_wait3A_86] : memref<3x64x128xf32, #tpu.memory_space<vmem>> -> memref<1x64x128xf32, #tpu.memory_space<vmem>>
    %dma_wait3A_88 = tpu.memref_squeeze %dma_wait3A_87 : memref<1x64x128xf32, #tpu.memory_space<vmem>> -> memref<64x128xf32, #tpu.memory_space<vmem>>
    %dma_wait3A_89 = arith.constant 0 : i32
    %dma_wait3A_90 = tpu.memref_slice %arg10[%dma_wait3A_89] : memref<512xi32, #tpu.memory_space<vmem>> -> memref<64xi32, #tpu.memory_space<vmem>>
    %dma_wait3A_91 = arith.constant 0 : i32
    %dma_wait3A_92 = arith.constant 0 : i32
    %dma_wait3A_93 = tpu.memref_slice %arg3[%dma_wait3A_91, %dma_wait3A_92] : memref<100000x128xf32, #tpu.memory_space<hbm>> -> memref<100000x128xf32, #tpu.memory_space<hbm>>
    tpu.wait_indirect_dma semaphore(%arg17 : memref<!tpu.dma_semaphore, #tpu.memory_space<semaphore_mem>>) src(%dma_wait3A_93 : memref<100000x128xf32, #tpu.memory_space<hbm>>) dst(%dma_wait3A_88 : memref<64x128xf32, #tpu.memory_space<vmem>>)
    %dma_wait3A_94 = arith.constant 0 : i32
    %dma_wait3A_95 = arith.constant 0 : i32
    %dma_wait3A_96 = arith.constant 0 : i32
    %dma_wait3A_97 = tpu.memref_slice %arg14[%dma_wait3A_94, %dma_wait3A_95, %dma_wait3A_96] : memref<3x64x128xf32, #tpu.memory_space<vmem>> -> memref<1x64x128xf32, #tpu.memory_space<vmem>>
    %dma_wait3A_98 = tpu.memref_squeeze %dma_wait3A_97 : memref<1x64x128xf32, #tpu.memory_space<vmem>> -> memref<64x128xf32, #tpu.memory_space<vmem>>
    %dma_wait3A_99 = arith.constant 0 : i32
    %dma_wait3A_100 = tpu.memref_slice %arg11[%dma_wait3A_99] : memref<512xi32, #tpu.memory_space<vmem>> -> memref<64xi32, #tpu.memory_space<vmem>>
    %dma_wait3A_101 = arith.constant 0 : i32
    %dma_wait3A_102 = arith.constant 0 : i32
    %dma_wait3A_103 = tpu.memref_slice %arg3[%dma_wait3A_101, %dma_wait3A_102] : memref<100000x128xf32, #tpu.memory_space<hbm>> -> memref<100000x128xf32, #tpu.memory_space<hbm>>
    tpu.wait_indirect_dma semaphore(%arg17 : memref<!tpu.dma_semaphore, #tpu.memory_space<semaphore_mem>>) src(%dma_wait3A_103 : memref<100000x128xf32, #tpu.memory_space<hbm>>) dst(%dma_wait3A_98 : memref<64x128xf32, #tpu.memory_space<vmem>>)
    %dma_start3A_104 = arith.constant 2 : i32
    %dma_start3A_105 = arith.constant 0 : i32
    %dma_start3A_106 = arith.constant 0 : i32
    %dma_start3A_107 = tpu.memref_slice %arg12[%dma_start3A_104, %dma_start3A_105, %dma_start3A_106] : memref<3x64x128xf32, #tpu.memory_space<vmem>> -> memref<1x64x128xf32, #tpu.memory_space<vmem>>
    %dma_start3A_108 = tpu.memref_squeeze %dma_start3A_107 : memref<1x64x128xf32, #tpu.memory_space<vmem>> -> memref<64x128xf32, #tpu.memory_space<vmem>>
    %dma_start3A_109 = arith.constant 128 : i32
    %dma_start3A_110 = tpu.memref_slice %arg9[%dma_start3A_109] : memref<512xi32, #tpu.memory_space<vmem>> -> memref<64xi32, #tpu.memory_space<vmem>>
    %dma_start3A_111 = arith.constant 0 : i32
    %dma_start3A_112 = arith.constant 0 : i32
    %dma_start3A_113 = tpu.memref_slice %arg2[%dma_start3A_111, %dma_start3A_112] : memref<100000x128xf32, #tpu.memory_space<hbm>> -> memref<100000x128xf32, #tpu.memory_space<hbm>>
    tpu.enqueue_indirect_dma source(%dma_start3A_113 : memref<100000x128xf32, #tpu.memory_space<hbm>>) target(%dma_start3A_108 : memref<64x128xf32, #tpu.memory_space<vmem>>) offsets(%dma_start3A_110 : memref<64xi32, #tpu.memory_space<vmem>>) semaphore(%arg17 : memref<!tpu.dma_semaphore, #tpu.memory_space<semaphore_mem>>)
    %dma_start3A_114 = arith.constant 2 : i32
    %dma_start3A_115 = arith.constant 0 : i32
    %dma_start3A_116 = arith.constant 0 : i32
    %dma_start3A_117 = tpu.memref_slice %arg13[%dma_start3A_114, %dma_start3A_115, %dma_start3A_116] : memref<3x64x128xf32, #tpu.memory_space<vmem>> -> memref<1x64x128xf32, #tpu.memory_space<vmem>>
    %dma_start3A_118 = tpu.memref_squeeze %dma_start3A_117 : memref<1x64x128xf32, #tpu.memory_space<vmem>> -> memref<64x128xf32, #tpu.memory_space<vmem>>
    %dma_start3A_119 = arith.constant 128 : i32
    %dma_start3A_120 = tpu.memref_slice %arg10[%dma_start3A_119] : memref<512xi32, #tpu.memory_space<vmem>> -> memref<64xi32, #tpu.memory_space<vmem>>
    %dma_start3A_121 = arith.constant 0 : i32
    %dma_start3A_122 = arith.constant 0 : i32
    %dma_start3A_123 = tpu.memref_slice %arg3[%dma_start3A_121, %dma_start3A_122] : memref<100000x128xf32, #tpu.memory_space<hbm>> -> memref<100000x128xf32, #tpu.memory_space<hbm>>
    tpu.enqueue_indirect_dma source(%dma_start3A_123 : memref<100000x128xf32, #tpu.memory_space<hbm>>) target(%dma_start3A_118 : memref<64x128xf32, #tpu.memory_space<vmem>>) offsets(%dma_start3A_120 : memref<64xi32, #tpu.memory_space<vmem>>) semaphore(%arg17 : memref<!tpu.dma_semaphore, #tpu.memory_space<semaphore_mem>>)
    %dma_start3A_124 = arith.constant 2 : i32
    %dma_start3A_125 = arith.constant 0 : i32
    %dma_start3A_126 = arith.constant 0 : i32
    %dma_start3A_127 = tpu.memref_slice %arg14[%dma_start3A_124, %dma_start3A_125, %dma_start3A_126] : memref<3x64x128xf32, #tpu.memory_space<vmem>> -> memref<1x64x128xf32, #tpu.memory_space<vmem>>
    %dma_start3A_128 = tpu.memref_squeeze %dma_start3A_127 : memref<1x64x128xf32, #tpu.memory_space<vmem>> -> memref<64x128xf32, #tpu.memory_space<vmem>>
    %dma_start3A_129 = arith.constant 128 : i32
    %dma_start3A_130 = tpu.memref_slice %arg11[%dma_start3A_129] : memref<512xi32, #tpu.memory_space<vmem>> -> memref<64xi32, #tpu.memory_space<vmem>>
    %dma_start3A_131 = arith.constant 0 : i32
    %dma_start3A_132 = arith.constant 0 : i32
    %dma_start3A_133 = tpu.memref_slice %arg3[%dma_start3A_131, %dma_start3A_132] : memref<100000x128xf32, #tpu.memory_space<hbm>> -> memref<100000x128xf32, #tpu.memory_space<hbm>>
    tpu.enqueue_indirect_dma source(%dma_start3A_133 : memref<100000x128xf32, #tpu.memory_space<hbm>>) target(%dma_start3A_128 : memref<64x128xf32, #tpu.memory_space<vmem>>) offsets(%dma_start3A_130 : memref<64xi32, #tpu.memory_space<vmem>>) semaphore(%arg17 : memref<!tpu.dma_semaphore, #tpu.memory_space<semaphore_mem>>)
    %scan3A = arith.constant 0 : i32
    %scan3A_134 = arith.constant 64 : i32
    %scan3A_135 = arith.addi %scan3A, %scan3A_134 : i32
    %scan3A_136 = arith.constant 1 : i32
    %scan3A_137:24 = scf.for %scan3A_602 = %scan3A to %scan3A_135 step %scan3A_136 iter_args(%scan3A_603 = %broadcast_in_dim3A_13, %scan3A_604 = %broadcast_in_dim3A_13, %scan3A_605 = %broadcast_in_dim3A_13, %scan3A_606 = %broadcast_in_dim3A_13, %scan3A_607 = %broadcast_in_dim3A_13, %scan3A_608 = %broadcast_in_dim3A_13, %scan3A_609 = %broadcast_in_dim3A_13, %scan3A_610 = %broadcast_in_dim3A_13, %scan3A_611 = %broadcast_in_dim3A_13, %scan3A_612 = %broadcast_in_dim3A_13, %scan3A_613 = %broadcast_in_dim3A_13, %scan3A_614 = %broadcast_in_dim3A_13, %scan3A_615 = %broadcast_in_dim3A_13, %scan3A_616 = %broadcast_in_dim3A_13, %scan3A_617 = %broadcast_in_dim3A_13, %scan3A_618 = %broadcast_in_dim3A_13, %scan3A_619 = %broadcast_in_dim3A_13, %scan3A_620 = %broadcast_in_dim3A_13, %scan3A_621 = %broadcast_in_dim3A_13, %scan3A_622 = %broadcast_in_dim3A_13, %scan3A_623 = %broadcast_in_dim3A_13, %scan3A_624 = %broadcast_in_dim3A_13, %scan3A_625 = %broadcast_in_dim3A_13, %scan3A_626 = %broadcast_in_dim3A_13) -> (vector<16xf32>, vector<16xf32>, vector<16xf32>, vector<16xf32>, vector<16xf32>, vector<16xf32>, vector<16xf32>, vector<16xf32>, vector<16xf32>, vector<16xf32>, vector<16xf32>, vector<16xf32>, vector<16xf32>, vector<16xf32>, vector<16xf32>, vector<16xf32>, vector<16xf32>, vector<16xf32>, vector<16xf32>, vector<16xf32>, vector<16xf32>, vector<16xf32>, vector<16xf32>, vector<16xf32>)  : i32 {
      %get3A = arith.constant 0 : i32
      %get3A_627 = arith.index_cast %get3A : i32 to index
      %get3A_628 = arith.index_cast %scan3A_602 : i32 to index
      %get3A_629 = arith.constant 0 : index
      %get3A_630 = tpu.vector_load %arg12[%get3A_627, %get3A_628, %get3A_629] {strides = array<i32>} : memref<3x64x128xf32, #tpu.memory_space<vmem>>, vector<1x1x16xf32>,
      %get3A_631 = vector.shape_cast %get3A_630 : vector<1x1x16xf32> to vector<16xf32>
      %get3A_632 = arith.constant 0 : i32
      %get3A_633 = arith.index_cast %get3A_632 : i32 to index
      %get3A_634 = arith.index_cast %scan3A_602 : i32 to index
      %get3A_635 = arith.constant 16 : index
      %get3A_636 = tpu.vector_load %arg12[%get3A_633, %get3A_634, %get3A_635] {strides = array<i32>} : memref<3x64x128xf32, #tpu.memory_space<vmem>>, vector<1x1x16xf32>,
      %get3A_637 = vector.shape_cast %get3A_636 : vector<1x1x16xf32> to vector<16xf32>
      %get3A_638 = arith.constant 0 : i32
      %get3A_639 = arith.index_cast %get3A_638 : i32 to index
      %get3A_640 = arith.index_cast %scan3A_602 : i32 to index
      %get3A_641 = arith.constant 32 : index
      %get3A_642 = tpu.vector_load %arg12[%get3A_639, %get3A_640, %get3A_641] {strides = array<i32>} : memref<3x64x128xf32, #tpu.memory_space<vmem>>, vector<1x1x16xf32>,
      %get3A_643 = vector.shape_cast %get3A_642 : vector<1x1x16xf32> to vector<16xf32>
      %get3A_644 = arith.constant 0 : i32
      %get3A_645 = arith.index_cast %get3A_644 : i32 to index
      %get3A_646 = arith.index_cast %scan3A_602 : i32 to index
      %get3A_647 = arith.constant 48 : index
      %get3A_648 = tpu.vector_load %arg12[%get3A_645, %get3A_646, %get3A_647] {strides = array<i32>} : memref<3x64x128xf32, #tpu.memory_space<vmem>>, vector<1x1x16xf32>,
      %get3A_649 = vector.shape_cast %get3A_648 : vector<1x1x16xf32> to vector<16xf32>
      %get3A_650 = arith.constant 0 : i32
      %get3A_651 = arith.index_cast %get3A_650 : i32 to index
      %get3A_652 = arith.index_cast %scan3A_602 : i32 to index
      %get3A_653 = arith.constant 64 : index
      %get3A_654 = tpu.vector_load %arg12[%get3A_651, %get3A_652, %get3A_653] {strides = array<i32>} : memref<3x64x128xf32, #tpu.memory_space<vmem>>, vector<1x1x16xf32>,
      %get3A_655 = vector.shape_cast %get3A_654 : vector<1x1x16xf32> to vector<16xf32>
      %get3A_656 = arith.constant 0 : i32
      %get3A_657 = arith.index_cast %get3A_656 : i32 to index
      %get3A_658 = arith.index_cast %scan3A_602 : i32 to index
      %get3A_659 = arith.constant 80 : index
      %get3A_660 = tpu.vector_load %arg12[%get3A_657, %get3A_658, %get3A_659] {strides = array<i32>} : memref<3x64x128xf32, #tpu.memory_space<vmem>>, vector<1x1x16xf32>,
      %get3A_661 = vector.shape_cast %get3A_660 : vector<1x1x16xf32> to vector<16xf32>
      %get3A_662 = arith.constant 0 : i32
      %get3A_663 = arith.index_cast %get3A_662 : i32 to index
      %get3A_664 = arith.index_cast %scan3A_602 : i32 to index
      %get3A_665 = arith.constant 96 : index
      %get3A_666 = tpu.vector_load %arg12[%get3A_663, %get3A_664, %get3A_665] {strides = array<i32>} : memref<3x64x128xf32, #tpu.memory_space<vmem>>, vector<1x1x16xf32>,
      %get3A_667 = vector.shape_cast %get3A_666 : vector<1x1x16xf32> to vector<16xf32>
      %get3A_668 = arith.constant 0 : i32
      %get3A_669 = arith.index_cast %get3A_668 : i32 to index
      %get3A_670 = arith.index_cast %scan3A_602 : i32 to index
      %get3A_671 = arith.constant 112 : index
      %get3A_672 = tpu.vector_load %arg12[%get3A_669, %get3A_670, %get3A_671] {strides = array<i32>} : memref<3x64x128xf32, #tpu.memory_space<vmem>>, vector<1x1x16xf32>,
      %get3A_673 = vector.shape_cast %get3A_672 : vector<1x1x16xf32> to vector<16xf32>
      %get3A_674 = arith.constant 0 : i32
      %get3A_675 = arith.index_cast %get3A_674 : i32 to index
      %get3A_676 = arith.index_cast %scan3A_602 : i32 to index
      %get3A_677 = arith.constant 0 : index
      %get3A_678 = tpu.vector_load %arg13[%get3A_675, %get3A_676, %get3A_677] {strides = array<i32>} : memref<3x64x128xf32, #tpu.memory_space<vmem>>, vector<1x1x16xf32>,
      %get3A_679 = vector.shape_cast %get3A_678 : vector<1x1x16xf32> to vector<16xf32>
      %get3A_680 = arith.constant 0 : i32
      %get3A_681 = arith.index_cast %get3A_680 : i32 to index
      %get3A_682 = arith.index_cast %scan3A_602 : i32 to index
      %get3A_683 = arith.constant 16 : index
      %get3A_684 = tpu.vector_load %arg13[%get3A_681, %get3A_682, %get3A_683] {strides = array<i32>} : memref<3x64x128xf32, #tpu.memory_space<vmem>>, vector<1x1x16xf32>,
      %get3A_685 = vector.shape_cast %get3A_684 : vector<1x1x16xf32> to vector<16xf32>
      %get3A_686 = arith.constant 0 : i32
      %get3A_687 = arith.index_cast %get3A_686 : i32 to index
      %get3A_688 = arith.index_cast %scan3A_602 : i32 to index
      %get3A_689 = arith.constant 32 : index
      %get3A_690 = tpu.vector_load %arg13[%get3A_687, %get3A_688, %get3A_689] {strides = array<i32>} : memref<3x64x128xf32, #tpu.memory_space<vmem>>, vector<1x1x16xf32>,
      %get3A_691 = vector.shape_cast %get3A_690 : vector<1x1x16xf32> to vector<16xf32>
      %get3A_692 = arith.constant 0 : i32
      %get3A_693 = arith.index_cast %get3A_692 : i32 to index
      %get3A_694 = arith.index_cast %scan3A_602 : i32 to index
      %get3A_695 = arith.constant 48 : index
      %get3A_696 = tpu.vector_load %arg13[%get3A_693, %get3A_694, %get3A_695] {strides = array<i32>} : memref<3x64x128xf32, #tpu.memory_space<vmem>>, vector<1x1x16xf32>,
      %get3A_697 = vector.shape_cast %get3A_696 : vector<1x1x16xf32> to vector<16xf32>
      %get3A_698 = arith.constant 0 : i32
      %get3A_699 = arith.index_cast %get3A_698 : i32 to index
      %get3A_700 = arith.index_cast %scan3A_602 : i32 to index
      %get3A_701 = arith.constant 64 : index
      %get3A_702 = tpu.vector_load %arg13[%get3A_699, %get3A_700, %get3A_701] {strides = array<i32>} : memref<3x64x128xf32, #tpu.memory_space<vmem>>, vector<1x1x16xf32>,
      %get3A_703 = vector.shape_cast %get3A_702 : vector<1x1x16xf32> to vector<16xf32>
      %get3A_704 = arith.constant 0 : i32
      %get3A_705 = arith.index_cast %get3A_704 : i32 to index
      %get3A_706 = arith.index_cast %scan3A_602 : i32 to index
      %get3A_707 = arith.constant 80 : index
      %get3A_708 = tpu.vector_load %arg13[%get3A_705, %get3A_706, %get3A_707] {strides = array<i32>} : memref<3x64x128xf32, #tpu.memory_space<vmem>>, vector<1x1x16xf32>,
      %get3A_709 = vector.shape_cast %get3A_708 : vector<1x1x16xf32> to vector<16xf32>
      %get3A_710 = arith.constant 0 : i32
      %get3A_711 = arith.index_cast %get3A_710 : i32 to index
      %get3A_712 = arith.index_cast %scan3A_602 : i32 to index
      %get3A_713 = arith.constant 96 : index
      %get3A_714 = tpu.vector_load %arg13[%get3A_711, %get3A_712, %get3A_713] {strides = array<i32>} : memref<3x64x128xf32, #tpu.memory_space<vmem>>, vector<1x1x16xf32>,
      %get3A_715 = vector.shape_cast %get3A_714 : vector<1x1x16xf32> to vector<16xf32>
      %get3A_716 = arith.constant 0 : i32
      %get3A_717 = arith.index_cast %get3A_716 : i32 to index
      %get3A_718 = arith.index_cast %scan3A_602 : i32 to index
      %get3A_719 = arith.constant 112 : index
      %get3A_720 = tpu.vector_load %arg13[%get3A_717, %get3A_718, %get3A_719] {strides = array<i32>} : memref<3x64x128xf32, #tpu.memory_space<vmem>>, vector<1x1x16xf32>,
      %get3A_721 = vector.shape_cast %get3A_720 : vector<1x1x16xf32> to vector<16xf32>
      %get3A_722 = arith.constant 0 : i32
      %get3A_723 = arith.index_cast %get3A_722 : i32 to index
      %get3A_724 = arith.index_cast %scan3A_602 : i32 to index
      %get3A_725 = arith.constant 0 : index
      %get3A_726 = tpu.vector_load %arg14[%get3A_723, %get3A_724, %get3A_725] {strides = array<i32>} : memref<3x64x128xf32, #tpu.memory_space<vmem>>, vector<1x1x16xf32>,
      %get3A_727 = vector.shape_cast %get3A_726 : vector<1x1x16xf32> to vector<16xf32>
      %get3A_728 = arith.constant 0 : i32
      %get3A_729 = arith.index_cast %get3A_728 : i32 to index
      %get3A_730 = arith.index_cast %scan3A_602 : i32 to index
      %get3A_731 = arith.constant 16 : index
      %get3A_732 = tpu.vector_load %arg14[%get3A_729, %get3A_730, %get3A_731] {strides = array<i32>} : memref<3x64x128xf32, #tpu.memory_space<vmem>>, vector<1x1x16xf32>,
      %get3A_733 = vector.shape_cast %get3A_732 : vector<1x1x16xf32> to vector<16xf32>
      %get3A_734 = arith.constant 0 : i32
      %get3A_735 = arith.index_cast %get3A_734 : i32 to index
      %get3A_736 = arith.index_cast %scan3A_602 : i32 to index
      %get3A_737 = arith.constant 32 : index
      %get3A_738 = tpu.vector_load %arg14[%get3A_735, %get3A_736, %get3A_737] {strides = array<i32>} : memref<3x64x128xf32, #tpu.memory_space<vmem>>, vector<1x1x16xf32>,
      %get3A_739 = vector.shape_cast %get3A_738 : vector<1x1x16xf32> to vector<16xf32>
      %get3A_740 = arith.constant 0 : i32
      %get3A_741 = arith.index_cast %get3A_740 : i32 to index
      %get3A_742 = arith.index_cast %scan3A_602 : i32 to index
      %get3A_743 = arith.constant 48 : index
      %get3A_744 = tpu.vector_load %arg14[%get3A_741, %get3A_742, %get3A_743] {strides = array<i32>} : memref<3x64x128xf32, #tpu.memory_space<vmem>>, vector<1x1x16xf32>,
      %get3A_745 = vector.shape_cast %get3A_744 : vector<1x1x16xf32> to vector<16xf32>
      %get3A_746 = arith.constant 0 : i32
      %get3A_747 = arith.index_cast %get3A_746 : i32 to index
      %get3A_748 = arith.index_cast %scan3A_602 : i32 to index
      %get3A_749 = arith.constant 64 : index
      %get3A_750 = tpu.vector_load %arg14[%get3A_747, %get3A_748, %get3A_749] {strides = array<i32>} : memref<3x64x128xf32, #tpu.memory_space<vmem>>, vector<1x1x16xf32>,
      %get3A_751 = vector.shape_cast %get3A_750 : vector<1x1x16xf32> to vector<16xf32>
      %get3A_752 = arith.constant 0 : i32
      %get3A_753 = arith.index_cast %get3A_752 : i32 to index
      %get3A_754 = arith.index_cast %scan3A_602 : i32 to index
      %get3A_755 = arith.constant 80 : index
      %get3A_756 = tpu.vector_load %arg14[%get3A_753, %get3A_754, %get3A_755] {strides = array<i32>} : memref<3x64x128xf32, #tpu.memory_space<vmem>>, vector<1x1x16xf32>,
      %get3A_757 = vector.shape_cast %get3A_756 : vector<1x1x16xf32> to vector<16xf32>
      %get3A_758 = arith.constant 0 : i32
      %get3A_759 = arith.index_cast %get3A_758 : i32 to index
      %get3A_760 = arith.index_cast %scan3A_602 : i32 to index
      %get3A_761 = arith.constant 96 : index
      %get3A_762 = tpu.vector_load %arg14[%get3A_759, %get3A_760, %get3A_761] {strides = array<i32>} : memref<3x64x128xf32, #tpu.memory_space<vmem>>, vector<1x1x16xf32>,
      %get3A_763 = vector.shape_cast %get3A_762 : vector<1x1x16xf32> to vector<16xf32>
      %get3A_764 = arith.constant 0 : i32
      %get3A_765 = arith.index_cast %get3A_764 : i32 to index
      %get3A_766 = arith.index_cast %scan3A_602 : i32 to index
      %get3A_767 = arith.constant 112 : index
      %get3A_768 = tpu.vector_load %arg14[%get3A_765, %get3A_766, %get3A_767] {strides = array<i32>} : memref<3x64x128xf32, #tpu.memory_space<vmem>>, vector<1x1x16xf32>,
      %get3A_769 = vector.shape_cast %get3A_768 : vector<1x1x16xf32> to vector<16xf32>
      %sub3A = arith.subf %get3A_679, %get3A_727 : vector<16xf32>
      %mul3A_770 = arith.mulf %get3A_631, %sub3A : vector<16xf32>
      %sub3A_771 = arith.subf %get3A_685, %get3A_733 : vector<16xf32>
      %mul3A_772 = arith.mulf %get3A_637, %sub3A_771 : vector<16xf32>
      %sub3A_773 = arith.subf %get3A_691, %get3A_739 : vector<16xf32>
      %mul3A_774 = arith.mulf %get3A_643, %sub3A_773 : vector<16xf32>
      %sub3A_775 = arith.subf %get3A_697, %get3A_745 : vector<16xf32>
      %mul3A_776 = arith.mulf %get3A_649, %sub3A_775 : vector<16xf32>
      %sub3A_777 = arith.subf %get3A_703, %get3A_751 : vector<16xf32>
      %mul3A_778 = arith.mulf %get3A_655, %sub3A_777 : vector<16xf32>
      %sub3A_779 = arith.subf %get3A_709, %get3A_757 : vector<16xf32>
      %mul3A_780 = arith.mulf %get3A_661, %sub3A_779 : vector<16xf32>
      %sub3A_781 = arith.subf %get3A_715, %get3A_763 : vector<16xf32>
      %mul3A_782 = arith.mulf %get3A_667, %sub3A_781 : vector<16xf32>
      %sub3A_783 = arith.subf %get3A_721, %get3A_769 : vector<16xf32>
      %mul3A_784 = arith.mulf %get3A_673, %sub3A_783 : vector<16xf32>
      %add3A_785 = arith.addf %mul3A_770, %mul3A_778 : vector<16xf32>
      %add3A_786 = arith.addf %mul3A_772, %mul3A_780 : vector<16xf32>
      %add3A_787 = arith.addf %mul3A_774, %mul3A_782 : vector<16xf32>
      %add3A_788 = arith.addf %mul3A_776, %mul3A_784 : vector<16xf32>
      %add3A_789 = arith.addf %add3A_785, %add3A_787 : vector<16xf32>
      %add3A_790 = arith.addf %add3A_786, %add3A_788 : vector<16xf32>
      %add3A_791 = arith.addf %add3A_789, %add3A_790 : vector<16xf32>
      %mul3A_792 = arith.mulf %get3A_631, %get3A_631 : vector<16xf32>
      %add3A_793 = arith.addf %scan3A_603, %mul3A_792 : vector<16xf32>
      %mul3A_794 = arith.mulf %get3A_679, %get3A_679 : vector<16xf32>
      %add3A_795 = arith.addf %scan3A_611, %mul3A_794 : vector<16xf32>
      %mul3A_796 = arith.mulf %get3A_727, %get3A_727 : vector<16xf32>
      %add3A_797 = arith.addf %scan3A_619, %mul3A_796 : vector<16xf32>
      %mul3A_798 = arith.mulf %get3A_637, %get3A_637 : vector<16xf32>
      %add3A_799 = arith.addf %scan3A_604, %mul3A_798 : vector<16xf32>
      %mul3A_800 = arith.mulf %get3A_685, %get3A_685 : vector<16xf32>
      %add3A_801 = arith.addf %scan3A_612, %mul3A_800 : vector<16xf32>
      %mul3A_802 = arith.mulf %get3A_733, %get3A_733 : vector<16xf32>
      %add3A_803 = arith.addf %scan3A_620, %mul3A_802 : vector<16xf32>
      %mul3A_804 = arith.mulf %get3A_643, %get3A_643 : vector<16xf32>
      %add3A_805 = arith.addf %scan3A_605, %mul3A_804 : vector<16xf32>
      %mul3A_806 = arith.mulf %get3A_691, %get3A_691 : vector<16xf32>
      %add3A_807 = arith.addf %scan3A_613, %mul3A_806 : vector<16xf32>
      %mul3A_808 = arith.mulf %get3A_739, %get3A_739 : vector<16xf32>
      %add3A_809 = arith.addf %scan3A_621, %mul3A_808 : vector<16xf32>
      %mul3A_810 = arith.mulf %get3A_649, %get3A_649 : vector<16xf32>
      %add3A_811 = arith.addf %scan3A_606, %mul3A_810 : vector<16xf32>
      %mul3A_812 = arith.mulf %get3A_697, %get3A_697 : vector<16xf32>
      %add3A_813 = arith.addf %scan3A_614, %mul3A_812 : vector<16xf32>
      %mul3A_814 = arith.mulf %get3A_745, %get3A_745 : vector<16xf32>
      %add3A_815 = arith.addf %scan3A_622, %mul3A_814 : vector<16xf32>
      %mul3A_816 = arith.mulf %get3A_655, %get3A_655 : vector<16xf32>
      %add3A_817 = arith.addf %scan3A_607, %mul3A_816 : vector<16xf32>
      %mul3A_818 = arith.mulf %get3A_703, %get3A_703 : vector<16xf32>
      %add3A_819 = arith.addf %scan3A_615, %mul3A_818 : vector<16xf32>
      %mul3A_820 = arith.mulf %get3A_751, %get3A_751 : vector<16xf32>
      %add3A_821 = arith.addf %scan3A_623, %mul3A_820 : vector<16xf32>
      %mul3A_822 = arith.mulf %get3A_661, %get3A_661 : vector<16xf32>
      %add3A_823 = arith.addf %scan3A_608, %mul3A_822 : vector<16xf32>
      %mul3A_824 = arith.mulf %get3A_709, %get3A_709 : vector<16xf32>
      %add3A_825 = arith.addf %scan3A_616, %mul3A_824 : vector<16xf32>
      %mul3A_826 = arith.mulf %get3A_757, %get3A_757 : vector<16xf32>
      %add3A_827 = arith.addf %scan3A_624, %mul3A_826 : vector<16xf32>
      %mul3A_828 = arith.mulf %get3A_667, %get3A_667 : vector<16xf32>
      %add3A_829 = arith.addf %scan3A_609, %mul3A_828 : vector<16xf32>
      %mul3A_830 = arith.mulf %get3A_715, %get3A_715 : vector<16xf32>
      %add3A_831 = arith.addf %scan3A_617, %mul3A_830 : vector<16xf32>
      %mul3A_832 = arith.mulf %get3A_763, %get3A_763 : vector<16xf32>
      %add3A_833 = arith.addf %scan3A_625, %mul3A_832 : vector<16xf32>
      %mul3A_834 = arith.mulf %get3A_673, %get3A_673 : vector<16xf32>
      %add3A_835 = arith.addf %scan3A_610, %mul3A_834 : vector<16xf32>
      %mul3A_836 = arith.mulf %get3A_721, %get3A_721 : vector<16xf32>
      %add3A_837 = arith.addf %scan3A_618, %mul3A_836 : vector<16xf32>
      %mul3A_838 = arith.mulf %get3A_769, %get3A_769 : vector<16xf32>
      %add3A_839 = arith.addf %scan3A_626, %mul3A_838 : vector<16xf32>
      %jit3A = arith.constant 8 : i32
      %div3A = arith.divsi %scan3A_602, %jit3A : i32
      %sign3A = arith.constant 0 : i32
      %sign3A_840 = arith.cmpi sgt, %scan3A_602, %sign3A : i32
      %sign3A_841 = arith.extui %sign3A_840 : i1 to i32
      %sign3A_842 = arith.constant 0 : i32
      %sign3A_843 = arith.cmpi slt, %scan3A_602, %sign3A_842 : i32
      %sign3A_844 = arith.extui %sign3A_843 : i1 to i32
      %sign3A_845 = arith.subi %sign3A_841, %sign3A_844 : i32
      %sign3A_846 = arith.constant 0 : i32
      %sign3A_847 = arith.cmpi sgt, %jit3A, %sign3A_846 : i32
      %sign3A_848 = arith.extui %sign3A_847 : i1 to i32
      %sign3A_849 = arith.constant 0 : i32
      %sign3A_850 = arith.cmpi slt, %jit3A, %sign3A_849 : i32
      %sign3A_851 = arith.extui %sign3A_850 : i1 to i32
      %sign3A_852 = arith.subi %sign3A_848, %sign3A_851 : i32
      %ne3A = arith.cmpi ne, %sign3A_845, %sign3A_852 : i32
      %rem3A = arith.remsi %scan3A_602, %jit3A : i32
      %ne3A_853 = arith.constant 0 : i32
      %ne3A_854 = arith.cmpi ne, %rem3A, %ne3A_853 : i32
      %and3A = arith.andi %ne3A, %ne3A_854 : i1
      %sub3A_855 = arith.constant 1 : i32
      %sub3A_856 = arith.subi %div3A, %sub3A_855 : i32
      %select_n3A = arith.select %and3A, %sub3A_856, %div3A : i32
      %add3A_857 = arith.constant 0 : i32
      %add3A_858 = arith.addi %add3A_857, %select_n3A : i32
      %jit3A_859 = arith.constant 8 : i32
      %eq3A = arith.constant 0 : i32
      %eq3A_860 = arith.cmpi eq, %jit3A_859, %eq3A : i32
      %jit3A_861 = arith.constant 1 : i32
      %select_n3A_862 = arith.select %eq3A_860, %jit3A_861, %jit3A_859 : i32
      %rem3A_863 = arith.remsi %scan3A_602, %select_n3A_862 : i32
      %ne3A_864 = arith.constant 0 : i32
      %ne3A_865 = arith.cmpi ne, %rem3A_863, %ne3A_864 : i32
      %lt3A = arith.constant 0 : i32
      %lt3A_866 = arith.cmpi slt, %rem3A_863, %lt3A : i32
      %lt3A_867 = arith.constant 0 : i32
      %lt3A_868 = arith.cmpi slt, %select_n3A_862, %lt3A_867 : i32
      %ne3A_869 = arith.xori %lt3A_866, %lt3A_868 : i1
      %and3A_870 = arith.andi %ne3A_869, %ne3A_865 : i1
      %add3A_871 = arith.addi %rem3A_863, %select_n3A_862 : i32
      %select_n3A_872 = arith.select %and3A_870, %add3A_871, %rem3A_863 : i32
      %mul3A_873 = arith.constant 16 : i32
      %mul3A_874 = arith.muli %select_n3A_872, %mul3A_873 : i32
      %swap3A_875 = arith.index_cast %add3A_858 : i32 to index
      %swap3A_876 = arith.index_cast %mul3A_874 : i32 to index
      %swap3A_877 = tpu.vector_load %arg15[%swap3A_875, %swap3A_876] {strides = array<i32>} : memref<64x128xf32, #tpu.memory_space<vmem>>, vector<1x16xf32>,
      %swap3A_878 = vector.shape_cast %swap3A_877 : vector<1x16xf32> to vector<16xf32>
      %swap3A_879 = vector.shape_cast %add3A_791 : vector<16xf32> to vector<1x16xf32>
      tpu.vector_store %arg15[%swap3A_875, %swap3A_876], %swap3A_879 {strides = array<i32>} : memref<64x128xf32, #tpu.memory_space<vmem>>, vector<1x16xf32>,
      scf.yield %add3A_793, %add3A_799, %add3A_805, %add3A_811, %add3A_817, %add3A_823, %add3A_829, %add3A_835, %add3A_795, %add3A_801, %add3A_807, %add3A_813, %add3A_819, %add3A_825, %add3A_831, %add3A_837, %add3A_797, %add3A_803, %add3A_809, %add3A_815, %add3A_821, %add3A_827, %add3A_833, %add3A_839 : vector<16xf32>, vector<16xf32>, vector<16xf32>, vector<16xf32>, vector<16xf32>, vector<16xf32>, vector<16xf32>, vector<16xf32>, vector<16xf32>, vector<16xf32>, vector<16xf32>, vector<16xf32>, vector<16xf32>, vector<16xf32>, vector<16xf32>, vector<16xf32>, vector<16xf32>, vector<16xf32>, vector<16xf32>, vector<16xf32>, vector<16xf32>, vector<16xf32>, vector<16xf32>, vector<16xf32>
    }
    %scan3A_138 = arith.constant 64 : i32
    %dma_wait3A_139 = arith.constant 1 : i32
    %dma_wait3A_140 = arith.constant 0 : i32
    %dma_wait3A_141 = arith.constant 0 : i32
    %dma_wait3A_142 = tpu.memref_slice %arg12[%dma_wait3A_139, %dma_wait3A_140, %dma_wait3A_141] : memref<3x64x128xf32, #tpu.memory_space<vmem>> -> memref<1x64x128xf32, #tpu.memory_space<vmem>>
    %dma_wait3A_143 = tpu.memref_squeeze %dma_wait3A_142 : memref<1x64x128xf32, #tpu.memory_space<vmem>> -> memref<64x128xf32, #tpu.memory_space<vmem>>
    %dma_wait3A_144 = arith.constant 64 : i32
    %dma_wait3A_145 = tpu.memref_slice %arg9[%dma_wait3A_144] : memref<512xi32, #tpu.memory_space<vmem>> -> memref<64xi32, #tpu.memory_space<vmem>>
    %dma_wait3A_146 = arith.constant 0 : i32
    %dma_wait3A_147 = arith.constant 0 : i32
    %dma_wait3A_148 = tpu.memref_slice %arg2[%dma_wait3A_146, %dma_wait3A_147] : memref<100000x128xf32, #tpu.memory_space<hbm>> -> memref<100000x128xf32, #tpu.memory_space<hbm>>
    tpu.wait_indirect_dma semaphore(%arg17 : memref<!tpu.dma_semaphore, #tpu.memory_space<semaphore_mem>>) src(%dma_wait3A_148 : memref<100000x128xf32, #tpu.memory_space<hbm>>) dst(%dma_wait3A_143 : memref<64x128xf32, #tpu.memory_space<vmem>>)
    %dma_wait3A_149 = arith.constant 1 : i32
    %dma_wait3A_150 = arith.constant 0 : i32
    %dma_wait3A_151 = arith.constant 0 : i32
    %dma_wait3A_152 = tpu.memref_slice %arg13[%dma_wait3A_149, %dma_wait3A_150, %dma_wait3A_151] : memref<3x64x128xf32, #tpu.memory_space<vmem>> -> memref<1x64x128xf32, #tpu.memory_space<vmem>>
    %dma_wait3A_153 = tpu.memref_squeeze %dma_wait3A_152 : memref<1x64x128xf32, #tpu.memory_space<vmem>> -> memref<64x128xf32, #tpu.memory_space<vmem>>
    %dma_wait3A_154 = arith.constant 64 : i32
    %dma_wait3A_155 = tpu.memref_slice %arg10[%dma_wait3A_154] : memref<512xi32, #tpu.memory_space<vmem>> -> memref<64xi32, #tpu.memory_space<vmem>>
    %dma_wait3A_156 = arith.constant 0 : i32
    %dma_wait3A_157 = arith.constant 0 : i32
    %dma_wait3A_158 = tpu.memref_slice %arg3[%dma_wait3A_156, %dma_wait3A_157] : memref<100000x128xf32, #tpu.memory_space<hbm>> -> memref<100000x128xf32, #tpu.memory_space<hbm>>
    tpu.wait_indirect_dma semaphore(%arg17 : memref<!tpu.dma_semaphore, #tpu.memory_space<semaphore_mem>>) src(%dma_wait3A_158 : memref<100000x128xf32, #tpu.memory_space<hbm>>) dst(%dma_wait3A_153 : memref<64x128xf32, #tpu.memory_space<vmem>>)
    %dma_wait3A_159 = arith.constant 1 : i32
    %dma_wait3A_160 = arith.constant 0 : i32
    %dma_wait3A_161 = arith.constant 0 : i32
    %dma_wait3A_162 = tpu.memref_slice %arg14[%dma_wait3A_159, %dma_wait3A_160, %dma_wait3A_161] : memref<3x64x128xf32, #tpu.memory_space<vmem>> -> memref<1x64x128xf32, #tpu.memory_space<vmem>>
    %dma_wait3A_163 = tpu.memref_squeeze %dma_wait3A_162 : memref<1x64x128xf32, #tpu.memory_space<vmem>> -> memref<64x128xf32, #tpu.memory_space<vmem>>
    %dma_wait3A_164 = arith.constant 64 : i32
    %dma_wait3A_165 = tpu.memref_slice %arg11[%dma_wait3A_164] : memref<512xi32, #tpu.memory_space<vmem>> -> memref<64xi32, #tpu.memory_space<vmem>>
    %dma_wait3A_166 = arith.constant 0 : i32
    %dma_wait3A_167 = arith.constant 0 : i32
    %dma_wait3A_168 = tpu.memref_slice %arg3[%dma_wait3A_166, %dma_wait3A_167] : memref<100000x128xf32, #tpu.memory_space<hbm>> -> memref<100000x128xf32, #tpu.memory_space<hbm>>
    tpu.wait_indirect_dma semaphore(%arg17 : memref<!tpu.dma_semaphore, #tpu.memory_space<semaphore_mem>>) src(%dma_wait3A_168 : memref<100000x128xf32, #tpu.memory_space<hbm>>) dst(%dma_wait3A_163 : memref<64x128xf32, #tpu.memory_space<vmem>>)
    %dma_start3A_169 = arith.constant 0 : i32
    %dma_start3A_170 = arith.constant 0 : i32
    %dma_start3A_171 = arith.constant 0 : i32
    %dma_start3A_172 = tpu.memref_slice %arg12[%dma_start3A_169, %dma_start3A_170, %dma_start3A_171] : memref<3x64x128xf32, #tpu.memory_space<vmem>> -> memref<1x64x128xf32, #tpu.memory_space<vmem>>
    %dma_start3A_173 = tpu.memref_squeeze %dma_start3A_172 : memref<1x64x128xf32, #tpu.memory_space<vmem>> -> memref<64x128xf32, #tpu.memory_space<vmem>>
    %dma_start3A_174 = arith.constant 192 : i32
    %dma_start3A_175 = tpu.memref_slice %arg9[%dma_start3A_174] : memref<512xi32, #tpu.memory_space<vmem>> -> memref<64xi32, #tpu.memory_space<vmem>>
    %dma_start3A_176 = arith.constant 0 : i32
    %dma_start3A_177 = arith.constant 0 : i32
    %dma_start3A_178 = tpu.memref_slice %arg2[%dma_start3A_176, %dma_start3A_177] : memref<100000x128xf32, #tpu.memory_space<hbm>> -> memref<100000x128xf32, #tpu.memory_space<hbm>>
    tpu.enqueue_indirect_dma source(%dma_start3A_178 : memref<100000x128xf32, #tpu.memory_space<hbm>>) target(%dma_start3A_173 : memref<64x128xf32, #tpu.memory_space<vmem>>) offsets(%dma_start3A_175 : memref<64xi32, #tpu.memory_space<vmem>>) semaphore(%arg17 : memref<!tpu.dma_semaphore, #tpu.memory_space<semaphore_mem>>)
    %dma_start3A_179 = arith.constant 0 : i32
    %dma_start3A_180 = arith.constant 0 : i32
    %dma_start3A_181 = arith.constant 0 : i32
    %dma_start3A_182 = tpu.memref_slice %arg13[%dma_start3A_179, %dma_start3A_180, %dma_start3A_181] : memref<3x64x128xf32, #tpu.memory_space<vmem>> -> memref<1x64x128xf32, #tpu.memory_space<vmem>>
    %dma_start3A_183 = tpu.memref_squeeze %dma_start3A_182 : memref<1x64x128xf32, #tpu.memory_space<vmem>> -> memref<64x128xf32, #tpu.memory_space<vmem>>
    %dma_start3A_184 = arith.constant 192 : i32
    %dma_start3A_185 = tpu.memref_slice %arg10[%dma_start3A_184] : memref<512xi32, #tpu.memory_space<vmem>> -> memref<64xi32, #tpu.memory_space<vmem>>
    %dma_start3A_186 = arith.constant 0 : i32
    %dma_start3A_187 = arith.constant 0 : i32
    %dma_start3A_188 = tpu.memref_slice %arg3[%dma_start3A_186, %dma_start3A_187] : memref<100000x128xf32, #tpu.memory_space<hbm>> -> memref<100000x128xf32, #tpu.memory_space<hbm>>
    tpu.enqueue_indirect_dma source(%dma_start3A_188 : memref<100000x128xf32, #tpu.memory_space<hbm>>) target(%dma_start3A_183 : memref<64x128xf32, #tpu.memory_space<vmem>>) offsets(%dma_start3A_185 : memref<64xi32, #tpu.memory_space<vmem>>) semaphore(%arg17 : memref<!tpu.dma_semaphore, #tpu.memory_space<semaphore_mem>>)
    %dma_start3A_189 = arith.constant 0 : i32
    %dma_start3A_190 = arith.constant 0 : i32
    %dma_start3A_191 = arith.constant 0 : i32
    %dma_start3A_192 = tpu.memref_slice %arg14[%dma_start3A_189, %dma_start3A_190, %dma_start3A_191] : memref<3x64x128xf32, #tpu.memory_space<vmem>> -> memref<1x64x128xf32, #tpu.memory_space<vmem>>
    %dma_start3A_193 = tpu.memref_squeeze %dma_start3A_192 : memref<1x64x128xf32, #tpu.memory_space<vmem>> -> memref<64x128xf32, #tpu.memory_space<vmem>>
    %dma_start3A_194 = arith.constant 192 : i32
    %dma_start3A_195 = tpu.memref_slice %arg11[%dma_start3A_194] : memref<512xi32, #tpu.memory_space<vmem>> -> memref<64xi32, #tpu.memory_space<vmem>>
    %dma_start3A_196 = arith.constant 0 : i32
    %dma_start3A_197 = arith.constant 0 : i32
    %dma_start3A_198 = tpu.memref_slice %arg3[%dma_start3A_196, %dma_start3A_197] : memref<100000x128xf32, #tpu.memory_space<hbm>> -> memref<100000x128xf32, #tpu.memory_space<hbm>>
    tpu.enqueue_indirect_dma source(%dma_start3A_198 : memref<100000x128xf32, #tpu.memory_space<hbm>>) target(%dma_start3A_193 : memref<64x128xf32, #tpu.memory_space<vmem>>) offsets(%dma_start3A_195 : memref<64xi32, #tpu.memory_space<vmem>>) semaphore(%arg17 : memref<!tpu.dma_semaphore, #tpu.memory_space<semaphore_mem>>)
    %scan3A_199 = arith.constant 0 : i32
    %scan3A_200 = arith.constant 64 : i32
    %scan3A_201 = arith.addi %scan3A_199, %scan3A_200 : i32
    %scan3A_202 = arith.constant 1 : i32
    %scan3A_203:24 = scf.for %scan3A_602 = %scan3A_199 to %scan3A_201 step %scan3A_202 iter_args(%scan3A_603 = %scan3A_137#0, %scan3A_604 = %scan3A_137#1, %scan3A_605 = %scan3A_137#2, %scan3A_606 = %scan3A_137#3, %scan3A_607 = %scan3A_137#4, %scan3A_608 = %scan3A_137#5, %scan3A_609 = %scan3A_137#6, %scan3A_610 = %scan3A_137#7, %scan3A_611 = %scan3A_137#8, %scan3A_612 = %scan3A_137#9, %scan3A_613 = %scan3A_137#10, %scan3A_614 = %scan3A_137#11, %scan3A_615 = %scan3A_137#12, %scan3A_616 = %scan3A_137#13, %scan3A_617 = %scan3A_137#14, %scan3A_618 = %scan3A_137#15, %scan3A_619 = %scan3A_137#16, %scan3A_620 = %scan3A_137#17, %scan3A_621 = %scan3A_137#18, %scan3A_622 = %scan3A_137#19, %scan3A_623 = %scan3A_137#20, %scan3A_624 = %scan3A_137#21, %scan3A_625 = %scan3A_137#22, %scan3A_626 = %scan3A_137#23) -> (vector<16xf32>, vector<16xf32>, vector<16xf32>, vector<16xf32>, vector<16xf32>, vector<16xf32>, vector<16xf32>, vector<16xf32>, vector<16xf32>, vector<16xf32>, vector<16xf32>, vector<16xf32>, vector<16xf32>, vector<16xf32>, vector<16xf32>, vector<16xf32>, vector<16xf32>, vector<16xf32>, vector<16xf32>, vector<16xf32>, vector<16xf32>, vector<16xf32>, vector<16xf32>, vector<16xf32>)  : i32 {
      %get3A = arith.constant 1 : i32
      %get3A_627 = arith.index_cast %get3A : i32 to index
      %get3A_628 = arith.index_cast %scan3A_602 : i32 to index
      %get3A_629 = arith.constant 0 : index
      %get3A_630 = tpu.vector_load %arg12[%get3A_627, %get3A_628, %get3A_629] {strides = array<i32>} : memref<3x64x128xf32, #tpu.memory_space<vmem>>, vector<1x1x16xf32>,
      %get3A_631 = vector.shape_cast %get3A_630 : vector<1x1x16xf32> to vector<16xf32>
      %get3A_632 = arith.constant 1 : i32
      %get3A_633 = arith.index_cast %get3A_632 : i32 to index
      %get3A_634 = arith.index_cast %scan3A_602 : i32 to index
      %get3A_635 = arith.constant 16 : index
      %get3A_636 = tpu.vector_load %arg12[%get3A_633, %get3A_634, %get3A_635] {strides = array<i32>} : memref<3x64x128xf32, #tpu.memory_space<vmem>>, vector<1x1x16xf32>,
      %get3A_637 = vector.shape_cast %get3A_636 : vector<1x1x16xf32> to vector<16xf32>
      %get3A_638 = arith.constant 1 : i32
      %get3A_639 = arith.index_cast %get3A_638 : i32 to index
      %get3A_640 = arith.index_cast %scan3A_602 : i32 to index
      %get3A_641 = arith.constant 32 : index
      %get3A_642 = tpu.vector_load %arg12[%get3A_639, %get3A_640, %get3A_641] {strides = array<i32>} : memref<3x64x128xf32, #tpu.memory_space<vmem>>, vector<1x1x16xf32>,
      %get3A_643 = vector.shape_cast %get3A_642 : vector<1x1x16xf32> to vector<16xf32>
      %get3A_644 = arith.constant 1 : i32
      %get3A_645 = arith.index_cast %get3A_644 : i32 to index
      %get3A_646 = arith.index_cast %scan3A_602 : i32 to index
      %get3A_647 = arith.constant 48 : index
      %get3A_648 = tpu.vector_load %arg12[%get3A_645, %get3A_646, %get3A_647] {strides = array<i32>} : memref<3x64x128xf32, #tpu.memory_space<vmem>>, vector<1x1x16xf32>,
      %get3A_649 = vector.shape_cast %get3A_648 : vector<1x1x16xf32> to vector<16xf32>
      %get3A_650 = arith.constant 1 : i32
      %get3A_651 = arith.index_cast %get3A_650 : i32 to index
      %get3A_652 = arith.index_cast %scan3A_602 : i32 to index
      %get3A_653 = arith.constant 64 : index
      %get3A_654 = tpu.vector_load %arg12[%get3A_651, %get3A_652, %get3A_653] {strides = array<i32>} : memref<3x64x128xf32, #tpu.memory_space<vmem>>, vector<1x1x16xf32>,
      %get3A_655 = vector.shape_cast %get3A_654 : vector<1x1x16xf32> to vector<16xf32>
      %get3A_656 = arith.constant 1 : i32
      %get3A_657 = arith.index_cast %get3A_656 : i32 to index
      %get3A_658 = arith.index_cast %scan3A_602 : i32 to index
      %get3A_659 = arith.constant 80 : index
      %get3A_660 = tpu.vector_load %arg12[%get3A_657, %get3A_658, %get3A_659] {strides = array<i32>} : memref<3x64x128xf32, #tpu.memory_space<vmem>>, vector<1x1x16xf32>,
      %get3A_661 = vector.shape_cast %get3A_660 : vector<1x1x16xf32> to vector<16xf32>
      %get3A_662 = arith.constant 1 : i32
      %get3A_663 = arith.index_cast %get3A_662 : i32 to index
      %get3A_664 = arith.index_cast %scan3A_602 : i32 to index
      %get3A_665 = arith.constant 96 : index
      %get3A_666 = tpu.vector_load %arg12[%get3A_663, %get3A_664, %get3A_665] {strides = array<i32>} : memref<3x64x128xf32, #tpu.memory_space<vmem>>, vector<1x1x16xf32>,
      %get3A_667 = vector.shape_cast %get3A_666 : vector<1x1x16xf32> to vector<16xf32>
      %get3A_668 = arith.constant 1 : i32
      %get3A_669 = arith.index_cast %get3A_668 : i32 to index
      %get3A_670 = arith.index_cast %scan3A_602 : i32 to index
      %get3A_671 = arith.constant 112 : index
      %get3A_672 = tpu.vector_load %arg12[%get3A_669, %get3A_670, %get3A_671] {strides = array<i32>} : memref<3x64x128xf32, #tpu.memory_space<vmem>>, vector<1x1x16xf32>,
      %get3A_673 = vector.shape_cast %get3A_672 : vector<1x1x16xf32> to vector<16xf32>
      %get3A_674 = arith.constant 1 : i32
      %get3A_675 = arith.index_cast %get3A_674 : i32 to index
      %get3A_676 = arith.index_cast %scan3A_602 : i32 to index
      %get3A_677 = arith.constant 0 : index
      %get3A_678 = tpu.vector_load %arg13[%get3A_675, %get3A_676, %get3A_677] {strides = array<i32>} : memref<3x64x128xf32, #tpu.memory_space<vmem>>, vector<1x1x16xf32>,
      %get3A_679 = vector.shape_cast %get3A_678 : vector<1x1x16xf32> to vector<16xf32>
      %get3A_680 = arith.constant 1 : i32
      %get3A_681 = arith.index_cast %get3A_680 : i32 to index
      %get3A_682 = arith.index_cast %scan3A_602 : i32 to index
      %get3A_683 = arith.constant 16 : index
      %get3A_684 = tpu.vector_load %arg13[%get3A_681, %get3A_682, %get3A_683] {strides = array<i32>} : memref<3x64x128xf32, #tpu.memory_space<vmem>>, vector<1x1x16xf32>,
      %get3A_685 = vector.shape_cast %get3A_684 : vector<1x1x16xf32> to vector<16xf32>
      %get3A_686 = arith.constant 1 : i32
      %get3A_687 = arith.index_cast %get3A_686 : i32 to index
      %get3A_688 = arith.index_cast %scan3A_602 : i32 to index
      %get3A_689 = arith.constant 32 : index
      %get3A_690 = tpu.vector_load %arg13[%get3A_687, %get3A_688, %get3A_689] {strides = array<i32>} : memref<3x64x128xf32, #tpu.memory_space<vmem>>, vector<1x1x16xf32>,
      %get3A_691 = vector.shape_cast %get3A_690 : vector<1x1x16xf32> to vector<16xf32>
      %get3A_692 = arith.constant 1 : i32
      %get3A_693 = arith.index_cast %get3A_692 : i32 to index
      %get3A_694 = arith.index_cast %scan3A_602 : i32 to index
      %get3A_695 = arith.constant 48 : index
      %get3A_696 = tpu.vector_load %arg13[%get3A_693, %get3A_694, %get3A_695] {strides = array<i32>} : memref<3x64x128xf32, #tpu.memory_space<vmem>>, vector<1x1x16xf32>,
      %get3A_697 = vector.shape_cast %get3A_696 : vector<1x1x16xf32> to vector<16xf32>
      %get3A_698 = arith.constant 1 : i32
      %get3A_699 = arith.index_cast %get3A_698 : i32 to index
      %get3A_700 = arith.index_cast %scan3A_602 : i32 to index
      %get3A_701 = arith.constant 64 : index
      %get3A_702 = tpu.vector_load %arg13[%get3A_699, %get3A_700, %get3A_701] {strides = array<i32>} : memref<3x64x128xf32, #tpu.memory_space<vmem>>, vector<1x1x16xf32>,
      %get3A_703 = vector.shape_cast %get3A_702 : vector<1x1x16xf32> to vector<16xf32>
      %get3A_704 = arith.constant 1 : i32
      %get3A_705 = arith.index_cast %get3A_704 : i32 to index
      %get3A_706 = arith.index_cast %scan3A_602 : i32 to index
      %get3A_707 = arith.constant 80 : index
      %get3A_708 = tpu.vector_load %arg13[%get3A_705, %get3A_706, %get3A_707] {strides = array<i32>} : memref<3x64x128xf32, #tpu.memory_space<vmem>>, vector<1x1x16xf32>,
      %get3A_709 = vector.shape_cast %get3A_708 : vector<1x1x16xf32> to vector<16xf32>
      %get3A_710 = arith.constant 1 : i32
      %get3A_711 = arith.index_cast %get3A_710 : i32 to index
      %get3A_712 = arith.index_cast %scan3A_602 : i32 to index
      %get3A_713 = arith.constant 96 : index
      %get3A_714 = tpu.vector_load %arg13[%get3A_711, %get3A_712, %get3A_713] {strides = array<i32>} : memref<3x64x128xf32, #tpu.memory_space<vmem>>, vector<1x1x16xf32>,
      %get3A_715 = vector.shape_cast %get3A_714 : vector<1x1x16xf32> to vector<16xf32>
      %get3A_716 = arith.constant 1 : i32
      %get3A_717 = arith.index_cast %get3A_716 : i32 to index
      %get3A_718 = arith.index_cast %scan3A_602 : i32 to index
      %get3A_719 = arith.constant 112 : index
      %get3A_720 = tpu.vector_load %arg13[%get3A_717, %get3A_718, %get3A_719] {strides = array<i32>} : memref<3x64x128xf32, #tpu.memory_space<vmem>>, vector<1x1x16xf32>,
      %get3A_721 = vector.shape_cast %get3A_720 : vector<1x1x16xf32> to vector<16xf32>
      %get3A_722 = arith.constant 1 : i32
      %get3A_723 = arith.index_cast %get3A_722 : i32 to index
      %get3A_724 = arith.index_cast %scan3A_602 : i32 to index
      %get3A_725 = arith.constant 0 : index
      %get3A_726 = tpu.vector_load %arg14[%get3A_723, %get3A_724, %get3A_725] {strides = array<i32>} : memref<3x64x128xf32, #tpu.memory_space<vmem>>, vector<1x1x16xf32>,
      %get3A_727 = vector.shape_cast %get3A_726 : vector<1x1x16xf32> to vector<16xf32>
      %get3A_728 = arith.constant 1 : i32
      %get3A_729 = arith.index_cast %get3A_728 : i32 to index
      %get3A_730 = arith.index_cast %scan3A_602 : i32 to index
      %get3A_731 = arith.constant 16 : index
      %get3A_732 = tpu.vector_load %arg14[%get3A_729, %get3A_730, %get3A_731] {strides = array<i32>} : memref<3x64x128xf32, #tpu.memory_space<vmem>>, vector<1x1x16xf32>,
      %get3A_733 = vector.shape_cast %get3A_732 : vector<1x1x16xf32> to vector<16xf32>
      %get3A_734 = arith.constant 1 : i32
      %get3A_735 = arith.index_cast %get3A_734 : i32 to index
      %get3A_736 = arith.index_cast %scan3A_602 : i32 to index
      %get3A_737 = arith.constant 32 : index
      %get3A_738 = tpu.vector_load %arg14[%get3A_735, %get3A_736, %get3A_737] {strides = array<i32>} : memref<3x64x128xf32, #tpu.memory_space<vmem>>, vector<1x1x16xf32>,
      %get3A_739 = vector.shape_cast %get3A_738 : vector<1x1x16xf32> to vector<16xf32>
      %get3A_740 = arith.constant 1 : i32
      %get3A_741 = arith.index_cast %get3A_740 : i32 to index
      %get3A_742 = arith.index_cast %scan3A_602 : i32 to index
      %get3A_743 = arith.constant 48 : index
      %get3A_744 = tpu.vector_load %arg14[%get3A_741, %get3A_742, %get3A_743] {strides = array<i32>} : memref<3x64x128xf32, #tpu.memory_space<vmem>>, vector<1x1x16xf32>,
      %get3A_745 = vector.shape_cast %get3A_744 : vector<1x1x16xf32> to vector<16xf32>
      %get3A_746 = arith.constant 1 : i32
      %get3A_747 = arith.index_cast %get3A_746 : i32 to index
      %get3A_748 = arith.index_cast %scan3A_602 : i32 to index
      %get3A_749 = arith.constant 64 : index
      %get3A_750 = tpu.vector_load %arg14[%get3A_747, %get3A_748, %get3A_749] {strides = array<i32>} : memref<3x64x128xf32, #tpu.memory_space<vmem>>, vector<1x1x16xf32>,
      %get3A_751 = vector.shape_cast %get3A_750 : vector<1x1x16xf32> to vector<16xf32>
      %get3A_752 = arith.constant 1 : i32
      %get3A_753 = arith.index_cast %get3A_752 : i32 to index
      %get3A_754 = arith.index_cast %scan3A_602 : i32 to index
      %get3A_755 = arith.constant 80 : index
      %get3A_756 = tpu.vector_load %arg14[%get3A_753, %get3A_754, %get3A_755] {strides = array<i32>} : memref<3x64x128xf32, #tpu.memory_space<vmem>>, vector<1x1x16xf32>,
      %get3A_757 = vector.shape_cast %get3A_756 : vector<1x1x16xf32> to vector<16xf32>
      %get3A_758 = arith.constant 1 : i32
      %get3A_759 = arith.index_cast %get3A_758 : i32 to index
      %get3A_760 = arith.index_cast %scan3A_602 : i32 to index
      %get3A_761 = arith.constant 96 : index
      %get3A_762 = tpu.vector_load %arg14[%get3A_759, %get3A_760, %get3A_761] {strides = array<i32>} : memref<3x64x128xf32, #tpu.memory_space<vmem>>, vector<1x1x16xf32>,
      %get3A_763 = vector.shape_cast %get3A_762 : vector<1x1x16xf32> to vector<16xf32>
      %get3A_764 = arith.constant 1 : i32
      %get3A_765 = arith.index_cast %get3A_764 : i32 to index
      %get3A_766 = arith.index_cast %scan3A_602 : i32 to index
      %get3A_767 = arith.constant 112 : index
      %get3A_768 = tpu.vector_load %arg14[%get3A_765, %get3A_766, %get3A_767] {strides = array<i32>} : memref<3x64x128xf32, #tpu.memory_space<vmem>>, vector<1x1x16xf32>,
      %get3A_769 = vector.shape_cast %get3A_768 : vector<1x1x16xf32> to vector<16xf32>
      %sub3A = arith.subf %get3A_679, %get3A_727 : vector<16xf32>
      %mul3A_770 = arith.mulf %get3A_631, %sub3A : vector<16xf32>
      %sub3A_771 = arith.subf %get3A_685, %get3A_733 : vector<16xf32>
      %mul3A_772 = arith.mulf %get3A_637, %sub3A_771 : vector<16xf32>
      %sub3A_773 = arith.subf %get3A_691, %get3A_739 : vector<16xf32>
      %mul3A_774 = arith.mulf %get3A_643, %sub3A_773 : vector<16xf32>
      %sub3A_775 = arith.subf %get3A_697, %get3A_745 : vector<16xf32>
      %mul3A_776 = arith.mulf %get3A_649, %sub3A_775 : vector<16xf32>
      %sub3A_777 = arith.subf %get3A_703, %get3A_751 : vector<16xf32>
      %mul3A_778 = arith.mulf %get3A_655, %sub3A_777 : vector<16xf32>
      %sub3A_779 = arith.subf %get3A_709, %get3A_757 : vector<16xf32>
      %mul3A_780 = arith.mulf %get3A_661, %sub3A_779 : vector<16xf32>
      %sub3A_781 = arith.subf %get3A_715, %get3A_763 : vector<16xf32>
      %mul3A_782 = arith.mulf %get3A_667, %sub3A_781 : vector<16xf32>
      %sub3A_783 = arith.subf %get3A_721, %get3A_769 : vector<16xf32>
      %mul3A_784 = arith.mulf %get3A_673, %sub3A_783 : vector<16xf32>
      %add3A_785 = arith.addf %mul3A_770, %mul3A_778 : vector<16xf32>
      %add3A_786 = arith.addf %mul3A_772, %mul3A_780 : vector<16xf32>
      %add3A_787 = arith.addf %mul3A_774, %mul3A_782 : vector<16xf32>
      %add3A_788 = arith.addf %mul3A_776, %mul3A_784 : vector<16xf32>
      %add3A_789 = arith.addf %add3A_785, %add3A_787 : vector<16xf32>
      %add3A_790 = arith.addf %add3A_786, %add3A_788 : vector<16xf32>
      %add3A_791 = arith.addf %add3A_789, %add3A_790 : vector<16xf32>
      %mul3A_792 = arith.mulf %get3A_631, %get3A_631 : vector<16xf32>
      %add3A_793 = arith.addf %scan3A_603, %mul3A_792 : vector<16xf32>
      %mul3A_794 = arith.mulf %get3A_679, %get3A_679 : vector<16xf32>
      %add3A_795 = arith.addf %scan3A_611, %mul3A_794 : vector<16xf32>
      %mul3A_796 = arith.mulf %get3A_727, %get3A_727 : vector<16xf32>
      %add3A_797 = arith.addf %scan3A_619, %mul3A_796 : vector<16xf32>
      %mul3A_798 = arith.mulf %get3A_637, %get3A_637 : vector<16xf32>
      %add3A_799 = arith.addf %scan3A_604, %mul3A_798 : vector<16xf32>
      %mul3A_800 = arith.mulf %get3A_685, %get3A_685 : vector<16xf32>
      %add3A_801 = arith.addf %scan3A_612, %mul3A_800 : vector<16xf32>
      %mul3A_802 = arith.mulf %get3A_733, %get3A_733 : vector<16xf32>
      %add3A_803 = arith.addf %scan3A_620, %mul3A_802 : vector<16xf32>
      %mul3A_804 = arith.mulf %get3A_643, %get3A_643 : vector<16xf32>
      %add3A_805 = arith.addf %scan3A_605, %mul3A_804 : vector<16xf32>
      %mul3A_806 = arith.mulf %get3A_691, %get3A_691 : vector<16xf32>
      %add3A_807 = arith.addf %scan3A_613, %mul3A_806 : vector<16xf32>
      %mul3A_808 = arith.mulf %get3A_739, %get3A_739 : vector<16xf32>
      %add3A_809 = arith.addf %scan3A_621, %mul3A_808 : vector<16xf32>
      %mul3A_810 = arith.mulf %get3A_649, %get3A_649 : vector<16xf32>
      %add3A_811 = arith.addf %scan3A_606, %mul3A_810 : vector<16xf32>
      %mul3A_812 = arith.mulf %get3A_697, %get3A_697 : vector<16xf32>
      %add3A_813 = arith.addf %scan3A_614, %mul3A_812 : vector<16xf32>
      %mul3A_814 = arith.mulf %get3A_745, %get3A_745 : vector<16xf32>
      %add3A_815 = arith.addf %scan3A_622, %mul3A_814 : vector<16xf32>
      %mul3A_816 = arith.mulf %get3A_655, %get3A_655 : vector<16xf32>
      %add3A_817 = arith.addf %scan3A_607, %mul3A_816 : vector<16xf32>
      %mul3A_818 = arith.mulf %get3A_703, %get3A_703 : vector<16xf32>
      %add3A_819 = arith.addf %scan3A_615, %mul3A_818 : vector<16xf32>
      %mul3A_820 = arith.mulf %get3A_751, %get3A_751 : vector<16xf32>
      %add3A_821 = arith.addf %scan3A_623, %mul3A_820 : vector<16xf32>
      %mul3A_822 = arith.mulf %get3A_661, %get3A_661 : vector<16xf32>
      %add3A_823 = arith.addf %scan3A_608, %mul3A_822 : vector<16xf32>
      %mul3A_824 = arith.mulf %get3A_709, %get3A_709 : vector<16xf32>
      %add3A_825 = arith.addf %scan3A_616, %mul3A_824 : vector<16xf32>
      %mul3A_826 = arith.mulf %get3A_757, %get3A_757 : vector<16xf32>
      %add3A_827 = arith.addf %scan3A_624, %mul3A_826 : vector<16xf32>
      %mul3A_828 = arith.mulf %get3A_667, %get3A_667 : vector<16xf32>
      %add3A_829 = arith.addf %scan3A_609, %mul3A_828 : vector<16xf32>
      %mul3A_830 = arith.mulf %get3A_715, %get3A_715 : vector<16xf32>
      %add3A_831 = arith.addf %scan3A_617, %mul3A_830 : vector<16xf32>
      %mul3A_832 = arith.mulf %get3A_763, %get3A_763 : vector<16xf32>
      %add3A_833 = arith.addf %scan3A_625, %mul3A_832 : vector<16xf32>
      %mul3A_834 = arith.mulf %get3A_673, %get3A_673 : vector<16xf32>
      %add3A_835 = arith.addf %scan3A_610, %mul3A_834 : vector<16xf32>
      %mul3A_836 = arith.mulf %get3A_721, %get3A_721 : vector<16xf32>
      %add3A_837 = arith.addf %scan3A_618, %mul3A_836 : vector<16xf32>
      %mul3A_838 = arith.mulf %get3A_769, %get3A_769 : vector<16xf32>
      %add3A_839 = arith.addf %scan3A_626, %mul3A_838 : vector<16xf32>
      %jit3A = arith.constant 8 : i32
      %div3A = arith.divsi %scan3A_602, %jit3A : i32
      %sign3A = arith.constant 0 : i32
      %sign3A_840 = arith.cmpi sgt, %scan3A_602, %sign3A : i32
      %sign3A_841 = arith.extui %sign3A_840 : i1 to i32
      %sign3A_842 = arith.constant 0 : i32
      %sign3A_843 = arith.cmpi slt, %scan3A_602, %sign3A_842 : i32
      %sign3A_844 = arith.extui %sign3A_843 : i1 to i32
      %sign3A_845 = arith.subi %sign3A_841, %sign3A_844 : i32
      %sign3A_846 = arith.constant 0 : i32
      %sign3A_847 = arith.cmpi sgt, %jit3A, %sign3A_846 : i32
      %sign3A_848 = arith.extui %sign3A_847 : i1 to i32
      %sign3A_849 = arith.constant 0 : i32
      %sign3A_850 = arith.cmpi slt, %jit3A, %sign3A_849 : i32
      %sign3A_851 = arith.extui %sign3A_850 : i1 to i32
      %sign3A_852 = arith.subi %sign3A_848, %sign3A_851 : i32
      %ne3A = arith.cmpi ne, %sign3A_845, %sign3A_852 : i32
      %rem3A = arith.remsi %scan3A_602, %jit3A : i32
      %ne3A_853 = arith.constant 0 : i32
      %ne3A_854 = arith.cmpi ne, %rem3A, %ne3A_853 : i32
      %and3A = arith.andi %ne3A, %ne3A_854 : i1
      %sub3A_855 = arith.constant 1 : i32
      %sub3A_856 = arith.subi %div3A, %sub3A_855 : i32
      %select_n3A = arith.select %and3A, %sub3A_856, %div3A : i32
      %add3A_857 = arith.constant 8 : i32
      %add3A_858 = arith.addi %add3A_857, %select_n3A : i32
      %jit3A_859 = arith.constant 8 : i32
      %eq3A = arith.constant 0 : i32
      %eq3A_860 = arith.cmpi eq, %jit3A_859, %eq3A : i32
      %jit3A_861 = arith.constant 1 : i32
      %select_n3A_862 = arith.select %eq3A_860, %jit3A_861, %jit3A_859 : i32
      %rem3A_863 = arith.remsi %scan3A_602, %select_n3A_862 : i32
      %ne3A_864 = arith.constant 0 : i32
      %ne3A_865 = arith.cmpi ne, %rem3A_863, %ne3A_864 : i32
      %lt3A = arith.constant 0 : i32
      %lt3A_866 = arith.cmpi slt, %rem3A_863, %lt3A : i32
      %lt3A_867 = arith.constant 0 : i32
      %lt3A_868 = arith.cmpi slt, %select_n3A_862, %lt3A_867 : i32
      %ne3A_869 = arith.xori %lt3A_866, %lt3A_868 : i1
      %and3A_870 = arith.andi %ne3A_869, %ne3A_865 : i1
      %add3A_871 = arith.addi %rem3A_863, %select_n3A_862 : i32
      %select_n3A_872 = arith.select %and3A_870, %add3A_871, %rem3A_863 : i32
      %mul3A_873 = arith.constant 16 : i32
      %mul3A_874 = arith.muli %select_n3A_872, %mul3A_873 : i32
      %swap3A_875 = arith.index_cast %add3A_858 : i32 to index
      %swap3A_876 = arith.index_cast %mul3A_874 : i32 to index
      %swap3A_877 = tpu.vector_load %arg15[%swap3A_875, %swap3A_876] {strides = array<i32>} : memref<64x128xf32, #tpu.memory_space<vmem>>, vector<1x16xf32>,
      %swap3A_878 = vector.shape_cast %swap3A_877 : vector<1x16xf32> to vector<16xf32>
      %swap3A_879 = vector.shape_cast %add3A_791 : vector<16xf32> to vector<1x16xf32>
      tpu.vector_store %arg15[%swap3A_875, %swap3A_876], %swap3A_879 {strides = array<i32>} : memref<64x128xf32, #tpu.memory_space<vmem>>, vector<1x16xf32>,
      scf.yield %add3A_793, %add3A_799, %add3A_805, %add3A_811, %add3A_817, %add3A_823, %add3A_829, %add3A_835, %add3A_795, %add3A_801, %add3A_807, %add3A_813, %add3A_819, %add3A_825, %add3A_831, %add3A_837, %add3A_797, %add3A_803, %add3A_809, %add3A_815, %add3A_821, %add3A_827, %add3A_833, %add3A_839 : vector<16xf32>, vector<16xf32>, vector<16xf32>, vector<16xf32>, vector<16xf32>, vector<16xf32>, vector<16xf32>, vector<16xf32>, vector<16xf32>, vector<16xf32>, vector<16xf32>, vector<16xf32>, vector<16xf32>, vector<16xf32>, vector<16xf32>, vector<16xf32>, vector<16xf32>, vector<16xf32>, vector<16xf32>, vector<16xf32>, vector<16xf32>, vector<16xf32>, vector<16xf32>, vector<16xf32>
    }
    %scan3A_204 = arith.constant 64 : i32
    %dma_wait3A_205 = arith.constant 2 : i32
    %dma_wait3A_206 = arith.constant 0 : i32
    %dma_wait3A_207 = arith.constant 0 : i32
    %dma_wait3A_208 = tpu.memref_slice %arg12[%dma_wait3A_205, %dma_wait3A_206, %dma_wait3A_207] : memref<3x64x128xf32, #tpu.memory_space<vmem>> -> memref<1x64x128xf32, #tpu.memory_space<vmem>>
    %dma_wait3A_209 = tpu.memref_squeeze %dma_wait3A_208 : memref<1x64x128xf32, #tpu.memory_space<vmem>> -> memref<64x128xf32, #tpu.memory_space<vmem>>
    %dma_wait3A_210 = arith.constant 128 : i32
    %dma_wait3A_211 = tpu.memref_slice %arg9[%dma_wait3A_210] : memref<512xi32, #tpu.memory_space<vmem>> -> memref<64xi32, #tpu.memory_space<vmem>>
    %dma_wait3A_212 = arith.constant 0 : i32
    %dma_wait3A_213 = arith.constant 0 : i32
    %dma_wait3A_214 = tpu.memref_slice %arg2[%dma_wait3A_212, %dma_wait3A_213] : memref<100000x128xf32, #tpu.memory_space<hbm>> -> memref<100000x128xf32, #tpu.memory_space<hbm>>
    tpu.wait_indirect_dma semaphore(%arg17 : memref<!tpu.dma_semaphore, #tpu.memory_space<semaphore_mem>>) src(%dma_wait3A_214 : memref<100000x128xf32, #tpu.memory_space<hbm>>) dst(%dma_wait3A_209 : memref<64x128xf32, #tpu.memory_space<vmem>>)
    %dma_wait3A_215 = arith.constant 2 : i32
    %dma_wait3A_216 = arith.constant 0 : i32
    %dma_wait3A_217 = arith.constant 0 : i32
    %dma_wait3A_218 = tpu.memref_slice %arg13[%dma_wait3A_215, %dma_wait3A_216, %dma_wait3A_217] : memref<3x64x128xf32, #tpu.memory_space<vmem>> -> memref<1x64x128xf32, #tpu.memory_space<vmem>>
    %dma_wait3A_219 = tpu.memref_squeeze %dma_wait3A_218 : memref<1x64x128xf32, #tpu.memory_space<vmem>> -> memref<64x128xf32, #tpu.memory_space<vmem>>
    %dma_wait3A_220 = arith.constant 128 : i32
    %dma_wait3A_221 = tpu.memref_slice %arg10[%dma_wait3A_220] : memref<512xi32, #tpu.memory_space<vmem>> -> memref<64xi32, #tpu.memory_space<vmem>>
    %dma_wait3A_222 = arith.constant 0 : i32
    %dma_wait3A_223 = arith.constant 0 : i32
    %dma_wait3A_224 = tpu.memref_slice %arg3[%dma_wait3A_222, %dma_wait3A_223] : memref<100000x128xf32, #tpu.memory_space<hbm>> -> memref<100000x128xf32, #tpu.memory_space<hbm>>
    tpu.wait_indirect_dma semaphore(%arg17 : memref<!tpu.dma_semaphore, #tpu.memory_space<semaphore_mem>>) src(%dma_wait3A_224 : memref<100000x128xf32, #tpu.memory_space<hbm>>) dst(%dma_wait3A_219 : memref<64x128xf32, #tpu.memory_space<vmem>>)
    %dma_wait3A_225 = arith.constant 2 : i32
    %dma_wait3A_226 = arith.constant 0 : i32
    %dma_wait3A_227 = arith.constant 0 : i32
    %dma_wait3A_228 = tpu.memref_slice %arg14[%dma_wait3A_225, %dma_wait3A_226, %dma_wait3A_227] : memref<3x64x128xf32, #tpu.memory_space<vmem>> -> memref<1x64x128xf32, #tpu.memory_space<vmem>>
    %dma_wait3A_229 = tpu.memref_squeeze %dma_wait3A_228 : memref<1x64x128xf32, #tpu.memory_space<vmem>> -> memref<64x128xf32, #tpu.memory_space<vmem>>
    %dma_wait3A_230 = arith.constant 128 : i32
    %dma_wait3A_231 = tpu.memref_slice %arg11[%dma_wait3A_230] : memref<512xi32, #tpu.memory_space<vmem>> -> memref<64xi32, #tpu.memory_space<vmem>>
    %dma_wait3A_232 = arith.constant 0 : i32
    %dma_wait3A_233 = arith.constant 0 : i32
    %dma_wait3A_234 = tpu.memref_slice %arg3[%dma_wait3A_232, %dma_wait3A_233] : memref<100000x128xf32, #tpu.memory_space<hbm>> -> memref<100000x128xf32, #tpu.memory_space<hbm>>
    tpu.wait_indirect_dma semaphore(%arg17 : memref<!tpu.dma_semaphore, #tpu.memory_space<semaphore_mem>>) src(%dma_wait3A_234 : memref<100000x128xf32, #tpu.memory_space<hbm>>) dst(%dma_wait3A_229 : memref<64x128xf32, #tpu.memory_space<vmem>>)
    %dma_start3A_235 = arith.constant 1 : i32
    %dma_start3A_236 = arith.constant 0 : i32
    %dma_start3A_237 = arith.constant 0 : i32
    %dma_start3A_238 = tpu.memref_slice %arg12[%dma_start3A_235, %dma_start3A_236, %dma_start3A_237] : memref<3x64x128xf32, #tpu.memory_space<vmem>> -> memref<1x64x128xf32, #tpu.memory_space<vmem>>
    %dma_start3A_239 = tpu.memref_squeeze %dma_start3A_238 : memref<1x64x128xf32, #tpu.memory_space<vmem>> -> memref<64x128xf32, #tpu.memory_space<vmem>>
    %dma_start3A_240 = arith.constant 256 : i32
    %dma_start3A_241 = tpu.memref_slice %arg9[%dma_start3A_240] : memref<512xi32, #tpu.memory_space<vmem>> -> memref<64xi32, #tpu.memory_space<vmem>>
    %dma_start3A_242 = arith.constant 0 : i32
    %dma_start3A_243 = arith.constant 0 : i32
    %dma_start3A_244 = tpu.memref_slice %arg2[%dma_start3A_242, %dma_start3A_243] : memref<100000x128xf32, #tpu.memory_space<hbm>> -> memref<100000x128xf32, #tpu.memory_space<hbm>>
    tpu.enqueue_indirect_dma source(%dma_start3A_244 : memref<100000x128xf32, #tpu.memory_space<hbm>>) target(%dma_start3A_239 : memref<64x128xf32, #tpu.memory_space<vmem>>) offsets(%dma_start3A_241 : memref<64xi32, #tpu.memory_space<vmem>>) semaphore(%arg17 : memref<!tpu.dma_semaphore, #tpu.memory_space<semaphore_mem>>)
    %dma_start3A_245 = arith.constant 1 : i32
    %dma_start3A_246 = arith.constant 0 : i32
    %dma_start3A_247 = arith.constant 0 : i32
    %dma_start3A_248 = tpu.memref_slice %arg13[%dma_start3A_245, %dma_start3A_246, %dma_start3A_247] : memref<3x64x128xf32, #tpu.memory_space<vmem>> -> memref<1x64x128xf32, #tpu.memory_space<vmem>>
    %dma_start3A_249 = tpu.memref_squeeze %dma_start3A_248 : memref<1x64x128xf32, #tpu.memory_space<vmem>> -> memref<64x128xf32, #tpu.memory_space<vmem>>
    %dma_start3A_250 = arith.constant 256 : i32
    %dma_start3A_251 = tpu.memref_slice %arg10[%dma_start3A_250] : memref<512xi32, #tpu.memory_space<vmem>> -> memref<64xi32, #tpu.memory_space<vmem>>
    %dma_start3A_252 = arith.constant 0 : i32
    %dma_start3A_253 = arith.constant 0 : i32
    %dma_start3A_254 = tpu.memref_slice %arg3[%dma_start3A_252, %dma_start3A_253] : memref<100000x128xf32, #tpu.memory_space<hbm>> -> memref<100000x128xf32, #tpu.memory_space<hbm>>
    tpu.enqueue_indirect_dma source(%dma_start3A_254 : memref<100000x128xf32, #tpu.memory_space<hbm>>) target(%dma_start3A_249 : memref<64x128xf32, #tpu.memory_space<vmem>>) offsets(%dma_start3A_251 : memref<64xi32, #tpu.memory_space<vmem>>) semaphore(%arg17 : memref<!tpu.dma_semaphore, #tpu.memory_space<semaphore_mem>>)
    %dma_start3A_255 = arith.constant 1 : i32
    %dma_start3A_256 = arith.constant 0 : i32
    %dma_start3A_257 = arith.constant 0 : i32
    %dma_start3A_258 = tpu.memref_slice %arg14[%dma_start3A_255, %dma_start3A_256, %dma_start3A_257] : memref<3x64x128xf32, #tpu.memory_space<vmem>> -> memref<1x64x128xf32, #tpu.memory_space<vmem>>
    %dma_start3A_259 = tpu.memref_squeeze %dma_start3A_258 : memref<1x64x128xf32, #tpu.memory_space<vmem>> -> memref<64x128xf32, #tpu.memory_space<vmem>>
    %dma_start3A_260 = arith.constant 256 : i32
    %dma_start3A_261 = tpu.memref_slice %arg11[%dma_start3A_260] : memref<512xi32, #tpu.memory_space<vmem>> -> memref<64xi32, #tpu.memory_space<vmem>>
    %dma_start3A_262 = arith.constant 0 : i32
    %dma_start3A_263 = arith.constant 0 : i32
    %dma_start3A_264 = tpu.memref_slice %arg3[%dma_start3A_262, %dma_start3A_263] : memref<100000x128xf32, #tpu.memory_space<hbm>> -> memref<100000x128xf32, #tpu.memory_space<hbm>>
    tpu.enqueue_indirect_dma source(%dma_start3A_264 : memref<100000x128xf32, #tpu.memory_space<hbm>>) target(%dma_start3A_259 : memref<64x128xf32, #tpu.memory_space<vmem>>) offsets(%dma_start3A_261 : memref<64xi32, #tpu.memory_space<vmem>>) semaphore(%arg17 : memref<!tpu.dma_semaphore, #tpu.memory_space<semaphore_mem>>)
    %scan3A_265 = arith.constant 0 : i32
    %scan3A_266 = arith.constant 64 : i32
    %scan3A_267 = arith.addi %scan3A_265, %scan3A_266 : i32
    %scan3A_268 = arith.constant 1 : i32
    %scan3A_269:24 = scf.for %scan3A_602 = %scan3A_265 to %scan3A_267 step %scan3A_268 iter_args(%scan3A_603 = %scan3A_203#0, %scan3A_604 = %scan3A_203#1, %scan3A_605 = %scan3A_203#2, %scan3A_606 = %scan3A_203#3, %scan3A_607 = %scan3A_203#4, %scan3A_608 = %scan3A_203#5, %scan3A_609 = %scan3A_203#6, %scan3A_610 = %scan3A_203#7, %scan3A_611 = %scan3A_203#8, %scan3A_612 = %scan3A_203#9, %scan3A_613 = %scan3A_203#10, %scan3A_614 = %scan3A_203#11, %scan3A_615 = %scan3A_203#12, %scan3A_616 = %scan3A_203#13, %scan3A_617 = %scan3A_203#14, %scan3A_618 = %scan3A_203#15, %scan3A_619 = %scan3A_203#16, %scan3A_620 = %scan3A_203#17, %scan3A_621 = %scan3A_203#18, %scan3A_622 = %scan3A_203#19, %scan3A_623 = %scan3A_203#20, %scan3A_624 = %scan3A_203#21, %scan3A_625 = %scan3A_203#22, %scan3A_626 = %scan3A_203#23) -> (vector<16xf32>, vector<16xf32>, vector<16xf32>, vector<16xf32>, vector<16xf32>, vector<16xf32>, vector<16xf32>, vector<16xf32>, vector<16xf32>, vector<16xf32>, vector<16xf32>, vector<16xf32>, vector<16xf32>, vector<16xf32>, vector<16xf32>, vector<16xf32>, vector<16xf32>, vector<16xf32>, vector<16xf32>, vector<16xf32>, vector<16xf32>, vector<16xf32>, vector<16xf32>, vector<16xf32>)  : i32 {
      %get3A = arith.constant 2 : i32
      %get3A_627 = arith.index_cast %get3A : i32 to index
      %get3A_628 = arith.index_cast %scan3A_602 : i32 to index
      %get3A_629 = arith.constant 0 : index
      %get3A_630 = tpu.vector_load %arg12[%get3A_627, %get3A_628, %get3A_629] {strides = array<i32>} : memref<3x64x128xf32, #tpu.memory_space<vmem>>, vector<1x1x16xf32>,
      %get3A_631 = vector.shape_cast %get3A_630 : vector<1x1x16xf32> to vector<16xf32>
      %get3A_632 = arith.constant 2 : i32
      %get3A_633 = arith.index_cast %get3A_632 : i32 to index
      %get3A_634 = arith.index_cast %scan3A_602 : i32 to index
      %get3A_635 = arith.constant 16 : index
      %get3A_636 = tpu.vector_load %arg12[%get3A_633, %get3A_634, %get3A_635] {strides = array<i32>} : memref<3x64x128xf32, #tpu.memory_space<vmem>>, vector<1x1x16xf32>,
      %get3A_637 = vector.shape_cast %get3A_636 : vector<1x1x16xf32> to vector<16xf32>
      %get3A_638 = arith.constant 2 : i32
      %get3A_639 = arith.index_cast %get3A_638 : i32 to index
      %get3A_640 = arith.index_cast %scan3A_602 : i32 to index
      %get3A_641 = arith.constant 32 : index
      %get3A_642 = tpu.vector_load %arg12[%get3A_639, %get3A_640, %get3A_641] {strides = array<i32>} : memref<3x64x128xf32, #tpu.memory_space<vmem>>, vector<1x1x16xf32>,
      %get3A_643 = vector.shape_cast %get3A_642 : vector<1x1x16xf32> to vector<16xf32>
      %get3A_644 = arith.constant 2 : i32
      %get3A_645 = arith.index_cast %get3A_644 : i32 to index
      %get3A_646 = arith.index_cast %scan3A_602 : i32 to index
      %get3A_647 = arith.constant 48 : index
      %get3A_648 = tpu.vector_load %arg12[%get3A_645, %get3A_646, %get3A_647] {strides = array<i32>} : memref<3x64x128xf32, #tpu.memory_space<vmem>>, vector<1x1x16xf32>,
      %get3A_649 = vector.shape_cast %get3A_648 : vector<1x1x16xf32> to vector<16xf32>
      %get3A_650 = arith.constant 2 : i32
      %get3A_651 = arith.index_cast %get3A_650 : i32 to index
      %get3A_652 = arith.index_cast %scan3A_602 : i32 to index
      %get3A_653 = arith.constant 64 : index
      %get3A_654 = tpu.vector_load %arg12[%get3A_651, %get3A_652, %get3A_653] {strides = array<i32>} : memref<3x64x128xf32, #tpu.memory_space<vmem>>, vector<1x1x16xf32>,
      %get3A_655 = vector.shape_cast %get3A_654 : vector<1x1x16xf32> to vector<16xf32>
      %get3A_656 = arith.constant 2 : i32
      %get3A_657 = arith.index_cast %get3A_656 : i32 to index
      %get3A_658 = arith.index_cast %scan3A_602 : i32 to index
      %get3A_659 = arith.constant 80 : index
      %get3A_660 = tpu.vector_load %arg12[%get3A_657, %get3A_658, %get3A_659] {strides = array<i32>} : memref<3x64x128xf32, #tpu.memory_space<vmem>>, vector<1x1x16xf32>,
      %get3A_661 = vector.shape_cast %get3A_660 : vector<1x1x16xf32> to vector<16xf32>
      %get3A_662 = arith.constant 2 : i32
      %get3A_663 = arith.index_cast %get3A_662 : i32 to index
      %get3A_664 = arith.index_cast %scan3A_602 : i32 to index
      %get3A_665 = arith.constant 96 : index
      %get3A_666 = tpu.vector_load %arg12[%get3A_663, %get3A_664, %get3A_665] {strides = array<i32>} : memref<3x64x128xf32, #tpu.memory_space<vmem>>, vector<1x1x16xf32>,
      %get3A_667 = vector.shape_cast %get3A_666 : vector<1x1x16xf32> to vector<16xf32>
      %get3A_668 = arith.constant 2 : i32
      %get3A_669 = arith.index_cast %get3A_668 : i32 to index
      %get3A_670 = arith.index_cast %scan3A_602 : i32 to index
      %get3A_671 = arith.constant 112 : index
      %get3A_672 = tpu.vector_load %arg12[%get3A_669, %get3A_670, %get3A_671] {strides = array<i32>} : memref<3x64x128xf32, #tpu.memory_space<vmem>>, vector<1x1x16xf32>,
      %get3A_673 = vector.shape_cast %get3A_672 : vector<1x1x16xf32> to vector<16xf32>
      %get3A_674 = arith.constant 2 : i32
      %get3A_675 = arith.index_cast %get3A_674 : i32 to index
      %get3A_676 = arith.index_cast %scan3A_602 : i32 to index
      %get3A_677 = arith.constant 0 : index
      %get3A_678 = tpu.vector_load %arg13[%get3A_675, %get3A_676, %get3A_677] {strides = array<i32>} : memref<3x64x128xf32, #tpu.memory_space<vmem>>, vector<1x1x16xf32>,
      %get3A_679 = vector.shape_cast %get3A_678 : vector<1x1x16xf32> to vector<16xf32>
      %get3A_680 = arith.constant 2 : i32
      %get3A_681 = arith.index_cast %get3A_680 : i32 to index
      %get3A_682 = arith.index_cast %scan3A_602 : i32 to index
      %get3A_683 = arith.constant 16 : index
      %get3A_684 = tpu.vector_load %arg13[%get3A_681, %get3A_682, %get3A_683] {strides = array<i32>} : memref<3x64x128xf32, #tpu.memory_space<vmem>>, vector<1x1x16xf32>,
      %get3A_685 = vector.shape_cast %get3A_684 : vector<1x1x16xf32> to vector<16xf32>
      %get3A_686 = arith.constant 2 : i32
      %get3A_687 = arith.index_cast %get3A_686 : i32 to index
      %get3A_688 = arith.index_cast %scan3A_602 : i32 to index
      %get3A_689 = arith.constant 32 : index
      %get3A_690 = tpu.vector_load %arg13[%get3A_687, %get3A_688, %get3A_689] {strides = array<i32>} : memref<3x64x128xf32, #tpu.memory_space<vmem>>, vector<1x1x16xf32>,
      %get3A_691 = vector.shape_cast %get3A_690 : vector<1x1x16xf32> to vector<16xf32>
      %get3A_692 = arith.constant 2 : i32
      %get3A_693 = arith.index_cast %get3A_692 : i32 to index
      %get3A_694 = arith.index_cast %scan3A_602 : i32 to index
      %get3A_695 = arith.constant 48 : index
      %get3A_696 = tpu.vector_load %arg13[%get3A_693, %get3A_694, %get3A_695] {strides = array<i32>} : memref<3x64x128xf32, #tpu.memory_space<vmem>>, vector<1x1x16xf32>,
      %get3A_697 = vector.shape_cast %get3A_696 : vector<1x1x16xf32> to vector<16xf32>
      %get3A_698 = arith.constant 2 : i32
      %get3A_699 = arith.index_cast %get3A_698 : i32 to index
      %get3A_700 = arith.index_cast %scan3A_602 : i32 to index
      %get3A_701 = arith.constant 64 : index
      %get3A_702 = tpu.vector_load %arg13[%get3A_699, %get3A_700, %get3A_701] {strides = array<i32>} : memref<3x64x128xf32, #tpu.memory_space<vmem>>, vector<1x1x16xf32>,
      %get3A_703 = vector.shape_cast %get3A_702 : vector<1x1x16xf32> to vector<16xf32>
      %get3A_704 = arith.constant 2 : i32
      %get3A_705 = arith.index_cast %get3A_704 : i32 to index
      %get3A_706 = arith.index_cast %scan3A_602 : i32 to index
      %get3A_707 = arith.constant 80 : index
      %get3A_708 = tpu.vector_load %arg13[%get3A_705, %get3A_706, %get3A_707] {strides = array<i32>} : memref<3x64x128xf32, #tpu.memory_space<vmem>>, vector<1x1x16xf32>,
      %get3A_709 = vector.shape_cast %get3A_708 : vector<1x1x16xf32> to vector<16xf32>
      %get3A_710 = arith.constant 2 : i32
      %get3A_711 = arith.index_cast %get3A_710 : i32 to index
      %get3A_712 = arith.index_cast %scan3A_602 : i32 to index
      %get3A_713 = arith.constant 96 : index
      %get3A_714 = tpu.vector_load %arg13[%get3A_711, %get3A_712, %get3A_713] {strides = array<i32>} : memref<3x64x128xf32, #tpu.memory_space<vmem>>, vector<1x1x16xf32>,
      %get3A_715 = vector.shape_cast %get3A_714 : vector<1x1x16xf32> to vector<16xf32>
      %get3A_716 = arith.constant 2 : i32
      %get3A_717 = arith.index_cast %get3A_716 : i32 to index
      %get3A_718 = arith.index_cast %scan3A_602 : i32 to index
      %get3A_719 = arith.constant 112 : index
      %get3A_720 = tpu.vector_load %arg13[%get3A_717, %get3A_718, %get3A_719] {strides = array<i32>} : memref<3x64x128xf32, #tpu.memory_space<vmem>>, vector<1x1x16xf32>,
      %get3A_721 = vector.shape_cast %get3A_720 : vector<1x1x16xf32> to vector<16xf32>
      %get3A_722 = arith.constant 2 : i32
      %get3A_723 = arith.index_cast %get3A_722 : i32 to index
      %get3A_724 = arith.index_cast %scan3A_602 : i32 to index
      %get3A_725 = arith.constant 0 : index
      %get3A_726 = tpu.vector_load %arg14[%get3A_723, %get3A_724, %get3A_725] {strides = array<i32>} : memref<3x64x128xf32, #tpu.memory_space<vmem>>, vector<1x1x16xf32>,
      %get3A_727 = vector.shape_cast %get3A_726 : vector<1x1x16xf32> to vector<16xf32>
      %get3A_728 = arith.constant 2 : i32
      %get3A_729 = arith.index_cast %get3A_728 : i32 to index
      %get3A_730 = arith.index_cast %scan3A_602 : i32 to index
      %get3A_731 = arith.constant 16 : index
      %get3A_732 = tpu.vector_load %arg14[%get3A_729, %get3A_730, %get3A_731] {strides = array<i32>} : memref<3x64x128xf32, #tpu.memory_space<vmem>>, vector<1x1x16xf32>,
      %get3A_733 = vector.shape_cast %get3A_732 : vector<1x1x16xf32> to vector<16xf32>
      %get3A_734 = arith.constant 2 : i32
      %get3A_735 = arith.index_cast %get3A_734 : i32 to index
      %get3A_736 = arith.index_cast %scan3A_602 : i32 to index
      %get3A_737 = arith.constant 32 : index
      %get3A_738 = tpu.vector_load %arg14[%get3A_735, %get3A_736, %get3A_737] {strides = array<i32>} : memref<3x64x128xf32, #tpu.memory_space<vmem>>, vector<1x1x16xf32>,
      %get3A_739 = vector.shape_cast %get3A_738 : vector<1x1x16xf32> to vector<16xf32>
      %get3A_740 = arith.constant 2 : i32
      %get3A_741 = arith.index_cast %get3A_740 : i32 to index
      %get3A_742 = arith.index_cast %scan3A_602 : i32 to index
      %get3A_743 = arith.constant 48 : index
      %get3A_744 = tpu.vector_load %arg14[%get3A_741, %get3A_742, %get3A_743] {strides = array<i32>} : memref<3x64x128xf32, #tpu.memory_space<vmem>>, vector<1x1x16xf32>,
      %get3A_745 = vector.shape_cast %get3A_744 : vector<1x1x16xf32> to vector<16xf32>
      %get3A_746 = arith.constant 2 : i32
      %get3A_747 = arith.index_cast %get3A_746 : i32 to index
      %get3A_748 = arith.index_cast %scan3A_602 : i32 to index
      %get3A_749 = arith.constant 64 : index
      %get3A_750 = tpu.vector_load %arg14[%get3A_747, %get3A_748, %get3A_749] {strides = array<i32>} : memref<3x64x128xf32, #tpu.memory_space<vmem>>, vector<1x1x16xf32>,
      %get3A_751 = vector.shape_cast %get3A_750 : vector<1x1x16xf32> to vector<16xf32>
      %get3A_752 = arith.constant 2 : i32
      %get3A_753 = arith.index_cast %get3A_752 : i32 to index
      %get3A_754 = arith.index_cast %scan3A_602 : i32 to index
      %get3A_755 = arith.constant 80 : index
      %get3A_756 = tpu.vector_load %arg14[%get3A_753, %get3A_754, %get3A_755] {strides = array<i32>} : memref<3x64x128xf32, #tpu.memory_space<vmem>>, vector<1x1x16xf32>,
      %get3A_757 = vector.shape_cast %get3A_756 : vector<1x1x16xf32> to vector<16xf32>
      %get3A_758 = arith.constant 2 : i32
      %get3A_759 = arith.index_cast %get3A_758 : i32 to index
      %get3A_760 = arith.index_cast %scan3A_602 : i32 to index
      %get3A_761 = arith.constant 96 : index
      %get3A_762 = tpu.vector_load %arg14[%get3A_759, %get3A_760, %get3A_761] {strides = array<i32>} : memref<3x64x128xf32, #tpu.memory_space<vmem>>, vector<1x1x16xf32>,
      %get3A_763 = vector.shape_cast %get3A_762 : vector<1x1x16xf32> to vector<16xf32>
      %get3A_764 = arith.constant 2 : i32
      %get3A_765 = arith.index_cast %get3A_764 : i32 to index
      %get3A_766 = arith.index_cast %scan3A_602 : i32 to index
      %get3A_767 = arith.constant 112 : index
      %get3A_768 = tpu.vector_load %arg14[%get3A_765, %get3A_766, %get3A_767] {strides = array<i32>} : memref<3x64x128xf32, #tpu.memory_space<vmem>>, vector<1x1x16xf32>,
      %get3A_769 = vector.shape_cast %get3A_768 : vector<1x1x16xf32> to vector<16xf32>
      %sub3A = arith.subf %get3A_679, %get3A_727 : vector<16xf32>
      %mul3A_770 = arith.mulf %get3A_631, %sub3A : vector<16xf32>
      %sub3A_771 = arith.subf %get3A_685, %get3A_733 : vector<16xf32>
      %mul3A_772 = arith.mulf %get3A_637, %sub3A_771 : vector<16xf32>
      %sub3A_773 = arith.subf %get3A_691, %get3A_739 : vector<16xf32>
      %mul3A_774 = arith.mulf %get3A_643, %sub3A_773 : vector<16xf32>
      %sub3A_775 = arith.subf %get3A_697, %get3A_745 : vector<16xf32>
      %mul3A_776 = arith.mulf %get3A_649, %sub3A_775 : vector<16xf32>
      %sub3A_777 = arith.subf %get3A_703, %get3A_751 : vector<16xf32>
      %mul3A_778 = arith.mulf %get3A_655, %sub3A_777 : vector<16xf32>
      %sub3A_779 = arith.subf %get3A_709, %get3A_757 : vector<16xf32>
      %mul3A_780 = arith.mulf %get3A_661, %sub3A_779 : vector<16xf32>
      %sub3A_781 = arith.subf %get3A_715, %get3A_763 : vector<16xf32>
      %mul3A_782 = arith.mulf %get3A_667, %sub3A_781 : vector<16xf32>
      %sub3A_783 = arith.subf %get3A_721, %get3A_769 : vector<16xf32>
      %mul3A_784 = arith.mulf %get3A_673, %sub3A_783 : vector<16xf32>
      %add3A_785 = arith.addf %mul3A_770, %mul3A_778 : vector<16xf32>
      %add3A_786 = arith.addf %mul3A_772, %mul3A_780 : vector<16xf32>
      %add3A_787 = arith.addf %mul3A_774, %mul3A_782 : vector<16xf32>
      %add3A_788 = arith.addf %mul3A_776, %mul3A_784 : vector<16xf32>
      %add3A_789 = arith.addf %add3A_785, %add3A_787 : vector<16xf32>
      %add3A_790 = arith.addf %add3A_786, %add3A_788 : vector<16xf32>
      %add3A_791 = arith.addf %add3A_789, %add3A_790 : vector<16xf32>
      %mul3A_792 = arith.mulf %get3A_631, %get3A_631 : vector<16xf32>
      %add3A_793 = arith.addf %scan3A_603, %mul3A_792 : vector<16xf32>
      %mul3A_794 = arith.mulf %get3A_679, %get3A_679 : vector<16xf32>
      %add3A_795 = arith.addf %scan3A_611, %mul3A_794 : vector<16xf32>
      %mul3A_796 = arith.mulf %get3A_727, %get3A_727 : vector<16xf32>
      %add3A_797 = arith.addf %scan3A_619, %mul3A_796 : vector<16xf32>
      %mul3A_798 = arith.mulf %get3A_637, %get3A_637 : vector<16xf32>
      %add3A_799 = arith.addf %scan3A_604, %mul3A_798 : vector<16xf32>
      %mul3A_800 = arith.mulf %get3A_685, %get3A_685 : vector<16xf32>
      %add3A_801 = arith.addf %scan3A_612, %mul3A_800 : vector<16xf32>
      %mul3A_802 = arith.mulf %get3A_733, %get3A_733 : vector<16xf32>
      %add3A_803 = arith.addf %scan3A_620, %mul3A_802 : vector<16xf32>
      %mul3A_804 = arith.mulf %get3A_643, %get3A_643 : vector<16xf32>
      %add3A_805 = arith.addf %scan3A_605, %mul3A_804 : vector<16xf32>
      %mul3A_806 = arith.mulf %get3A_691, %get3A_691 : vector<16xf32>
      %add3A_807 = arith.addf %scan3A_613, %mul3A_806 : vector<16xf32>
      %mul3A_808 = arith.mulf %get3A_739, %get3A_739 : vector<16xf32>
      %add3A_809 = arith.addf %scan3A_621, %mul3A_808 : vector<16xf32>
      %mul3A_810 = arith.mulf %get3A_649, %get3A_649 : vector<16xf32>
      %add3A_811 = arith.addf %scan3A_606, %mul3A_810 : vector<16xf32>
      %mul3A_812 = arith.mulf %get3A_697, %get3A_697 : vector<16xf32>
      %add3A_813 = arith.addf %scan3A_614, %mul3A_812 : vector<16xf32>
      %mul3A_814 = arith.mulf %get3A_745, %get3A_745 : vector<16xf32>
      %add3A_815 = arith.addf %scan3A_622, %mul3A_814 : vector<16xf32>
      %mul3A_816 = arith.mulf %get3A_655, %get3A_655 : vector<16xf32>
      %add3A_817 = arith.addf %scan3A_607, %mul3A_816 : vector<16xf32>
      %mul3A_818 = arith.mulf %get3A_703, %get3A_703 : vector<16xf32>
      %add3A_819 = arith.addf %scan3A_615, %mul3A_818 : vector<16xf32>
      %mul3A_820 = arith.mulf %get3A_751, %get3A_751 : vector<16xf32>
      %add3A_821 = arith.addf %scan3A_623, %mul3A_820 : vector<16xf32>
      %mul3A_822 = arith.mulf %get3A_661, %get3A_661 : vector<16xf32>
      %add3A_823 = arith.addf %scan3A_608, %mul3A_822 : vector<16xf32>
      %mul3A_824 = arith.mulf %get3A_709, %get3A_709 : vector<16xf32>
      %add3A_825 = arith.addf %scan3A_616, %mul3A_824 : vector<16xf32>
      %mul3A_826 = arith.mulf %get3A_757, %get3A_757 : vector<16xf32>
      %add3A_827 = arith.addf %scan3A_624, %mul3A_826 : vector<16xf32>
      %mul3A_828 = arith.mulf %get3A_667, %get3A_667 : vector<16xf32>
      %add3A_829 = arith.addf %scan3A_609, %mul3A_828 : vector<16xf32>
      %mul3A_830 = arith.mulf %get3A_715, %get3A_715 : vector<16xf32>
      %add3A_831 = arith.addf %scan3A_617, %mul3A_830 : vector<16xf32>
      %mul3A_832 = arith.mulf %get3A_763, %get3A_763 : vector<16xf32>
      %add3A_833 = arith.addf %scan3A_625, %mul3A_832 : vector<16xf32>
      %mul3A_834 = arith.mulf %get3A_673, %get3A_673 : vector<16xf32>
      %add3A_835 = arith.addf %scan3A_610, %mul3A_834 : vector<16xf32>
      %mul3A_836 = arith.mulf %get3A_721, %get3A_721 : vector<16xf32>
      %add3A_837 = arith.addf %scan3A_618, %mul3A_836 : vector<16xf32>
      %mul3A_838 = arith.mulf %get3A_769, %get3A_769 : vector<16xf32>
      %add3A_839 = arith.addf %scan3A_626, %mul3A_838 : vector<16xf32>
      %jit3A = arith.constant 8 : i32
      %div3A = arith.divsi %scan3A_602, %jit3A : i32
      %sign3A = arith.constant 0 : i32
      %sign3A_840 = arith.cmpi sgt, %scan3A_602, %sign3A : i32
      %sign3A_841 = arith.extui %sign3A_840 : i1 to i32
      %sign3A_842 = arith.constant 0 : i32
      %sign3A_843 = arith.cmpi slt, %scan3A_602, %sign3A_842 : i32
      %sign3A_844 = arith.extui %sign3A_843 : i1 to i32
      %sign3A_845 = arith.subi %sign3A_841, %sign3A_844 : i32
      %sign3A_846 = arith.constant 0 : i32
      %sign3A_847 = arith.cmpi sgt, %jit3A, %sign3A_846 : i32
      %sign3A_848 = arith.extui %sign3A_847 : i1 to i32
      %sign3A_849 = arith.constant 0 : i32
      %sign3A_850 = arith.cmpi slt, %jit3A, %sign3A_849 : i32
      %sign3A_851 = arith.extui %sign3A_850 : i1 to i32
      %sign3A_852 = arith.subi %sign3A_848, %sign3A_851 : i32
      %ne3A = arith.cmpi ne, %sign3A_845, %sign3A_852 : i32
      %rem3A = arith.remsi %scan3A_602, %jit3A : i32
      %ne3A_853 = arith.constant 0 : i32
      %ne3A_854 = arith.cmpi ne, %rem3A, %ne3A_853 : i32
      %and3A = arith.andi %ne3A, %ne3A_854 : i1
      %sub3A_855 = arith.constant 1 : i32
      %sub3A_856 = arith.subi %div3A, %sub3A_855 : i32
      %select_n3A = arith.select %and3A, %sub3A_856, %div3A : i32
      %add3A_857 = arith.constant 16 : i32
      %add3A_858 = arith.addi %add3A_857, %select_n3A : i32
      %jit3A_859 = arith.constant 8 : i32
      %eq3A = arith.constant 0 : i32
      %eq3A_860 = arith.cmpi eq, %jit3A_859, %eq3A : i32
      %jit3A_861 = arith.constant 1 : i32
      %select_n3A_862 = arith.select %eq3A_860, %jit3A_861, %jit3A_859 : i32
      %rem3A_863 = arith.remsi %scan3A_602, %select_n3A_862 : i32
      %ne3A_864 = arith.constant 0 : i32
      %ne3A_865 = arith.cmpi ne, %rem3A_863, %ne3A_864 : i32
      %lt3A = arith.constant 0 : i32
      %lt3A_866 = arith.cmpi slt, %rem3A_863, %lt3A : i32
      %lt3A_867 = arith.constant 0 : i32
      %lt3A_868 = arith.cmpi slt, %select_n3A_862, %lt3A_867 : i32
      %ne3A_869 = arith.xori %lt3A_866, %lt3A_868 : i1
      %and3A_870 = arith.andi %ne3A_869, %ne3A_865 : i1
      %add3A_871 = arith.addi %rem3A_863, %select_n3A_862 : i32
      %select_n3A_872 = arith.select %and3A_870, %add3A_871, %rem3A_863 : i32
      %mul3A_873 = arith.constant 16 : i32
      %mul3A_874 = arith.muli %select_n3A_872, %mul3A_873 : i32
      %swap3A_875 = arith.index_cast %add3A_858 : i32 to index
      %swap3A_876 = arith.index_cast %mul3A_874 : i32 to index
      %swap3A_877 = tpu.vector_load %arg15[%swap3A_875, %swap3A_876] {strides = array<i32>} : memref<64x128xf32, #tpu.memory_space<vmem>>, vector<1x16xf32>,
      %swap3A_878 = vector.shape_cast %swap3A_877 : vector<1x16xf32> to vector<16xf32>
      %swap3A_879 = vector.shape_cast %add3A_791 : vector<16xf32> to vector<1x16xf32>
      tpu.vector_store %arg15[%swap3A_875, %swap3A_876], %swap3A_879 {strides = array<i32>} : memref<64x128xf32, #tpu.memory_space<vmem>>, vector<1x16xf32>,
      scf.yield %add3A_793, %add3A_799, %add3A_805, %add3A_811, %add3A_817, %add3A_823, %add3A_829, %add3A_835, %add3A_795, %add3A_801, %add3A_807, %add3A_813, %add3A_819, %add3A_825, %add3A_831, %add3A_837, %add3A_797, %add3A_803, %add3A_809, %add3A_815, %add3A_821, %add3A_827, %add3A_833, %add3A_839 : vector<16xf32>, vector<16xf32>, vector<16xf32>, vector<16xf32>, vector<16xf32>, vector<16xf32>, vector<16xf32>, vector<16xf32>, vector<16xf32>, vector<16xf32>, vector<16xf32>, vector<16xf32>, vector<16xf32>, vector<16xf32>, vector<16xf32>, vector<16xf32>, vector<16xf32>, vector<16xf32>, vector<16xf32>, vector<16xf32>, vector<16xf32>, vector<16xf32>, vector<16xf32>, vector<16xf32>
    }
    %scan3A_270 = arith.constant 64 : i32
    %dma_wait3A_271 = arith.constant 0 : i32
    %dma_wait3A_272 = arith.constant 0 : i32
    %dma_wait3A_273 = arith.constant 0 : i32
    %dma_wait3A_274 = tpu.memref_slice %arg12[%dma_wait3A_271, %dma_wait3A_272, %dma_wait3A_273] : memref<3x64x128xf32, #tpu.memory_space<vmem>> -> memref<1x64x128xf32, #tpu.memory_space<vmem>>
    %dma_wait3A_275 = tpu.memref_squeeze %dma_wait3A_274 : memref<1x64x128xf32, #tpu.memory_space<vmem>> -> memref<64x128xf32, #tpu.memory_space<vmem>>
    %dma_wait3A_276 = arith.constant 192 : i32
    %dma_wait3A_277 = tpu.memref_slice %arg9[%dma_wait3A_276] : memref<512xi32, #tpu.memory_space<vmem>> -> memref<64xi32, #tpu.memory_space<vmem>>
    %dma_wait3A_278 = arith.constant 0 : i32
    %dma_wait3A_279 = arith.constant 0 : i32
    %dma_wait3A_280 = tpu.memref_slice %arg2[%dma_wait3A_278, %dma_wait3A_279] : memref<100000x128xf32, #tpu.memory_space<hbm>> -> memref<100000x128xf32, #tpu.memory_space<hbm>>
    tpu.wait_indirect_dma semaphore(%arg17 : memref<!tpu.dma_semaphore, #tpu.memory_space<semaphore_mem>>) src(%dma_wait3A_280 : memref<100000x128xf32, #tpu.memory_space<hbm>>) dst(%dma_wait3A_275 : memref<64x128xf32, #tpu.memory_space<vmem>>)
    %dma_wait3A_281 = arith.constant 0 : i32
    %dma_wait3A_282 = arith.constant 0 : i32
    %dma_wait3A_283 = arith.constant 0 : i32
    %dma_wait3A_284 = tpu.memref_slice %arg13[%dma_wait3A_281, %dma_wait3A_282, %dma_wait3A_283] : memref<3x64x128xf32, #tpu.memory_space<vmem>> -> memref<1x64x128xf32, #tpu.memory_space<vmem>>
    %dma_wait3A_285 = tpu.memref_squeeze %dma_wait3A_284 : memref<1x64x128xf32, #tpu.memory_space<vmem>> -> memref<64x128xf32, #tpu.memory_space<vmem>>
    %dma_wait3A_286 = arith.constant 192 : i32
    %dma_wait3A_287 = tpu.memref_slice %arg10[%dma_wait3A_286] : memref<512xi32, #tpu.memory_space<vmem>> -> memref<64xi32, #tpu.memory_space<vmem>>
    %dma_wait3A_288 = arith.constant 0 : i32
    %dma_wait3A_289 = arith.constant 0 : i32
    %dma_wait3A_290 = tpu.memref_slice %arg3[%dma_wait3A_288, %dma_wait3A_289] : memref<100000x128xf32, #tpu.memory_space<hbm>> -> memref<100000x128xf32, #tpu.memory_space<hbm>>
    tpu.wait_indirect_dma semaphore(%arg17 : memref<!tpu.dma_semaphore, #tpu.memory_space<semaphore_mem>>) src(%dma_wait3A_290 : memref<100000x128xf32, #tpu.memory_space<hbm>>) dst(%dma_wait3A_285 : memref<64x128xf32, #tpu.memory_space<vmem>>)
    %dma_wait3A_291 = arith.constant 0 : i32
    %dma_wait3A_292 = arith.constant 0 : i32
    %dma_wait3A_293 = arith.constant 0 : i32
    %dma_wait3A_294 = tpu.memref_slice %arg14[%dma_wait3A_291, %dma_wait3A_292, %dma_wait3A_293] : memref<3x64x128xf32, #tpu.memory_space<vmem>> -> memref<1x64x128xf32, #tpu.memory_space<vmem>>
    %dma_wait3A_295 = tpu.memref_squeeze %dma_wait3A_294 : memref<1x64x128xf32, #tpu.memory_space<vmem>> -> memref<64x128xf32, #tpu.memory_space<vmem>>
    %dma_wait3A_296 = arith.constant 192 : i32
    %dma_wait3A_297 = tpu.memref_slice %arg11[%dma_wait3A_296] : memref<512xi32, #tpu.memory_space<vmem>> -> memref<64xi32, #tpu.memory_space<vmem>>
    %dma_wait3A_298 = arith.constant 0 : i32
    %dma_wait3A_299 = arith.constant 0 : i32
    %dma_wait3A_300 = tpu.memref_slice %arg3[%dma_wait3A_298, %dma_wait3A_299] : memref<100000x128xf32, #tpu.memory_space<hbm>> -> memref<100000x128xf32, #tpu.memory_space<hbm>>
    tpu.wait_indirect_dma semaphore(%arg17 : memref<!tpu.dma_semaphore, #tpu.memory_space<semaphore_mem>>) src(%dma_wait3A_300 : memref<100000x128xf32, #tpu.memory_space<hbm>>) dst(%dma_wait3A_295 : memref<64x128xf32, #tpu.memory_space<vmem>>)
    %dma_start3A_301 = arith.constant 2 : i32
    %dma_start3A_302 = arith.constant 0 : i32
    %dma_start3A_303 = arith.constant 0 : i32
    %dma_start3A_304 = tpu.memref_slice %arg12[%dma_start3A_301, %dma_start3A_302, %dma_start3A_303] : memref<3x64x128xf32, #tpu.memory_space<vmem>> -> memref<1x64x128xf32, #tpu.memory_space<vmem>>
    %dma_start3A_305 = tpu.memref_squeeze %dma_start3A_304 : memref<1x64x128xf32, #tpu.memory_space<vmem>> -> memref<64x128xf32, #tpu.memory_space<vmem>>
    %dma_start3A_306 = arith.constant 320 : i32
    %dma_start3A_307 = tpu.memref_slice %arg9[%dma_start3A_306] : memref<512xi32, #tpu.memory_space<vmem>> -> memref<64xi32, #tpu.memory_space<vmem>>
    %dma_start3A_308 = arith.constant 0 : i32
    %dma_start3A_309 = arith.constant 0 : i32
    %dma_start3A_310 = tpu.memref_slice %arg2[%dma_start3A_308, %dma_start3A_309] : memref<100000x128xf32, #tpu.memory_space<hbm>> -> memref<100000x128xf32, #tpu.memory_space<hbm>>
    tpu.enqueue_indirect_dma source(%dma_start3A_310 : memref<100000x128xf32, #tpu.memory_space<hbm>>) target(%dma_start3A_305 : memref<64x128xf32, #tpu.memory_space<vmem>>) offsets(%dma_start3A_307 : memref<64xi32, #tpu.memory_space<vmem>>) semaphore(%arg17 : memref<!tpu.dma_semaphore, #tpu.memory_space<semaphore_mem>>)
    %dma_start3A_311 = arith.constant 2 : i32
    %dma_start3A_312 = arith.constant 0 : i32
    %dma_start3A_313 = arith.constant 0 : i32
    %dma_start3A_314 = tpu.memref_slice %arg13[%dma_start3A_311, %dma_start3A_312, %dma_start3A_313] : memref<3x64x128xf32, #tpu.memory_space<vmem>> -> memref<1x64x128xf32, #tpu.memory_space<vmem>>
    %dma_start3A_315 = tpu.memref_squeeze %dma_start3A_314 : memref<1x64x128xf32, #tpu.memory_space<vmem>> -> memref<64x128xf32, #tpu.memory_space<vmem>>
    %dma_start3A_316 = arith.constant 320 : i32
    %dma_start3A_317 = tpu.memref_slice %arg10[%dma_start3A_316] : memref<512xi32, #tpu.memory_space<vmem>> -> memref<64xi32, #tpu.memory_space<vmem>>
    %dma_start3A_318 = arith.constant 0 : i32
    %dma_start3A_319 = arith.constant 0 : i32
    %dma_start3A_320 = tpu.memref_slice %arg3[%dma_start3A_318, %dma_start3A_319] : memref<100000x128xf32, #tpu.memory_space<hbm>> -> memref<100000x128xf32, #tpu.memory_space<hbm>>
    tpu.enqueue_indirect_dma source(%dma_start3A_320 : memref<100000x128xf32, #tpu.memory_space<hbm>>) target(%dma_start3A_315 : memref<64x128xf32, #tpu.memory_space<vmem>>) offsets(%dma_start3A_317 : memref<64xi32, #tpu.memory_space<vmem>>) semaphore(%arg17 : memref<!tpu.dma_semaphore, #tpu.memory_space<semaphore_mem>>)
    %dma_start3A_321 = arith.constant 2 : i32
    %dma_start3A_322 = arith.constant 0 : i32
    %dma_start3A_323 = arith.constant 0 : i32
    %dma_start3A_324 = tpu.memref_slice %arg14[%dma_start3A_321, %dma_start3A_322, %dma_start3A_323] : memref<3x64x128xf32, #tpu.memory_space<vmem>> -> memref<1x64x128xf32, #tpu.memory_space<vmem>>
    %dma_start3A_325 = tpu.memref_squeeze %dma_start3A_324 : memref<1x64x128xf32, #tpu.memory_space<vmem>> -> memref<64x128xf32, #tpu.memory_space<vmem>>
    %dma_start3A_326 = arith.constant 320 : i32
    %dma_start3A_327 = tpu.memref_slice %arg11[%dma_start3A_326] : memref<512xi32, #tpu.memory_space<vmem>> -> memref<64xi32, #tpu.memory_space<vmem>>
    %dma_start3A_328 = arith.constant 0 : i32
    %dma_start3A_329 = arith.constant 0 : i32
    %dma_start3A_330 = tpu.memref_slice %arg3[%dma_start3A_328, %dma_start3A_329] : memref<100000x128xf32, #tpu.memory_space<hbm>> -> memref<100000x128xf32, #tpu.memory_space<hbm>>
    tpu.enqueue_indirect_dma source(%dma_start3A_330 : memref<100000x128xf32, #tpu.memory_space<hbm>>) target(%dma_start3A_325 : memref<64x128xf32, #tpu.memory_space<vmem>>) offsets(%dma_start3A_327 : memref<64xi32, #tpu.memory_space<vmem>>) semaphore(%arg17 : memref<!tpu.dma_semaphore, #tpu.memory_space<semaphore_mem>>)
    %scan3A_331 = arith.constant 0 : i32
    %scan3A_332 = arith.constant 64 : i32
    %scan3A_333 = arith.addi %scan3A_331, %scan3A_332 : i32
    %scan3A_334 = arith.constant 1 : i32
    %scan3A_335:24 = scf.for %scan3A_602 = %scan3A_331 to %scan3A_333 step %scan3A_334 iter_args(%scan3A_603 = %scan3A_269#0, %scan3A_604 = %scan3A_269#1, %scan3A_605 = %scan3A_269#2, %scan3A_606 = %scan3A_269#3, %scan3A_607 = %scan3A_269#4, %scan3A_608 = %scan3A_269#5, %scan3A_609 = %scan3A_269#6, %scan3A_610 = %scan3A_269#7, %scan3A_611 = %scan3A_269#8, %scan3A_612 = %scan3A_269#9, %scan3A_613 = %scan3A_269#10, %scan3A_614 = %scan3A_269#11, %scan3A_615 = %scan3A_269#12, %scan3A_616 = %scan3A_269#13, %scan3A_617 = %scan3A_269#14, %scan3A_618 = %scan3A_269#15, %scan3A_619 = %scan3A_269#16, %scan3A_620 = %scan3A_269#17, %scan3A_621 = %scan3A_269#18, %scan3A_622 = %scan3A_269#19, %scan3A_623 = %scan3A_269#20, %scan3A_624 = %scan3A_269#21, %scan3A_625 = %scan3A_269#22, %scan3A_626 = %scan3A_269#23) -> (vector<16xf32>, vector<16xf32>, vector<16xf32>, vector<16xf32>, vector<16xf32>, vector<16xf32>, vector<16xf32>, vector<16xf32>, vector<16xf32>, vector<16xf32>, vector<16xf32>, vector<16xf32>, vector<16xf32>, vector<16xf32>, vector<16xf32>, vector<16xf32>, vector<16xf32>, vector<16xf32>, vector<16xf32>, vector<16xf32>, vector<16xf32>, vector<16xf32>, vector<16xf32>, vector<16xf32>)  : i32 {
      %get3A = arith.constant 0 : i32
      %get3A_627 = arith.index_cast %get3A : i32 to index
      %get3A_628 = arith.index_cast %scan3A_602 : i32 to index
      %get3A_629 = arith.constant 0 : index
      %get3A_630 = tpu.vector_load %arg12[%get3A_627, %get3A_628, %get3A_629] {strides = array<i32>} : memref<3x64x128xf32, #tpu.memory_space<vmem>>, vector<1x1x16xf32>,
      %get3A_631 = vector.shape_cast %get3A_630 : vector<1x1x16xf32> to vector<16xf32>
      %get3A_632 = arith.constant 0 : i32
      %get3A_633 = arith.index_cast %get3A_632 : i32 to index
      %get3A_634 = arith.index_cast %scan3A_602 : i32 to index
      %get3A_635 = arith.constant 16 : index
      %get3A_636 = tpu.vector_load %arg12[%get3A_633, %get3A_634, %get3A_635] {strides = array<i32>} : memref<3x64x128xf32, #tpu.memory_space<vmem>>, vector<1x1x16xf32>,
      %get3A_637 = vector.shape_cast %get3A_636 : vector<1x1x16xf32> to vector<16xf32>
      %get3A_638 = arith.constant 0 : i32
      %get3A_639 = arith.index_cast %get3A_638 : i32 to index
      %get3A_640 = arith.index_cast %scan3A_602 : i32 to index
      %get3A_641 = arith.constant 32 : index
      %get3A_642 = tpu.vector_load %arg12[%get3A_639, %get3A_640, %get3A_641] {strides = array<i32>} : memref<3x64x128xf32, #tpu.memory_space<vmem>>, vector<1x1x16xf32>,
      %get3A_643 = vector.shape_cast %get3A_642 : vector<1x1x16xf32> to vector<16xf32>
      %get3A_644 = arith.constant 0 : i32
      %get3A_645 = arith.index_cast %get3A_644 : i32 to index
      %get3A_646 = arith.index_cast %scan3A_602 : i32 to index
      %get3A_647 = arith.constant 48 : index
      %get3A_648 = tpu.vector_load %arg12[%get3A_645, %get3A_646, %get3A_647] {strides = array<i32>} : memref<3x64x128xf32, #tpu.memory_space<vmem>>, vector<1x1x16xf32>,
      %get3A_649 = vector.shape_cast %get3A_648 : vector<1x1x16xf32> to vector<16xf32>
      %get3A_650 = arith.constant 0 : i32
      %get3A_651 = arith.index_cast %get3A_650 : i32 to index
      %get3A_652 = arith.index_cast %scan3A_602 : i32 to index
      %get3A_653 = arith.constant 64 : index
      %get3A_654 = tpu.vector_load %arg12[%get3A_651, %get3A_652, %get3A_653] {strides = array<i32>} : memref<3x64x128xf32, #tpu.memory_space<vmem>>, vector<1x1x16xf32>,
      %get3A_655 = vector.shape_cast %get3A_654 : vector<1x1x16xf32> to vector<16xf32>
      %get3A_656 = arith.constant 0 : i32
      %get3A_657 = arith.index_cast %get3A_656 : i32 to index
      %get3A_658 = arith.index_cast %scan3A_602 : i32 to index
      %get3A_659 = arith.constant 80 : index
      %get3A_660 = tpu.vector_load %arg12[%get3A_657, %get3A_658, %get3A_659] {strides = array<i32>} : memref<3x64x128xf32, #tpu.memory_space<vmem>>, vector<1x1x16xf32>,
      %get3A_661 = vector.shape_cast %get3A_660 : vector<1x1x16xf32> to vector<16xf32>
      %get3A_662 = arith.constant 0 : i32
      %get3A_663 = arith.index_cast %get3A_662 : i32 to index
      %get3A_664 = arith.index_cast %scan3A_602 : i32 to index
      %get3A_665 = arith.constant 96 : index
      %get3A_666 = tpu.vector_load %arg12[%get3A_663, %get3A_664, %get3A_665] {strides = array<i32>} : memref<3x64x128xf32, #tpu.memory_space<vmem>>, vector<1x1x16xf32>,
      %get3A_667 = vector.shape_cast %get3A_666 : vector<1x1x16xf32> to vector<16xf32>
      %get3A_668 = arith.constant 0 : i32
      %get3A_669 = arith.index_cast %get3A_668 : i32 to index
      %get3A_670 = arith.index_cast %scan3A_602 : i32 to index
      %get3A_671 = arith.constant 112 : index
      %get3A_672 = tpu.vector_load %arg12[%get3A_669, %get3A_670, %get3A_671] {strides = array<i32>} : memref<3x64x128xf32, #tpu.memory_space<vmem>>, vector<1x1x16xf32>,
      %get3A_673 = vector.shape_cast %get3A_672 : vector<1x1x16xf32> to vector<16xf32>
      %get3A_674 = arith.constant 0 : i32
      %get3A_675 = arith.index_cast %get3A_674 : i32 to index
      %get3A_676 = arith.index_cast %scan3A_602 : i32 to index
      %get3A_677 = arith.constant 0 : index
      %get3A_678 = tpu.vector_load %arg13[%get3A_675, %get3A_676, %get3A_677] {strides = array<i32>} : memref<3x64x128xf32, #tpu.memory_space<vmem>>, vector<1x1x16xf32>,
      %get3A_679 = vector.shape_cast %get3A_678 : vector<1x1x16xf32> to vector<16xf32>
      %get3A_680 = arith.constant 0 : i32
      %get3A_681 = arith.index_cast %get3A_680 : i32 to index
      %get3A_682 = arith.index_cast %scan3A_602 : i32 to index
      %get3A_683 = arith.constant 16 : index
      %get3A_684 = tpu.vector_load %arg13[%get3A_681, %get3A_682, %get3A_683] {strides = array<i32>} : memref<3x64x128xf32, #tpu.memory_space<vmem>>, vector<1x1x16xf32>,
      %get3A_685 = vector.shape_cast %get3A_684 : vector<1x1x16xf32> to vector<16xf32>
      %get3A_686 = arith.constant 0 : i32
      %get3A_687 = arith.index_cast %get3A_686 : i32 to index
      %get3A_688 = arith.index_cast %scan3A_602 : i32 to index
      %get3A_689 = arith.constant 32 : index
      %get3A_690 = tpu.vector_load %arg13[%get3A_687, %get3A_688, %get3A_689] {strides = array<i32>} : memref<3x64x128xf32, #tpu.memory_space<vmem>>, vector<1x1x16xf32>,
      %get3A_691 = vector.shape_cast %get3A_690 : vector<1x1x16xf32> to vector<16xf32>
      %get3A_692 = arith.constant 0 : i32
      %get3A_693 = arith.index_cast %get3A_692 : i32 to index
      %get3A_694 = arith.index_cast %scan3A_602 : i32 to index
      %get3A_695 = arith.constant 48 : index
      %get3A_696 = tpu.vector_load %arg13[%get3A_693, %get3A_694, %get3A_695] {strides = array<i32>} : memref<3x64x128xf32, #tpu.memory_space<vmem>>, vector<1x1x16xf32>,
      %get3A_697 = vector.shape_cast %get3A_696 : vector<1x1x16xf32> to vector<16xf32>
      %get3A_698 = arith.constant 0 : i32
      %get3A_699 = arith.index_cast %get3A_698 : i32 to index
      %get3A_700 = arith.index_cast %scan3A_602 : i32 to index
      %get3A_701 = arith.constant 64 : index
      %get3A_702 = tpu.vector_load %arg13[%get3A_699, %get3A_700, %get3A_701] {strides = array<i32>} : memref<3x64x128xf32, #tpu.memory_space<vmem>>, vector<1x1x16xf32>,
      %get3A_703 = vector.shape_cast %get3A_702 : vector<1x1x16xf32> to vector<16xf32>
      %get3A_704 = arith.constant 0 : i32
      %get3A_705 = arith.index_cast %get3A_704 : i32 to index
      %get3A_706 = arith.index_cast %scan3A_602 : i32 to index
      %get3A_707 = arith.constant 80 : index
      %get3A_708 = tpu.vector_load %arg13[%get3A_705, %get3A_706, %get3A_707] {strides = array<i32>} : memref<3x64x128xf32, #tpu.memory_space<vmem>>, vector<1x1x16xf32>,
      %get3A_709 = vector.shape_cast %get3A_708 : vector<1x1x16xf32> to vector<16xf32>
      %get3A_710 = arith.constant 0 : i32
      %get3A_711 = arith.index_cast %get3A_710 : i32 to index
      %get3A_712 = arith.index_cast %scan3A_602 : i32 to index
      %get3A_713 = arith.constant 96 : index
      %get3A_714 = tpu.vector_load %arg13[%get3A_711, %get3A_712, %get3A_713] {strides = array<i32>} : memref<3x64x128xf32, #tpu.memory_space<vmem>>, vector<1x1x16xf32>,
      %get3A_715 = vector.shape_cast %get3A_714 : vector<1x1x16xf32> to vector<16xf32>
      %get3A_716 = arith.constant 0 : i32
      %get3A_717 = arith.index_cast %get3A_716 : i32 to index
      %get3A_718 = arith.index_cast %scan3A_602 : i32 to index
      %get3A_719 = arith.constant 112 : index
      %get3A_720 = tpu.vector_load %arg13[%get3A_717, %get3A_718, %get3A_719] {strides = array<i32>} : memref<3x64x128xf32, #tpu.memory_space<vmem>>, vector<1x1x16xf32>,
      %get3A_721 = vector.shape_cast %get3A_720 : vector<1x1x16xf32> to vector<16xf32>
      %get3A_722 = arith.constant 0 : i32
      %get3A_723 = arith.index_cast %get3A_722 : i32 to index
      %get3A_724 = arith.index_cast %scan3A_602 : i32 to index
      %get3A_725 = arith.constant 0 : index
      %get3A_726 = tpu.vector_load %arg14[%get3A_723, %get3A_724, %get3A_725] {strides = array<i32>} : memref<3x64x128xf32, #tpu.memory_space<vmem>>, vector<1x1x16xf32>,
      %get3A_727 = vector.shape_cast %get3A_726 : vector<1x1x16xf32> to vector<16xf32>
      %get3A_728 = arith.constant 0 : i32
      %get3A_729 = arith.index_cast %get3A_728 : i32 to index
      %get3A_730 = arith.index_cast %scan3A_602 : i32 to index
      %get3A_731 = arith.constant 16 : index
      %get3A_732 = tpu.vector_load %arg14[%get3A_729, %get3A_730, %get3A_731] {strides = array<i32>} : memref<3x64x128xf32, #tpu.memory_space<vmem>>, vector<1x1x16xf32>,
      %get3A_733 = vector.shape_cast %get3A_732 : vector<1x1x16xf32> to vector<16xf32>
      %get3A_734 = arith.constant 0 : i32
      %get3A_735 = arith.index_cast %get3A_734 : i32 to index
      %get3A_736 = arith.index_cast %scan3A_602 : i32 to index
      %get3A_737 = arith.constant 32 : index
      %get3A_738 = tpu.vector_load %arg14[%get3A_735, %get3A_736, %get3A_737] {strides = array<i32>} : memref<3x64x128xf32, #tpu.memory_space<vmem>>, vector<1x1x16xf32>,
      %get3A_739 = vector.shape_cast %get3A_738 : vector<1x1x16xf32> to vector<16xf32>
      %get3A_740 = arith.constant 0 : i32
      %get3A_741 = arith.index_cast %get3A_740 : i32 to index
      %get3A_742 = arith.index_cast %scan3A_602 : i32 to index
      %get3A_743 = arith.constant 48 : index
      %get3A_744 = tpu.vector_load %arg14[%get3A_741, %get3A_742, %get3A_743] {strides = array<i32>} : memref<3x64x128xf32, #tpu.memory_space<vmem>>, vector<1x1x16xf32>,
      %get3A_745 = vector.shape_cast %get3A_744 : vector<1x1x16xf32> to vector<16xf32>
      %get3A_746 = arith.constant 0 : i32
      %get3A_747 = arith.index_cast %get3A_746 : i32 to index
      %get3A_748 = arith.index_cast %scan3A_602 : i32 to index
      %get3A_749 = arith.constant 64 : index
      %get3A_750 = tpu.vector_load %arg14[%get3A_747, %get3A_748, %get3A_749] {strides = array<i32>} : memref<3x64x128xf32, #tpu.memory_space<vmem>>, vector<1x1x16xf32>,
      %get3A_751 = vector.shape_cast %get3A_750 : vector<1x1x16xf32> to vector<16xf32>
      %get3A_752 = arith.constant 0 : i32
      %get3A_753 = arith.index_cast %get3A_752 : i32 to index
      %get3A_754 = arith.index_cast %scan3A_602 : i32 to index
      %get3A_755 = arith.constant 80 : index
      %get3A_756 = tpu.vector_load %arg14[%get3A_753, %get3A_754, %get3A_755] {strides = array<i32>} : memref<3x64x128xf32, #tpu.memory_space<vmem>>, vector<1x1x16xf32>,
      %get3A_757 = vector.shape_cast %get3A_756 : vector<1x1x16xf32> to vector<16xf32>
      %get3A_758 = arith.constant 0 : i32
      %get3A_759 = arith.index_cast %get3A_758 : i32 to index
      %get3A_760 = arith.index_cast %scan3A_602 : i32 to index
      %get3A_761 = arith.constant 96 : index
      %get3A_762 = tpu.vector_load %arg14[%get3A_759, %get3A_760, %get3A_761] {strides = array<i32>} : memref<3x64x128xf32, #tpu.memory_space<vmem>>, vector<1x1x16xf32>,
      %get3A_763 = vector.shape_cast %get3A_762 : vector<1x1x16xf32> to vector<16xf32>
      %get3A_764 = arith.constant 0 : i32
      %get3A_765 = arith.index_cast %get3A_764 : i32 to index
      %get3A_766 = arith.index_cast %scan3A_602 : i32 to index
      %get3A_767 = arith.constant 112 : index
      %get3A_768 = tpu.vector_load %arg14[%get3A_765, %get3A_766, %get3A_767] {strides = array<i32>} : memref<3x64x128xf32, #tpu.memory_space<vmem>>, vector<1x1x16xf32>,
      %get3A_769 = vector.shape_cast %get3A_768 : vector<1x1x16xf32> to vector<16xf32>
      %sub3A = arith.subf %get3A_679, %get3A_727 : vector<16xf32>
      %mul3A_770 = arith.mulf %get3A_631, %sub3A : vector<16xf32>
      %sub3A_771 = arith.subf %get3A_685, %get3A_733 : vector<16xf32>
      %mul3A_772 = arith.mulf %get3A_637, %sub3A_771 : vector<16xf32>
      %sub3A_773 = arith.subf %get3A_691, %get3A_739 : vector<16xf32>
      %mul3A_774 = arith.mulf %get3A_643, %sub3A_773 : vector<16xf32>
      %sub3A_775 = arith.subf %get3A_697, %get3A_745 : vector<16xf32>
      %mul3A_776 = arith.mulf %get3A_649, %sub3A_775 : vector<16xf32>
      %sub3A_777 = arith.subf %get3A_703, %get3A_751 : vector<16xf32>
      %mul3A_778 = arith.mulf %get3A_655, %sub3A_777 : vector<16xf32>
      %sub3A_779 = arith.subf %get3A_709, %get3A_757 : vector<16xf32>
      %mul3A_780 = arith.mulf %get3A_661, %sub3A_779 : vector<16xf32>
      %sub3A_781 = arith.subf %get3A_715, %get3A_763 : vector<16xf32>
      %mul3A_782 = arith.mulf %get3A_667, %sub3A_781 : vector<16xf32>
      %sub3A_783 = arith.subf %get3A_721, %get3A_769 : vector<16xf32>
      %mul3A_784 = arith.mulf %get3A_673, %sub3A_783 : vector<16xf32>
      %add3A_785 = arith.addf %mul3A_770, %mul3A_778 : vector<16xf32>
      %add3A_786 = arith.addf %mul3A_772, %mul3A_780 : vector<16xf32>
      %add3A_787 = arith.addf %mul3A_774, %mul3A_782 : vector<16xf32>
      %add3A_788 = arith.addf %mul3A_776, %mul3A_784 : vector<16xf32>
      %add3A_789 = arith.addf %add3A_785, %add3A_787 : vector<16xf32>
      %add3A_790 = arith.addf %add3A_786, %add3A_788 : vector<16xf32>
      %add3A_791 = arith.addf %add3A_789, %add3A_790 : vector<16xf32>
      %mul3A_792 = arith.mulf %get3A_631, %get3A_631 : vector<16xf32>
      %add3A_793 = arith.addf %scan3A_603, %mul3A_792 : vector<16xf32>
      %mul3A_794 = arith.mulf %get3A_679, %get3A_679 : vector<16xf32>
      %add3A_795 = arith.addf %scan3A_611, %mul3A_794 : vector<16xf32>
      %mul3A_796 = arith.mulf %get3A_727, %get3A_727 : vector<16xf32>
      %add3A_797 = arith.addf %scan3A_619, %mul3A_796 : vector<16xf32>
      %mul3A_798 = arith.mulf %get3A_637, %get3A_637 : vector<16xf32>
      %add3A_799 = arith.addf %scan3A_604, %mul3A_798 : vector<16xf32>
      %mul3A_800 = arith.mulf %get3A_685, %get3A_685 : vector<16xf32>
      %add3A_801 = arith.addf %scan3A_612, %mul3A_800 : vector<16xf32>
      %mul3A_802 = arith.mulf %get3A_733, %get3A_733 : vector<16xf32>
      %add3A_803 = arith.addf %scan3A_620, %mul3A_802 : vector<16xf32>
      %mul3A_804 = arith.mulf %get3A_643, %get3A_643 : vector<16xf32>
      %add3A_805 = arith.addf %scan3A_605, %mul3A_804 : vector<16xf32>
      %mul3A_806 = arith.mulf %get3A_691, %get3A_691 : vector<16xf32>
      %add3A_807 = arith.addf %scan3A_613, %mul3A_806 : vector<16xf32>
      %mul3A_808 = arith.mulf %get3A_739, %get3A_739 : vector<16xf32>
      %add3A_809 = arith.addf %scan3A_621, %mul3A_808 : vector<16xf32>
      %mul3A_810 = arith.mulf %get3A_649, %get3A_649 : vector<16xf32>
      %add3A_811 = arith.addf %scan3A_606, %mul3A_810 : vector<16xf32>
      %mul3A_812 = arith.mulf %get3A_697, %get3A_697 : vector<16xf32>
      %add3A_813 = arith.addf %scan3A_614, %mul3A_812 : vector<16xf32>
      %mul3A_814 = arith.mulf %get3A_745, %get3A_745 : vector<16xf32>
      %add3A_815 = arith.addf %scan3A_622, %mul3A_814 : vector<16xf32>
      %mul3A_816 = arith.mulf %get3A_655, %get3A_655 : vector<16xf32>
      %add3A_817 = arith.addf %scan3A_607, %mul3A_816 : vector<16xf32>
      %mul3A_818 = arith.mulf %get3A_703, %get3A_703 : vector<16xf32>
      %add3A_819 = arith.addf %scan3A_615, %mul3A_818 : vector<16xf32>
      %mul3A_820 = arith.mulf %get3A_751, %get3A_751 : vector<16xf32>
      %add3A_821 = arith.addf %scan3A_623, %mul3A_820 : vector<16xf32>
      %mul3A_822 = arith.mulf %get3A_661, %get3A_661 : vector<16xf32>
      %add3A_823 = arith.addf %scan3A_608, %mul3A_822 : vector<16xf32>
      %mul3A_824 = arith.mulf %get3A_709, %get3A_709 : vector<16xf32>
      %add3A_825 = arith.addf %scan3A_616, %mul3A_824 : vector<16xf32>
      %mul3A_826 = arith.mulf %get3A_757, %get3A_757 : vector<16xf32>
      %add3A_827 = arith.addf %scan3A_624, %mul3A_826 : vector<16xf32>
      %mul3A_828 = arith.mulf %get3A_667, %get3A_667 : vector<16xf32>
      %add3A_829 = arith.addf %scan3A_609, %mul3A_828 : vector<16xf32>
      %mul3A_830 = arith.mulf %get3A_715, %get3A_715 : vector<16xf32>
      %add3A_831 = arith.addf %scan3A_617, %mul3A_830 : vector<16xf32>
      %mul3A_832 = arith.mulf %get3A_763, %get3A_763 : vector<16xf32>
      %add3A_833 = arith.addf %scan3A_625, %mul3A_832 : vector<16xf32>
      %mul3A_834 = arith.mulf %get3A_673, %get3A_673 : vector<16xf32>
      %add3A_835 = arith.addf %scan3A_610, %mul3A_834 : vector<16xf32>
      %mul3A_836 = arith.mulf %get3A_721, %get3A_721 : vector<16xf32>
      %add3A_837 = arith.addf %scan3A_618, %mul3A_836 : vector<16xf32>
      %mul3A_838 = arith.mulf %get3A_769, %get3A_769 : vector<16xf32>
      %add3A_839 = arith.addf %scan3A_626, %mul3A_838 : vector<16xf32>
      %jit3A = arith.constant 8 : i32
      %div3A = arith.divsi %scan3A_602, %jit3A : i32
      %sign3A = arith.constant 0 : i32
      %sign3A_840 = arith.cmpi sgt, %scan3A_602, %sign3A : i32
      %sign3A_841 = arith.extui %sign3A_840 : i1 to i32
      %sign3A_842 = arith.constant 0 : i32
      %sign3A_843 = arith.cmpi slt, %scan3A_602, %sign3A_842 : i32
      %sign3A_844 = arith.extui %sign3A_843 : i1 to i32
      %sign3A_845 = arith.subi %sign3A_841, %sign3A_844 : i32
      %sign3A_846 = arith.constant 0 : i32
      %sign3A_847 = arith.cmpi sgt, %jit3A, %sign3A_846 : i32
      %sign3A_848 = arith.extui %sign3A_847 : i1 to i32
      %sign3A_849 = arith.constant 0 : i32
      %sign3A_850 = arith.cmpi slt, %jit3A, %sign3A_849 : i32
      %sign3A_851 = arith.extui %sign3A_850 : i1 to i32
      %sign3A_852 = arith.subi %sign3A_848, %sign3A_851 : i32
      %ne3A = arith.cmpi ne, %sign3A_845, %sign3A_852 : i32
      %rem3A = arith.remsi %scan3A_602, %jit3A : i32
      %ne3A_853 = arith.constant 0 : i32
      %ne3A_854 = arith.cmpi ne, %rem3A, %ne3A_853 : i32
      %and3A = arith.andi %ne3A, %ne3A_854 : i1
      %sub3A_855 = arith.constant 1 : i32
      %sub3A_856 = arith.subi %div3A, %sub3A_855 : i32
      %select_n3A = arith.select %and3A, %sub3A_856, %div3A : i32
      %add3A_857 = arith.constant 24 : i32
      %add3A_858 = arith.addi %add3A_857, %select_n3A : i32
      %jit3A_859 = arith.constant 8 : i32
      %eq3A = arith.constant 0 : i32
      %eq3A_860 = arith.cmpi eq, %jit3A_859, %eq3A : i32
      %jit3A_861 = arith.constant 1 : i32
      %select_n3A_862 = arith.select %eq3A_860, %jit3A_861, %jit3A_859 : i32
      %rem3A_863 = arith.remsi %scan3A_602, %select_n3A_862 : i32
      %ne3A_864 = arith.constant 0 : i32
      %ne3A_865 = arith.cmpi ne, %rem3A_863, %ne3A_864 : i32
      %lt3A = arith.constant 0 : i32
      %lt3A_866 = arith.cmpi slt, %rem3A_863, %lt3A : i32
      %lt3A_867 = arith.constant 0 : i32
      %lt3A_868 = arith.cmpi slt, %select_n3A_862, %lt3A_867 : i32
      %ne3A_869 = arith.xori %lt3A_866, %lt3A_868 : i1
      %and3A_870 = arith.andi %ne3A_869, %ne3A_865 : i1
      %add3A_871 = arith.addi %rem3A_863, %select_n3A_862 : i32
      %select_n3A_872 = arith.select %and3A_870, %add3A_871, %rem3A_863 : i32
      %mul3A_873 = arith.constant 16 : i32
      %mul3A_874 = arith.muli %select_n3A_872, %mul3A_873 : i32
      %swap3A_875 = arith.index_cast %add3A_858 : i32 to index
      %swap3A_876 = arith.index_cast %mul3A_874 : i32 to index
      %swap3A_877 = tpu.vector_load %arg15[%swap3A_875, %swap3A_876] {strides = array<i32>} : memref<64x128xf32, #tpu.memory_space<vmem>>, vector<1x16xf32>,
      %swap3A_878 = vector.shape_cast %swap3A_877 : vector<1x16xf32> to vector<16xf32>
      %swap3A_879 = vector.shape_cast %add3A_791 : vector<16xf32> to vector<1x16xf32>
      tpu.vector_store %arg15[%swap3A_875, %swap3A_876], %swap3A_879 {strides = array<i32>} : memref<64x128xf32, #tpu.memory_space<vmem>>, vector<1x16xf32>,
      scf.yield %add3A_793, %add3A_799, %add3A_805, %add3A_811, %add3A_817, %add3A_823, %add3A_829, %add3A_835, %add3A_795, %add3A_801, %add3A_807, %add3A_813, %add3A_819, %add3A_825, %add3A_831, %add3A_837, %add3A_797, %add3A_803, %add3A_809, %add3A_815, %add3A_821, %add3A_827, %add3A_833, %add3A_839 : vector<16xf32>, vector<16xf32>, vector<16xf32>, vector<16xf32>, vector<16xf32>, vector<16xf32>, vector<16xf32>, vector<16xf32>, vector<16xf32>, vector<16xf32>, vector<16xf32>, vector<16xf32>, vector<16xf32>, vector<16xf32>, vector<16xf32>, vector<16xf32>, vector<16xf32>, vector<16xf32>, vector<16xf32>, vector<16xf32>, vector<16xf32>, vector<16xf32>, vector<16xf32>, vector<16xf32>
    }
    %scan3A_336 = arith.constant 64 : i32
    %mul3A_337 = arith.constant 64 : i32
    %mul3A_338 = arith.muli %add3A, %mul3A_337 : i32
    %dma_start3A_339 = arith.constant 0 : i32
    %dma_start3A_340 = arith.constant 0 : i32
    %dma_start3A_341 = tpu.memref_slice %arg15[%dma_start3A_339, %dma_start3A_340] : memref<64x128xf32, #tpu.memory_space<vmem>> -> memref<32x128xf32, #tpu.memory_space<vmem>>
    %dma_start3A_342 = arith.constant 0 : i32
    %dma_start3A_343 = tpu.memref_slice %arg7[%mul3A_338, %dma_start3A_342] : memref<2048x128xf32, #tpu.memory_space<hbm>> -> memref<32x128xf32, #tpu.memory_space<hbm>>
    %dma_start3A_344 = arith.constant 0 : i32
    %dma_start3A_345 = tpu.memref_slice %arg7[%mul3A_338, %dma_start3A_344] : memref<2048x128xf32, #tpu.memory_space<hbm>> -> memref<32x128xf32, #tpu.memory_space<hbm>>
    %dma_start3A_346 = arith.constant 0 : i32
    %dma_start3A_347 = arith.constant 0 : i32
    %dma_start3A_348 = tpu.memref_slice %arg15[%dma_start3A_346, %dma_start3A_347] : memref<64x128xf32, #tpu.memory_space<vmem>> -> memref<32x128xf32, #tpu.memory_space<vmem>>
    tpu.enqueue_dma source(%dma_start3A_348 : memref<32x128xf32, #tpu.memory_space<vmem>>) target(%dma_start3A_345 : memref<32x128xf32, #tpu.memory_space<hbm>>) target_semaphore(%arg18 : memref<!tpu.dma_semaphore, #tpu.memory_space<semaphore_mem>>)
    %dma_wait3A_349 = arith.constant 1 : i32
    %dma_wait3A_350 = arith.constant 0 : i32
    %dma_wait3A_351 = arith.constant 0 : i32
    %dma_wait3A_352 = tpu.memref_slice %arg12[%dma_wait3A_349, %dma_wait3A_350, %dma_wait3A_351] : memref<3x64x128xf32, #tpu.memory_space<vmem>> -> memref<1x64x128xf32, #tpu.memory_space<vmem>>
    %dma_wait3A_353 = tpu.memref_squeeze %dma_wait3A_352 : memref<1x64x128xf32, #tpu.memory_space<vmem>> -> memref<64x128xf32, #tpu.memory_space<vmem>>
    %dma_wait3A_354 = arith.constant 256 : i32
    %dma_wait3A_355 = tpu.memref_slice %arg9[%dma_wait3A_354] : memref<512xi32, #tpu.memory_space<vmem>> -> memref<64xi32, #tpu.memory_space<vmem>>
    %dma_wait3A_356 = arith.constant 0 : i32
    %dma_wait3A_357 = arith.constant 0 : i32
    %dma_wait3A_358 = tpu.memref_slice %arg2[%dma_wait3A_356, %dma_wait3A_357] : memref<100000x128xf32, #tpu.memory_space<hbm>> -> memref<100000x128xf32, #tpu.memory_space<hbm>>
    tpu.wait_indirect_dma semaphore(%arg17 : memref<!tpu.dma_semaphore, #tpu.memory_space<semaphore_mem>>) src(%dma_wait3A_358 : memref<100000x128xf32, #tpu.memory_space<hbm>>) dst(%dma_wait3A_353 : memref<64x128xf32, #tpu.memory_space<vmem>>)
    %dma_wait3A_359 = arith.constant 1 : i32
    %dma_wait3A_360 = arith.constant 0 : i32
    %dma_wait3A_361 = arith.constant 0 : i32
    %dma_wait3A_362 = tpu.memref_slice %arg13[%dma_wait3A_359, %dma_wait3A_360, %dma_wait3A_361] : memref<3x64x128xf32, #tpu.memory_space<vmem>> -> memref<1x64x128xf32, #tpu.memory_space<vmem>>
    %dma_wait3A_363 = tpu.memref_squeeze %dma_wait3A_362 : memref<1x64x128xf32, #tpu.memory_space<vmem>> -> memref<64x128xf32, #tpu.memory_space<vmem>>
    %dma_wait3A_364 = arith.constant 256 : i32
    %dma_wait3A_365 = tpu.memref_slice %arg10[%dma_wait3A_364] : memref<512xi32, #tpu.memory_space<vmem>> -> memref<64xi32, #tpu.memory_space<vmem>>
    %dma_wait3A_366 = arith.constant 0 : i32
    %dma_wait3A_367 = arith.constant 0 : i32
    %dma_wait3A_368 = tpu.memref_slice %arg3[%dma_wait3A_366, %dma_wait3A_367] : memref<100000x128xf32, #tpu.memory_space<hbm>> -> memref<100000x128xf32, #tpu.memory_space<hbm>>
    tpu.wait_indirect_dma semaphore(%arg17 : memref<!tpu.dma_semaphore, #tpu.memory_space<semaphore_mem>>) src(%dma_wait3A_368 : memref<100000x128xf32, #tpu.memory_space<hbm>>) dst(%dma_wait3A_363 : memref<64x128xf32, #tpu.memory_space<vmem>>)
    %dma_wait3A_369 = arith.constant 1 : i32
    %dma_wait3A_370 = arith.constant 0 : i32
    %dma_wait3A_371 = arith.constant 0 : i32
    %dma_wait3A_372 = tpu.memref_slice %arg14[%dma_wait3A_369, %dma_wait3A_370, %dma_wait3A_371] : memref<3x64x128xf32, #tpu.memory_space<vmem>> -> memref<1x64x128xf32, #tpu.memory_space<vmem>>
    %dma_wait3A_373 = tpu.memref_squeeze %dma_wait3A_372 : memref<1x64x128xf32, #tpu.memory_space<vmem>> -> memref<64x128xf32, #tpu.memory_space<vmem>>
    %dma_wait3A_374 = arith.constant 256 : i32
    %dma_wait3A_375 = tpu.memref_slice %arg11[%dma_wait3A_374] : memref<512xi32, #tpu.memory_space<vmem>> -> memref<64xi32, #tpu.memory_space<vmem>>
    %dma_wait3A_376 = arith.constant 0 : i32
    %dma_wait3A_377 = arith.constant 0 : i32
    %dma_wait3A_378 = tpu.memref_slice %arg3[%dma_wait3A_376, %dma_wait3A_377] : memref<100000x128xf32, #tpu.memory_space<hbm>> -> memref<100000x128xf32, #tpu.memory_space<hbm>>
    tpu.wait_indirect_dma semaphore(%arg17 : memref<!tpu.dma_semaphore, #tpu.memory_space<semaphore_mem>>) src(%dma_wait3A_378 : memref<100000x128xf32, #tpu.memory_space<hbm>>) dst(%dma_wait3A_373 : memref<64x128xf32, #tpu.memory_space<vmem>>)
    %dma_start3A_379 = arith.constant 0 : i32
    %dma_start3A_380 = arith.constant 0 : i32
    %dma_start3A_381 = arith.constant 0 : i32
    %dma_start3A_382 = tpu.memref_slice %arg12[%dma_start3A_379, %dma_start3A_380, %dma_start3A_381] : memref<3x64x128xf32, #tpu.memory_space<vmem>> -> memref<1x64x128xf32, #tpu.memory_space<vmem>>
    %dma_start3A_383 = tpu.memref_squeeze %dma_start3A_382 : memref<1x64x128xf32, #tpu.memory_space<vmem>> -> memref<64x128xf32, #tpu.memory_space<vmem>>
    %dma_start3A_384 = arith.constant 384 : i32
    %dma_start3A_385 = tpu.memref_slice %arg9[%dma_start3A_384] : memref<512xi32, #tpu.memory_space<vmem>> -> memref<64xi32, #tpu.memory_space<vmem>>
    %dma_start3A_386 = arith.constant 0 : i32
    %dma_start3A_387 = arith.constant 0 : i32
    %dma_start3A_388 = tpu.memref_slice %arg2[%dma_start3A_386, %dma_start3A_387] : memref<100000x128xf32, #tpu.memory_space<hbm>> -> memref<100000x128xf32, #tpu.memory_space<hbm>>
    tpu.enqueue_indirect_dma source(%dma_start3A_388 : memref<100000x128xf32, #tpu.memory_space<hbm>>) target(%dma_start3A_383 : memref<64x128xf32, #tpu.memory_space<vmem>>) offsets(%dma_start3A_385 : memref<64xi32, #tpu.memory_space<vmem>>) semaphore(%arg17 : memref<!tpu.dma_semaphore, #tpu.memory_space<semaphore_mem>>)
    %dma_start3A_389 = arith.constant 0 : i32
    %dma_start3A_390 = arith.constant 0 : i32
    %dma_start3A_391 = arith.constant 0 : i32
    %dma_start3A_392 = tpu.memref_slice %arg13[%dma_start3A_389, %dma_start3A_390, %dma_start3A_391] : memref<3x64x128xf32, #tpu.memory_space<vmem>> -> memref<1x64x128xf32, #tpu.memory_space<vmem>>
    %dma_start3A_393 = tpu.memref_squeeze %dma_start3A_392 : memref<1x64x128xf32, #tpu.memory_space<vmem>> -> memref<64x128xf32, #tpu.memory_space<vmem>>
    %dma_start3A_394 = arith.constant 384 : i32
    %dma_start3A_395 = tpu.memref_slice %arg10[%dma_start3A_394] : memref<512xi32, #tpu.memory_space<vmem>> -> memref<64xi32, #tpu.memory_space<vmem>>
    %dma_start3A_396 = arith.constant 0 : i32
    %dma_start3A_397 = arith.constant 0 : i32
    %dma_start3A_398 = tpu.memref_slice %arg3[%dma_start3A_396, %dma_start3A_397] : memref<100000x128xf32, #tpu.memory_space<hbm>> -> memref<100000x128xf32, #tpu.memory_space<hbm>>
    tpu.enqueue_indirect_dma source(%dma_start3A_398 : memref<100000x128xf32, #tpu.memory_space<hbm>>) target(%dma_start3A_393 : memref<64x128xf32, #tpu.memory_space<vmem>>) offsets(%dma_start3A_395 : memref<64xi32, #tpu.memory_space<vmem>>) semaphore(%arg17 : memref<!tpu.dma_semaphore, #tpu.memory_space<semaphore_mem>>)
    %dma_start3A_399 = arith.constant 0 : i32
    %dma_start3A_400 = arith.constant 0 : i32
    %dma_start3A_401 = arith.constant 0 : i32
    %dma_start3A_402 = tpu.memref_slice %arg14[%dma_start3A_399, %dma_start3A_400, %dma_start3A_401] : memref<3x64x128xf32, #tpu.memory_space<vmem>> -> memref<1x64x128xf32, #tpu.memory_space<vmem>>
    %dma_start3A_403 = tpu.memref_squeeze %dma_start3A_402 : memref<1x64x128xf32, #tpu.memory_space<vmem>> -> memref<64x128xf32, #tpu.memory_space<vmem>>
    %dma_start3A_404 = arith.constant 384 : i32
    %dma_start3A_405 = tpu.memref_slice %arg11[%dma_start3A_404] : memref<512xi32, #tpu.memory_space<vmem>> -> memref<64xi32, #tpu.memory_space<vmem>>
    %dma_start3A_406 = arith.constant 0 : i32
    %dma_start3A_407 = arith.constant 0 : i32
    %dma_start3A_408 = tpu.memref_slice %arg3[%dma_start3A_406, %dma_start3A_407] : memref<100000x128xf32, #tpu.memory_space<hbm>> -> memref<100000x128xf32, #tpu.memory_space<hbm>>
    tpu.enqueue_indirect_dma source(%dma_start3A_408 : memref<100000x128xf32, #tpu.memory_space<hbm>>) target(%dma_start3A_403 : memref<64x128xf32, #tpu.memory_space<vmem>>) offsets(%dma_start3A_405 : memref<64xi32, #tpu.memory_space<vmem>>) semaphore(%arg17 : memref<!tpu.dma_semaphore, #tpu.memory_space<semaphore_mem>>)
    %scan3A_409 = arith.constant 0 : i32
    %scan3A_410 = arith.constant 64 : i32
    %scan3A_411 = arith.addi %scan3A_409, %scan3A_410 : i32
    %scan3A_412 = arith.constant 1 : i32
    %scan3A_413:24 = scf.for %scan3A_602 = %scan3A_409 to %scan3A_411 step %scan3A_412 iter_args(%scan3A_603 = %scan3A_335#0, %scan3A_604 = %scan3A_335#1, %scan3A_605 = %scan3A_335#2, %scan3A_606 = %scan3A_335#3, %scan3A_607 = %scan3A_335#4, %scan3A_608 = %scan3A_335#5, %scan3A_609 = %scan3A_335#6, %scan3A_610 = %scan3A_335#7, %scan3A_611 = %scan3A_335#8, %scan3A_612 = %scan3A_335#9, %scan3A_613 = %scan3A_335#10, %scan3A_614 = %scan3A_335#11, %scan3A_615 = %scan3A_335#12, %scan3A_616 = %scan3A_335#13, %scan3A_617 = %scan3A_335#14, %scan3A_618 = %scan3A_335#15, %scan3A_619 = %scan3A_335#16, %scan3A_620 = %scan3A_335#17, %scan3A_621 = %scan3A_335#18, %scan3A_622 = %scan3A_335#19, %scan3A_623 = %scan3A_335#20, %scan3A_624 = %scan3A_335#21, %scan3A_625 = %scan3A_335#22, %scan3A_626 = %scan3A_335#23) -> (vector<16xf32>, vector<16xf32>, vector<16xf32>, vector<16xf32>, vector<16xf32>, vector<16xf32>, vector<16xf32>, vector<16xf32>, vector<16xf32>, vector<16xf32>, vector<16xf32>, vector<16xf32>, vector<16xf32>, vector<16xf32>, vector<16xf32>, vector<16xf32>, vector<16xf32>, vector<16xf32>, vector<16xf32>, vector<16xf32>, vector<16xf32>, vector<16xf32>, vector<16xf32>, vector<16xf32>)  : i32 {
      %get3A = arith.constant 1 : i32
      %get3A_627 = arith.index_cast %get3A : i32 to index
      %get3A_628 = arith.index_cast %scan3A_602 : i32 to index
      %get3A_629 = arith.constant 0 : index
      %get3A_630 = tpu.vector_load %arg12[%get3A_627, %get3A_628, %get3A_629] {strides = array<i32>} : memref<3x64x128xf32, #tpu.memory_space<vmem>>, vector<1x1x16xf32>,
      %get3A_631 = vector.shape_cast %get3A_630 : vector<1x1x16xf32> to vector<16xf32>
      %get3A_632 = arith.constant 1 : i32
      %get3A_633 = arith.index_cast %get3A_632 : i32 to index
      %get3A_634 = arith.index_cast %scan3A_602 : i32 to index
      %get3A_635 = arith.constant 16 : index
      %get3A_636 = tpu.vector_load %arg12[%get3A_633, %get3A_634, %get3A_635] {strides = array<i32>} : memref<3x64x128xf32, #tpu.memory_space<vmem>>, vector<1x1x16xf32>,
      %get3A_637 = vector.shape_cast %get3A_636 : vector<1x1x16xf32> to vector<16xf32>
      %get3A_638 = arith.constant 1 : i32
      %get3A_639 = arith.index_cast %get3A_638 : i32 to index
      %get3A_640 = arith.index_cast %scan3A_602 : i32 to index
      %get3A_641 = arith.constant 32 : index
      %get3A_642 = tpu.vector_load %arg12[%get3A_639, %get3A_640, %get3A_641] {strides = array<i32>} : memref<3x64x128xf32, #tpu.memory_space<vmem>>, vector<1x1x16xf32>,
      %get3A_643 = vector.shape_cast %get3A_642 : vector<1x1x16xf32> to vector<16xf32>
      %get3A_644 = arith.constant 1 : i32
      %get3A_645 = arith.index_cast %get3A_644 : i32 to index
      %get3A_646 = arith.index_cast %scan3A_602 : i32 to index
      %get3A_647 = arith.constant 48 : index
      %get3A_648 = tpu.vector_load %arg12[%get3A_645, %get3A_646, %get3A_647] {strides = array<i32>} : memref<3x64x128xf32, #tpu.memory_space<vmem>>, vector<1x1x16xf32>,
      %get3A_649 = vector.shape_cast %get3A_648 : vector<1x1x16xf32> to vector<16xf32>
      %get3A_650 = arith.constant 1 : i32
      %get3A_651 = arith.index_cast %get3A_650 : i32 to index
      %get3A_652 = arith.index_cast %scan3A_602 : i32 to index
      %get3A_653 = arith.constant 64 : index
      %get3A_654 = tpu.vector_load %arg12[%get3A_651, %get3A_652, %get3A_653] {strides = array<i32>} : memref<3x64x128xf32, #tpu.memory_space<vmem>>, vector<1x1x16xf32>,
      %get3A_655 = vector.shape_cast %get3A_654 : vector<1x1x16xf32> to vector<16xf32>
      %get3A_656 = arith.constant 1 : i32
      %get3A_657 = arith.index_cast %get3A_656 : i32 to index
      %get3A_658 = arith.index_cast %scan3A_602 : i32 to index
      %get3A_659 = arith.constant 80 : index
      %get3A_660 = tpu.vector_load %arg12[%get3A_657, %get3A_658, %get3A_659] {strides = array<i32>} : memref<3x64x128xf32, #tpu.memory_space<vmem>>, vector<1x1x16xf32>,
      %get3A_661 = vector.shape_cast %get3A_660 : vector<1x1x16xf32> to vector<16xf32>
      %get3A_662 = arith.constant 1 : i32
      %get3A_663 = arith.index_cast %get3A_662 : i32 to index
      %get3A_664 = arith.index_cast %scan3A_602 : i32 to index
      %get3A_665 = arith.constant 96 : index
      %get3A_666 = tpu.vector_load %arg12[%get3A_663, %get3A_664, %get3A_665] {strides = array<i32>} : memref<3x64x128xf32, #tpu.memory_space<vmem>>, vector<1x1x16xf32>,
      %get3A_667 = vector.shape_cast %get3A_666 : vector<1x1x16xf32> to vector<16xf32>
      %get3A_668 = arith.constant 1 : i32
      %get3A_669 = arith.index_cast %get3A_668 : i32 to index
      %get3A_670 = arith.index_cast %scan3A_602 : i32 to index
      %get3A_671 = arith.constant 112 : index
      %get3A_672 = tpu.vector_load %arg12[%get3A_669, %get3A_670, %get3A_671] {strides = array<i32>} : memref<3x64x128xf32, #tpu.memory_space<vmem>>, vector<1x1x16xf32>,
      %get3A_673 = vector.shape_cast %get3A_672 : vector<1x1x16xf32> to vector<16xf32>
      %get3A_674 = arith.constant 1 : i32
      %get3A_675 = arith.index_cast %get3A_674 : i32 to index
      %get3A_676 = arith.index_cast %scan3A_602 : i32 to index
      %get3A_677 = arith.constant 0 : index
      %get3A_678 = tpu.vector_load %arg13[%get3A_675, %get3A_676, %get3A_677] {strides = array<i32>} : memref<3x64x128xf32, #tpu.memory_space<vmem>>, vector<1x1x16xf32>,
      %get3A_679 = vector.shape_cast %get3A_678 : vector<1x1x16xf32> to vector<16xf32>
      %get3A_680 = arith.constant 1 : i32
      %get3A_681 = arith.index_cast %get3A_680 : i32 to index
      %get3A_682 = arith.index_cast %scan3A_602 : i32 to index
      %get3A_683 = arith.constant 16 : index
      %get3A_684 = tpu.vector_load %arg13[%get3A_681, %get3A_682, %get3A_683] {strides = array<i32>} : memref<3x64x128xf32, #tpu.memory_space<vmem>>, vector<1x1x16xf32>,
      %get3A_685 = vector.shape_cast %get3A_684 : vector<1x1x16xf32> to vector<16xf32>
      %get3A_686 = arith.constant 1 : i32
      %get3A_687 = arith.index_cast %get3A_686 : i32 to index
      %get3A_688 = arith.index_cast %scan3A_602 : i32 to index
      %get3A_689 = arith.constant 32 : index
      %get3A_690 = tpu.vector_load %arg13[%get3A_687, %get3A_688, %get3A_689] {strides = array<i32>} : memref<3x64x128xf32, #tpu.memory_space<vmem>>, vector<1x1x16xf32>,
      %get3A_691 = vector.shape_cast %get3A_690 : vector<1x1x16xf32> to vector<16xf32>
      %get3A_692 = arith.constant 1 : i32
      %get3A_693 = arith.index_cast %get3A_692 : i32 to index
      %get3A_694 = arith.index_cast %scan3A_602 : i32 to index
      %get3A_695 = arith.constant 48 : index
      %get3A_696 = tpu.vector_load %arg13[%get3A_693, %get3A_694, %get3A_695] {strides = array<i32>} : memref<3x64x128xf32, #tpu.memory_space<vmem>>, vector<1x1x16xf32>,
      %get3A_697 = vector.shape_cast %get3A_696 : vector<1x1x16xf32> to vector<16xf32>
      %get3A_698 = arith.constant 1 : i32
      %get3A_699 = arith.index_cast %get3A_698 : i32 to index
      %get3A_700 = arith.index_cast %scan3A_602 : i32 to index
      %get3A_701 = arith.constant 64 : index
      %get3A_702 = tpu.vector_load %arg13[%get3A_699, %get3A_700, %get3A_701] {strides = array<i32>} : memref<3x64x128xf32, #tpu.memory_space<vmem>>, vector<1x1x16xf32>,
      %get3A_703 = vector.shape_cast %get3A_702 : vector<1x1x16xf32> to vector<16xf32>
      %get3A_704 = arith.constant 1 : i32
      %get3A_705 = arith.index_cast %get3A_704 : i32 to index
      %get3A_706 = arith.index_cast %scan3A_602 : i32 to index
      %get3A_707 = arith.constant 80 : index
      %get3A_708 = tpu.vector_load %arg13[%get3A_705, %get3A_706, %get3A_707] {strides = array<i32>} : memref<3x64x128xf32, #tpu.memory_space<vmem>>, vector<1x1x16xf32>,
      %get3A_709 = vector.shape_cast %get3A_708 : vector<1x1x16xf32> to vector<16xf32>
      %get3A_710 = arith.constant 1 : i32
      %get3A_711 = arith.index_cast %get3A_710 : i32 to index
      %get3A_712 = arith.index_cast %scan3A_602 : i32 to index
      %get3A_713 = arith.constant 96 : index
      %get3A_714 = tpu.vector_load %arg13[%get3A_711, %get3A_712, %get3A_713] {strides = array<i32>} : memref<3x64x128xf32, #tpu.memory_space<vmem>>, vector<1x1x16xf32>,
      %get3A_715 = vector.shape_cast %get3A_714 : vector<1x1x16xf32> to vector<16xf32>
      %get3A_716 = arith.constant 1 : i32
      %get3A_717 = arith.index_cast %get3A_716 : i32 to index
      %get3A_718 = arith.index_cast %scan3A_602 : i32 to index
      %get3A_719 = arith.constant 112 : index
      %get3A_720 = tpu.vector_load %arg13[%get3A_717, %get3A_718, %get3A_719] {strides = array<i32>} : memref<3x64x128xf32, #tpu.memory_space<vmem>>, vector<1x1x16xf32>,
      %get3A_721 = vector.shape_cast %get3A_720 : vector<1x1x16xf32> to vector<16xf32>
      %get3A_722 = arith.constant 1 : i32
      %get3A_723 = arith.index_cast %get3A_722 : i32 to index
      %get3A_724 = arith.index_cast %scan3A_602 : i32 to index
      %get3A_725 = arith.constant 0 : index
      %get3A_726 = tpu.vector_load %arg14[%get3A_723, %get3A_724, %get3A_725] {strides = array<i32>} : memref<3x64x128xf32, #tpu.memory_space<vmem>>, vector<1x1x16xf32>,
      %get3A_727 = vector.shape_cast %get3A_726 : vector<1x1x16xf32> to vector<16xf32>
      %get3A_728 = arith.constant 1 : i32
      %get3A_729 = arith.index_cast %get3A_728 : i32 to index
      %get3A_730 = arith.index_cast %scan3A_602 : i32 to index
      %get3A_731 = arith.constant 16 : index
      %get3A_732 = tpu.vector_load %arg14[%get3A_729, %get3A_730, %get3A_731] {strides = array<i32>} : memref<3x64x128xf32, #tpu.memory_space<vmem>>, vector<1x1x16xf32>,
      %get3A_733 = vector.shape_cast %get3A_732 : vector<1x1x16xf32> to vector<16xf32>
      %get3A_734 = arith.constant 1 : i32
      %get3A_735 = arith.index_cast %get3A_734 : i32 to index
      %get3A_736 = arith.index_cast %scan3A_602 : i32 to index
      %get3A_737 = arith.constant 32 : index
      %get3A_738 = tpu.vector_load %arg14[%get3A_735, %get3A_736, %get3A_737] {strides = array<i32>} : memref<3x64x128xf32, #tpu.memory_space<vmem>>, vector<1x1x16xf32>,
      %get3A_739 = vector.shape_cast %get3A_738 : vector<1x1x16xf32> to vector<16xf32>
      %get3A_740 = arith.constant 1 : i32
      %get3A_741 = arith.index_cast %get3A_740 : i32 to index
      %get3A_742 = arith.index_cast %scan3A_602 : i32 to index
      %get3A_743 = arith.constant 48 : index
      %get3A_744 = tpu.vector_load %arg14[%get3A_741, %get3A_742, %get3A_743] {strides = array<i32>} : memref<3x64x128xf32, #tpu.memory_space<vmem>>, vector<1x1x16xf32>,
      %get3A_745 = vector.shape_cast %get3A_744 : vector<1x1x16xf32> to vector<16xf32>
      %get3A_746 = arith.constant 1 : i32
      %get3A_747 = arith.index_cast %get3A_746 : i32 to index
      %get3A_748 = arith.index_cast %scan3A_602 : i32 to index
      %get3A_749 = arith.constant 64 : index
      %get3A_750 = tpu.vector_load %arg14[%get3A_747, %get3A_748, %get3A_749] {strides = array<i32>} : memref<3x64x128xf32, #tpu.memory_space<vmem>>, vector<1x1x16xf32>,
      %get3A_751 = vector.shape_cast %get3A_750 : vector<1x1x16xf32> to vector<16xf32>
      %get3A_752 = arith.constant 1 : i32
      %get3A_753 = arith.index_cast %get3A_752 : i32 to index
      %get3A_754 = arith.index_cast %scan3A_602 : i32 to index
      %get3A_755 = arith.constant 80 : index
      %get3A_756 = tpu.vector_load %arg14[%get3A_753, %get3A_754, %get3A_755] {strides = array<i32>} : memref<3x64x128xf32, #tpu.memory_space<vmem>>, vector<1x1x16xf32>,
      %get3A_757 = vector.shape_cast %get3A_756 : vector<1x1x16xf32> to vector<16xf32>
      %get3A_758 = arith.constant 1 : i32
      %get3A_759 = arith.index_cast %get3A_758 : i32 to index
      %get3A_760 = arith.index_cast %scan3A_602 : i32 to index
      %get3A_761 = arith.constant 96 : index
      %get3A_762 = tpu.vector_load %arg14[%get3A_759, %get3A_760, %get3A_761] {strides = array<i32>} : memref<3x64x128xf32, #tpu.memory_space<vmem>>, vector<1x1x16xf32>,
      %get3A_763 = vector.shape_cast %get3A_762 : vector<1x1x16xf32> to vector<16xf32>
      %get3A_764 = arith.constant 1 : i32
      %get3A_765 = arith.index_cast %get3A_764 : i32 to index
      %get3A_766 = arith.index_cast %scan3A_602 : i32 to index
      %get3A_767 = arith.constant 112 : index
      %get3A_768 = tpu.vector_load %arg14[%get3A_765, %get3A_766, %get3A_767] {strides = array<i32>} : memref<3x64x128xf32, #tpu.memory_space<vmem>>, vector<1x1x16xf32>,
      %get3A_769 = vector.shape_cast %get3A_768 : vector<1x1x16xf32> to vector<16xf32>
      %sub3A = arith.subf %get3A_679, %get3A_727 : vector<16xf32>
      %mul3A_770 = arith.mulf %get3A_631, %sub3A : vector<16xf32>
      %sub3A_771 = arith.subf %get3A_685, %get3A_733 : vector<16xf32>
      %mul3A_772 = arith.mulf %get3A_637, %sub3A_771 : vector<16xf32>
      %sub3A_773 = arith.subf %get3A_691, %get3A_739 : vector<16xf32>
      %mul3A_774 = arith.mulf %get3A_643, %sub3A_773 : vector<16xf32>
      %sub3A_775 = arith.subf %get3A_697, %get3A_745 : vector<16xf32>
      %mul3A_776 = arith.mulf %get3A_649, %sub3A_775 : vector<16xf32>
      %sub3A_777 = arith.subf %get3A_703, %get3A_751 : vector<16xf32>
      %mul3A_778 = arith.mulf %get3A_655, %sub3A_777 : vector<16xf32>
      %sub3A_779 = arith.subf %get3A_709, %get3A_757 : vector<16xf32>
      %mul3A_780 = arith.mulf %get3A_661, %sub3A_779 : vector<16xf32>
      %sub3A_781 = arith.subf %get3A_715, %get3A_763 : vector<16xf32>
      %mul3A_782 = arith.mulf %get3A_667, %sub3A_781 : vector<16xf32>
      %sub3A_783 = arith.subf %get3A_721, %get3A_769 : vector<16xf32>
      %mul3A_784 = arith.mulf %get3A_673, %sub3A_783 : vector<16xf32>
      %add3A_785 = arith.addf %mul3A_770, %mul3A_778 : vector<16xf32>
      %add3A_786 = arith.addf %mul3A_772, %mul3A_780 : vector<16xf32>
      %add3A_787 = arith.addf %mul3A_774, %mul3A_782 : vector<16xf32>
      %add3A_788 = arith.addf %mul3A_776, %mul3A_784 : vector<16xf32>
      %add3A_789 = arith.addf %add3A_785, %add3A_787 : vector<16xf32>
      %add3A_790 = arith.addf %add3A_786, %add3A_788 : vector<16xf32>
      %add3A_791 = arith.addf %add3A_789, %add3A_790 : vector<16xf32>
      %mul3A_792 = arith.mulf %get3A_631, %get3A_631 : vector<16xf32>
      %add3A_793 = arith.addf %scan3A_603, %mul3A_792 : vector<16xf32>
      %mul3A_794 = arith.mulf %get3A_679, %get3A_679 : vector<16xf32>
      %add3A_795 = arith.addf %scan3A_611, %mul3A_794 : vector<16xf32>
      %mul3A_796 = arith.mulf %get3A_727, %get3A_727 : vector<16xf32>
      %add3A_797 = arith.addf %scan3A_619, %mul3A_796 : vector<16xf32>
      %mul3A_798 = arith.mulf %get3A_637, %get3A_637 : vector<16xf32>
      %add3A_799 = arith.addf %scan3A_604, %mul3A_798 : vector<16xf32>
      %mul3A_800 = arith.mulf %get3A_685, %get3A_685 : vector<16xf32>
      %add3A_801 = arith.addf %scan3A_612, %mul3A_800 : vector<16xf32>
      %mul3A_802 = arith.mulf %get3A_733, %get3A_733 : vector<16xf32>
      %add3A_803 = arith.addf %scan3A_620, %mul3A_802 : vector<16xf32>
      %mul3A_804 = arith.mulf %get3A_643, %get3A_643 : vector<16xf32>
      %add3A_805 = arith.addf %scan3A_605, %mul3A_804 : vector<16xf32>
      %mul3A_806 = arith.mulf %get3A_691, %get3A_691 : vector<16xf32>
      %add3A_807 = arith.addf %scan3A_613, %mul3A_806 : vector<16xf32>
      %mul3A_808 = arith.mulf %get3A_739, %get3A_739 : vector<16xf32>
      %add3A_809 = arith.addf %scan3A_621, %mul3A_808 : vector<16xf32>
      %mul3A_810 = arith.mulf %get3A_649, %get3A_649 : vector<16xf32>
      %add3A_811 = arith.addf %scan3A_606, %mul3A_810 : vector<16xf32>
      %mul3A_812 = arith.mulf %get3A_697, %get3A_697 : vector<16xf32>
      %add3A_813 = arith.addf %scan3A_614, %mul3A_812 : vector<16xf32>
      %mul3A_814 = arith.mulf %get3A_745, %get3A_745 : vector<16xf32>
      %add3A_815 = arith.addf %scan3A_622, %mul3A_814 : vector<16xf32>
      %mul3A_816 = arith.mulf %get3A_655, %get3A_655 : vector<16xf32>
      %add3A_817 = arith.addf %scan3A_607, %mul3A_816 : vector<16xf32>
      %mul3A_818 = arith.mulf %get3A_703, %get3A_703 : vector<16xf32>
      %add3A_819 = arith.addf %scan3A_615, %mul3A_818 : vector<16xf32>
      %mul3A_820 = arith.mulf %get3A_751, %get3A_751 : vector<16xf32>
      %add3A_821 = arith.addf %scan3A_623, %mul3A_820 : vector<16xf32>
      %mul3A_822 = arith.mulf %get3A_661, %get3A_661 : vector<16xf32>
      %add3A_823 = arith.addf %scan3A_608, %mul3A_822 : vector<16xf32>
      %mul3A_824 = arith.mulf %get3A_709, %get3A_709 : vector<16xf32>
      %add3A_825 = arith.addf %scan3A_616, %mul3A_824 : vector<16xf32>
      %mul3A_826 = arith.mulf %get3A_757, %get3A_757 : vector<16xf32>
      %add3A_827 = arith.addf %scan3A_624, %mul3A_826 : vector<16xf32>
      %mul3A_828 = arith.mulf %get3A_667, %get3A_667 : vector<16xf32>
      %add3A_829 = arith.addf %scan3A_609, %mul3A_828 : vector<16xf32>
      %mul3A_830 = arith.mulf %get3A_715, %get3A_715 : vector<16xf32>
      %add3A_831 = arith.addf %scan3A_617, %mul3A_830 : vector<16xf32>
      %mul3A_832 = arith.mulf %get3A_763, %get3A_763 : vector<16xf32>
      %add3A_833 = arith.addf %scan3A_625, %mul3A_832 : vector<16xf32>
      %mul3A_834 = arith.mulf %get3A_673, %get3A_673 : vector<16xf32>
      %add3A_835 = arith.addf %scan3A_610, %mul3A_834 : vector<16xf32>
      %mul3A_836 = arith.mulf %get3A_721, %get3A_721 : vector<16xf32>
      %add3A_837 = arith.addf %scan3A_618, %mul3A_836 : vector<16xf32>
      %mul3A_838 = arith.mulf %get3A_769, %get3A_769 : vector<16xf32>
      %add3A_839 = arith.addf %scan3A_626, %mul3A_838 : vector<16xf32>
      %jit3A = arith.constant 8 : i32
      %div3A = arith.divsi %scan3A_602, %jit3A : i32
      %sign3A = arith.constant 0 : i32
      %sign3A_840 = arith.cmpi sgt, %scan3A_602, %sign3A : i32
      %sign3A_841 = arith.extui %sign3A_840 : i1 to i32
      %sign3A_842 = arith.constant 0 : i32
      %sign3A_843 = arith.cmpi slt, %scan3A_602, %sign3A_842 : i32
      %sign3A_844 = arith.extui %sign3A_843 : i1 to i32
      %sign3A_845 = arith.subi %sign3A_841, %sign3A_844 : i32
      %sign3A_846 = arith.constant 0 : i32
      %sign3A_847 = arith.cmpi sgt, %jit3A, %sign3A_846 : i32
      %sign3A_848 = arith.extui %sign3A_847 : i1 to i32
      %sign3A_849 = arith.constant 0 : i32
      %sign3A_850 = arith.cmpi slt, %jit3A, %sign3A_849 : i32
      %sign3A_851 = arith.extui %sign3A_850 : i1 to i32
      %sign3A_852 = arith.subi %sign3A_848, %sign3A_851 : i32
      %ne3A = arith.cmpi ne, %sign3A_845, %sign3A_852 : i32
      %rem3A = arith.remsi %scan3A_602, %jit3A : i32
      %ne3A_853 = arith.constant 0 : i32
      %ne3A_854 = arith.cmpi ne, %rem3A, %ne3A_853 : i32
      %and3A = arith.andi %ne3A, %ne3A_854 : i1
      %sub3A_855 = arith.constant 1 : i32
      %sub3A_856 = arith.subi %div3A, %sub3A_855 : i32
      %select_n3A = arith.select %and3A, %sub3A_856, %div3A : i32
      %add3A_857 = arith.constant 32 : i32
      %add3A_858 = arith.addi %add3A_857, %select_n3A : i32
      %jit3A_859 = arith.constant 8 : i32
      %eq3A = arith.constant 0 : i32
      %eq3A_860 = arith.cmpi eq, %jit3A_859, %eq3A : i32
      %jit3A_861 = arith.constant 1 : i32
      %select_n3A_862 = arith.select %eq3A_860, %jit3A_861, %jit3A_859 : i32
      %rem3A_863 = arith.remsi %scan3A_602, %select_n3A_862 : i32
      %ne3A_864 = arith.constant 0 : i32
      %ne3A_865 = arith.cmpi ne, %rem3A_863, %ne3A_864 : i32
      %lt3A = arith.constant 0 : i32
      %lt3A_866 = arith.cmpi slt, %rem3A_863, %lt3A : i32
      %lt3A_867 = arith.constant 0 : i32
      %lt3A_868 = arith.cmpi slt, %select_n3A_862, %lt3A_867 : i32
      %ne3A_869 = arith.xori %lt3A_866, %lt3A_868 : i1
      %and3A_870 = arith.andi %ne3A_869, %ne3A_865 : i1
      %add3A_871 = arith.addi %rem3A_863, %select_n3A_862 : i32
      %select_n3A_872 = arith.select %and3A_870, %add3A_871, %rem3A_863 : i32
      %mul3A_873 = arith.constant 16 : i32
      %mul3A_874 = arith.muli %select_n3A_872, %mul3A_873 : i32
      %swap3A_875 = arith.index_cast %add3A_858 : i32 to index
      %swap3A_876 = arith.index_cast %mul3A_874 : i32 to index
      %swap3A_877 = tpu.vector_load %arg15[%swap3A_875, %swap3A_876] {strides = array<i32>} : memref<64x128xf32, #tpu.memory_space<vmem>>, vector<1x16xf32>,
      %swap3A_878 = vector.shape_cast %swap3A_877 : vector<1x16xf32> to vector<16xf32>
      %swap3A_879 = vector.shape_cast %add3A_791 : vector<16xf32> to vector<1x16xf32>
      tpu.vector_store %arg15[%swap3A_875, %swap3A_876], %swap3A_879 {strides = array<i32>} : memref<64x128xf32, #tpu.memory_space<vmem>>, vector<1x16xf32>,
      scf.yield %add3A_793, %add3A_799, %add3A_805, %add3A_811, %add3A_817, %add3A_823, %add3A_829, %add3A_835, %add3A_795, %add3A_801, %add3A_807, %add3A_813, %add3A_819, %add3A_825, %add3A_831, %add3A_837, %add3A_797, %add3A_803, %add3A_809, %add3A_815, %add3A_821, %add3A_827, %add3A_833, %add3A_839 : vector<16xf32>, vector<16xf32>, vector<16xf32>, vector<16xf32>, vector<16xf32>, vector<16xf32>, vector<16xf32>, vector<16xf32>, vector<16xf32>, vector<16xf32>, vector<16xf32>, vector<16xf32>, vector<16xf32>, vector<16xf32>, vector<16xf32>, vector<16xf32>, vector<16xf32>, vector<16xf32>, vector<16xf32>, vector<16xf32>, vector<16xf32>, vector<16xf32>, vector<16xf32>, vector<16xf32>
    }
    %scan3A_414 = arith.constant 64 : i32
    %dma_wait3A_415 = arith.constant 2 : i32
    %dma_wait3A_416 = arith.constant 0 : i32
    %dma_wait3A_417 = arith.constant 0 : i32
    %dma_wait3A_418 = tpu.memref_slice %arg12[%dma_wait3A_415, %dma_wait3A_416, %dma_wait3A_417] : memref<3x64x128xf32, #tpu.memory_space<vmem>> -> memref<1x64x128xf32, #tpu.memory_space<vmem>>
    %dma_wait3A_419 = tpu.memref_squeeze %dma_wait3A_418 : memref<1x64x128xf32, #tpu.memory_space<vmem>> -> memref<64x128xf32, #tpu.memory_space<vmem>>
    %dma_wait3A_420 = arith.constant 320 : i32
    %dma_wait3A_421 = tpu.memref_slice %arg9[%dma_wait3A_420] : memref<512xi32, #tpu.memory_space<vmem>> -> memref<64xi32, #tpu.memory_space<vmem>>
    %dma_wait3A_422 = arith.constant 0 : i32
    %dma_wait3A_423 = arith.constant 0 : i32
    %dma_wait3A_424 = tpu.memref_slice %arg2[%dma_wait3A_422, %dma_wait3A_423] : memref<100000x128xf32, #tpu.memory_space<hbm>> -> memref<100000x128xf32, #tpu.memory_space<hbm>>
    tpu.wait_indirect_dma semaphore(%arg17 : memref<!tpu.dma_semaphore, #tpu.memory_space<semaphore_mem>>) src(%dma_wait3A_424 : memref<100000x128xf32, #tpu.memory_space<hbm>>) dst(%dma_wait3A_419 : memref<64x128xf32, #tpu.memory_space<vmem>>)
    %dma_wait3A_425 = arith.constant 2 : i32
    %dma_wait3A_426 = arith.constant 0 : i32
    %dma_wait3A_427 = arith.constant 0 : i32
    %dma_wait3A_428 = tpu.memref_slice %arg13[%dma_wait3A_425, %dma_wait3A_426, %dma_wait3A_427] : memref<3x64x128xf32, #tpu.memory_space<vmem>> -> memref<1x64x128xf32, #tpu.memory_space<vmem>>
    %dma_wait3A_429 = tpu.memref_squeeze %dma_wait3A_428 : memref<1x64x128xf32, #tpu.memory_space<vmem>> -> memref<64x128xf32, #tpu.memory_space<vmem>>
    %dma_wait3A_430 = arith.constant 320 : i32
    %dma_wait3A_431 = tpu.memref_slice %arg10[%dma_wait3A_430] : memref<512xi32, #tpu.memory_space<vmem>> -> memref<64xi32, #tpu.memory_space<vmem>>
    %dma_wait3A_432 = arith.constant 0 : i32
    %dma_wait3A_433 = arith.constant 0 : i32
    %dma_wait3A_434 = tpu.memref_slice %arg3[%dma_wait3A_432, %dma_wait3A_433] : memref<100000x128xf32, #tpu.memory_space<hbm>> -> memref<100000x128xf32, #tpu.memory_space<hbm>>
    tpu.wait_indirect_dma semaphore(%arg17 : memref<!tpu.dma_semaphore, #tpu.memory_space<semaphore_mem>>) src(%dma_wait3A_434 : memref<100000x128xf32, #tpu.memory_space<hbm>>) dst(%dma_wait3A_429 : memref<64x128xf32, #tpu.memory_space<vmem>>)
    %dma_wait3A_435 = arith.constant 2 : i32
    %dma_wait3A_436 = arith.constant 0 : i32
    %dma_wait3A_437 = arith.constant 0 : i32
    %dma_wait3A_438 = tpu.memref_slice %arg14[%dma_wait3A_435, %dma_wait3A_436, %dma_wait3A_437] : memref<3x64x128xf32, #tpu.memory_space<vmem>> -> memref<1x64x128xf32, #tpu.memory_space<vmem>>
    %dma_wait3A_439 = tpu.memref_squeeze %dma_wait3A_438 : memref<1x64x128xf32, #tpu.memory_space<vmem>> -> memref<64x128xf32, #tpu.memory_space<vmem>>
    %dma_wait3A_440 = arith.constant 320 : i32
    %dma_wait3A_441 = tpu.memref_slice %arg11[%dma_wait3A_440] : memref<512xi32, #tpu.memory_space<vmem>> -> memref<64xi32, #tpu.memory_space<vmem>>
    %dma_wait3A_442 = arith.constant 0 : i32
    %dma_wait3A_443 = arith.constant 0 : i32
    %dma_wait3A_444 = tpu.memref_slice %arg3[%dma_wait3A_442, %dma_wait3A_443] : memref<100000x128xf32, #tpu.memory_space<hbm>> -> memref<100000x128xf32, #tpu.memory_space<hbm>>
    tpu.wait_indirect_dma semaphore(%arg17 : memref<!tpu.dma_semaphore, #tpu.memory_space<semaphore_mem>>) src(%dma_wait3A_444 : memref<100000x128xf32, #tpu.memory_space<hbm>>) dst(%dma_wait3A_439 : memref<64x128xf32, #tpu.memory_space<vmem>>)
    %dma_start3A_445 = arith.constant 1 : i32
    %dma_start3A_446 = arith.constant 0 : i32
    %dma_start3A_447 = arith.constant 0 : i32
    %dma_start3A_448 = tpu.memref_slice %arg12[%dma_start3A_445, %dma_start3A_446, %dma_start3A_447] : memref<3x64x128xf32, #tpu.memory_space<vmem>> -> memref<1x64x128xf32, #tpu.memory_space<vmem>>
    %dma_start3A_449 = tpu.memref_squeeze %dma_start3A_448 : memref<1x64x128xf32, #tpu.memory_space<vmem>> -> memref<64x128xf32, #tpu.memory_space<vmem>>
    %dma_start3A_450 = arith.constant 448 : i32
    %dma_start3A_451 = tpu.memref_slice %arg9[%dma_start3A_450] : memref<512xi32, #tpu.memory_space<vmem>> -> memref<64xi32, #tpu.memory_space<vmem>>
    %dma_start3A_452 = arith.constant 0 : i32
    %dma_start3A_453 = arith.constant 0 : i32
    %dma_start3A_454 = tpu.memref_slice %arg2[%dma_start3A_452, %dma_start3A_453] : memref<100000x128xf32, #tpu.memory_space<hbm>> -> memref<100000x128xf32, #tpu.memory_space<hbm>>
    tpu.enqueue_indirect_dma source(%dma_start3A_454 : memref<100000x128xf32, #tpu.memory_space<hbm>>) target(%dma_start3A_449 : memref<64x128xf32, #tpu.memory_space<vmem>>) offsets(%dma_start3A_451 : memref<64xi32, #tpu.memory_space<vmem>>) semaphore(%arg17 : memref<!tpu.dma_semaphore, #tpu.memory_space<semaphore_mem>>)
    %dma_start3A_455 = arith.constant 1 : i32
    %dma_start3A_456 = arith.constant 0 : i32
    %dma_start3A_457 = arith.constant 0 : i32
    %dma_start3A_458 = tpu.memref_slice %arg13[%dma_start3A_455, %dma_start3A_456, %dma_start3A_457] : memref<3x64x128xf32, #tpu.memory_space<vmem>> -> memref<1x64x128xf32, #tpu.memory_space<vmem>>
    %dma_start3A_459 = tpu.memref_squeeze %dma_start3A_458 : memref<1x64x128xf32, #tpu.memory_space<vmem>> -> memref<64x128xf32, #tpu.memory_space<vmem>>
    %dma_start3A_460 = arith.constant 448 : i32
    %dma_start3A_461 = tpu.memref_slice %arg10[%dma_start3A_460] : memref<512xi32, #tpu.memory_space<vmem>> -> memref<64xi32, #tpu.memory_space<vmem>>
    %dma_start3A_462 = arith.constant 0 : i32
    %dma_start3A_463 = arith.constant 0 : i32
    %dma_start3A_464 = tpu.memref_slice %arg3[%dma_start3A_462, %dma_start3A_463] : memref<100000x128xf32, #tpu.memory_space<hbm>> -> memref<100000x128xf32, #tpu.memory_space<hbm>>
    tpu.enqueue_indirect_dma source(%dma_start3A_464 : memref<100000x128xf32, #tpu.memory_space<hbm>>) target(%dma_start3A_459 : memref<64x128xf32, #tpu.memory_space<vmem>>) offsets(%dma_start3A_461 : memref<64xi32, #tpu.memory_space<vmem>>) semaphore(%arg17 : memref<!tpu.dma_semaphore, #tpu.memory_space<semaphore_mem>>)
    %dma_start3A_465 = arith.constant 1 : i32
    %dma_start3A_466 = arith.constant 0 : i32
    %dma_start3A_467 = arith.constant 0 : i32
    %dma_start3A_468 = tpu.memref_slice %arg14[%dma_start3A_465, %dma_start3A_466, %dma_start3A_467] : memref<3x64x128xf32, #tpu.memory_space<vmem>> -> memref<1x64x128xf32, #tpu.memory_space<vmem>>
    %dma_start3A_469 = tpu.memref_squeeze %dma_start3A_468 : memref<1x64x128xf32, #tpu.memory_space<vmem>> -> memref<64x128xf32, #tpu.memory_space<vmem>>
    %dma_start3A_470 = arith.constant 448 : i32
    %dma_start3A_471 = tpu.memref_slice %arg11[%dma_start3A_470] : memref<512xi32, #tpu.memory_space<vmem>> -> memref<64xi32, #tpu.memory_space<vmem>>
    %dma_start3A_472 = arith.constant 0 : i32
    %dma_start3A_473 = arith.constant 0 : i32
    %dma_start3A_474 = tpu.memref_slice %arg3[%dma_start3A_472, %dma_start3A_473] : memref<100000x128xf32, #tpu.memory_space<hbm>> -> memref<100000x128xf32, #tpu.memory_space<hbm>>
    tpu.enqueue_indirect_dma source(%dma_start3A_474 : memref<100000x128xf32, #tpu.memory_space<hbm>>) target(%dma_start3A_469 : memref<64x128xf32, #tpu.memory_space<vmem>>) offsets(%dma_start3A_471 : memref<64xi32, #tpu.memory_space<vmem>>) semaphore(%arg17 : memref<!tpu.dma_semaphore, #tpu.memory_space<semaphore_mem>>)
    %scan3A_475 = arith.constant 0 : i32
    %scan3A_476 = arith.constant 64 : i32
    %scan3A_477 = arith.addi %scan3A_475, %scan3A_476 : i32
    %scan3A_478 = arith.constant 1 : i32
    %scan3A_479:24 = scf.for %scan3A_602 = %scan3A_475 to %scan3A_477 step %scan3A_478 iter_args(%scan3A_603 = %scan3A_413#0, %scan3A_604 = %scan3A_413#1, %scan3A_605 = %scan3A_413#2, %scan3A_606 = %scan3A_413#3, %scan3A_607 = %scan3A_413#4, %scan3A_608 = %scan3A_413#5, %scan3A_609 = %scan3A_413#6, %scan3A_610 = %scan3A_413#7, %scan3A_611 = %scan3A_413#8, %scan3A_612 = %scan3A_413#9, %scan3A_613 = %scan3A_413#10, %scan3A_614 = %scan3A_413#11, %scan3A_615 = %scan3A_413#12, %scan3A_616 = %scan3A_413#13, %scan3A_617 = %scan3A_413#14, %scan3A_618 = %scan3A_413#15, %scan3A_619 = %scan3A_413#16, %scan3A_620 = %scan3A_413#17, %scan3A_621 = %scan3A_413#18, %scan3A_622 = %scan3A_413#19, %scan3A_623 = %scan3A_413#20, %scan3A_624 = %scan3A_413#21, %scan3A_625 = %scan3A_413#22, %scan3A_626 = %scan3A_413#23) -> (vector<16xf32>, vector<16xf32>, vector<16xf32>, vector<16xf32>, vector<16xf32>, vector<16xf32>, vector<16xf32>, vector<16xf32>, vector<16xf32>, vector<16xf32>, vector<16xf32>, vector<16xf32>, vector<16xf32>, vector<16xf32>, vector<16xf32>, vector<16xf32>, vector<16xf32>, vector<16xf32>, vector<16xf32>, vector<16xf32>, vector<16xf32>, vector<16xf32>, vector<16xf32>, vector<16xf32>)  : i32 {
      %get3A = arith.constant 2 : i32
      %get3A_627 = arith.index_cast %get3A : i32 to index
      %get3A_628 = arith.index_cast %scan3A_602 : i32 to index
      %get3A_629 = arith.constant 0 : index
      %get3A_630 = tpu.vector_load %arg12[%get3A_627, %get3A_628, %get3A_629] {strides = array<i32>} : memref<3x64x128xf32, #tpu.memory_space<vmem>>, vector<1x1x16xf32>,
      %get3A_631 = vector.shape_cast %get3A_630 : vector<1x1x16xf32> to vector<16xf32>
      %get3A_632 = arith.constant 2 : i32
      %get3A_633 = arith.index_cast %get3A_632 : i32 to index
      %get3A_634 = arith.index_cast %scan3A_602 : i32 to index
      %get3A_635 = arith.constant 16 : index
      %get3A_636 = tpu.vector_load %arg12[%get3A_633, %get3A_634, %get3A_635] {strides = array<i32>} : memref<3x64x128xf32, #tpu.memory_space<vmem>>, vector<1x1x16xf32>,
      %get3A_637 = vector.shape_cast %get3A_636 : vector<1x1x16xf32> to vector<16xf32>
      %get3A_638 = arith.constant 2 : i32
      %get3A_639 = arith.index_cast %get3A_638 : i32 to index
      %get3A_640 = arith.index_cast %scan3A_602 : i32 to index
      %get3A_641 = arith.constant 32 : index
      %get3A_642 = tpu.vector_load %arg12[%get3A_639, %get3A_640, %get3A_641] {strides = array<i32>} : memref<3x64x128xf32, #tpu.memory_space<vmem>>, vector<1x1x16xf32>,
      %get3A_643 = vector.shape_cast %get3A_642 : vector<1x1x16xf32> to vector<16xf32>
      %get3A_644 = arith.constant 2 : i32
      %get3A_645 = arith.index_cast %get3A_644 : i32 to index
      %get3A_646 = arith.index_cast %scan3A_602 : i32 to index
      %get3A_647 = arith.constant 48 : index
      %get3A_648 = tpu.vector_load %arg12[%get3A_645, %get3A_646, %get3A_647] {strides = array<i32>} : memref<3x64x128xf32, #tpu.memory_space<vmem>>, vector<1x1x16xf32>,
      %get3A_649 = vector.shape_cast %get3A_648 : vector<1x1x16xf32> to vector<16xf32>
      %get3A_650 = arith.constant 2 : i32
      %get3A_651 = arith.index_cast %get3A_650 : i32 to index
      %get3A_652 = arith.index_cast %scan3A_602 : i32 to index
      %get3A_653 = arith.constant 64 : index
      %get3A_654 = tpu.vector_load %arg12[%get3A_651, %get3A_652, %get3A_653] {strides = array<i32>} : memref<3x64x128xf32, #tpu.memory_space<vmem>>, vector<1x1x16xf32>,
      %get3A_655 = vector.shape_cast %get3A_654 : vector<1x1x16xf32> to vector<16xf32>
      %get3A_656 = arith.constant 2 : i32
      %get3A_657 = arith.index_cast %get3A_656 : i32 to index
      %get3A_658 = arith.index_cast %scan3A_602 : i32 to index
      %get3A_659 = arith.constant 80 : index
      %get3A_660 = tpu.vector_load %arg12[%get3A_657, %get3A_658, %get3A_659] {strides = array<i32>} : memref<3x64x128xf32, #tpu.memory_space<vmem>>, vector<1x1x16xf32>,
      %get3A_661 = vector.shape_cast %get3A_660 : vector<1x1x16xf32> to vector<16xf32>
      %get3A_662 = arith.constant 2 : i32
      %get3A_663 = arith.index_cast %get3A_662 : i32 to index
      %get3A_664 = arith.index_cast %scan3A_602 : i32 to index
      %get3A_665 = arith.constant 96 : index
      %get3A_666 = tpu.vector_load %arg12[%get3A_663, %get3A_664, %get3A_665] {strides = array<i32>} : memref<3x64x128xf32, #tpu.memory_space<vmem>>, vector<1x1x16xf32>,
      %get3A_667 = vector.shape_cast %get3A_666 : vector<1x1x16xf32> to vector<16xf32>
      %get3A_668 = arith.constant 2 : i32
      %get3A_669 = arith.index_cast %get3A_668 : i32 to index
      %get3A_670 = arith.index_cast %scan3A_602 : i32 to index
      %get3A_671 = arith.constant 112 : index
      %get3A_672 = tpu.vector_load %arg12[%get3A_669, %get3A_670, %get3A_671] {strides = array<i32>} : memref<3x64x128xf32, #tpu.memory_space<vmem>>, vector<1x1x16xf32>,
      %get3A_673 = vector.shape_cast %get3A_672 : vector<1x1x16xf32> to vector<16xf32>
      %get3A_674 = arith.constant 2 : i32
      %get3A_675 = arith.index_cast %get3A_674 : i32 to index
      %get3A_676 = arith.index_cast %scan3A_602 : i32 to index
      %get3A_677 = arith.constant 0 : index
      %get3A_678 = tpu.vector_load %arg13[%get3A_675, %get3A_676, %get3A_677] {strides = array<i32>} : memref<3x64x128xf32, #tpu.memory_space<vmem>>, vector<1x1x16xf32>,
      %get3A_679 = vector.shape_cast %get3A_678 : vector<1x1x16xf32> to vector<16xf32>
      %get3A_680 = arith.constant 2 : i32
      %get3A_681 = arith.index_cast %get3A_680 : i32 to index
      %get3A_682 = arith.index_cast %scan3A_602 : i32 to index
      %get3A_683 = arith.constant 16 : index
      %get3A_684 = tpu.vector_load %arg13[%get3A_681, %get3A_682, %get3A_683] {strides = array<i32>} : memref<3x64x128xf32, #tpu.memory_space<vmem>>, vector<1x1x16xf32>,
      %get3A_685 = vector.shape_cast %get3A_684 : vector<1x1x16xf32> to vector<16xf32>
      %get3A_686 = arith.constant 2 : i32
      %get3A_687 = arith.index_cast %get3A_686 : i32 to index
      %get3A_688 = arith.index_cast %scan3A_602 : i32 to index
      %get3A_689 = arith.constant 32 : index
      %get3A_690 = tpu.vector_load %arg13[%get3A_687, %get3A_688, %get3A_689] {strides = array<i32>} : memref<3x64x128xf32, #tpu.memory_space<vmem>>, vector<1x1x16xf32>,
      %get3A_691 = vector.shape_cast %get3A_690 : vector<1x1x16xf32> to vector<16xf32>
      %get3A_692 = arith.constant 2 : i32
      %get3A_693 = arith.index_cast %get3A_692 : i32 to index
      %get3A_694 = arith.index_cast %scan3A_602 : i32 to index
      %get3A_695 = arith.constant 48 : index
      %get3A_696 = tpu.vector_load %arg13[%get3A_693, %get3A_694, %get3A_695] {strides = array<i32>} : memref<3x64x128xf32, #tpu.memory_space<vmem>>, vector<1x1x16xf32>,
      %get3A_697 = vector.shape_cast %get3A_696 : vector<1x1x16xf32> to vector<16xf32>
      %get3A_698 = arith.constant 2 : i32
      %get3A_699 = arith.index_cast %get3A_698 : i32 to index
      %get3A_700 = arith.index_cast %scan3A_602 : i32 to index
      %get3A_701 = arith.constant 64 : index
      %get3A_702 = tpu.vector_load %arg13[%get3A_699, %get3A_700, %get3A_701] {strides = array<i32>} : memref<3x64x128xf32, #tpu.memory_space<vmem>>, vector<1x1x16xf32>,
      %get3A_703 = vector.shape_cast %get3A_702 : vector<1x1x16xf32> to vector<16xf32>
      %get3A_704 = arith.constant 2 : i32
      %get3A_705 = arith.index_cast %get3A_704 : i32 to index
      %get3A_706 = arith.index_cast %scan3A_602 : i32 to index
      %get3A_707 = arith.constant 80 : index
      %get3A_708 = tpu.vector_load %arg13[%get3A_705, %get3A_706, %get3A_707] {strides = array<i32>} : memref<3x64x128xf32, #tpu.memory_space<vmem>>, vector<1x1x16xf32>,
      %get3A_709 = vector.shape_cast %get3A_708 : vector<1x1x16xf32> to vector<16xf32>
      %get3A_710 = arith.constant 2 : i32
      %get3A_711 = arith.index_cast %get3A_710 : i32 to index
      %get3A_712 = arith.index_cast %scan3A_602 : i32 to index
      %get3A_713 = arith.constant 96 : index
      %get3A_714 = tpu.vector_load %arg13[%get3A_711, %get3A_712, %get3A_713] {strides = array<i32>} : memref<3x64x128xf32, #tpu.memory_space<vmem>>, vector<1x1x16xf32>,
      %get3A_715 = vector.shape_cast %get3A_714 : vector<1x1x16xf32> to vector<16xf32>
      %get3A_716 = arith.constant 2 : i32
      %get3A_717 = arith.index_cast %get3A_716 : i32 to index
      %get3A_718 = arith.index_cast %scan3A_602 : i32 to index
      %get3A_719 = arith.constant 112 : index
      %get3A_720 = tpu.vector_load %arg13[%get3A_717, %get3A_718, %get3A_719] {strides = array<i32>} : memref<3x64x128xf32, #tpu.memory_space<vmem>>, vector<1x1x16xf32>,
      %get3A_721 = vector.shape_cast %get3A_720 : vector<1x1x16xf32> to vector<16xf32>
      %get3A_722 = arith.constant 2 : i32
      %get3A_723 = arith.index_cast %get3A_722 : i32 to index
      %get3A_724 = arith.index_cast %scan3A_602 : i32 to index
      %get3A_725 = arith.constant 0 : index
      %get3A_726 = tpu.vector_load %arg14[%get3A_723, %get3A_724, %get3A_725] {strides = array<i32>} : memref<3x64x128xf32, #tpu.memory_space<vmem>>, vector<1x1x16xf32>,
      %get3A_727 = vector.shape_cast %get3A_726 : vector<1x1x16xf32> to vector<16xf32>
      %get3A_728 = arith.constant 2 : i32
      %get3A_729 = arith.index_cast %get3A_728 : i32 to index
      %get3A_730 = arith.index_cast %scan3A_602 : i32 to index
      %get3A_731 = arith.constant 16 : index
      %get3A_732 = tpu.vector_load %arg14[%get3A_729, %get3A_730, %get3A_731] {strides = array<i32>} : memref<3x64x128xf32, #tpu.memory_space<vmem>>, vector<1x1x16xf32>,
      %get3A_733 = vector.shape_cast %get3A_732 : vector<1x1x16xf32> to vector<16xf32>
      %get3A_734 = arith.constant 2 : i32
      %get3A_735 = arith.index_cast %get3A_734 : i32 to index
      %get3A_736 = arith.index_cast %scan3A_602 : i32 to index
      %get3A_737 = arith.constant 32 : index
      %get3A_738 = tpu.vector_load %arg14[%get3A_735, %get3A_736, %get3A_737] {strides = array<i32>} : memref<3x64x128xf32, #tpu.memory_space<vmem>>, vector<1x1x16xf32>,
      %get3A_739 = vector.shape_cast %get3A_738 : vector<1x1x16xf32> to vector<16xf32>
      %get3A_740 = arith.constant 2 : i32
      %get3A_741 = arith.index_cast %get3A_740 : i32 to index
      %get3A_742 = arith.index_cast %scan3A_602 : i32 to index
      %get3A_743 = arith.constant 48 : index
      %get3A_744 = tpu.vector_load %arg14[%get3A_741, %get3A_742, %get3A_743] {strides = array<i32>} : memref<3x64x128xf32, #tpu.memory_space<vmem>>, vector<1x1x16xf32>,
      %get3A_745 = vector.shape_cast %get3A_744 : vector<1x1x16xf32> to vector<16xf32>
      %get3A_746 = arith.constant 2 : i32
      %get3A_747 = arith.index_cast %get3A_746 : i32 to index
      %get3A_748 = arith.index_cast %scan3A_602 : i32 to index
      %get3A_749 = arith.constant 64 : index
      %get3A_750 = tpu.vector_load %arg14[%get3A_747, %get3A_748, %get3A_749] {strides = array<i32>} : memref<3x64x128xf32, #tpu.memory_space<vmem>>, vector<1x1x16xf32>,
      %get3A_751 = vector.shape_cast %get3A_750 : vector<1x1x16xf32> to vector<16xf32>
      %get3A_752 = arith.constant 2 : i32
      %get3A_753 = arith.index_cast %get3A_752 : i32 to index
      %get3A_754 = arith.index_cast %scan3A_602 : i32 to index
      %get3A_755 = arith.constant 80 : index
      %get3A_756 = tpu.vector_load %arg14[%get3A_753, %get3A_754, %get3A_755] {strides = array<i32>} : memref<3x64x128xf32, #tpu.memory_space<vmem>>, vector<1x1x16xf32>,
      %get3A_757 = vector.shape_cast %get3A_756 : vector<1x1x16xf32> to vector<16xf32>
      %get3A_758 = arith.constant 2 : i32
      %get3A_759 = arith.index_cast %get3A_758 : i32 to index
      %get3A_760 = arith.index_cast %scan3A_602 : i32 to index
      %get3A_761 = arith.constant 96 : index
      %get3A_762 = tpu.vector_load %arg14[%get3A_759, %get3A_760, %get3A_761] {strides = array<i32>} : memref<3x64x128xf32, #tpu.memory_space<vmem>>, vector<1x1x16xf32>,
      %get3A_763 = vector.shape_cast %get3A_762 : vector<1x1x16xf32> to vector<16xf32>
      %get3A_764 = arith.constant 2 : i32
      %get3A_765 = arith.index_cast %get3A_764 : i32 to index
      %get3A_766 = arith.index_cast %scan3A_602 : i32 to index
      %get3A_767 = arith.constant 112 : index
      %get3A_768 = tpu.vector_load %arg14[%get3A_765, %get3A_766, %get3A_767] {strides = array<i32>} : memref<3x64x128xf32, #tpu.memory_space<vmem>>, vector<1x1x16xf32>,
      %get3A_769 = vector.shape_cast %get3A_768 : vector<1x1x16xf32> to vector<16xf32>
      %sub3A = arith.subf %get3A_679, %get3A_727 : vector<16xf32>
      %mul3A_770 = arith.mulf %get3A_631, %sub3A : vector<16xf32>
      %sub3A_771 = arith.subf %get3A_685, %get3A_733 : vector<16xf32>
      %mul3A_772 = arith.mulf %get3A_637, %sub3A_771 : vector<16xf32>
      %sub3A_773 = arith.subf %get3A_691, %get3A_739 : vector<16xf32>
      %mul3A_774 = arith.mulf %get3A_643, %sub3A_773 : vector<16xf32>
      %sub3A_775 = arith.subf %get3A_697, %get3A_745 : vector<16xf32>
      %mul3A_776 = arith.mulf %get3A_649, %sub3A_775 : vector<16xf32>
      %sub3A_777 = arith.subf %get3A_703, %get3A_751 : vector<16xf32>
      %mul3A_778 = arith.mulf %get3A_655, %sub3A_777 : vector<16xf32>
      %sub3A_779 = arith.subf %get3A_709, %get3A_757 : vector<16xf32>
      %mul3A_780 = arith.mulf %get3A_661, %sub3A_779 : vector<16xf32>
      %sub3A_781 = arith.subf %get3A_715, %get3A_763 : vector<16xf32>
      %mul3A_782 = arith.mulf %get3A_667, %sub3A_781 : vector<16xf32>
      %sub3A_783 = arith.subf %get3A_721, %get3A_769 : vector<16xf32>
      %mul3A_784 = arith.mulf %get3A_673, %sub3A_783 : vector<16xf32>
      %add3A_785 = arith.addf %mul3A_770, %mul3A_778 : vector<16xf32>
      %add3A_786 = arith.addf %mul3A_772, %mul3A_780 : vector<16xf32>
      %add3A_787 = arith.addf %mul3A_774, %mul3A_782 : vector<16xf32>
      %add3A_788 = arith.addf %mul3A_776, %mul3A_784 : vector<16xf32>
      %add3A_789 = arith.addf %add3A_785, %add3A_787 : vector<16xf32>
      %add3A_790 = arith.addf %add3A_786, %add3A_788 : vector<16xf32>
      %add3A_791 = arith.addf %add3A_789, %add3A_790 : vector<16xf32>
      %mul3A_792 = arith.mulf %get3A_631, %get3A_631 : vector<16xf32>
      %add3A_793 = arith.addf %scan3A_603, %mul3A_792 : vector<16xf32>
      %mul3A_794 = arith.mulf %get3A_679, %get3A_679 : vector<16xf32>
      %add3A_795 = arith.addf %scan3A_611, %mul3A_794 : vector<16xf32>
      %mul3A_796 = arith.mulf %get3A_727, %get3A_727 : vector<16xf32>
      %add3A_797 = arith.addf %scan3A_619, %mul3A_796 : vector<16xf32>
      %mul3A_798 = arith.mulf %get3A_637, %get3A_637 : vector<16xf32>
      %add3A_799 = arith.addf %scan3A_604, %mul3A_798 : vector<16xf32>
      %mul3A_800 = arith.mulf %get3A_685, %get3A_685 : vector<16xf32>
      %add3A_801 = arith.addf %scan3A_612, %mul3A_800 : vector<16xf32>
      %mul3A_802 = arith.mulf %get3A_733, %get3A_733 : vector<16xf32>
      %add3A_803 = arith.addf %scan3A_620, %mul3A_802 : vector<16xf32>
      %mul3A_804 = arith.mulf %get3A_643, %get3A_643 : vector<16xf32>
      %add3A_805 = arith.addf %scan3A_605, %mul3A_804 : vector<16xf32>
      %mul3A_806 = arith.mulf %get3A_691, %get3A_691 : vector<16xf32>
      %add3A_807 = arith.addf %scan3A_613, %mul3A_806 : vector<16xf32>
      %mul3A_808 = arith.mulf %get3A_739, %get3A_739 : vector<16xf32>
      %add3A_809 = arith.addf %scan3A_621, %mul3A_808 : vector<16xf32>
      %mul3A_810 = arith.mulf %get3A_649, %get3A_649 : vector<16xf32>
      %add3A_811 = arith.addf %scan3A_606, %mul3A_810 : vector<16xf32>
      %mul3A_812 = arith.mulf %get3A_697, %get3A_697 : vector<16xf32>
      %add3A_813 = arith.addf %scan3A_614, %mul3A_812 : vector<16xf32>
      %mul3A_814 = arith.mulf %get3A_745, %get3A_745 : vector<16xf32>
      %add3A_815 = arith.addf %scan3A_622, %mul3A_814 : vector<16xf32>
      %mul3A_816 = arith.mulf %get3A_655, %get3A_655 : vector<16xf32>
      %add3A_817 = arith.addf %scan3A_607, %mul3A_816 : vector<16xf32>
      %mul3A_818 = arith.mulf %get3A_703, %get3A_703 : vector<16xf32>
      %add3A_819 = arith.addf %scan3A_615, %mul3A_818 : vector<16xf32>
      %mul3A_820 = arith.mulf %get3A_751, %get3A_751 : vector<16xf32>
      %add3A_821 = arith.addf %scan3A_623, %mul3A_820 : vector<16xf32>
      %mul3A_822 = arith.mulf %get3A_661, %get3A_661 : vector<16xf32>
      %add3A_823 = arith.addf %scan3A_608, %mul3A_822 : vector<16xf32>
      %mul3A_824 = arith.mulf %get3A_709, %get3A_709 : vector<16xf32>
      %add3A_825 = arith.addf %scan3A_616, %mul3A_824 : vector<16xf32>
      %mul3A_826 = arith.mulf %get3A_757, %get3A_757 : vector<16xf32>
      %add3A_827 = arith.addf %scan3A_624, %mul3A_826 : vector<16xf32>
      %mul3A_828 = arith.mulf %get3A_667, %get3A_667 : vector<16xf32>
      %add3A_829 = arith.addf %scan3A_609, %mul3A_828 : vector<16xf32>
      %mul3A_830 = arith.mulf %get3A_715, %get3A_715 : vector<16xf32>
      %add3A_831 = arith.addf %scan3A_617, %mul3A_830 : vector<16xf32>
      %mul3A_832 = arith.mulf %get3A_763, %get3A_763 : vector<16xf32>
      %add3A_833 = arith.addf %scan3A_625, %mul3A_832 : vector<16xf32>
      %mul3A_834 = arith.mulf %get3A_673, %get3A_673 : vector<16xf32>
      %add3A_835 = arith.addf %scan3A_610, %mul3A_834 : vector<16xf32>
      %mul3A_836 = arith.mulf %get3A_721, %get3A_721 : vector<16xf32>
      %add3A_837 = arith.addf %scan3A_618, %mul3A_836 : vector<16xf32>
      %mul3A_838 = arith.mulf %get3A_769, %get3A_769 : vector<16xf32>
      %add3A_839 = arith.addf %scan3A_626, %mul3A_838 : vector<16xf32>
      %jit3A = arith.constant 8 : i32
      %div3A = arith.divsi %scan3A_602, %jit3A : i32
      %sign3A = arith.constant 0 : i32
      %sign3A_840 = arith.cmpi sgt, %scan3A_602, %sign3A : i32
      %sign3A_841 = arith.extui %sign3A_840 : i1 to i32
      %sign3A_842 = arith.constant 0 : i32
      %sign3A_843 = arith.cmpi slt, %scan3A_602, %sign3A_842 : i32
      %sign3A_844 = arith.extui %sign3A_843 : i1 to i32
      %sign3A_845 = arith.subi %sign3A_841, %sign3A_844 : i32
      %sign3A_846 = arith.constant 0 : i32
      %sign3A_847 = arith.cmpi sgt, %jit3A, %sign3A_846 : i32
      %sign3A_848 = arith.extui %sign3A_847 : i1 to i32
      %sign3A_849 = arith.constant 0 : i32
      %sign3A_850 = arith.cmpi slt, %jit3A, %sign3A_849 : i32
      %sign3A_851 = arith.extui %sign3A_850 : i1 to i32
      %sign3A_852 = arith.subi %sign3A_848, %sign3A_851 : i32
      %ne3A = arith.cmpi ne, %sign3A_845, %sign3A_852 : i32
      %rem3A = arith.remsi %scan3A_602, %jit3A : i32
      %ne3A_853 = arith.constant 0 : i32
      %ne3A_854 = arith.cmpi ne, %rem3A, %ne3A_853 : i32
      %and3A = arith.andi %ne3A, %ne3A_854 : i1
      %sub3A_855 = arith.constant 1 : i32
      %sub3A_856 = arith.subi %div3A, %sub3A_855 : i32
      %select_n3A = arith.select %and3A, %sub3A_856, %div3A : i32
      %add3A_857 = arith.constant 40 : i32
      %add3A_858 = arith.addi %add3A_857, %select_n3A : i32
      %jit3A_859 = arith.constant 8 : i32
      %eq3A = arith.constant 0 : i32
      %eq3A_860 = arith.cmpi eq, %jit3A_859, %eq3A : i32
      %jit3A_861 = arith.constant 1 : i32
      %select_n3A_862 = arith.select %eq3A_860, %jit3A_861, %jit3A_859 : i32
      %rem3A_863 = arith.remsi %scan3A_602, %select_n3A_862 : i32
      %ne3A_864 = arith.constant 0 : i32
      %ne3A_865 = arith.cmpi ne, %rem3A_863, %ne3A_864 : i32
      %lt3A = arith.constant 0 : i32
      %lt3A_866 = arith.cmpi slt, %rem3A_863, %lt3A : i32
      %lt3A_867 = arith.constant 0 : i32
      %lt3A_868 = arith.cmpi slt, %select_n3A_862, %lt3A_867 : i32
      %ne3A_869 = arith.xori %lt3A_866, %lt3A_868 : i1
      %and3A_870 = arith.andi %ne3A_869, %ne3A_865 : i1
      %add3A_871 = arith.addi %rem3A_863, %select_n3A_862 : i32
      %select_n3A_872 = arith.select %and3A_870, %add3A_871, %rem3A_863 : i32
      %mul3A_873 = arith.constant 16 : i32
      %mul3A_874 = arith.muli %select_n3A_872, %mul3A_873 : i32
      %swap3A_875 = arith.index_cast %add3A_858 : i32 to index
      %swap3A_876 = arith.index_cast %mul3A_874 : i32 to index
      %swap3A_877 = tpu.vector_load %arg15[%swap3A_875, %swap3A_876] {strides = array<i32>} : memref<64x128xf32, #tpu.memory_space<vmem>>, vector<1x16xf32>,
      %swap3A_878 = vector.shape_cast %swap3A_877 : vector<1x16xf32> to vector<16xf32>
      %swap3A_879 = vector.shape_cast %add3A_791 : vector<16xf32> to vector<1x16xf32>
      tpu.vector_store %arg15[%swap3A_875, %swap3A_876], %swap3A_879 {strides = array<i32>} : memref<64x128xf32, #tpu.memory_space<vmem>>, vector<1x16xf32>,
      scf.yield %add3A_793, %add3A_799, %add3A_805, %add3A_811, %add3A_817, %add3A_823, %add3A_829, %add3A_835, %add3A_795, %add3A_801, %add3A_807, %add3A_813, %add3A_819, %add3A_825, %add3A_831, %add3A_837, %add3A_797, %add3A_803, %add3A_809, %add3A_815, %add3A_821, %add3A_827, %add3A_833, %add3A_839 : vector<16xf32>, vector<16xf32>, vector<16xf32>, vector<16xf32>, vector<16xf32>, vector<16xf32>, vector<16xf32>, vector<16xf32>, vector<16xf32>, vector<16xf32>, vector<16xf32>, vector<16xf32>, vector<16xf32>, vector<16xf32>, vector<16xf32>, vector<16xf32>, vector<16xf32>, vector<16xf32>, vector<16xf32>, vector<16xf32>, vector<16xf32>, vector<16xf32>, vector<16xf32>, vector<16xf32>
    }
    %scan3A_480 = arith.constant 64 : i32
    %dma_wait3A_481 = arith.constant 0 : i32
    %dma_wait3A_482 = arith.constant 0 : i32
    %dma_wait3A_483 = arith.constant 0 : i32
    %dma_wait3A_484 = tpu.memref_slice %arg12[%dma_wait3A_481, %dma_wait3A_482, %dma_wait3A_483] : memref<3x64x128xf32, #tpu.memory_space<vmem>> -> memref<1x64x128xf32, #tpu.memory_space<vmem>>
    %dma_wait3A_485 = tpu.memref_squeeze %dma_wait3A_484 : memref<1x64x128xf32, #tpu.memory_space<vmem>> -> memref<64x128xf32, #tpu.memory_space<vmem>>
    %dma_wait3A_486 = arith.constant 384 : i32
    %dma_wait3A_487 = tpu.memref_slice %arg9[%dma_wait3A_486] : memref<512xi32, #tpu.memory_space<vmem>> -> memref<64xi32, #tpu.memory_space<vmem>>
    %dma_wait3A_488 = arith.constant 0 : i32
    %dma_wait3A_489 = arith.constant 0 : i32
    %dma_wait3A_490 = tpu.memref_slice %arg2[%dma_wait3A_488, %dma_wait3A_489] : memref<100000x128xf32, #tpu.memory_space<hbm>> -> memref<100000x128xf32, #tpu.memory_space<hbm>>
    tpu.wait_indirect_dma semaphore(%arg17 : memref<!tpu.dma_semaphore, #tpu.memory_space<semaphore_mem>>) src(%dma_wait3A_490 : memref<100000x128xf32, #tpu.memory_space<hbm>>) dst(%dma_wait3A_485 : memref<64x128xf32, #tpu.memory_space<vmem>>)
    %dma_wait3A_491 = arith.constant 0 : i32
    %dma_wait3A_492 = arith.constant 0 : i32
    %dma_wait3A_493 = arith.constant 0 : i32
    %dma_wait3A_494 = tpu.memref_slice %arg13[%dma_wait3A_491, %dma_wait3A_492, %dma_wait3A_493] : memref<3x64x128xf32, #tpu.memory_space<vmem>> -> memref<1x64x128xf32, #tpu.memory_space<vmem>>
    %dma_wait3A_495 = tpu.memref_squeeze %dma_wait3A_494 : memref<1x64x128xf32, #tpu.memory_space<vmem>> -> memref<64x128xf32, #tpu.memory_space<vmem>>
    %dma_wait3A_496 = arith.constant 384 : i32
    %dma_wait3A_497 = tpu.memref_slice %arg10[%dma_wait3A_496] : memref<512xi32, #tpu.memory_space<vmem>> -> memref<64xi32, #tpu.memory_space<vmem>>
    %dma_wait3A_498 = arith.constant 0 : i32
    %dma_wait3A_499 = arith.constant 0 : i32
    %dma_wait3A_500 = tpu.memref_slice %arg3[%dma_wait3A_498, %dma_wait3A_499] : memref<100000x128xf32, #tpu.memory_space<hbm>> -> memref<100000x128xf32, #tpu.memory_space<hbm>>
    tpu.wait_indirect_dma semaphore(%arg17 : memref<!tpu.dma_semaphore, #tpu.memory_space<semaphore_mem>>) src(%dma_wait3A_500 : memref<100000x128xf32, #tpu.memory_space<hbm>>) dst(%dma_wait3A_495 : memref<64x128xf32, #tpu.memory_space<vmem>>)
    %dma_wait3A_501 = arith.constant 0 : i32
    %dma_wait3A_502 = arith.constant 0 : i32
    %dma_wait3A_503 = arith.constant 0 : i32
    %dma_wait3A_504 = tpu.memref_slice %arg14[%dma_wait3A_501, %dma_wait3A_502, %dma_wait3A_503] : memref<3x64x128xf32, #tpu.memory_space<vmem>> -> memref<1x64x128xf32, #tpu.memory_space<vmem>>
    %dma_wait3A_505 = tpu.memref_squeeze %dma_wait3A_504 : memref<1x64x128xf32, #tpu.memory_space<vmem>> -> memref<64x128xf32, #tpu.memory_space<vmem>>
    %dma_wait3A_506 = arith.constant 384 : i32
    %dma_wait3A_507 = tpu.memref_slice %arg11[%dma_wait3A_506] : memref<512xi32, #tpu.memory_space<vmem>> -> memref<64xi32, #tpu.memory_space<vmem>>
    %dma_wait3A_508 = arith.constant 0 : i32
    %dma_wait3A_509 = arith.constant 0 : i32
    %dma_wait3A_510 = tpu.memref_slice %arg3[%dma_wait3A_508, %dma_wait3A_509] : memref<100000x128xf32, #tpu.memory_space<hbm>> -> memref<100000x128xf32, #tpu.memory_space<hbm>>
    tpu.wait_indirect_dma semaphore(%arg17 : memref<!tpu.dma_semaphore, #tpu.memory_space<semaphore_mem>>) src(%dma_wait3A_510 : memref<100000x128xf32, #tpu.memory_space<hbm>>) dst(%dma_wait3A_505 : memref<64x128xf32, #tpu.memory_space<vmem>>)
    %scan3A_511 = arith.constant 0 : i32
    %scan3A_512 = arith.constant 64 : i32
    %scan3A_513 = arith.addi %scan3A_511, %scan3A_512 : i32
    %scan3A_514 = arith.constant 1 : i32
    %scan3A_515:24 = scf.for %scan3A_602 = %scan3A_511 to %scan3A_513 step %scan3A_514 iter_args(%scan3A_603 = %scan3A_479#0, %scan3A_604 = %scan3A_479#1, %scan3A_605 = %scan3A_479#2, %scan3A_606 = %scan3A_479#3, %scan3A_607 = %scan3A_479#4, %scan3A_608 = %scan3A_479#5, %scan3A_609 = %scan3A_479#6, %scan3A_610 = %scan3A_479#7, %scan3A_611 = %scan3A_479#8, %scan3A_612 = %scan3A_479#9, %scan3A_613 = %scan3A_479#10, %scan3A_614 = %scan3A_479#11, %scan3A_615 = %scan3A_479#12, %scan3A_616 = %scan3A_479#13, %scan3A_617 = %scan3A_479#14, %scan3A_618 = %scan3A_479#15, %scan3A_619 = %scan3A_479#16, %scan3A_620 = %scan3A_479#17, %scan3A_621 = %scan3A_479#18, %scan3A_622 = %scan3A_479#19, %scan3A_623 = %scan3A_479#20, %scan3A_624 = %scan3A_479#21, %scan3A_625 = %scan3A_479#22, %scan3A_626 = %scan3A_479#23) -> (vector<16xf32>, vector<16xf32>, vector<16xf32>, vector<16xf32>, vector<16xf32>, vector<16xf32>, vector<16xf32>, vector<16xf32>, vector<16xf32>, vector<16xf32>, vector<16xf32>, vector<16xf32>, vector<16xf32>, vector<16xf32>, vector<16xf32>, vector<16xf32>, vector<16xf32>, vector<16xf32>, vector<16xf32>, vector<16xf32>, vector<16xf32>, vector<16xf32>, vector<16xf32>, vector<16xf32>)  : i32 {
      %get3A = arith.constant 0 : i32
      %get3A_627 = arith.index_cast %get3A : i32 to index
      %get3A_628 = arith.index_cast %scan3A_602 : i32 to index
      %get3A_629 = arith.constant 0 : index
      %get3A_630 = tpu.vector_load %arg12[%get3A_627, %get3A_628, %get3A_629] {strides = array<i32>} : memref<3x64x128xf32, #tpu.memory_space<vmem>>, vector<1x1x16xf32>,
      %get3A_631 = vector.shape_cast %get3A_630 : vector<1x1x16xf32> to vector<16xf32>
      %get3A_632 = arith.constant 0 : i32
      %get3A_633 = arith.index_cast %get3A_632 : i32 to index
      %get3A_634 = arith.index_cast %scan3A_602 : i32 to index
      %get3A_635 = arith.constant 16 : index
      %get3A_636 = tpu.vector_load %arg12[%get3A_633, %get3A_634, %get3A_635] {strides = array<i32>} : memref<3x64x128xf32, #tpu.memory_space<vmem>>, vector<1x1x16xf32>,
      %get3A_637 = vector.shape_cast %get3A_636 : vector<1x1x16xf32> to vector<16xf32>
      %get3A_638 = arith.constant 0 : i32
      %get3A_639 = arith.index_cast %get3A_638 : i32 to index
      %get3A_640 = arith.index_cast %scan3A_602 : i32 to index
      %get3A_641 = arith.constant 32 : index
      %get3A_642 = tpu.vector_load %arg12[%get3A_639, %get3A_640, %get3A_641] {strides = array<i32>} : memref<3x64x128xf32, #tpu.memory_space<vmem>>, vector<1x1x16xf32>,
      %get3A_643 = vector.shape_cast %get3A_642 : vector<1x1x16xf32> to vector<16xf32>
      %get3A_644 = arith.constant 0 : i32
      %get3A_645 = arith.index_cast %get3A_644 : i32 to index
      %get3A_646 = arith.index_cast %scan3A_602 : i32 to index
      %get3A_647 = arith.constant 48 : index
      %get3A_648 = tpu.vector_load %arg12[%get3A_645, %get3A_646, %get3A_647] {strides = array<i32>} : memref<3x64x128xf32, #tpu.memory_space<vmem>>, vector<1x1x16xf32>,
      %get3A_649 = vector.shape_cast %get3A_648 : vector<1x1x16xf32> to vector<16xf32>
      %get3A_650 = arith.constant 0 : i32
      %get3A_651 = arith.index_cast %get3A_650 : i32 to index
      %get3A_652 = arith.index_cast %scan3A_602 : i32 to index
      %get3A_653 = arith.constant 64 : index
      %get3A_654 = tpu.vector_load %arg12[%get3A_651, %get3A_652, %get3A_653] {strides = array<i32>} : memref<3x64x128xf32, #tpu.memory_space<vmem>>, vector<1x1x16xf32>,
      %get3A_655 = vector.shape_cast %get3A_654 : vector<1x1x16xf32> to vector<16xf32>
      %get3A_656 = arith.constant 0 : i32
      %get3A_657 = arith.index_cast %get3A_656 : i32 to index
      %get3A_658 = arith.index_cast %scan3A_602 : i32 to index
      %get3A_659 = arith.constant 80 : index
      %get3A_660 = tpu.vector_load %arg12[%get3A_657, %get3A_658, %get3A_659] {strides = array<i32>} : memref<3x64x128xf32, #tpu.memory_space<vmem>>, vector<1x1x16xf32>,
      %get3A_661 = vector.shape_cast %get3A_660 : vector<1x1x16xf32> to vector<16xf32>
      %get3A_662 = arith.constant 0 : i32
      %get3A_663 = arith.index_cast %get3A_662 : i32 to index
      %get3A_664 = arith.index_cast %scan3A_602 : i32 to index
      %get3A_665 = arith.constant 96 : index
      %get3A_666 = tpu.vector_load %arg12[%get3A_663, %get3A_664, %get3A_665] {strides = array<i32>} : memref<3x64x128xf32, #tpu.memory_space<vmem>>, vector<1x1x16xf32>,
      %get3A_667 = vector.shape_cast %get3A_666 : vector<1x1x16xf32> to vector<16xf32>
      %get3A_668 = arith.constant 0 : i32
      %get3A_669 = arith.index_cast %get3A_668 : i32 to index
      %get3A_670 = arith.index_cast %scan3A_602 : i32 to index
      %get3A_671 = arith.constant 112 : index
      %get3A_672 = tpu.vector_load %arg12[%get3A_669, %get3A_670, %get3A_671] {strides = array<i32>} : memref<3x64x128xf32, #tpu.memory_space<vmem>>, vector<1x1x16xf32>,
      %get3A_673 = vector.shape_cast %get3A_672 : vector<1x1x16xf32> to vector<16xf32>
      %get3A_674 = arith.constant 0 : i32
      %get3A_675 = arith.index_cast %get3A_674 : i32 to index
      %get3A_676 = arith.index_cast %scan3A_602 : i32 to index
      %get3A_677 = arith.constant 0 : index
      %get3A_678 = tpu.vector_load %arg13[%get3A_675, %get3A_676, %get3A_677] {strides = array<i32>} : memref<3x64x128xf32, #tpu.memory_space<vmem>>, vector<1x1x16xf32>,
      %get3A_679 = vector.shape_cast %get3A_678 : vector<1x1x16xf32> to vector<16xf32>
      %get3A_680 = arith.constant 0 : i32
      %get3A_681 = arith.index_cast %get3A_680 : i32 to index
      %get3A_682 = arith.index_cast %scan3A_602 : i32 to index
      %get3A_683 = arith.constant 16 : index
      %get3A_684 = tpu.vector_load %arg13[%get3A_681, %get3A_682, %get3A_683] {strides = array<i32>} : memref<3x64x128xf32, #tpu.memory_space<vmem>>, vector<1x1x16xf32>,
      %get3A_685 = vector.shape_cast %get3A_684 : vector<1x1x16xf32> to vector<16xf32>
      %get3A_686 = arith.constant 0 : i32
      %get3A_687 = arith.index_cast %get3A_686 : i32 to index
      %get3A_688 = arith.index_cast %scan3A_602 : i32 to index
      %get3A_689 = arith.constant 32 : index
      %get3A_690 = tpu.vector_load %arg13[%get3A_687, %get3A_688, %get3A_689] {strides = array<i32>} : memref<3x64x128xf32, #tpu.memory_space<vmem>>, vector<1x1x16xf32>,
      %get3A_691 = vector.shape_cast %get3A_690 : vector<1x1x16xf32> to vector<16xf32>
      %get3A_692 = arith.constant 0 : i32
      %get3A_693 = arith.index_cast %get3A_692 : i32 to index
      %get3A_694 = arith.index_cast %scan3A_602 : i32 to index
      %get3A_695 = arith.constant 48 : index
      %get3A_696 = tpu.vector_load %arg13[%get3A_693, %get3A_694, %get3A_695] {strides = array<i32>} : memref<3x64x128xf32, #tpu.memory_space<vmem>>, vector<1x1x16xf32>,
      %get3A_697 = vector.shape_cast %get3A_696 : vector<1x1x16xf32> to vector<16xf32>
      %get3A_698 = arith.constant 0 : i32
      %get3A_699 = arith.index_cast %get3A_698 : i32 to index
      %get3A_700 = arith.index_cast %scan3A_602 : i32 to index
      %get3A_701 = arith.constant 64 : index
      %get3A_702 = tpu.vector_load %arg13[%get3A_699, %get3A_700, %get3A_701] {strides = array<i32>} : memref<3x64x128xf32, #tpu.memory_space<vmem>>, vector<1x1x16xf32>,
      %get3A_703 = vector.shape_cast %get3A_702 : vector<1x1x16xf32> to vector<16xf32>
      %get3A_704 = arith.constant 0 : i32
      %get3A_705 = arith.index_cast %get3A_704 : i32 to index
      %get3A_706 = arith.index_cast %scan3A_602 : i32 to index
      %get3A_707 = arith.constant 80 : index
      %get3A_708 = tpu.vector_load %arg13[%get3A_705, %get3A_706, %get3A_707] {strides = array<i32>} : memref<3x64x128xf32, #tpu.memory_space<vmem>>, vector<1x1x16xf32>,
      %get3A_709 = vector.shape_cast %get3A_708 : vector<1x1x16xf32> to vector<16xf32>
      %get3A_710 = arith.constant 0 : i32
      %get3A_711 = arith.index_cast %get3A_710 : i32 to index
      %get3A_712 = arith.index_cast %scan3A_602 : i32 to index
      %get3A_713 = arith.constant 96 : index
      %get3A_714 = tpu.vector_load %arg13[%get3A_711, %get3A_712, %get3A_713] {strides = array<i32>} : memref<3x64x128xf32, #tpu.memory_space<vmem>>, vector<1x1x16xf32>,
      %get3A_715 = vector.shape_cast %get3A_714 : vector<1x1x16xf32> to vector<16xf32>
      %get3A_716 = arith.constant 0 : i32
      %get3A_717 = arith.index_cast %get3A_716 : i32 to index
      %get3A_718 = arith.index_cast %scan3A_602 : i32 to index
      %get3A_719 = arith.constant 112 : index
      %get3A_720 = tpu.vector_load %arg13[%get3A_717, %get3A_718, %get3A_719] {strides = array<i32>} : memref<3x64x128xf32, #tpu.memory_space<vmem>>, vector<1x1x16xf32>,
      %get3A_721 = vector.shape_cast %get3A_720 : vector<1x1x16xf32> to vector<16xf32>
      %get3A_722 = arith.constant 0 : i32
      %get3A_723 = arith.index_cast %get3A_722 : i32 to index
      %get3A_724 = arith.index_cast %scan3A_602 : i32 to index
      %get3A_725 = arith.constant 0 : index
      %get3A_726 = tpu.vector_load %arg14[%get3A_723, %get3A_724, %get3A_725] {strides = array<i32>} : memref<3x64x128xf32, #tpu.memory_space<vmem>>, vector<1x1x16xf32>,
      %get3A_727 = vector.shape_cast %get3A_726 : vector<1x1x16xf32> to vector<16xf32>
      %get3A_728 = arith.constant 0 : i32
      %get3A_729 = arith.index_cast %get3A_728 : i32 to index
      %get3A_730 = arith.index_cast %scan3A_602 : i32 to index
      %get3A_731 = arith.constant 16 : index
      %get3A_732 = tpu.vector_load %arg14[%get3A_729, %get3A_730, %get3A_731] {strides = array<i32>} : memref<3x64x128xf32, #tpu.memory_space<vmem>>, vector<1x1x16xf32>,
      %get3A_733 = vector.shape_cast %get3A_732 : vector<1x1x16xf32> to vector<16xf32>
      %get3A_734 = arith.constant 0 : i32
      %get3A_735 = arith.index_cast %get3A_734 : i32 to index
      %get3A_736 = arith.index_cast %scan3A_602 : i32 to index
      %get3A_737 = arith.constant 32 : index
      %get3A_738 = tpu.vector_load %arg14[%get3A_735, %get3A_736, %get3A_737] {strides = array<i32>} : memref<3x64x128xf32, #tpu.memory_space<vmem>>, vector<1x1x16xf32>,
      %get3A_739 = vector.shape_cast %get3A_738 : vector<1x1x16xf32> to vector<16xf32>
      %get3A_740 = arith.constant 0 : i32
      %get3A_741 = arith.index_cast %get3A_740 : i32 to index
      %get3A_742 = arith.index_cast %scan3A_602 : i32 to index
      %get3A_743 = arith.constant 48 : index
      %get3A_744 = tpu.vector_load %arg14[%get3A_741, %get3A_742, %get3A_743] {strides = array<i32>} : memref<3x64x128xf32, #tpu.memory_space<vmem>>, vector<1x1x16xf32>,
      %get3A_745 = vector.shape_cast %get3A_744 : vector<1x1x16xf32> to vector<16xf32>
      %get3A_746 = arith.constant 0 : i32
      %get3A_747 = arith.index_cast %get3A_746 : i32 to index
      %get3A_748 = arith.index_cast %scan3A_602 : i32 to index
      %get3A_749 = arith.constant 64 : index
      %get3A_750 = tpu.vector_load %arg14[%get3A_747, %get3A_748, %get3A_749] {strides = array<i32>} : memref<3x64x128xf32, #tpu.memory_space<vmem>>, vector<1x1x16xf32>,
      %get3A_751 = vector.shape_cast %get3A_750 : vector<1x1x16xf32> to vector<16xf32>
      %get3A_752 = arith.constant 0 : i32
      %get3A_753 = arith.index_cast %get3A_752 : i32 to index
      %get3A_754 = arith.index_cast %scan3A_602 : i32 to index
      %get3A_755 = arith.constant 80 : index
      %get3A_756 = tpu.vector_load %arg14[%get3A_753, %get3A_754, %get3A_755] {strides = array<i32>} : memref<3x64x128xf32, #tpu.memory_space<vmem>>, vector<1x1x16xf32>,
      %get3A_757 = vector.shape_cast %get3A_756 : vector<1x1x16xf32> to vector<16xf32>
      %get3A_758 = arith.constant 0 : i32
      %get3A_759 = arith.index_cast %get3A_758 : i32 to index
      %get3A_760 = arith.index_cast %scan3A_602 : i32 to index
      %get3A_761 = arith.constant 96 : index
      %get3A_762 = tpu.vector_load %arg14[%get3A_759, %get3A_760, %get3A_761] {strides = array<i32>} : memref<3x64x128xf32, #tpu.memory_space<vmem>>, vector<1x1x16xf32>,
      %get3A_763 = vector.shape_cast %get3A_762 : vector<1x1x16xf32> to vector<16xf32>
      %get3A_764 = arith.constant 0 : i32
      %get3A_765 = arith.index_cast %get3A_764 : i32 to index
      %get3A_766 = arith.index_cast %scan3A_602 : i32 to index
      %get3A_767 = arith.constant 112 : index
      %get3A_768 = tpu.vector_load %arg14[%get3A_765, %get3A_766, %get3A_767] {strides = array<i32>} : memref<3x64x128xf32, #tpu.memory_space<vmem>>, vector<1x1x16xf32>,
      %get3A_769 = vector.shape_cast %get3A_768 : vector<1x1x16xf32> to vector<16xf32>
      %sub3A = arith.subf %get3A_679, %get3A_727 : vector<16xf32>
      %mul3A_770 = arith.mulf %get3A_631, %sub3A : vector<16xf32>
      %sub3A_771 = arith.subf %get3A_685, %get3A_733 : vector<16xf32>
      %mul3A_772 = arith.mulf %get3A_637, %sub3A_771 : vector<16xf32>
      %sub3A_773 = arith.subf %get3A_691, %get3A_739 : vector<16xf32>
      %mul3A_774 = arith.mulf %get3A_643, %sub3A_773 : vector<16xf32>
      %sub3A_775 = arith.subf %get3A_697, %get3A_745 : vector<16xf32>
      %mul3A_776 = arith.mulf %get3A_649, %sub3A_775 : vector<16xf32>
      %sub3A_777 = arith.subf %get3A_703, %get3A_751 : vector<16xf32>
      %mul3A_778 = arith.mulf %get3A_655, %sub3A_777 : vector<16xf32>
      %sub3A_779 = arith.subf %get3A_709, %get3A_757 : vector<16xf32>
      %mul3A_780 = arith.mulf %get3A_661, %sub3A_779 : vector<16xf32>
      %sub3A_781 = arith.subf %get3A_715, %get3A_763 : vector<16xf32>
      %mul3A_782 = arith.mulf %get3A_667, %sub3A_781 : vector<16xf32>
      %sub3A_783 = arith.subf %get3A_721, %get3A_769 : vector<16xf32>
      %mul3A_784 = arith.mulf %get3A_673, %sub3A_783 : vector<16xf32>
      %add3A_785 = arith.addf %mul3A_770, %mul3A_778 : vector<16xf32>
      %add3A_786 = arith.addf %mul3A_772, %mul3A_780 : vector<16xf32>
      %add3A_787 = arith.addf %mul3A_774, %mul3A_782 : vector<16xf32>
      %add3A_788 = arith.addf %mul3A_776, %mul3A_784 : vector<16xf32>
      %add3A_789 = arith.addf %add3A_785, %add3A_787 : vector<16xf32>
      %add3A_790 = arith.addf %add3A_786, %add3A_788 : vector<16xf32>
      %add3A_791 = arith.addf %add3A_789, %add3A_790 : vector<16xf32>
      %mul3A_792 = arith.mulf %get3A_631, %get3A_631 : vector<16xf32>
      %add3A_793 = arith.addf %scan3A_603, %mul3A_792 : vector<16xf32>
      %mul3A_794 = arith.mulf %get3A_679, %get3A_679 : vector<16xf32>
      %add3A_795 = arith.addf %scan3A_611, %mul3A_794 : vector<16xf32>
      %mul3A_796 = arith.mulf %get3A_727, %get3A_727 : vector<16xf32>
      %add3A_797 = arith.addf %scan3A_619, %mul3A_796 : vector<16xf32>
      %mul3A_798 = arith.mulf %get3A_637, %get3A_637 : vector<16xf32>
      %add3A_799 = arith.addf %scan3A_604, %mul3A_798 : vector<16xf32>
      %mul3A_800 = arith.mulf %get3A_685, %get3A_685 : vector<16xf32>
      %add3A_801 = arith.addf %scan3A_612, %mul3A_800 : vector<16xf32>
      %mul3A_802 = arith.mulf %get3A_733, %get3A_733 : vector<16xf32>
      %add3A_803 = arith.addf %scan3A_620, %mul3A_802 : vector<16xf32>
      %mul3A_804 = arith.mulf %get3A_643, %get3A_643 : vector<16xf32>
      %add3A_805 = arith.addf %scan3A_605, %mul3A_804 : vector<16xf32>
      %mul3A_806 = arith.mulf %get3A_691, %get3A_691 : vector<16xf32>
      %add3A_807 = arith.addf %scan3A_613, %mul3A_806 : vector<16xf32>
      %mul3A_808 = arith.mulf %get3A_739, %get3A_739 : vector<16xf32>
      %add3A_809 = arith.addf %scan3A_621, %mul3A_808 : vector<16xf32>
      %mul3A_810 = arith.mulf %get3A_649, %get3A_649 : vector<16xf32>
      %add3A_811 = arith.addf %scan3A_606, %mul3A_810 : vector<16xf32>
      %mul3A_812 = arith.mulf %get3A_697, %get3A_697 : vector<16xf32>
      %add3A_813 = arith.addf %scan3A_614, %mul3A_812 : vector<16xf32>
      %mul3A_814 = arith.mulf %get3A_745, %get3A_745 : vector<16xf32>
      %add3A_815 = arith.addf %scan3A_622, %mul3A_814 : vector<16xf32>
      %mul3A_816 = arith.mulf %get3A_655, %get3A_655 : vector<16xf32>
      %add3A_817 = arith.addf %scan3A_607, %mul3A_816 : vector<16xf32>
      %mul3A_818 = arith.mulf %get3A_703, %get3A_703 : vector<16xf32>
      %add3A_819 = arith.addf %scan3A_615, %mul3A_818 : vector<16xf32>
      %mul3A_820 = arith.mulf %get3A_751, %get3A_751 : vector<16xf32>
      %add3A_821 = arith.addf %scan3A_623, %mul3A_820 : vector<16xf32>
      %mul3A_822 = arith.mulf %get3A_661, %get3A_661 : vector<16xf32>
      %add3A_823 = arith.addf %scan3A_608, %mul3A_822 : vector<16xf32>
      %mul3A_824 = arith.mulf %get3A_709, %get3A_709 : vector<16xf32>
      %add3A_825 = arith.addf %scan3A_616, %mul3A_824 : vector<16xf32>
      %mul3A_826 = arith.mulf %get3A_757, %get3A_757 : vector<16xf32>
      %add3A_827 = arith.addf %scan3A_624, %mul3A_826 : vector<16xf32>
      %mul3A_828 = arith.mulf %get3A_667, %get3A_667 : vector<16xf32>
      %add3A_829 = arith.addf %scan3A_609, %mul3A_828 : vector<16xf32>
      %mul3A_830 = arith.mulf %get3A_715, %get3A_715 : vector<16xf32>
      %add3A_831 = arith.addf %scan3A_617, %mul3A_830 : vector<16xf32>
      %mul3A_832 = arith.mulf %get3A_763, %get3A_763 : vector<16xf32>
      %add3A_833 = arith.addf %scan3A_625, %mul3A_832 : vector<16xf32>
      %mul3A_834 = arith.mulf %get3A_673, %get3A_673 : vector<16xf32>
      %add3A_835 = arith.addf %scan3A_610, %mul3A_834 : vector<16xf32>
      %mul3A_836 = arith.mulf %get3A_721, %get3A_721 : vector<16xf32>
      %add3A_837 = arith.addf %scan3A_618, %mul3A_836 : vector<16xf32>
      %mul3A_838 = arith.mulf %get3A_769, %get3A_769 : vector<16xf32>
      %add3A_839 = arith.addf %scan3A_626, %mul3A_838 : vector<16xf32>
      %jit3A = arith.constant 8 : i32
      %div3A = arith.divsi %scan3A_602, %jit3A : i32
      %sign3A = arith.constant 0 : i32
      %sign3A_840 = arith.cmpi sgt, %scan3A_602, %sign3A : i32
      %sign3A_841 = arith.extui %sign3A_840 : i1 to i32
      %sign3A_842 = arith.constant 0 : i32
      %sign3A_843 = arith.cmpi slt, %scan3A_602, %sign3A_842 : i32
      %sign3A_844 = arith.extui %sign3A_843 : i1 to i32
      %sign3A_845 = arith.subi %sign3A_841, %sign3A_844 : i32
      %sign3A_846 = arith.constant 0 : i32
      %sign3A_847 = arith.cmpi sgt, %jit3A, %sign3A_846 : i32
      %sign3A_848 = arith.extui %sign3A_847 : i1 to i32
      %sign3A_849 = arith.constant 0 : i32
      %sign3A_850 = arith.cmpi slt, %jit3A, %sign3A_849 : i32
      %sign3A_851 = arith.extui %sign3A_850 : i1 to i32
      %sign3A_852 = arith.subi %sign3A_848, %sign3A_851 : i32
      %ne3A = arith.cmpi ne, %sign3A_845, %sign3A_852 : i32
      %rem3A = arith.remsi %scan3A_602, %jit3A : i32
      %ne3A_853 = arith.constant 0 : i32
      %ne3A_854 = arith.cmpi ne, %rem3A, %ne3A_853 : i32
      %and3A = arith.andi %ne3A, %ne3A_854 : i1
      %sub3A_855 = arith.constant 1 : i32
      %sub3A_856 = arith.subi %div3A, %sub3A_855 : i32
      %select_n3A = arith.select %and3A, %sub3A_856, %div3A : i32
      %add3A_857 = arith.constant 48 : i32
      %add3A_858 = arith.addi %add3A_857, %select_n3A : i32
      %jit3A_859 = arith.constant 8 : i32
      %eq3A = arith.constant 0 : i32
      %eq3A_860 = arith.cmpi eq, %jit3A_859, %eq3A : i32
      %jit3A_861 = arith.constant 1 : i32
      %select_n3A_862 = arith.select %eq3A_860, %jit3A_861, %jit3A_859 : i32
      %rem3A_863 = arith.remsi %scan3A_602, %select_n3A_862 : i32
      %ne3A_864 = arith.constant 0 : i32
      %ne3A_865 = arith.cmpi ne, %rem3A_863, %ne3A_864 : i32
      %lt3A = arith.constant 0 : i32
      %lt3A_866 = arith.cmpi slt, %rem3A_863, %lt3A : i32
      %lt3A_867 = arith.constant 0 : i32
      %lt3A_868 = arith.cmpi slt, %select_n3A_862, %lt3A_867 : i32
      %ne3A_869 = arith.xori %lt3A_866, %lt3A_868 : i1
      %and3A_870 = arith.andi %ne3A_869, %ne3A_865 : i1
      %add3A_871 = arith.addi %rem3A_863, %select_n3A_862 : i32
      %select_n3A_872 = arith.select %and3A_870, %add3A_871, %rem3A_863 : i32
      %mul3A_873 = arith.constant 16 : i32
      %mul3A_874 = arith.muli %select_n3A_872, %mul3A_873 : i32
      %swap3A_875 = arith.index_cast %add3A_858 : i32 to index
      %swap3A_876 = arith.index_cast %mul3A_874 : i32 to index
      %swap3A_877 = tpu.vector_load %arg15[%swap3A_875, %swap3A_876] {strides = array<i32>} : memref<64x128xf32, #tpu.memory_space<vmem>>, vector<1x16xf32>,
      %swap3A_878 = vector.shape_cast %swap3A_877 : vector<1x16xf32> to vector<16xf32>
      %swap3A_879 = vector.shape_cast %add3A_791 : vector<16xf32> to vector<1x16xf32>
      tpu.vector_store %arg15[%swap3A_875, %swap3A_876], %swap3A_879 {strides = array<i32>} : memref<64x128xf32, #tpu.memory_space<vmem>>, vector<1x16xf32>,
      scf.yield %add3A_793, %add3A_799, %add3A_805, %add3A_811, %add3A_817, %add3A_823, %add3A_829, %add3A_835, %add3A_795, %add3A_801, %add3A_807, %add3A_813, %add3A_819, %add3A_825, %add3A_831, %add3A_837, %add3A_797, %add3A_803, %add3A_809, %add3A_815, %add3A_821, %add3A_827, %add3A_833, %add3A_839 : vector<16xf32>, vector<16xf32>, vector<16xf32>, vector<16xf32>, vector<16xf32>, vector<16xf32>, vector<16xf32>, vector<16xf32>, vector<16xf32>, vector<16xf32>, vector<16xf32>, vector<16xf32>, vector<16xf32>, vector<16xf32>, vector<16xf32>, vector<16xf32>, vector<16xf32>, vector<16xf32>, vector<16xf32>, vector<16xf32>, vector<16xf32>, vector<16xf32>, vector<16xf32>, vector<16xf32>
    }
    %scan3A_516 = arith.constant 64 : i32
    %dma_wait3A_517 = arith.constant 1 : i32
    %dma_wait3A_518 = arith.constant 0 : i32
    %dma_wait3A_519 = arith.constant 0 : i32
    %dma_wait3A_520 = tpu.memref_slice %arg12[%dma_wait3A_517, %dma_wait3A_518, %dma_wait3A_519] : memref<3x64x128xf32, #tpu.memory_space<vmem>> -> memref<1x64x128xf32, #tpu.memory_space<vmem>>
    %dma_wait3A_521 = tpu.memref_squeeze %dma_wait3A_520 : memref<1x64x128xf32, #tpu.memory_space<vmem>> -> memref<64x128xf32, #tpu.memory_space<vmem>>
    %dma_wait3A_522 = arith.constant 448 : i32
    %dma_wait3A_523 = tpu.memref_slice %arg9[%dma_wait3A_522] : memref<512xi32, #tpu.memory_space<vmem>> -> memref<64xi32, #tpu.memory_space<vmem>>
    %dma_wait3A_524 = arith.constant 0 : i32
    %dma_wait3A_525 = arith.constant 0 : i32
    %dma_wait3A_526 = tpu.memref_slice %arg2[%dma_wait3A_524, %dma_wait3A_525] : memref<100000x128xf32, #tpu.memory_space<hbm>> -> memref<100000x128xf32, #tpu.memory_space<hbm>>
    tpu.wait_indirect_dma semaphore(%arg17 : memref<!tpu.dma_semaphore, #tpu.memory_space<semaphore_mem>>) src(%dma_wait3A_526 : memref<100000x128xf32, #tpu.memory_space<hbm>>) dst(%dma_wait3A_521 : memref<64x128xf32, #tpu.memory_space<vmem>>)
    %dma_wait3A_527 = arith.constant 1 : i32
    %dma_wait3A_528 = arith.constant 0 : i32
    %dma_wait3A_529 = arith.constant 0 : i32
    %dma_wait3A_530 = tpu.memref_slice %arg13[%dma_wait3A_527, %dma_wait3A_528, %dma_wait3A_529] : memref<3x64x128xf32, #tpu.memory_space<vmem>> -> memref<1x64x128xf32, #tpu.memory_space<vmem>>
    %dma_wait3A_531 = tpu.memref_squeeze %dma_wait3A_530 : memref<1x64x128xf32, #tpu.memory_space<vmem>> -> memref<64x128xf32, #tpu.memory_space<vmem>>
    %dma_wait3A_532 = arith.constant 448 : i32
    %dma_wait3A_533 = tpu.memref_slice %arg10[%dma_wait3A_532] : memref<512xi32, #tpu.memory_space<vmem>> -> memref<64xi32, #tpu.memory_space<vmem>>
    %dma_wait3A_534 = arith.constant 0 : i32
    %dma_wait3A_535 = arith.constant 0 : i32
    %dma_wait3A_536 = tpu.memref_slice %arg3[%dma_wait3A_534, %dma_wait3A_535] : memref<100000x128xf32, #tpu.memory_space<hbm>> -> memref<100000x128xf32, #tpu.memory_space<hbm>>
    tpu.wait_indirect_dma semaphore(%arg17 : memref<!tpu.dma_semaphore, #tpu.memory_space<semaphore_mem>>) src(%dma_wait3A_536 : memref<100000x128xf32, #tpu.memory_space<hbm>>) dst(%dma_wait3A_531 : memref<64x128xf32, #tpu.memory_space<vmem>>)
    %dma_wait3A_537 = arith.constant 1 : i32
    %dma_wait3A_538 = arith.constant 0 : i32
    %dma_wait3A_539 = arith.constant 0 : i32
    %dma_wait3A_540 = tpu.memref_slice %arg14[%dma_wait3A_537, %dma_wait3A_538, %dma_wait3A_539] : memref<3x64x128xf32, #tpu.memory_space<vmem>> -> memref<1x64x128xf32, #tpu.memory_space<vmem>>
    %dma_wait3A_541 = tpu.memref_squeeze %dma_wait3A_540 : memref<1x64x128xf32, #tpu.memory_space<vmem>> -> memref<64x128xf32, #tpu.memory_space<vmem>>
    %dma_wait3A_542 = arith.constant 448 : i32
    %dma_wait3A_543 = tpu.memref_slice %arg11[%dma_wait3A_542] : memref<512xi32, #tpu.memory_space<vmem>> -> memref<64xi32, #tpu.memory_space<vmem>>
    %dma_wait3A_544 = arith.constant 0 : i32
    %dma_wait3A_545 = arith.constant 0 : i32
    %dma_wait3A_546 = tpu.memref_slice %arg3[%dma_wait3A_544, %dma_wait3A_545] : memref<100000x128xf32, #tpu.memory_space<hbm>> -> memref<100000x128xf32, #tpu.memory_space<hbm>>
    tpu.wait_indirect_dma semaphore(%arg17 : memref<!tpu.dma_semaphore, #tpu.memory_space<semaphore_mem>>) src(%dma_wait3A_546 : memref<100000x128xf32, #tpu.memory_space<hbm>>) dst(%dma_wait3A_541 : memref<64x128xf32, #tpu.memory_space<vmem>>)
    %scan3A_547 = arith.constant 0 : i32
    %scan3A_548 = arith.constant 64 : i32
    %scan3A_549 = arith.addi %scan3A_547, %scan3A_548 : i32
    %scan3A_550 = arith.constant 1 : i32
    %scan3A_551:24 = scf.for %scan3A_602 = %scan3A_547 to %scan3A_549 step %scan3A_550 iter_args(%scan3A_603 = %scan3A_515#0, %scan3A_604 = %scan3A_515#1, %scan3A_605 = %scan3A_515#2, %scan3A_606 = %scan3A_515#3, %scan3A_607 = %scan3A_515#4, %scan3A_608 = %scan3A_515#5, %scan3A_609 = %scan3A_515#6, %scan3A_610 = %scan3A_515#7, %scan3A_611 = %scan3A_515#8, %scan3A_612 = %scan3A_515#9, %scan3A_613 = %scan3A_515#10, %scan3A_614 = %scan3A_515#11, %scan3A_615 = %scan3A_515#12, %scan3A_616 = %scan3A_515#13, %scan3A_617 = %scan3A_515#14, %scan3A_618 = %scan3A_515#15, %scan3A_619 = %scan3A_515#16, %scan3A_620 = %scan3A_515#17, %scan3A_621 = %scan3A_515#18, %scan3A_622 = %scan3A_515#19, %scan3A_623 = %scan3A_515#20, %scan3A_624 = %scan3A_515#21, %scan3A_625 = %scan3A_515#22, %scan3A_626 = %scan3A_515#23) -> (vector<16xf32>, vector<16xf32>, vector<16xf32>, vector<16xf32>, vector<16xf32>, vector<16xf32>, vector<16xf32>, vector<16xf32>, vector<16xf32>, vector<16xf32>, vector<16xf32>, vector<16xf32>, vector<16xf32>, vector<16xf32>, vector<16xf32>, vector<16xf32>, vector<16xf32>, vector<16xf32>, vector<16xf32>, vector<16xf32>, vector<16xf32>, vector<16xf32>, vector<16xf32>, vector<16xf32>)  : i32 {
      %get3A = arith.constant 1 : i32
      %get3A_627 = arith.index_cast %get3A : i32 to index
      %get3A_628 = arith.index_cast %scan3A_602 : i32 to index
      %get3A_629 = arith.constant 0 : index
      %get3A_630 = tpu.vector_load %arg12[%get3A_627, %get3A_628, %get3A_629] {strides = array<i32>} : memref<3x64x128xf32, #tpu.memory_space<vmem>>, vector<1x1x16xf32>,
      %get3A_631 = vector.shape_cast %get3A_630 : vector<1x1x16xf32> to vector<16xf32>
      %get3A_632 = arith.constant 1 : i32
      %get3A_633 = arith.index_cast %get3A_632 : i32 to index
      %get3A_634 = arith.index_cast %scan3A_602 : i32 to index
      %get3A_635 = arith.constant 16 : index
      %get3A_636 = tpu.vector_load %arg12[%get3A_633, %get3A_634, %get3A_635] {strides = array<i32>} : memref<3x64x128xf32, #tpu.memory_space<vmem>>, vector<1x1x16xf32>,
      %get3A_637 = vector.shape_cast %get3A_636 : vector<1x1x16xf32> to vector<16xf32>
      %get3A_638 = arith.constant 1 : i32
      %get3A_639 = arith.index_cast %get3A_638 : i32 to index
      %get3A_640 = arith.index_cast %scan3A_602 : i32 to index
      %get3A_641 = arith.constant 32 : index
      %get3A_642 = tpu.vector_load %arg12[%get3A_639, %get3A_640, %get3A_641] {strides = array<i32>} : memref<3x64x128xf32, #tpu.memory_space<vmem>>, vector<1x1x16xf32>,
      %get3A_643 = vector.shape_cast %get3A_642 : vector<1x1x16xf32> to vector<16xf32>
      %get3A_644 = arith.constant 1 : i32
      %get3A_645 = arith.index_cast %get3A_644 : i32 to index
      %get3A_646 = arith.index_cast %scan3A_602 : i32 to index
      %get3A_647 = arith.constant 48 : index
      %get3A_648 = tpu.vector_load %arg12[%get3A_645, %get3A_646, %get3A_647] {strides = array<i32>} : memref<3x64x128xf32, #tpu.memory_space<vmem>>, vector<1x1x16xf32>,
      %get3A_649 = vector.shape_cast %get3A_648 : vector<1x1x16xf32> to vector<16xf32>
      %get3A_650 = arith.constant 1 : i32
      %get3A_651 = arith.index_cast %get3A_650 : i32 to index
      %get3A_652 = arith.index_cast %scan3A_602 : i32 to index
      %get3A_653 = arith.constant 64 : index
      %get3A_654 = tpu.vector_load %arg12[%get3A_651, %get3A_652, %get3A_653] {strides = array<i32>} : memref<3x64x128xf32, #tpu.memory_space<vmem>>, vector<1x1x16xf32>,
      %get3A_655 = vector.shape_cast %get3A_654 : vector<1x1x16xf32> to vector<16xf32>
      %get3A_656 = arith.constant 1 : i32
      %get3A_657 = arith.index_cast %get3A_656 : i32 to index
      %get3A_658 = arith.index_cast %scan3A_602 : i32 to index
      %get3A_659 = arith.constant 80 : index
      %get3A_660 = tpu.vector_load %arg12[%get3A_657, %get3A_658, %get3A_659] {strides = array<i32>} : memref<3x64x128xf32, #tpu.memory_space<vmem>>, vector<1x1x16xf32>,
      %get3A_661 = vector.shape_cast %get3A_660 : vector<1x1x16xf32> to vector<16xf32>
      %get3A_662 = arith.constant 1 : i32
      %get3A_663 = arith.index_cast %get3A_662 : i32 to index
      %get3A_664 = arith.index_cast %scan3A_602 : i32 to index
      %get3A_665 = arith.constant 96 : index
      %get3A_666 = tpu.vector_load %arg12[%get3A_663, %get3A_664, %get3A_665] {strides = array<i32>} : memref<3x64x128xf32, #tpu.memory_space<vmem>>, vector<1x1x16xf32>,
      %get3A_667 = vector.shape_cast %get3A_666 : vector<1x1x16xf32> to vector<16xf32>
      %get3A_668 = arith.constant 1 : i32
      %get3A_669 = arith.index_cast %get3A_668 : i32 to index
      %get3A_670 = arith.index_cast %scan3A_602 : i32 to index
      %get3A_671 = arith.constant 112 : index
      %get3A_672 = tpu.vector_load %arg12[%get3A_669, %get3A_670, %get3A_671] {strides = array<i32>} : memref<3x64x128xf32, #tpu.memory_space<vmem>>, vector<1x1x16xf32>,
      %get3A_673 = vector.shape_cast %get3A_672 : vector<1x1x16xf32> to vector<16xf32>
      %get3A_674 = arith.constant 1 : i32
      %get3A_675 = arith.index_cast %get3A_674 : i32 to index
      %get3A_676 = arith.index_cast %scan3A_602 : i32 to index
      %get3A_677 = arith.constant 0 : index
      %get3A_678 = tpu.vector_load %arg13[%get3A_675, %get3A_676, %get3A_677] {strides = array<i32>} : memref<3x64x128xf32, #tpu.memory_space<vmem>>, vector<1x1x16xf32>,
      %get3A_679 = vector.shape_cast %get3A_678 : vector<1x1x16xf32> to vector<16xf32>
      %get3A_680 = arith.constant 1 : i32
      %get3A_681 = arith.index_cast %get3A_680 : i32 to index
      %get3A_682 = arith.index_cast %scan3A_602 : i32 to index
      %get3A_683 = arith.constant 16 : index
      %get3A_684 = tpu.vector_load %arg13[%get3A_681, %get3A_682, %get3A_683] {strides = array<i32>} : memref<3x64x128xf32, #tpu.memory_space<vmem>>, vector<1x1x16xf32>,
      %get3A_685 = vector.shape_cast %get3A_684 : vector<1x1x16xf32> to vector<16xf32>
      %get3A_686 = arith.constant 1 : i32
      %get3A_687 = arith.index_cast %get3A_686 : i32 to index
      %get3A_688 = arith.index_cast %scan3A_602 : i32 to index
      %get3A_689 = arith.constant 32 : index
      %get3A_690 = tpu.vector_load %arg13[%get3A_687, %get3A_688, %get3A_689] {strides = array<i32>} : memref<3x64x128xf32, #tpu.memory_space<vmem>>, vector<1x1x16xf32>,
      %get3A_691 = vector.shape_cast %get3A_690 : vector<1x1x16xf32> to vector<16xf32>
      %get3A_692 = arith.constant 1 : i32
      %get3A_693 = arith.index_cast %get3A_692 : i32 to index
      %get3A_694 = arith.index_cast %scan3A_602 : i32 to index
      %get3A_695 = arith.constant 48 : index
      %get3A_696 = tpu.vector_load %arg13[%get3A_693, %get3A_694, %get3A_695] {strides = array<i32>} : memref<3x64x128xf32, #tpu.memory_space<vmem>>, vector<1x1x16xf32>,
      %get3A_697 = vector.shape_cast %get3A_696 : vector<1x1x16xf32> to vector<16xf32>
      %get3A_698 = arith.constant 1 : i32
      %get3A_699 = arith.index_cast %get3A_698 : i32 to index
      %get3A_700 = arith.index_cast %scan3A_602 : i32 to index
      %get3A_701 = arith.constant 64 : index
      %get3A_702 = tpu.vector_load %arg13[%get3A_699, %get3A_700, %get3A_701] {strides = array<i32>} : memref<3x64x128xf32, #tpu.memory_space<vmem>>, vector<1x1x16xf32>,
      %get3A_703 = vector.shape_cast %get3A_702 : vector<1x1x16xf32> to vector<16xf32>
      %get3A_704 = arith.constant 1 : i32
      %get3A_705 = arith.index_cast %get3A_704 : i32 to index
      %get3A_706 = arith.index_cast %scan3A_602 : i32 to index
      %get3A_707 = arith.constant 80 : index
      %get3A_708 = tpu.vector_load %arg13[%get3A_705, %get3A_706, %get3A_707] {strides = array<i32>} : memref<3x64x128xf32, #tpu.memory_space<vmem>>, vector<1x1x16xf32>,
      %get3A_709 = vector.shape_cast %get3A_708 : vector<1x1x16xf32> to vector<16xf32>
      %get3A_710 = arith.constant 1 : i32
      %get3A_711 = arith.index_cast %get3A_710 : i32 to index
      %get3A_712 = arith.index_cast %scan3A_602 : i32 to index
      %get3A_713 = arith.constant 96 : index
      %get3A_714 = tpu.vector_load %arg13[%get3A_711, %get3A_712, %get3A_713] {strides = array<i32>} : memref<3x64x128xf32, #tpu.memory_space<vmem>>, vector<1x1x16xf32>,
      %get3A_715 = vector.shape_cast %get3A_714 : vector<1x1x16xf32> to vector<16xf32>
      %get3A_716 = arith.constant 1 : i32
      %get3A_717 = arith.index_cast %get3A_716 : i32 to index
      %get3A_718 = arith.index_cast %scan3A_602 : i32 to index
      %get3A_719 = arith.constant 112 : index
      %get3A_720 = tpu.vector_load %arg13[%get3A_717, %get3A_718, %get3A_719] {strides = array<i32>} : memref<3x64x128xf32, #tpu.memory_space<vmem>>, vector<1x1x16xf32>,
      %get3A_721 = vector.shape_cast %get3A_720 : vector<1x1x16xf32> to vector<16xf32>
      %get3A_722 = arith.constant 1 : i32
      %get3A_723 = arith.index_cast %get3A_722 : i32 to index
      %get3A_724 = arith.index_cast %scan3A_602 : i32 to index
      %get3A_725 = arith.constant 0 : index
      %get3A_726 = tpu.vector_load %arg14[%get3A_723, %get3A_724, %get3A_725] {strides = array<i32>} : memref<3x64x128xf32, #tpu.memory_space<vmem>>, vector<1x1x16xf32>,
      %get3A_727 = vector.shape_cast %get3A_726 : vector<1x1x16xf32> to vector<16xf32>
      %get3A_728 = arith.constant 1 : i32
      %get3A_729 = arith.index_cast %get3A_728 : i32 to index
      %get3A_730 = arith.index_cast %scan3A_602 : i32 to index
      %get3A_731 = arith.constant 16 : index
      %get3A_732 = tpu.vector_load %arg14[%get3A_729, %get3A_730, %get3A_731] {strides = array<i32>} : memref<3x64x128xf32, #tpu.memory_space<vmem>>, vector<1x1x16xf32>,
      %get3A_733 = vector.shape_cast %get3A_732 : vector<1x1x16xf32> to vector<16xf32>
      %get3A_734 = arith.constant 1 : i32
      %get3A_735 = arith.index_cast %get3A_734 : i32 to index
      %get3A_736 = arith.index_cast %scan3A_602 : i32 to index
      %get3A_737 = arith.constant 32 : index
      %get3A_738 = tpu.vector_load %arg14[%get3A_735, %get3A_736, %get3A_737] {strides = array<i32>} : memref<3x64x128xf32, #tpu.memory_space<vmem>>, vector<1x1x16xf32>,
      %get3A_739 = vector.shape_cast %get3A_738 : vector<1x1x16xf32> to vector<16xf32>
      %get3A_740 = arith.constant 1 : i32
      %get3A_741 = arith.index_cast %get3A_740 : i32 to index
      %get3A_742 = arith.index_cast %scan3A_602 : i32 to index
      %get3A_743 = arith.constant 48 : index
      %get3A_744 = tpu.vector_load %arg14[%get3A_741, %get3A_742, %get3A_743] {strides = array<i32>} : memref<3x64x128xf32, #tpu.memory_space<vmem>>, vector<1x1x16xf32>,
      %get3A_745 = vector.shape_cast %get3A_744 : vector<1x1x16xf32> to vector<16xf32>
      %get3A_746 = arith.constant 1 : i32
      %get3A_747 = arith.index_cast %get3A_746 : i32 to index
      %get3A_748 = arith.index_cast %scan3A_602 : i32 to index
      %get3A_749 = arith.constant 64 : index
      %get3A_750 = tpu.vector_load %arg14[%get3A_747, %get3A_748, %get3A_749] {strides = array<i32>} : memref<3x64x128xf32, #tpu.memory_space<vmem>>, vector<1x1x16xf32>,
      %get3A_751 = vector.shape_cast %get3A_750 : vector<1x1x16xf32> to vector<16xf32>
      %get3A_752 = arith.constant 1 : i32
      %get3A_753 = arith.index_cast %get3A_752 : i32 to index
      %get3A_754 = arith.index_cast %scan3A_602 : i32 to index
      %get3A_755 = arith.constant 80 : index
      %get3A_756 = tpu.vector_load %arg14[%get3A_753, %get3A_754, %get3A_755] {strides = array<i32>} : memref<3x64x128xf32, #tpu.memory_space<vmem>>, vector<1x1x16xf32>,
      %get3A_757 = vector.shape_cast %get3A_756 : vector<1x1x16xf32> to vector<16xf32>
      %get3A_758 = arith.constant 1 : i32
      %get3A_759 = arith.index_cast %get3A_758 : i32 to index
      %get3A_760 = arith.index_cast %scan3A_602 : i32 to index
      %get3A_761 = arith.constant 96 : index
      %get3A_762 = tpu.vector_load %arg14[%get3A_759, %get3A_760, %get3A_761] {strides = array<i32>} : memref<3x64x128xf32, #tpu.memory_space<vmem>>, vector<1x1x16xf32>,
      %get3A_763 = vector.shape_cast %get3A_762 : vector<1x1x16xf32> to vector<16xf32>
      %get3A_764 = arith.constant 1 : i32
      %get3A_765 = arith.index_cast %get3A_764 : i32 to index
      %get3A_766 = arith.index_cast %scan3A_602 : i32 to index
      %get3A_767 = arith.constant 112 : index
      %get3A_768 = tpu.vector_load %arg14[%get3A_765, %get3A_766, %get3A_767] {strides = array<i32>} : memref<3x64x128xf32, #tpu.memory_space<vmem>>, vector<1x1x16xf32>,
      %get3A_769 = vector.shape_cast %get3A_768 : vector<1x1x16xf32> to vector<16xf32>
      %sub3A = arith.subf %get3A_679, %get3A_727 : vector<16xf32>
      %mul3A_770 = arith.mulf %get3A_631, %sub3A : vector<16xf32>
      %sub3A_771 = arith.subf %get3A_685, %get3A_733 : vector<16xf32>
      %mul3A_772 = arith.mulf %get3A_637, %sub3A_771 : vector<16xf32>
      %sub3A_773 = arith.subf %get3A_691, %get3A_739 : vector<16xf32>
      %mul3A_774 = arith.mulf %get3A_643, %sub3A_773 : vector<16xf32>
      %sub3A_775 = arith.subf %get3A_697, %get3A_745 : vector<16xf32>
      %mul3A_776 = arith.mulf %get3A_649, %sub3A_775 : vector<16xf32>
      %sub3A_777 = arith.subf %get3A_703, %get3A_751 : vector<16xf32>
      %mul3A_778 = arith.mulf %get3A_655, %sub3A_777 : vector<16xf32>
      %sub3A_779 = arith.subf %get3A_709, %get3A_757 : vector<16xf32>
      %mul3A_780 = arith.mulf %get3A_661, %sub3A_779 : vector<16xf32>
      %sub3A_781 = arith.subf %get3A_715, %get3A_763 : vector<16xf32>
      %mul3A_782 = arith.mulf %get3A_667, %sub3A_781 : vector<16xf32>
      %sub3A_783 = arith.subf %get3A_721, %get3A_769 : vector<16xf32>
      %mul3A_784 = arith.mulf %get3A_673, %sub3A_783 : vector<16xf32>
      %add3A_785 = arith.addf %mul3A_770, %mul3A_778 : vector<16xf32>
      %add3A_786 = arith.addf %mul3A_772, %mul3A_780 : vector<16xf32>
      %add3A_787 = arith.addf %mul3A_774, %mul3A_782 : vector<16xf32>
      %add3A_788 = arith.addf %mul3A_776, %mul3A_784 : vector<16xf32>
      %add3A_789 = arith.addf %add3A_785, %add3A_787 : vector<16xf32>
      %add3A_790 = arith.addf %add3A_786, %add3A_788 : vector<16xf32>
      %add3A_791 = arith.addf %add3A_789, %add3A_790 : vector<16xf32>
      %mul3A_792 = arith.mulf %get3A_631, %get3A_631 : vector<16xf32>
      %add3A_793 = arith.addf %scan3A_603, %mul3A_792 : vector<16xf32>
      %mul3A_794 = arith.mulf %get3A_679, %get3A_679 : vector<16xf32>
      %add3A_795 = arith.addf %scan3A_611, %mul3A_794 : vector<16xf32>
      %mul3A_796 = arith.mulf %get3A_727, %get3A_727 : vector<16xf32>
      %add3A_797 = arith.addf %scan3A_619, %mul3A_796 : vector<16xf32>
      %mul3A_798 = arith.mulf %get3A_637, %get3A_637 : vector<16xf32>
      %add3A_799 = arith.addf %scan3A_604, %mul3A_798 : vector<16xf32>
      %mul3A_800 = arith.mulf %get3A_685, %get3A_685 : vector<16xf32>
      %add3A_801 = arith.addf %scan3A_612, %mul3A_800 : vector<16xf32>
      %mul3A_802 = arith.mulf %get3A_733, %get3A_733 : vector<16xf32>
      %add3A_803 = arith.addf %scan3A_620, %mul3A_802 : vector<16xf32>
      %mul3A_804 = arith.mulf %get3A_643, %get3A_643 : vector<16xf32>
      %add3A_805 = arith.addf %scan3A_605, %mul3A_804 : vector<16xf32>
      %mul3A_806 = arith.mulf %get3A_691, %get3A_691 : vector<16xf32>
      %add3A_807 = arith.addf %scan3A_613, %mul3A_806 : vector<16xf32>
      %mul3A_808 = arith.mulf %get3A_739, %get3A_739 : vector<16xf32>
      %add3A_809 = arith.addf %scan3A_621, %mul3A_808 : vector<16xf32>
      %mul3A_810 = arith.mulf %get3A_649, %get3A_649 : vector<16xf32>
      %add3A_811 = arith.addf %scan3A_606, %mul3A_810 : vector<16xf32>
      %mul3A_812 = arith.mulf %get3A_697, %get3A_697 : vector<16xf32>
      %add3A_813 = arith.addf %scan3A_614, %mul3A_812 : vector<16xf32>
      %mul3A_814 = arith.mulf %get3A_745, %get3A_745 : vector<16xf32>
      %add3A_815 = arith.addf %scan3A_622, %mul3A_814 : vector<16xf32>
      %mul3A_816 = arith.mulf %get3A_655, %get3A_655 : vector<16xf32>
      %add3A_817 = arith.addf %scan3A_607, %mul3A_816 : vector<16xf32>
      %mul3A_818 = arith.mulf %get3A_703, %get3A_703 : vector<16xf32>
      %add3A_819 = arith.addf %scan3A_615, %mul3A_818 : vector<16xf32>
      %mul3A_820 = arith.mulf %get3A_751, %get3A_751 : vector<16xf32>
      %add3A_821 = arith.addf %scan3A_623, %mul3A_820 : vector<16xf32>
      %mul3A_822 = arith.mulf %get3A_661, %get3A_661 : vector<16xf32>
      %add3A_823 = arith.addf %scan3A_608, %mul3A_822 : vector<16xf32>
      %mul3A_824 = arith.mulf %get3A_709, %get3A_709 : vector<16xf32>
      %add3A_825 = arith.addf %scan3A_616, %mul3A_824 : vector<16xf32>
      %mul3A_826 = arith.mulf %get3A_757, %get3A_757 : vector<16xf32>
      %add3A_827 = arith.addf %scan3A_624, %mul3A_826 : vector<16xf32>
      %mul3A_828 = arith.mulf %get3A_667, %get3A_667 : vector<16xf32>
      %add3A_829 = arith.addf %scan3A_609, %mul3A_828 : vector<16xf32>
      %mul3A_830 = arith.mulf %get3A_715, %get3A_715 : vector<16xf32>
      %add3A_831 = arith.addf %scan3A_617, %mul3A_830 : vector<16xf32>
      %mul3A_832 = arith.mulf %get3A_763, %get3A_763 : vector<16xf32>
      %add3A_833 = arith.addf %scan3A_625, %mul3A_832 : vector<16xf32>
      %mul3A_834 = arith.mulf %get3A_673, %get3A_673 : vector<16xf32>
      %add3A_835 = arith.addf %scan3A_610, %mul3A_834 : vector<16xf32>
      %mul3A_836 = arith.mulf %get3A_721, %get3A_721 : vector<16xf32>
      %add3A_837 = arith.addf %scan3A_618, %mul3A_836 : vector<16xf32>
      %mul3A_838 = arith.mulf %get3A_769, %get3A_769 : vector<16xf32>
      %add3A_839 = arith.addf %scan3A_626, %mul3A_838 : vector<16xf32>
      %jit3A = arith.constant 8 : i32
      %div3A = arith.divsi %scan3A_602, %jit3A : i32
      %sign3A = arith.constant 0 : i32
      %sign3A_840 = arith.cmpi sgt, %scan3A_602, %sign3A : i32
      %sign3A_841 = arith.extui %sign3A_840 : i1 to i32
      %sign3A_842 = arith.constant 0 : i32
      %sign3A_843 = arith.cmpi slt, %scan3A_602, %sign3A_842 : i32
      %sign3A_844 = arith.extui %sign3A_843 : i1 to i32
      %sign3A_845 = arith.subi %sign3A_841, %sign3A_844 : i32
      %sign3A_846 = arith.constant 0 : i32
      %sign3A_847 = arith.cmpi sgt, %jit3A, %sign3A_846 : i32
      %sign3A_848 = arith.extui %sign3A_847 : i1 to i32
      %sign3A_849 = arith.constant 0 : i32
      %sign3A_850 = arith.cmpi slt, %jit3A, %sign3A_849 : i32
      %sign3A_851 = arith.extui %sign3A_850 : i1 to i32
      %sign3A_852 = arith.subi %sign3A_848, %sign3A_851 : i32
      %ne3A = arith.cmpi ne, %sign3A_845, %sign3A_852 : i32
      %rem3A = arith.remsi %scan3A_602, %jit3A : i32
      %ne3A_853 = arith.constant 0 : i32
      %ne3A_854 = arith.cmpi ne, %rem3A, %ne3A_853 : i32
      %and3A = arith.andi %ne3A, %ne3A_854 : i1
      %sub3A_855 = arith.constant 1 : i32
      %sub3A_856 = arith.subi %div3A, %sub3A_855 : i32
      %select_n3A = arith.select %and3A, %sub3A_856, %div3A : i32
      %add3A_857 = arith.constant 56 : i32
      %add3A_858 = arith.addi %add3A_857, %select_n3A : i32
      %jit3A_859 = arith.constant 8 : i32
      %eq3A = arith.constant 0 : i32
      %eq3A_860 = arith.cmpi eq, %jit3A_859, %eq3A : i32
      %jit3A_861 = arith.constant 1 : i32
      %select_n3A_862 = arith.select %eq3A_860, %jit3A_861, %jit3A_859 : i32
      %rem3A_863 = arith.remsi %scan3A_602, %select_n3A_862 : i32
      %ne3A_864 = arith.constant 0 : i32
      %ne3A_865 = arith.cmpi ne, %rem3A_863, %ne3A_864 : i32
      %lt3A = arith.constant 0 : i32
      %lt3A_866 = arith.cmpi slt, %rem3A_863, %lt3A : i32
      %lt3A_867 = arith.constant 0 : i32
      %lt3A_868 = arith.cmpi slt, %select_n3A_862, %lt3A_867 : i32
      %ne3A_869 = arith.xori %lt3A_866, %lt3A_868 : i1
      %and3A_870 = arith.andi %ne3A_869, %ne3A_865 : i1
      %add3A_871 = arith.addi %rem3A_863, %select_n3A_862 : i32
      %select_n3A_872 = arith.select %and3A_870, %add3A_871, %rem3A_863 : i32
      %mul3A_873 = arith.constant 16 : i32
      %mul3A_874 = arith.muli %select_n3A_872, %mul3A_873 : i32
      %swap3A_875 = arith.index_cast %add3A_858 : i32 to index
      %swap3A_876 = arith.index_cast %mul3A_874 : i32 to index
      %swap3A_877 = tpu.vector_load %arg15[%swap3A_875, %swap3A_876] {strides = array<i32>} : memref<64x128xf32, #tpu.memory_space<vmem>>, vector<1x16xf32>,
      %swap3A_878 = vector.shape_cast %swap3A_877 : vector<1x16xf32> to vector<16xf32>
      %swap3A_879 = vector.shape_cast %add3A_791 : vector<16xf32> to vector<1x16xf32>
      tpu.vector_store %arg15[%swap3A_875, %swap3A_876], %swap3A_879 {strides = array<i32>} : memref<64x128xf32, #tpu.memory_space<vmem>>, vector<1x16xf32>,
      scf.yield %add3A_793, %add3A_799, %add3A_805, %add3A_811, %add3A_817, %add3A_823, %add3A_829, %add3A_835, %add3A_795, %add3A_801, %add3A_807, %add3A_813, %add3A_819, %add3A_825, %add3A_831, %add3A_837, %add3A_797, %add3A_803, %add3A_809, %add3A_815, %add3A_821, %add3A_827, %add3A_833, %add3A_839 : vector<16xf32>, vector<16xf32>, vector<16xf32>, vector<16xf32>, vector<16xf32>, vector<16xf32>, vector<16xf32>, vector<16xf32>, vector<16xf32>, vector<16xf32>, vector<16xf32>, vector<16xf32>, vector<16xf32>, vector<16xf32>, vector<16xf32>, vector<16xf32>, vector<16xf32>, vector<16xf32>, vector<16xf32>, vector<16xf32>, vector<16xf32>, vector<16xf32>, vector<16xf32>, vector<16xf32>
    }
    %scan3A_552 = arith.constant 64 : i32
    %mul3A_553 = arith.constant 64 : i32
    %mul3A_554 = arith.muli %add3A, %mul3A_553 : i32
    %add3A_555 = arith.constant 32 : i32
    %add3A_556 = arith.addi %mul3A_554, %add3A_555 : i32
    "tpu.region"() ({
      %run_scoped3A = tpu.sem_alloc : memref<!tpu.dma_semaphore, #tpu.memory_space<semaphore_mem>>
      %dma_start3A_602 = arith.constant 32 : i32
      %dma_start3A_603 = arith.constant 0 : i32
      %dma_start3A_604 = tpu.memref_slice %arg15[%dma_start3A_602, %dma_start3A_603] : memref<64x128xf32, #tpu.memory_space<vmem>> -> memref<32x128xf32, #tpu.memory_space<vmem>>
      %dma_start3A_605 = arith.constant 0 : i32
      %dma_start3A_606 = tpu.memref_slice %arg7[%add3A_556, %dma_start3A_605] : memref<2048x128xf32, #tpu.memory_space<hbm>> -> memref<32x128xf32, #tpu.memory_space<hbm>>
      %dma_start3A_607 = arith.constant 0 : i32
      %dma_start3A_608 = tpu.memref_slice %arg7[%add3A_556, %dma_start3A_607] : memref<2048x128xf32, #tpu.memory_space<hbm>> -> memref<32x128xf32, #tpu.memory_space<hbm>>
      %dma_start3A_609 = arith.constant 32 : i32
      %dma_start3A_610 = arith.constant 0 : i32
      %dma_start3A_611 = tpu.memref_slice %arg15[%dma_start3A_609, %dma_start3A_610] : memref<64x128xf32, #tpu.memory_space<vmem>> -> memref<32x128xf32, #tpu.memory_space<vmem>>
      tpu.enqueue_dma source(%dma_start3A_611 : memref<32x128xf32, #tpu.memory_space<vmem>>) target(%dma_start3A_608 : memref<32x128xf32, #tpu.memory_space<hbm>>) target_semaphore(%run_scoped3A : memref<!tpu.dma_semaphore, #tpu.memory_space<semaphore_mem>>)
      %dma_wait3A_612 = arith.constant 32 : i32
      %dma_wait3A_613 = arith.constant 0 : i32
      %dma_wait3A_614 = tpu.memref_slice %arg15[%dma_wait3A_612, %dma_wait3A_613] : memref<64x128xf32, #tpu.memory_space<vmem>> -> memref<32x128xf32, #tpu.memory_space<vmem>>
      %dma_wait3A_615 = arith.constant 0 : i32
      %dma_wait3A_616 = tpu.memref_slice %arg7[%add3A_556, %dma_wait3A_615] : memref<2048x128xf32, #tpu.memory_space<hbm>> -> memref<32x128xf32, #tpu.memory_space<hbm>>
      %dma_wait3A_617 = arith.constant 0 : i32
      %dma_wait3A_618 = tpu.memref_slice %arg7[%add3A_556, %dma_wait3A_617] : memref<2048x128xf32, #tpu.memory_space<hbm>> -> memref<32x128xf32, #tpu.memory_space<hbm>>
      %dma_wait3A_619 = arith.constant 32 : i32
      %dma_wait3A_620 = arith.constant 0 : i32
      %dma_wait3A_621 = tpu.memref_slice %arg15[%dma_wait3A_619, %dma_wait3A_620] : memref<64x128xf32, #tpu.memory_space<vmem>> -> memref<32x128xf32, #tpu.memory_space<vmem>>
      tpu.wait_dma2 semaphore(%run_scoped3A : memref<!tpu.dma_semaphore, #tpu.memory_space<semaphore_mem>>) src(%dma_wait3A_621 : memref<32x128xf32, #tpu.memory_space<vmem>>) dst(%dma_wait3A_618 : memref<32x128xf32, #tpu.memory_space<hbm>>)
      tpu.yield
    }) : () -> ()
    %dma_wait3A_557 = arith.constant 0 : i32
    %dma_wait3A_558 = arith.constant 0 : i32
    %dma_wait3A_559 = tpu.memref_slice %arg15[%dma_wait3A_557, %dma_wait3A_558] : memref<64x128xf32, #tpu.memory_space<vmem>> -> memref<32x128xf32, #tpu.memory_space<vmem>>
    %dma_wait3A_560 = arith.constant 0 : i32
    %dma_wait3A_561 = tpu.memref_slice %arg7[%mul3A_338, %dma_wait3A_560] : memref<2048x128xf32, #tpu.memory_space<hbm>> -> memref<32x128xf32, #tpu.memory_space<hbm>>
    %dma_wait3A_562 = arith.constant 0 : i32
    %dma_wait3A_563 = tpu.memref_slice %arg7[%mul3A_338, %dma_wait3A_562] : memref<2048x128xf32, #tpu.memory_space<hbm>> -> memref<32x128xf32, #tpu.memory_space<hbm>>
    %dma_wait3A_564 = arith.constant 0 : i32
    %dma_wait3A_565 = arith.constant 0 : i32
    %dma_wait3A_566 = tpu.memref_slice %arg15[%dma_wait3A_564, %dma_wait3A_565] : memref<64x128xf32, #tpu.memory_space<vmem>> -> memref<32x128xf32, #tpu.memory_space<vmem>>
    tpu.wait_dma2 semaphore(%arg18 : memref<!tpu.dma_semaphore, #tpu.memory_space<semaphore_mem>>) src(%dma_wait3A_566 : memref<32x128xf32, #tpu.memory_space<vmem>>) dst(%dma_wait3A_563 : memref<32x128xf32, #tpu.memory_space<hbm>>)
    %add3A_567 = arith.addf %broadcast_in_dim3A_13, %scan3A_551#0 : vector<16xf32>
    %add3A_568 = arith.addf %add3A_567, %scan3A_551#1 : vector<16xf32>
    %add3A_569 = arith.addf %add3A_568, %scan3A_551#2 : vector<16xf32>
    %add3A_570 = arith.addf %add3A_569, %scan3A_551#3 : vector<16xf32>
    %add3A_571 = arith.addf %add3A_570, %scan3A_551#4 : vector<16xf32>
    %add3A_572 = arith.addf %add3A_571, %scan3A_551#5 : vector<16xf32>
    %add3A_573 = arith.addf %add3A_572, %scan3A_551#6 : vector<16xf32>
    %add3A_574 = arith.addf %add3A_573, %scan3A_551#7 : vector<16xf32>
    %add3A_575 = arith.addf %broadcast_in_dim3A_13, %scan3A_551#8 : vector<16xf32>
    %add3A_576 = arith.addf %add3A_575, %scan3A_551#9 : vector<16xf32>
    %add3A_577 = arith.addf %add3A_576, %scan3A_551#10 : vector<16xf32>
    %add3A_578 = arith.addf %add3A_577, %scan3A_551#11 : vector<16xf32>
    %add3A_579 = arith.addf %add3A_578, %scan3A_551#12 : vector<16xf32>
    %add3A_580 = arith.addf %add3A_579, %scan3A_551#13 : vector<16xf32>
    %add3A_581 = arith.addf %add3A_580, %scan3A_551#14 : vector<16xf32>
    %add3A_582 = arith.addf %add3A_581, %scan3A_551#15 : vector<16xf32>
    %add3A_583 = arith.addf %broadcast_in_dim3A_13, %scan3A_551#16 : vector<16xf32>
    %add3A_584 = arith.addf %add3A_583, %scan3A_551#17 : vector<16xf32>
    %add3A_585 = arith.addf %add3A_584, %scan3A_551#18 : vector<16xf32>
    %add3A_586 = arith.addf %add3A_585, %scan3A_551#19 : vector<16xf32>
    %add3A_587 = arith.addf %add3A_586, %scan3A_551#20 : vector<16xf32>
    %add3A_588 = arith.addf %add3A_587, %scan3A_551#21 : vector<16xf32>
    %add3A_589 = arith.addf %add3A_588, %scan3A_551#22 : vector<16xf32>
    %add3A_590 = arith.addf %add3A_589, %scan3A_551#23 : vector<16xf32>
    %swap3A = arith.constant 0 : index
    %swap3A_591 = tpu.vector_load %arg16[%swap3A] {strides = array<i32>} : memref<48xf32, #tpu.memory_space<vmem>>, vector<16xf32>,
    %swap3A_592 = vector.shape_cast %swap3A_591 : vector<16xf32> to vector<16xf32>
    %swap3A_593 = vector.shape_cast %add3A_574 : vector<16xf32> to vector<16xf32>
    tpu.vector_store %arg16[%swap3A], %swap3A_593 {strides = array<i32>} : memref<48xf32, #tpu.memory_space<vmem>>, vector<16xf32>,
    %swap3A_594 = arith.constant 16 : index
    %swap3A_595 = tpu.vector_load %arg16[%swap3A_594] {strides = array<i32>} : memref<48xf32, #tpu.memory_space<vmem>>, vector<16xf32>,
    %swap3A_596 = vector.shape_cast %swap3A_595 : vector<16xf32> to vector<16xf32>
    %swap3A_597 = vector.shape_cast %add3A_582 : vector<16xf32> to vector<16xf32>
    tpu.vector_store %arg16[%swap3A_594], %swap3A_597 {strides = array<i32>} : memref<48xf32, #tpu.memory_space<vmem>>, vector<16xf32>,
    %swap3A_598 = arith.constant 32 : index
    %swap3A_599 = tpu.vector_load %arg16[%swap3A_598] {strides = array<i32>} : memref<48xf32, #tpu.memory_space<vmem>>, vector<16xf32>,
    %swap3A_600 = vector.shape_cast %swap3A_599 : vector<16xf32> to vector<16xf32>
    %swap3A_601 = vector.shape_cast %add3A_590 : vector<16xf32> to vector<16xf32>
    tpu.vector_store %arg16[%swap3A_598], %swap3A_601 {strides = array<i32>} : memref<48xf32, #tpu.memory_space<vmem>>, vector<16xf32>,
    "tpu.region"() ({
      %run_scoped3A = tpu.sem_alloc : memref<!tpu.dma_semaphore, #tpu.memory_space<semaphore_mem>>
      %dma_start3A_602 = arith.constant 0 : i32
      %dma_start3A_603 = tpu.memref_slice %arg8[%add3A, %dma_start3A_602] : memref<32x48xf32, #tpu.memory_space<hbm>> -> memref<1x48xf32, #tpu.memory_space<hbm>>
      %dma_start3A_604 = tpu.memref_squeeze %dma_start3A_603 : memref<1x48xf32, #tpu.memory_space<hbm>> -> memref<48xf32, #tpu.memory_space<hbm>>
      %dma_start3A_605 = arith.constant 0 : i32
      %dma_start3A_606 = tpu.memref_slice %arg8[%add3A, %dma_start3A_605] : memref<32x48xf32, #tpu.memory_space<hbm>> -> memref<1x48xf32, #tpu.memory_space<hbm>>
      %dma_start3A_607 = tpu.memref_squeeze %dma_start3A_606 : memref<1x48xf32, #tpu.memory_space<hbm>> -> memref<48xf32, #tpu.memory_space<hbm>>
      tpu.enqueue_dma source(%arg16 : memref<48xf32, #tpu.memory_space<vmem>>) target(%dma_start3A_607 : memref<48xf32, #tpu.memory_space<hbm>>) target_semaphore(%run_scoped3A : memref<!tpu.dma_semaphore, #tpu.memory_space<semaphore_mem>>)
      %dma_wait3A_608 = arith.constant 0 : i32
      %dma_wait3A_609 = tpu.memref_slice %arg8[%add3A, %dma_wait3A_608] : memref<32x48xf32, #tpu.memory_space<hbm>> -> memref<1x48xf32, #tpu.memory_space<hbm>>
      %dma_wait3A_610 = tpu.memref_squeeze %dma_wait3A_609 : memref<1x48xf32, #tpu.memory_space<hbm>> -> memref<48xf32, #tpu.memory_space<hbm>>
      %dma_wait3A_611 = arith.constant 0 : i32
      %dma_wait3A_612 = tpu.memref_slice %arg8[%add3A, %dma_wait3A_611] : memref<32x48xf32, #tpu.memory_space<hbm>> -> memref<1x48xf32, #tpu.memory_space<hbm>>
      %dma_wait3A_613 = tpu.memref_squeeze %dma_wait3A_612 : memref<1x48xf32, #tpu.memory_space<hbm>> -> memref<48xf32, #tpu.memory_space<hbm>>
      tpu.wait_dma2 semaphore(%run_scoped3A : memref<!tpu.dma_semaphore, #tpu.memory_space<semaphore_mem>>) src(%arg16 : memref<48xf32, #tpu.memory_space<vmem>>) dst(%dma_wait3A_613 : memref<48xf32, #tpu.memory_space<hbm>>)
      tpu.yield
    }) : () -> ()
    return
  }
}

module attributes {stable_mosaic.version = 14 : i64} {
  func.func @_tc_body(%arg0: memref<2048x128xf32, #tpu.memory_space<vmem>>, %arg1: memref<32x48xf32, #tpu.memory_space<vmem>>, %arg2: memref<1x1xf32, #tpu.memory_space<vmem>>) attributes {dimension_semantics = [], scalar_prefetch = 0 : i64, scratch_operands = 0 : i64, tpu.core_type = #tpu.core_type<tc>} {
    %get3A = arith.constant 0 : index
    %get3A_0 = arith.constant 0 : index
    %get3A_1 = vector.load %arg0[%get3A, %get3A_0] : memref<2048x128xf32, #tpu.memory_space<vmem>>, vector<2048x128xf32>
    %iota3A = tpu.iota {dimensions = array<i32: 0>} : vector<128x8xi32>
    %jit3A = arith.constant 16 : i32
    %div3A = vector.broadcast %jit3A : i32 to vector<128x8xi32>
    %div3A_2 = arith.divsi %iota3A, %div3A : vector<128x8xi32>
    %sign3A = arith.constant 0 : i32
    %sign3A_3 = vector.broadcast %sign3A : i32 to vector<128x8xi32>
    %sign3A_4 = arith.cmpi sgt, %iota3A, %sign3A_3 : vector<128x8xi32>
    %sign3A_5 = arith.extui %sign3A_4 : vector<128x8xi1> to vector<128x8xi32>
    %sign3A_6 = arith.constant 0 : i32
    %sign3A_7 = vector.broadcast %sign3A_6 : i32 to vector<128x8xi32>
    %sign3A_8 = arith.cmpi slt, %iota3A, %sign3A_7 : vector<128x8xi32>
    %sign3A_9 = arith.extui %sign3A_8 : vector<128x8xi1> to vector<128x8xi32>
    %sign3A_10 = arith.subi %sign3A_5, %sign3A_9 : vector<128x8xi32>
    %sign3A_11 = arith.constant 0 : i32
    %sign3A_12 = arith.cmpi sgt, %jit3A, %sign3A_11 : i32
    %sign3A_13 = arith.extui %sign3A_12 : i1 to i32
    %sign3A_14 = arith.constant 0 : i32
    %sign3A_15 = arith.cmpi slt, %jit3A, %sign3A_14 : i32
    %sign3A_16 = arith.extui %sign3A_15 : i1 to i32
    %sign3A_17 = arith.subi %sign3A_13, %sign3A_16 : i32
    %ne3A = vector.broadcast %sign3A_17 : i32 to vector<128x8xi32>
    %ne3A_18 = arith.cmpi ne, %sign3A_10, %ne3A : vector<128x8xi32>
    %rem3A = vector.broadcast %jit3A : i32 to vector<128x8xi32>
    %rem3A_19 = arith.remsi %iota3A, %rem3A : vector<128x8xi32>
    %ne3A_20 = arith.constant 0 : i32
    %ne3A_21 = vector.broadcast %ne3A_20 : i32 to vector<128x8xi32>
    %ne3A_22 = arith.cmpi ne, %rem3A_19, %ne3A_21 : vector<128x8xi32>
    %and3A = arith.andi %ne3A_18, %ne3A_22 : vector<128x8xi1>
    %sub3A = arith.constant 1 : i32
    %sub3A_23 = vector.broadcast %sub3A : i32 to vector<128x8xi32>
    %sub3A_24 = arith.subi %div3A_2, %sub3A_23 : vector<128x8xi32>
    %select_n3A = arith.select %and3A, %sub3A_24, %div3A_2 : vector<128x8xi1>, vector<128x8xi32>
    %iota3A_25 = tpu.iota {dimensions = array<i32: 1>} : vector<128x8xi32>
    %eq3A = arith.cmpi eq, %select_n3A, %iota3A_25 : vector<128x8xi32>
    %convert_element_type3A = arith.extui %eq3A : vector<128x8xi1> to vector<128x8xi32>
    %convert_element_type3A_26 = arith.sitofp %convert_element_type3A : vector<128x8xi32> to vector<128x8xf32>
    %dot_general3A = arith.constant dense<0.000000e+00> : vector<2048x8xf32>
    %dot_general3A_27 = tpu.matmul %get3A_1, %convert_element_type3A_26, %dot_general3A {dimension_numbers = #tpu.dot_dimension_numbers<[1], [0], [0], [1], [0, 0, 1, 1], [], []>, transpose_lhs_hint = false} : vector<2048x128xf32>, vector<128x8xf32>, vector<2048x8xf32> -> vector<2048x8xf32>
    %logistic3A = arith.negf %dot_general3A_27 : vector<2048x8xf32>
    %logistic3A_28 = math.exp %logistic3A : vector<2048x8xf32>
    %logistic3A_29 = arith.constant 1.000000e+00 : f32
    %logistic3A_30 = vector.broadcast %logistic3A_29 : f32 to vector<2048x8xf32>
    %logistic3A_31 = arith.addf %logistic3A_30, %logistic3A_28 : vector<2048x8xf32>
    %logistic3A_32 = arith.divf %logistic3A_30, %logistic3A_31 : vector<2048x8xf32>
    %add3A = arith.constant 9.99999974E-6 : f32
    %add3A_33 = vector.broadcast %add3A : f32 to vector<2048x8xf32>
    %add3A_34 = arith.addf %add3A_33, %logistic3A_32 : vector<2048x8xf32>
    %log3A = math.log %add3A_34 : vector<2048x8xf32>
    %neg3A = arith.constant 0.000000e+00 : f32
    %neg3A_35 = vector.broadcast %neg3A : f32 to vector<2048x8xf32>
    %neg3A_36 = arith.subf %neg3A_35, %log3A : vector<2048x8xf32>
    %reduce_sum3A = vector.shape_cast %neg3A_36 : vector<2048x8xf32> to vector<1x2048x8xf32>
    %reduce_sum3A_37 = arith.constant dense<0.000000e+00> : vector<1xf32>
    %reduce_sum3A_38 = vector.multi_reduction <add>, %reduce_sum3A, %reduce_sum3A_37 [1, 2] : vector<1x2048x8xf32> to vector<1xf32>
    %reduce_sum3A_39 = vector.shape_cast %reduce_sum3A_38 : vector<1xf32> to vector<1x1x1xf32>
    %reduce_sum3A_40 = vector.extract %reduce_sum3A_39[0, 0, 0] : f32 from vector<1x1x1xf32>
    %div3A_41 = arith.constant 1.638400e+04 : f32
    %div3A_42 = arith.divf %reduce_sum3A_40, %div3A_41 : f32
    %get3A_43 = arith.constant 0 : index
    %get3A_44 = arith.constant 0 : index
    %get3A_45 = vector.load %arg1[%get3A_43, %get3A_44] : memref<32x48xf32, #tpu.memory_space<vmem>>, vector<32x48xf32>
    %slice3A = vector.extract_strided_slice %get3A_45 {offsets = [0, 0], sizes = [32, 16], strides = [1, 1]} : vector<32x48xf32> to vector<32x16xf32>
    %reduce_sum3A_46 = vector.shape_cast %slice3A : vector<32x16xf32> to vector<1x32x16xf32>
    %reduce_sum3A_47 = arith.constant dense<0.000000e+00> : vector<1xf32>
    %reduce_sum3A_48 = vector.multi_reduction <add>, %reduce_sum3A_46, %reduce_sum3A_47 [1, 2] : vector<1x32x16xf32> to vector<1xf32>
    %reduce_sum3A_49 = vector.shape_cast %reduce_sum3A_48 : vector<1xf32> to vector<1x1x1xf32>
    %reduce_sum3A_50 = vector.extract %reduce_sum3A_49[0, 0, 0] : f32 from vector<1x1x1xf32>
    %slice3A_51 = vector.extract_strided_slice %get3A_45 {offsets = [0, 16], sizes = [32, 16], strides = [1, 1]} : vector<32x48xf32> to vector<32x16xf32>
    %reduce_sum3A_52 = vector.shape_cast %slice3A_51 : vector<32x16xf32> to vector<1x32x16xf32>
    %reduce_sum3A_53 = arith.constant dense<0.000000e+00> : vector<1xf32>
    %reduce_sum3A_54 = vector.multi_reduction <add>, %reduce_sum3A_52, %reduce_sum3A_53 [1, 2] : vector<1x32x16xf32> to vector<1xf32>
    %reduce_sum3A_55 = vector.shape_cast %reduce_sum3A_54 : vector<1xf32> to vector<1x1x1xf32>
    %reduce_sum3A_56 = vector.extract %reduce_sum3A_55[0, 0, 0] : f32 from vector<1x1x1xf32>
    %slice3A_57 = vector.extract_strided_slice %get3A_45 {offsets = [0, 32], sizes = [32, 16], strides = [1, 1]} : vector<32x48xf32> to vector<32x16xf32>
    %reduce_sum3A_58 = vector.shape_cast %slice3A_57 : vector<32x16xf32> to vector<1x32x16xf32>
    %reduce_sum3A_59 = arith.constant dense<0.000000e+00> : vector<1xf32>
    %reduce_sum3A_60 = vector.multi_reduction <add>, %reduce_sum3A_58, %reduce_sum3A_59 [1, 2] : vector<1x32x16xf32> to vector<1xf32>
    %reduce_sum3A_61 = vector.shape_cast %reduce_sum3A_60 : vector<1xf32> to vector<1x1x1xf32>
    %reduce_sum3A_62 = vector.extract %reduce_sum3A_61[0, 0, 0] : f32 from vector<1x1x1xf32>
    %sqrt3A = math.sqrt %reduce_sum3A_50 : f32
    %sqrt3A_63 = math.sqrt %reduce_sum3A_56 : f32
    %add3A_64 = arith.addf %sqrt3A, %sqrt3A_63 : f32
    %sqrt3A_65 = math.sqrt %reduce_sum3A_62 : f32
    %add3A_66 = arith.addf %add3A_64, %sqrt3A_65 : f32
    %div3A_67 = arith.constant 1.638400e+04 : f32
    %div3A_68 = arith.divf %add3A_66, %div3A_67 : f32
    %mul3A = arith.constant 9.99999974E-5 : f32
    %mul3A_69 = arith.mulf %div3A_68, %mul3A : f32
    %div3A_70 = arith.constant 1.638400e+04 : f32
    %div3A_71 = arith.divf %mul3A_69, %div3A_70 : f32
    %add3A_72 = arith.addf %div3A_42, %div3A_71 : f32
    %reshape3A = vector.broadcast %add3A_72 : f32 to vector<1x1xf32>
    %swap3A = arith.constant 0 : index
    %swap3A_73 = arith.constant 0 : index
    %swap3A_74 = vector.load %arg2[%swap3A, %swap3A_73] : memref<1x1xf32, #tpu.memory_space<vmem>>, vector<1x1xf32>
    tpu.vector_store %arg2[%swap3A, %swap3A_73], %reshape3A {strides = array<i32>} : memref<1x1xf32, #tpu.memory_space<vmem>>, vector<1x1xf32>,
    return
  }
}

</mosaic_0001>

<sc_bundles>
// kernel: kernel.4.cloned.1.call-start
scs
__scs_entry_jumppad:
0x0: {  	(pc) =	sbr.rel $0x88, $3  }
0x1: {  	(tag) =	ssettag $0x0;
	lr =	simm.s32 $0x1  }
0x2: {  	[smem:$0x3F9C] =	sst lr;
	_ =	strace $0xD0000000  }
0x3: {  	_ = 	snop  }
0x4: {  	_ = 	snop  }
0x5: {  	_ = 	snop  }
0x6: {  	_ = 	snop  }
0x7: {  	_ = 	snop  }
__scs_overlays_trampoline_lowered:
0x8: {  	[smem:$0x3FAB] =	sst s0  }
0x9: {  	[smem:$0x3FAC] =	sst s1  }
0xa: {  	[smem:$0x3FAD] =	sst s2  }
0xb: {  	[smem:$0x3FAE] =	sst s3  }
0xc: {  	[smem:$0x3FAF] =	sst s4  }
0xd: {  	[smem:$0x3FB0] =	sst s5  }
0xe: {  	[smem:$0x3FB1] =	sst s6  }
0xf: {  	[smem:$0x3FB2] =	sst s7  }
0x10: {  	[smem:$0x3FB3] =	sst s8  }
0x11: {  	[smem:$0x3FB4] =	sst s9;
	s0 =	simm.s32 @!p0 $0x0  }
0x12: {  	s1 =	sld [smem:$0x3F9A];
	s0 =	simm.s32 @p0 $0x1  }
0x13: {  	[smem:$0x3FB5] =	sst s0;
	s0 =	simm.s32 @!p1 $0x0  }
0x14: {  	s2 =	sld [smem:$0x3F99];
	s0 =	simm.s32 @p1 $0x1  }
0x15: {  	[smem:$0x3FB6] =	sst s0;
	s0 =	simm.s32 @!p2 $0x0  }
0x16: {  	s3 =	sld [smem:$0x3FDB];
	s0 =	simm.s32 @p2 $0x1  }
0x17: {  	s4 =	simm.s32 $0x1BF5;
	[smem:$0x3FB8] =	sst s0  }
0x18: {  	s0 =	sld [smem:$0x3F9B];
	_ =	swait.ge [sflag:s4], $0x0  }
0x19: {  	s7 =	sld [smem:$0x3F9C]  }
0x1a: {  	s8 =	sadd.s32 $0xFFFFE003, lr  }
0x1b: {  	s9 =	sadd.s32 $0xFFFFFEF7, lr;
	s5 =	simm.s32 $0xFFFFFFFF;
	p2 =	slt.u32 s8, $0xFFFFF086  }
0x1c: {  	p1 =	slt.u32 s9, $0xF7A;
	s5 =	simm.s32 @!p2 $0x0  }
0x1d: {  	s5 =	simm.s32 @p1 $0x1;
	p0 =	seq.s32 s7, s2  }
0x1e: {  	s7 =	smul.u32 @!p0 $0xF7A, s2;
	p2 =	seq.s32 @!p0 s5, $0x0  }
0x1f: {  	s9 =	smul.u32 $0xF7A, s1;
	s8 =	simm.s32 @!p0 $0x1BF5;
	p2 =	por !p2, p0  }
0x20: {  	[sflag:s8] =	ssyncset.s32 @!p0 $0xFFFFF086;
	s6 =	sadd.s32 @!p0 s3, s7;
	s7 =	simm.s32 @!p0 $0x108  }
0x21: {  	s3 =	sadd.s32 s3, s9;
	s6 =	sadd.s32 @!p0 $0x88, s6;
	s7 =	simm.s32 @p2 $0x1082  }
0x22: {  	[simem:s7], [sflag:s8] =	dma.local @!p0 [hbm:s6], $0xF7A  }
0x23: {  	s9 =	sor.u32 $0xD0000000, s2;
	s6 =	simm.s32 $0x108;
	_ =	swait.ge @!p0 [sflag:s8], $0x0  }
0x24: {  	s3 =	sadd.s32 $0x88, s3;
	s6 =	simm.s32 @!p1 $0x1082;
	[sflag:s4] =	ssyncset.s32 $0xFFFFF086  }
0x25: {  	[simem:s6], [sflag:s4] =	dma.local [hbm:s3], $0xF7A  }
0x26: {  	[smem:$0x3F9C] =	sst s1;
	(tag) =	ssettag s2;
	_ =	strace s9  }
0x27: {  	s1 =	sld [smem:$0x3FAC]  }
0x28: {  	s2 =	sld [smem:$0x3FAD]  }
0x29: {  	s4 =	sld [smem:$0x3FAF]  }
0x2a: {  	p0 =	seq.s32 s5, $0x0;
	s5 =	sld [smem:$0x3FB0]  }
0x2b: {  	s6 =	sld [smem:$0x3FB1]  }
0x2c: {  	s7 =	sld [smem:$0x3FB2]  }
0x2d: {  	s3 =	simm.s32 $0x108;
	s8 =	sld [smem:$0x3FB3]  }
0x2e: {  	s3 =	simm.s32 @!p0 $0x1082;
	s9 =	sld [smem:$0x3FB4]  }
0x2f: {  	lr =	sadd.s32 s0, s3;
	s0 =	sld [smem:$0x3FAB]  }
0x30: {  	s3 =	sld [smem:$0x3FAE]  }
0x31: {  	[smem:$0x3FB7] =	sst s10  }
0x32: {  	s10 =	sld [smem:$0x3FB5];
	_ =	sdelay $0x3  }
0x33: {  	p0 =	seq.s32 s10, $0x1;
	s10 =	sld [smem:$0x3FB7];
	_ =	sdelay $0x3  }
0x34: {  	[smem:$0x3FB7] =	sst s10  }
0x35: {  	s10 =	sld [smem:$0x3FB6];
	_ =	sdelay $0x3  }
0x36: {  	p1 =	seq.s32 s10, $0x1;
	s10 =	sld [smem:$0x3FB7];
	_ =	sdelay $0x3  }
0x37: {  	[smem:$0x3FB7] =	sst s10  }
0x38: {  	s10 =	sld [smem:$0x3FB8]  }
0x39: {  	_ = 	snop;
	(pc) =	sbr.ind lr, $3  }
0x3a: {  	_ = 	snop  }
0x3b: {  	_ = 	snop  }
0x3c: {  	p2 =	seq.s32 s10, $0x1;
	s10 =	sld [smem:$0x3FB7]  }
0x3d: {  	_ =	shalt  }
0x3e: {  	_ =	shalt  }
0x3f: {  	_ =	shalt  }
0x40: {  	_ =	shalt  }
0x41: {  	_ =	shalt  }
0x42: {  	_ =	shalt  }
0x43: {  	_ =	shalt  }
0x44: {  	_ =	shalt  }
0x45: {  	_ =	shalt  }
0x46: {  	_ =	shalt  }
0x47: {  	_ =	shalt  }
0x48: {  	_ =	shalt  }
0x49: {  	_ =	shalt  }
0x4a: {  	_ =	shalt  }
0x4b: {  	_ =	shalt  }
0x4c: {  	_ =	shalt  }
0x4d: {  	_ =	shalt  }
0x4e: {  	_ =	shalt  }
0x4f: {  	_ =	shalt  }
0x50: {  	_ =	shalt  }
0x51: {  	_ =	shalt  }
0x52: {  	_ =	shalt  }
0x53: {  	_ =	shalt  }
0x54: {  	_ =	shalt  }
0x55: {  	_ =	shalt  }
0x56: {  	_ =	shalt  }
0x57: {  	_ =	shalt  }
0x58: {  	_ =	shalt  }
0x59: {  	_ =	shalt  }
0x5a: {  	_ =	shalt  }
0x5b: {  	_ =	shalt  }
0x5c: {  	_ =	shalt  }
0x5d: {  	_ =	shalt  }
0x5e: {  	_ =	shalt  }
0x5f: {  	_ =	shalt  }
0x60: {  	_ =	shalt  }
0x61: {  	_ =	shalt  }
0x62: {  	_ =	shalt  }
0x63: {  	_ =	shalt  }
0x64: {  	_ =	shalt  }
0x65: {  	_ =	shalt  }
0x66: {  	_ =	shalt  }
0x67: {  	_ =	shalt  }
0x68: {  	_ =	shalt  }
0x69: {  	_ =	shalt  }
0x6a: {  	_ =	shalt  }
0x6b: {  	_ =	shalt  }
0x6c: {  	_ =	shalt  }
0x6d: {  	_ =	shalt  }
0x6e: {  	_ =	shalt  }
0x6f: {  	_ =	shalt  }
0x70: {  	_ =	shalt  }
0x71: {  	_ =	shalt  }
0x72: {  	_ =	shalt  }
0x73: {  	_ =	shalt  }
0x74: {  	_ =	shalt  }
0x75: {  	_ =	shalt  }
0x76: {  	_ =	shalt  }
0x77: {  	_ =	shalt  }
0x78: {  	_ =	shalt  }
0x79: {  	_ =	shalt  }
0x7a: {  	_ =	shalt  }
0x7b: {  	_ =	shalt  }
0x7c: {  	_ =	shalt  }
0x7d: {  	_ =	shalt  }
0x7e: {  	_ =	shalt  }
0x7f: {  	_ =	shalt  }
0x80: {  	_ =	shalt  }
0x81: {  	_ =	shalt  }
0x82: {  	_ =	shalt  }
0x83: {  	_ =	shalt  }
0x84: {  	_ =	shalt  }
0x85: {  	_ =	shalt  }
0x86: {  	_ =	shalt  }
0x87: {  	_ =	shalt  }
.Lfunc_end0:
.L_simem_size_0:
called_computation_lowered:
.L_overlay_start_0:
0x88: {  	s2 =	sld [smem:$0x3FD9]  }
0x89: {  	s3 =	sld [smem:$0x3FFE];
	_ =	sdelay $0x1  }
0x8a: {  	s1 =	srdreg.scid  }
0x8b: {  	s0 =	sand.u32 $0x1, s1  }
0x8c: {  	s17 =	sshll.u32 s0, $0xA;
	s2 =	sadd.s32 s3, s2  }
0x8d: {  	s2 =	sadd.s32 s2, s17  }
0x8e: {  	[smem:$0x3FC3] =	sst s2  }
0x8f: {  	_ = 	snop  }
0x90: {  	s2 =	sld [smem:$0x3FC9]  }
0x91: {  	s18 =	sld [smem:$0x3FC8]  }
0x92: {  	s4 =	sld [smem:$0x3FC7]  }
0x93: {  	s5 =	sld [smem:$0x3FC6]  }
0x94: {  	s6 =	sld [smem:$0x3FC5];
	(tm) =	ssettm $0x1  }
0x95: {  	s7 =	sld [smem:$0x3FFB];
	_ =	sdelay $0x3  }
0x96: {  	_ =	strace s7  }
0x97: {  	s7 =	sld [smem:$0x3FFC];
	_ =	sdelay $0x3  }
0x98: {  	_ =	strace s7  }
0x99: {  	s7 =	sld [smem:$0x3FFD];
	_ =	sdelay $0x3  }
0x9a: {  	_ =	strace s7  }
0x9b: {  	_ =	strace $0x8FFFFFFF  }
0x9c: {  	s19 =	sld [smem:$0x3FDB];
	_ =	sdelay $0x1  }
0x9d: {  	s8 =	simm.s32 $_scs_section_size  }
0x9e: {  	s9 =	simm.s32 $_size__tile_overlayer_lowered;
	s10 =	simm.s32 $_tile_overlayer_lowered  }
0x9f: {  	s22 =	simm.s32 $0x1BFF;
	s21 =	sshll.u32 s10, $0x1;
	s7 =	sadd.s32 s8, s19  }
0xa0: {  	s11 =	simm.s32 $0x0;
	s20 =	sshll.u32 s9, $0x1;
	s9 =	sadd.s32 s21, s7  }
0xa1: {  	[timem:s11], [sflag:s22] =	dma.local [hbm:s9], s20  }
0xa2: {  	_ =	swait.ge [sflag:s22], s20  }
0xa3: {  	s8 =	ssub.s32 $0x0, s20;
	[sflag:s22] =	ssyncset.done $0x0  }
0xa4: {  	[sflag:s22] =	ssyncadd.s32 s8;
	_ =	sdelay $0x1  }
0xa5: {  	s23 =	simm.s32 $0x1B8B  }
0xa6: {  	_ =	swait.ge [sflag:s23], $0x1  }
0xa7: {  	[sflag:s23] =	ssyncset.done $0x0  }
0xa8: {  	s25 =	simm.s32 $0x1B8E;
	s24 =	sld [smem:$0x3FFE];
	[sflag:s23] =	ssyncadd.s32 $0xFFFFFFFF  }
0xa9: {  	s26 =	simm.s32 $execute0_lowered;
	[smem:$0x3FD2] =	sst s25  }
0xaa: {  	s9 =	sshll.u32 s26, $0x1;
	_ =	strace $0x80000046;
	[dreg:$0x1] =	wrdreg $0xFFFFFFFF  }
0xab: {  	s28 =	simm.s32 $_size_execute0_lowered;
	s7 =	sadd.s32 s7, s9;
	[dreg:$0x0] =	wrdreg $0x0  }
0xac: {  	s9 =	sshll.u32 s28, $0x1;
	[dreg:$0x2] =	wrdreg s7  }
0xad: {  	[dreg:$0x3] =	wrdreg s9  }
0xae: {  	[dreg:$0x4] =	wrdreg $0xC0  }
0xaf: {  	_ =	task [dreg:s11], $0x5FFFF  }
0xb0: {  	[dreg:$0x1] =	wrdreg $0xFFFFFFFF  }
0xb1: {  	[dreg:$0x0] =	wrdreg $0x60  }
0xb2: {  	[dreg:$0x2] =	wrdreg s5  }
0xb3: {  	[dreg:$0x3] =	wrdreg s6  }
0xb4: {  	[dreg:$0x4] =	wrdreg s2  }
0xb5: {  	[dreg:$0x5] =	wrdreg s18  }
0xb6: {  	[dreg:$0x6] =	wrdreg s4  }
0xb7: {  	[dreg:$0x7] =	wrdreg s24  }
0xb8: {  	[dreg:$0x8] =	wrdreg $0x9  }
0xb9: {  	_ =	task.clear_ibuf [dreg:s11], $0x9FFFF;
	_ =	strace $0x90000046  }
0xba: {  	s29 =	simm.s32 $0x9;
	_ =	strace $0x80000048  }
0xbb: {  	_ =	swait.ge [sflag:s29], $0x1  }
0xbc: {  	[sflag:s29] =	ssyncadd.s32 $0xFFFFFFFF  }
0xbd: {  	_ =	strace $0x90000048  }
0xbe: {  	_ =	sfence  }
0xbf: {  	s30 =	sld [smem:$0x0];
	_ =	sdelay $0x2  }
0xc0: {  	s31 =	sshll.u32 s1, $0xD;
	s1 =	sshrl.u32 s1, $0x2  }
0xc1: {  	s3 =	sand.u32 $0x4000, s31;
	s1 =	sadd.s32 s1, s30  }
0xc2: {  	s0 =	sor.u32 s3, s0;
	s1 =	sshll.u32 s1, $0x11  }
0xc3: {  	s0 =	sor.u32 s1, s0  }
0xc4: {  	s0 =	sadd.s32 $0x8F2B, s0  }
0xc5: {  	[sflag:s0] =	ssyncadd.remote.s32 $0x1  }
0xc6: {  	_ =	sfence.sel $0xFFFF  }
0xc7: {  	[dreg:$0x0] =	wrdreg $0xFFFFFFFF;
	(pc) =	sbr.abs _section_cstart, $3  }
0xc8: {  	[dreg:$0x1] =	wrdreg $0xFFFFFFFF  }
0xc9: {  	_ =	task.clear_ibuf [dreg:s11], $0x2FFFF;
	_ =	strace $0x9FFFFFFF  }
0xca: {  	(tm) =	ssettm $0x7FFFFFFF  }
0xcb: {  	_ =	shalt  }
tec
execute0_lowered:
.L_overlay_start_1:
0x0: {  	(tag) =	ssettag $0x1  }
0x1: {  	s0 =	rddreg [dreg:$0x0]  }
0x2: {  	s1 =	rddreg [dreg:$0x1]  }
0x3: {  	s2 =	rddreg [dreg:$0x2]  }
0x4: {  	s3 =	rddreg [dreg:$0x3]  }
0x5: {  	s7 =	rddreg [dreg:$0x4];
	s4 =	srdreg.scid  }
0x6: {  	s8 =	stileid.u32;
	s5 =	rddreg [dreg:$0x5];
	s14 =	simm.s32 $0x1  }
0x7: {  	s15 =	simm.s32 $0x40;
	s16 =	simm.s32 $0x600;
	s17 =	simm.s32 $0x6600  }
0x8: {  	s18 =	simm.s32 $0xC600;
	s19 =	simm.s32 $0x2600;
	s21 =	simm.s32 $0x8600  }
0x9: {  	s23 =	simm.s32 $0xE600;
	s28 =	simm.s32 $0xA600;
	s30 =	simm.s32 $0x10600  }
0xa: {  	s6 =	sand.u32 $0x1, s4;
	s8 =	sshll.u32 s8, $0x1;
	s4 =	simm.s32 $0x0  }
0xb: {  	s22 =	simm.s32 $0x0;
	s8 =	sor.u32 s6, s8;
	[smem:$0x7FF] =	sst s4  }
0xc: {  	s6 =	ssub.s32 $0x2, s6;
	s9 =	sshll.u32 s8, $0xA;
	_ =	strace $0x80000047  }
0xd: {  	s10 =	sshll.u32 s8, $0x4;
	s11 =	sshrl.u32 s6, $0x1;
	s8 =	sshll.u32 s8, $0x6  }
0xe: {  	s9 =	sadd.s32 s9, s5;
	s10 =	sadd.s32 s10, s5;
	s11 =	ssub.s32 s6, s11  }
0xf: {  	s5 =	sadd.s32 s2, s8;
	s6 =	sadd.s32 s3, s8;
	s7 =	sadd.s32 s7, s8  }
0x10: {  	s3 =	simm.s32 $0x3;
	s2 =	simm.s32 $0x2;
	s8 =	sadd.s32 $0xC00, s9  }
0x11: {  	s9 =	sadd.s32 $0xE00, s9;
	s10 =	sadd.s32 $0x8C00, s10;
	s11 =	smax.u32 s11, $0x1  }
.LBB2_1:
0x12: {  	[tilespmem:s4], [sflag:$0x1] =	stream.linear.gather [hbm4b:s5+s4], $0x200, $0x38;
	[tilespmem:$0x14680] =	vst v63  }
0x13: {  	s12 =	simm.s32 $0x200  }
0x14: {  	[tilespmem:s12], [sflag:$0x1] =	stream.linear.gather [hbm4b:s6+s4], $0x200, $0x38;
	[tilespmem:$0x14680] =	vst v63  }
0x15: {  	s13 =	simm.s32 $0x400  }
0x16: {  	[tilespmem:s13], [sflag:$0x1] =	stream.linear.gather [hbm4b:s7+s4], $0x200, $0x38;
	[tilespmem:$0x14680] =	vst v63  }
0x17: {  	_ =	swait.ge [sflag:s14], $0x200  }
0x18: {  	[sflag:s14] =	ssyncset.done $0x0  }
0x19: {  	[sflag:s14] =	ssyncadd.s32 $0xFFFFFE00  }
0x1a: {  	_ =	swait.ge [sflag:s14], $0x200  }
0x1b: {  	[sflag:s14] =	ssyncset.done $0x0  }
0x1c: {  	[sflag:s14] =	ssyncadd.s32 $0xFFFFFE00  }
0x1d: {  	_ =	swait.ge [sflag:s14], $0x200  }
0x1e: {  	[sflag:s14] =	ssyncset.done $0x0  }
0x1f: {  	[sflag:s14] =	ssyncadd.s32 $0xFFFFFE00  }
0x20: {  	[tilespmem:s16], [sflag:$0x1] =	stream.indirect.gather [hbm4b:s0+s15], $0x80, s4, s15, $0xb8;
	[tilespmem:$0x14680] =	vst v63  }
0x21: {  	_ = 	snop  }
0x22: {  	[tilespmem:s17], [sflag:$0x1] =	stream.indirect.gather [hbm4b:s1+s15], $0x80, s12, s15, $0xb8;
	[tilespmem:$0x14680] =	vst v63  }
0x23: {  	_ = 	snop  }
0x24: {  	[tilespmem:s18], [sflag:$0x1] =	stream.indirect.gather [hbm4b:s1+s15], $0x80, s13, s15, $0xb8;
	[tilespmem:$0x14680] =	vst v63  }
0x25: {  	_ = 	snop  }
0x26: {  	[tilespmem:s19], [sflag:$0x1] =	stream.indirect.gather [hbm4b:s0+s15], $0x80, s15, s15, $0xb8;
	[tilespmem:$0x14680] =	vst v63  }
0x27: {  	s26 =	simm.s32 $0x240  }
0x28: {  	[tilespmem:s21], [sflag:$0x1] =	stream.indirect.gather [hbm4b:s1+s15], $0x80, s26, s15, $0xb8;
	[tilespmem:$0x14680] =	vst v63  }
0x29: {  	s13 =	simm.s32 $0x440  }
0x2a: {  	[tilespmem:s23], [sflag:$0x1] =	stream.indirect.gather [hbm4b:s1+s15], $0x80, s13, s15, $0xb8;
	[tilespmem:$0x14680] =	vst v63  }
0x2b: {  	_ =	swait.ge [sflag:s14], $0x2000  }
0x2c: {  	[sflag:s14] =	ssyncset.done $0x0  }
0x2d: {  	[sflag:s14] =	ssyncadd.s32 $0xFFFFE000  }
0x2e: {  	_ =	swait.ge [sflag:s14], $0x2000  }
0x2f: {  	[sflag:s14] =	ssyncset.done $0x0  }
0x30: {  	[sflag:s14] =	ssyncadd.s32 $0xFFFFE000  }
0x31: {  	_ =	swait.ge [sflag:s14], $0x2000  }
0x32: {  	[sflag:s14] =	ssyncset.done $0x0  }
0x33: {  	s20 =	simm.s32 $0x80;
	s24 =	simm.s32 $0x4600;
	[sflag:s14] =	ssyncadd.s32 $0xFFFFE000  }
0x34: {  	[tilespmem:s24], [sflag:$0x1] =	stream.indirect.gather [hbm4b:s0+s15], $0x80, s20, s15, $0xb8;
	[tilespmem:$0x14680] =	vst v63  }
0x35: {  	s25 =	simm.s32 $0x280  }
0x36: {  	[tilespmem:s28], [sflag:$0x1] =	stream.indirect.gather [hbm4b:s1+s15], $0x80, s25, s15, $0xb8;
	[tilespmem:$0x14680] =	vst v63  }
0x37: {  	s26 =	simm.s32 $0x480;
	s13 =	simm.s32 $0x640  }
0x38: {  	[tilespmem:s30], [sflag:$0x1] =	stream.indirect.gather [hbm4b:s1+s15], $0x80, s26, s15, $0xb8;
	[tilespmem:$0x14680] =	vst v63  }
0x39: {  	v0 =	vld [tilespmem:s13+$0xFFFFFFC0]  }
0x3a: {  	v1 =	vld [tilespmem:s13+$0x0]  }
0x3b: {  	v2 =	vld [tilespmem:s13+$0xFFFFFFE0]  }
0x3c: {  	v3 =	vld [tilespmem:s13+$0x20]  }
0x3d: {  	v4 =	vld [tilespmem:s13+$0xFFFFFFD0]  }
0x3e: {  	s20 =	simm.s32 $0x6640;
	v5 =	vld [tilespmem:s13+$0x10]  }
0x3f: {  	s24 =	simm.s32 $0xC640;
	v6 =	vld [tilespmem:s20+$0xFFFFFFC0]  }
0x40: {  	v7 =	vld [tilespmem:s24+$0xFFFFFFC0]  }
0x41: {  	v8 =	vld [tilespmem:s20+$0x0]  }
0x42: {  	v9 =	vld [tilespmem:s24+$0x0]  }
0x43: {  	v10 =	vld [tilespmem:s20+$0xFFFFFFE0]  }
0x44: {  	v11 =	vld [tilespmem:s24+$0xFFFFFFE0]  }
0x45: {  	v12 =	vld [tilespmem:s20+$0x20]  }
0x46: {  	v13 =	vld [tilespmem:s24+$0x20]  }
0x47: {  	v14 =	vld [tilespmem:s20+$0xFFFFFFD0]  }
0x48: {  	v15 =	vld [tilespmem:s24+$0xFFFFFFD0]  }
0x49: {  	v16 =	vld [tilespmem:s20+$0x10]  }
0x4a: {  	v17 =	vld [tilespmem:s24+$0x10]  }
0x4b: {  	v18 =	vld [tilespmem:s20+$0xFFFFFFF0]  }
0x4c: {  	v20 =	vld [tilespmem:s24+$0xFFFFFFF0]  }
0x4d: {  	v22 =	vld [tilespmem:s20+$0x30]  }
0x4e: {  	v23 =	vld [tilespmem:s24+$0x30]  }
0x4f: {  	v19 =	vld [tilespmem:s13+$0xFFFFFFF0];
	v21 =	vsub.f32 v6, v7;
	v24 =	vsub.f32 v8, v9  }
0x50: {  	v30 =	vld [tilespmem:s13+$0x30];
	v25 =	vsub.f32 v10, v11;
	v26 =	vsub.f32 v12, v13  }
0x51: {  	v27 =	vsub.f32 v14, v15;
	v28 =	vsub.f32 v16, v17  }
0x52: {  	v29 =	vsub.f32 v18, v20;
	v21 =	vmul.f32 v21, v0;
	v24 =	vmul.f32 v24, v1  }
0x53: {  	v31 =	vsub.f32 v22, v23;
	v25 =	vmul.f32 v25, v2;
	v26 =	vmul.f32 v26, v3  }
0x54: {  	v27 =	vmul.f32 v27, v4;
	v28 =	vmul.f32 v28, v5  }
0x55: {  	v29 =	vmul.f32 v29, v19;
	v31 =	vmul.f32 v31, v30  }
0x56: {  	v21 =	vadd.f32 v24, v21;
	v24 =	vadd.f32 v26, v25  }
0x57: {  	v6 =	vmul.f32 v6, v6;
	v25 =	vadd.f32 v28, v27;
	v26 =	vadd.f32 v31, v29  }
0x58: {  	v7 =	vmul.f32 v7, v7;
	v8 =	vmul.f32 v8, v8  }
0x59: {  	v9 =	vmul.f32 v9, v9;
	v21 =	vadd.f32 v24, v21;
	v24 =	vadd.f32 v26, v25  }
0x5a: {  	v33 =	vimm.f32 $0.0e+00;
	s25 =	sand.u32 $0xE00, s4;
	v0 =	vmul.f32 v0, v0;
	v1 =	vmul.f32 v1, v1  }
0x5b: {  	s12 =	sshrl.u32 s25, $0x2;
	s26 =	sand.u32 $0x70, s4;
	v2 =	vmul.f32 v2, v2;
	v3 =	vmul.f32 v3, v3;
	v21 =	vadd.f32 v24, v21  }
0x5c: {  	s12 =	sor.u32 s26, s12;
	v4 =	vmul.f32 v4, v4;
	v6 =	vadd.f32 v6, v33;
	v35 =	vadd.f32 v8, v33  }
0x5d: {  	s24 =	simm.s32 $0x6C0;
	v5 =	vmul.f32 v5, v5;
	v37 =	vadd.f32 v9, v33;
	v0 =	vadd.f32 v0, v33;
	[tilespmem:s12+$0x12600] =	vst v21  }
0x5e: {  	v8 =	vmul.f32 v12, v12;
	v1 =	vadd.f32 v1, v33;
	v2 =	vadd.f32 v2, v33;
	v24 =	vld [tilespmem:s24+$0xFFFFFFC0]  }
0x5f: {  	v9 =	vmul.f32 v14, v14;
	v3 =	vadd.f32 v3, v33;
	v4 =	vadd.f32 v4, v33;
	v28 =	vld [tilespmem:s24+$0x0]  }
0x60: {  	v5 =	vadd.f32 v5, v33;
	v31 =	vadd.f32 v7, v33;
	v7 =	vmul.f32 v10, v10;
	v26 =	vld [tilespmem:s24+$0xFFFFFFE0]  }
0x61: {  	v10 =	vmul.f32 v11, v11;
	v40 =	vadd.f32 v8, v33;
	v8 =	vmul.f32 v15, v15;
	v25 =	vld [tilespmem:s24+$0x20]  }
0x62: {  	v49 =	vadd.f32 v9, v33;
	v12 =	vadd.f32 v7, v33;
	v7 =	vmul.f32 v13, v13;
	v27 =	vld [tilespmem:s24+$0xFFFFFFD0]  }
0x63: {  	s26 =	simm.s32 $0x66C0;
	v11 =	vmul.f32 v18, v18;
	v10 =	vadd.f32 v10, v33;
	v18 =	vadd.f32 v8, v33;
	v29 =	vld [tilespmem:s24+$0x10]  }
0x64: {  	s29 =	simm.s32 $0xC6C0;
	v8 =	vmul.f32 v20, v20;
	v48 =	vadd.f32 v7, v33;
	v7 =	vmul.f32 v16, v16;
	v32 =	vld [tilespmem:s26+$0xFFFFFFC0]  }
0x65: {  	v13 =	vmul.f32 v19, v19;
	v19 =	vadd.f32 v11, v33;
	v11 =	vmul.f32 v22, v22;
	v34 =	vld [tilespmem:s29+$0xFFFFFFC0]  }
0x66: {  	v22 =	vadd.f32 v8, v33;
	v20 =	vadd.f32 v7, v33;
	v7 =	vmul.f32 v30, v30;
	v36 =	vld [tilespmem:s26+$0x0]  }
0x67: {  	v9 =	vmul.f32 v17, v17;
	v16 =	vadd.f32 v11, v33;
	v21 =	vadd.f32 v13, v33;
	v38 =	vld [tilespmem:s29+$0x0]  }
0x68: {  	v13 =	vmul.f32 v23, v23;
	v39 =	vld [tilespmem:s26+$0xFFFFFFE0];
	v17 =	vadd.f32 v7, v33;
	v7 =	vmul.f32 v24, v24  }
0x69: {  	v23 =	vadd.f32 v9, v33;
	v42 =	vld [tilespmem:s29+$0xFFFFFFE0];
	v8 =	vmul.f32 v28, v28;
	v9 =	vmul.f32 v26, v26  }
0x6a: {  	v41 =	vld [tilespmem:s26+$0x20];
	v14 =	vadd.f32 v13, v33;
	v15 =	vadd.f32 v7, v0;
	v0 =	vmul.f32 v25, v25  }
0x6b: {  	v43 =	vld [tilespmem:s29+$0x20];
	v13 =	vadd.f32 v8, v1;
	v1 =	vmul.f32 v27, v27;
	v2 =	vadd.f32 v9, v2  }
0x6c: {  	v45 =	vld [tilespmem:s26+$0xFFFFFFD0];
	v9 =	vmul.f32 v29, v29;
	v7 =	vadd.f32 v0, v3;
	v0 =	vmul.f32 v32, v32  }
0x6d: {  	v46 =	vld [tilespmem:s29+$0xFFFFFFD0];
	v8 =	vadd.f32 v1, v4;
	v1 =	vmul.f32 v34, v34;
	v4 =	vmul.f32 v36, v36  }
0x6e: {  	v47 =	vld [tilespmem:s26+$0x10];
	v11 =	vadd.f32 v9, v5;
	v5 =	vmul.f32 v38, v38;
	v9 =	vadd.f32 v0, v6  }
0x6f: {  	v3 =	vadd.f32 v1, v31;
	v1 =	vmul.f32 v39, v39;
	v0 =	vadd.f32 v4, v35;
	v35 =	vld [tilespmem:s29+$0x10]  }
0x70: {  	v30 =	vmul.f32 v41, v41;
	v6 =	vmul.f32 v42, v42;
	v4 =	vadd.f32 v5, v37;
	v37 =	vld [tilespmem:s26+$0xFFFFFFF0]  }
0x71: {  	v33 =	vld [tilespmem:s29+$0xFFFFFFF0];
	v50 =	vmul.f32 v45, v45;
	v5 =	vadd.f32 v1, v12;
	v1 =	vmul.f32 v43, v43  }
0x72: {  	v44 =	vmul.f32 v46, v46;
	v31 =	vld [tilespmem:s26+$0x30];
	v12 =	vadd.f32 v6, v10;
	v6 =	vadd.f32 v30, v40  }
0x73: {  	s31 =	simm.s32 $0x0;
	s20 =	simm.s32 $0x40;
	s12 =	simm.s32 $0x80;
	v30 =	vld [tilespmem:s29+$0x30];
	v40 =	vmul.f32 v47, v47;
	v10 =	vadd.f32 v1, v48;
	v1 =	vadd.f32 v50, v49  }
.LBB2_2:
0x74: {  	p0 =	sne.s32 s12, $0xFC0;
	v48 =	vld [tilespmem:s24+$0xFFFFFFF0];
	v32 =	vsub.f32 v32, v34;
	v34 =	vsub.f32 v36, v38;
	v36 =	vmul.f32 v35, v35  }
0x75: {  	v39 =	vsub.f32 v39, v42;
	v18 =	vadd.f32 v44, v18;
	v38 =	vld [tilespmem:s24+$0x30];
	v42 =	vmul.f32 v37, v37  }
0x76: {  	v24 =	vmul.f32 v32, v24;
	v28 =	vmul.f32 v34, v28;
	v32 =	vsub.f32 v41, v43  }
0x77: {  	v35 =	vsub.f32 v47, v35;
	v34 =	vsub.f32 v45, v46;
	v26 =	vmul.f32 v39, v26  }
0x78: {  	v37 =	vsub.f32 v37, v33;
	v25 =	vmul.f32 v32, v25;
	v32 =	vsub.f32 v31, v30  }
0x79: {  	v29 =	vmul.f32 v35, v29;
	v19 =	vadd.f32 v42, v19;
	v27 =	vmul.f32 v34, v27  }
0x7a: {  	v20 =	vadd.f32 v40, v20;
	v34 =	vmul.f32 v37, v48;
	v32 =	vmul.f32 v32, v38  }
0x7b: {  	v24 =	vadd.f32 v28, v24;
	v25 =	vadd.f32 v25, v26;
	v26 =	vmul.f32 v48, v48  }
0x7c: {  	v27 =	vadd.f32 v29, v27;
	v29 =	vmul.f32 v33, v33;
	v28 =	vadd.f32 v32, v34  }
0x7d: {  	v31 =	vmul.f32 v31, v31;
	v21 =	vadd.f32 v26, v21;
	v26 =	vmul.f32 v38, v38  }
0x7e: {  	v24 =	vadd.f32 v25, v24;
	v25 =	vadd.f32 v28, v27;
	v27 =	vmul.f32 v30, v30  }
0x7f: {  	s13 =	sand.u32 $0xE00, s20;
	s31 =	sadd.s32 $0x10, s31;
	s20 =	smov.u32 s12;
	v23 =	vadd.f32 v36, v23;
	v22 =	vadd.f32 v29, v22  }
0x80: {  	s25 =	sand.u32 $0x70, s31;
	s13 =	sshrl.u32 s13, $0x2;
	v17 =	vadd.f32 v26, v17;
	v24 =	vadd.f32 v25, v24  }
0x81: {  	s13 =	sor.u32 s25, s13;
	v16 =	vadd.f32 v31, v16;
	v14 =	vadd.f32 v27, v14  }
0x82: {  	s24 =	sadd.s32 $0x80, s24;
	[tilespmem:s13+$0x12600] =	vst v24  }
0x83: {  	v24 =	vld [tilespmem:s24+$0xFFFFFFC0]  }
0x84: {  	v28 =	vld [tilespmem:s24+$0x0]  }
0x85: {  	v26 =	vld [tilespmem:s24+$0xFFFFFFE0]  }
0x86: {  	v25 =	vld [tilespmem:s24+$0x20]  }
0x87: {  	v27 =	vld [tilespmem:s24+$0xFFFFFFD0]  }
0x88: {  	s26 =	sadd.s32 $0x80, s26;
	v29 =	vld [tilespmem:s24+$0x10];
	v30 =	vmul.f32 v24, v24  }
0x89: {  	s29 =	sadd.s32 $0x80, s29;
	v32 =	vld [tilespmem:s26+$0xFFFFFFC0];
	v31 =	vmul.f32 v28, v28  }
0x8a: {  	v34 =	vld [tilespmem:s29+$0xFFFFFFC0];
	v15 =	vadd.f32 v30, v15;
	v30 =	vmul.f32 v26, v26  }
0x8b: {  	v36 =	vld [tilespmem:s26+$0x0];
	v13 =	vadd.f32 v31, v13;
	v31 =	vmul.f32 v25, v25  }
0x8c: {  	v38 =	vld [tilespmem:s29+$0x0];
	v33 =	vmul.f32 v27, v27;
	v2 =	vadd.f32 v30, v2  }
0x8d: {  	v39 =	vld [tilespmem:s26+$0xFFFFFFE0];
	v30 =	vmul.f32 v29, v29;
	v7 =	vadd.f32 v31, v7  }
0x8e: {  	v42 =	vld [tilespmem:s29+$0xFFFFFFE0];
	v31 =	vmul.f32 v32, v32;
	v8 =	vadd.f32 v33, v8  }
0x8f: {  	v41 =	vld [tilespmem:s26+$0x20];
	v33 =	vmul.f32 v34, v34;
	v11 =	vadd.f32 v30, v11  }
0x90: {  	v43 =	vld [tilespmem:s29+$0x20];
	v9 =	vadd.f32 v31, v9;
	v30 =	vmul.f32 v36, v36  }
0x91: {  	v45 =	vld [tilespmem:s26+$0xFFFFFFD0];
	v3 =	vadd.f32 v33, v3;
	v31 =	vmul.f32 v38, v38  }
0x92: {  	v46 =	vld [tilespmem:s29+$0xFFFFFFD0];
	v33 =	vmul.f32 v39, v39;
	v0 =	vadd.f32 v30, v0  }
0x93: {  	v47 =	vld [tilespmem:s26+$0x10];
	v30 =	vmul.f32 v42, v42;
	v4 =	vadd.f32 v31, v4  }
.Ltmp0:
0x94: {  	v35 =	vld [tilespmem:s29+$0x10];
	v5 =	vadd.f32 v33, v5;
	v31 =	vmul.f32 v41, v41;
	(pc) =	sbr.rel @p0 .LBB2_2-.Ltmp0, $4  }
0x95: {  	v37 =	vld [tilespmem:s26+$0xFFFFFFF0];
	v12 =	vadd.f32 v30, v12;
	v30 =	vmul.f32 v43, v43  }
0x96: {  	v33 =	vld [tilespmem:s29+$0xFFFFFFF0];
	v40 =	vmul.f32 v45, v45;
	v6 =	vadd.f32 v31, v6  }
0x97: {  	v31 =	vld [tilespmem:s26+$0x30];
	v44 =	vmul.f32 v46, v46;
	v10 =	vadd.f32 v30, v10  }
0x98: {  	s12 =	sadd.s32 $0x40, s12;
	v30 =	vld [tilespmem:s29+$0x30];
	v1 =	vadd.f32 v40, v1;
	v40 =	vmul.f32 v47, v47  }
0x99: {  	v48 =	vld [tilespmem:s24+$0xFFFFFFF0];
	v32 =	vsub.f32 v32, v34  }
0x9a: {  	v62 =	vsub.f32 v36, v38;
	v63 =	vld [tilespmem:s24+$0x30];
	v49 =	vsub.f32 v39, v42  }
0x9b: {  	v50 =	vsub.f32 v41, v43;
	v51 =	vsub.f32 v45, v46;
	v24 =	vmul.f32 v32, v24  }
0x9c: {  	v52 =	vsub.f32 v47, v35;
	v28 =	vmul.f32 v62, v28;
	v26 =	vmul.f32 v49, v26  }
0x9d: {  	v53 =	vsub.f32 v37, v33;
	v25 =	vmul.f32 v50, v25;
	v54 =	vsub.f32 v31, v30  }
0x9e: {  	v27 =	vmul.f32 v51, v27;
	v29 =	vmul.f32 v52, v29  }
0x9f: {  	v55 =	vmul.f32 v53, v48;
	v32 =	vmul.f32 v54, v63  }
0xa0: {  	v24 =	vadd.f32 v28, v24;
	v25 =	vadd.f32 v25, v26  }
0xa1: {  	v26 =	vadd.f32 v29, v27;
	v27 =	vadd.f32 v32, v55;
	_ =	sdelay $0x1  }
0xa2: {  	v24 =	vadd.f32 v25, v24;
	v25 =	vadd.f32 v27, v26  }
0xa3: {  	s12 =	sand.u32 $0xE00, s20;
	s13 =	sadd.s32 $0x10, s31  }
0xa4: {  	s13 =	sand.u32 $0x70, s13;
	s12 =	sshrl.u32 s12, $0x2;
	v24 =	vadd.f32 v25, v24  }
0xa5: {  	s12 =	sor.u32 s13, s12  }
0xa6: {  	[tilespmem:s12+$0x12600] =	vst v24  }
0xa7: {  	_ =	swait.ge [sflag:s14], $0x2000  }
0xa8: {  	[sflag:s14] =	ssyncset.done $0x0  }
0xa9: {  	[sflag:s14] =	ssyncadd.s32 $0xFFFFE000  }
0xaa: {  	_ =	swait.ge [sflag:s14], $0x2000  }
0xab: {  	[sflag:s14] =	ssyncset.done $0x0  }
0xac: {  	[sflag:s14] =	ssyncadd.s32 $0xFFFFE000  }
0xad: {  	_ =	swait.ge [sflag:s14], $0x2000  }
0xae: {  	[sflag:s14] =	ssyncset.done $0x0  }
0xaf: {  	s20 =	simm.s32 $0xC0;
	[sflag:s14] =	ssyncadd.s32 $0xFFFFE000  }
0xb0: {  	[tilespmem:s16], [sflag:$0x1] =	stream.indirect.gather [hbm4b:s0+s15], $0x80, s20, s15, $0xb8;
	[tilespmem:$0x14680] =	vst v63  }
0xb1: {  	s24 =	simm.s32 $0x2C0  }
0xb2: {  	[tilespmem:s17], [sflag:$0x1] =	stream.indirect.gather [hbm4b:s1+s15], $0x80, s24, s15, $0xb8;
	[tilespmem:$0x14680] =	vst v63  }
0xb3: {  	s25 =	simm.s32 $0x4C0;
	s26 =	simm.s32 $0x2670  }
0xb4: {  	[tilespmem:s18], [sflag:$0x1] =	stream.indirect.gather [hbm4b:s1+s15], $0x80, s25, s15, $0xb8;
	[tilespmem:$0x14680] =	vst v63  }
0xb5: {  	v24 =	vld [tilespmem:s26+$0xFFFFFF90]  }
0xb6: {  	v25 =	vld [tilespmem:s26+$0xFFFFFFD0]  }
0xb7: {  	v26 =	vld [tilespmem:s26+$0xFFFFFFB0]  }
0xb8: {  	v27 =	vld [tilespmem:s26+$0xFFFFFFF0]  }
0xb9: {  	v28 =	vld [tilespmem:s26+$0xFFFFFFA0]  }
0xba: {  	s20 =	simm.s32 $0x8670;
	v29 =	vld [tilespmem:s26+$0xFFFFFFE0]  }
0xbb: {  	s24 =	simm.s32 $0xE670;
	v32 =	vld [tilespmem:s20+$0xFFFFFF90]  }
0xbc: {  	v34 =	vld [tilespmem:s24+$0xFFFFFF90]  }
0xbd: {  	v38 =	vld [tilespmem:s20+$0xFFFFFFD0]  }
0xbe: {  	v39 =	vld [tilespmem:s24+$0xFFFFFFD0]  }
0xbf: {  	v41 =	vld [tilespmem:s20+$0xFFFFFFB0]  }
0xc0: {  	v42 =	vld [tilespmem:s24+$0xFFFFFFB0]  }
0xc1: {  	v43 =	vld [tilespmem:s20+$0xFFFFFFF0]  }
0xc2: {  	v45 =	vld [tilespmem:s24+$0xFFFFFFF0]  }
0xc3: {  	v46 =	vld [tilespmem:s20+$0xFFFFFFA0]  }
0xc4: {  	v47 =	vld [tilespmem:s24+$0xFFFFFFA0]  }
0xc5: {  	v49 =	vld [tilespmem:s20+$0xFFFFFFE0]  }
0xc6: {  	v50 =	vld [tilespmem:s24+$0xFFFFFFE0]  }
0xc7: {  	v57 =	vmul.f32 v35, v35;
	v18 =	vadd.f32 v44, v18;
	v56 =	vmul.f32 v37, v37;
	v51 =	vld [tilespmem:s20+$0xFFFFFFC0]  }
0xc8: {  	v20 =	vadd.f32 v40, v20;
	v58 =	vmul.f32 v33, v33;
	v48 =	vmul.f32 v48, v48;
	v37 =	vld [tilespmem:s24+$0xFFFFFFC0]  }
0xc9: {  	v23 =	vadd.f32 v57, v23;
	v19 =	vadd.f32 v56, v19;
	v40 =	vld [tilespmem:s20+$0x0]  }
0xca: {  	v22 =	vadd.f32 v58, v22;
	v21 =	vadd.f32 v48, v21;
	v33 =	vld [tilespmem:s24+$0x0]  }
0xcb: {  	v31 =	vmul.f32 v31, v31;
	v35 =	vld [tilespmem:s26+$0xFFFFFFC0];
	v59 =	vsub.f32 v32, v34;
	v60 =	vsub.f32 v38, v39  }
0xcc: {  	v30 =	vmul.f32 v30, v30;
	v61 =	vld [tilespmem:s26+$0x0];
	v52 =	vsub.f32 v41, v42;
	v53 =	vsub.f32 v43, v45  }
0xcd: {  	v36 =	vmul.f32 v63, v63;
	v54 =	vsub.f32 v46, v47;
	v55 =	vsub.f32 v49, v50  }
0xce: {  	v56 =	vsub.f32 v51, v37;
	v44 =	vmul.f32 v59, v24;
	v48 =	vmul.f32 v60, v25  }
0xcf: {  	v57 =	vsub.f32 v40, v33;
	v52 =	vmul.f32 v52, v26;
	v53 =	vmul.f32 v53, v27  }
0xd0: {  	v16 =	vadd.f32 v31, v16;
	v31 =	vmul.f32 v54, v28;
	v62 =	vmul.f32 v55, v29  }
0xd1: {  	v14 =	vadd.f32 v30, v14;
	v63 =	vmul.f32 v56, v35;
	v57 =	vmul.f32 v57, v61  }
0xd2: {  	v24 =	vmul.f32 v24, v24;
	v44 =	vadd.f32 v48, v44;
	v52 =	vadd.f32 v53, v52  }
0xd3: {  	v31 =	vadd.f32 v62, v31;
	v48 =	vadd.f32 v57, v63  }
0xd4: {  	v17 =	vadd.f32 v36, v17;
	v15 =	vadd.f32 v24, v15;
	v24 =	vmul.f32 v25, v25  }
0xd5: {  	s24 =	simm.s32 $0x0;
	v25 =	vadd.f32 v52, v44;
	v30 =	vadd.f32 v48, v31  }
0xd6: {  	s25 =	sand.u32 $0xE00, s24;
	v58 =	vmul.f32 v46, v46;
	v13 =	vadd.f32 v24, v13;
	v24 =	vmul.f32 v27, v27  }
0xd7: {  	s26 =	sand.u32 $0x70, s24;
	s12 =	sshrl.u32 s25, $0x2;
	v33 =	vmul.f32 v33, v33;
	v26 =	vmul.f32 v26, v26;
	v25 =	vadd.f32 v30, v25  }
0xd8: {  	s12 =	sor.u32 s26, s12;
	v60 =	vadd.f32 v58, v1;
	v7 =	vadd.f32 v24, v7;
	v24 =	vmul.f32 v32, v32  }
0xd9: {  	s26 =	simm.s32 $0x26F0;
	v2 =	vadd.f32 v26, v2;
	v27 =	vmul.f32 v28, v28;
	v28 =	vmul.f32 v29, v29;
	[tilespmem:s12+$0x12A00] =	vst v25  }
0xda: {  	v26 =	vmul.f32 v34, v34;
	v29 =	vmul.f32 v42, v42;
	v9 =	vadd.f32 v24, v9;
	v24 =	vld [tilespmem:s26+$0xFFFFFF90]  }
0xdb: {  	v8 =	vadd.f32 v27, v8;
	v30 =	vadd.f32 v28, v11;
	v27 =	vmul.f32 v41, v41;
	v28 =	vld [tilespmem:s26+$0xFFFFFFD0]  }
0xdc: {  	v1 =	vmul.f32 v50, v50;
	v3 =	vadd.f32 v26, v3;
	v11 =	vmul.f32 v38, v38;
	v26 =	vld [tilespmem:s26+$0xFFFFFFB0]  }
0xdd: {  	v35 =	vmul.f32 v35, v35;
	v31 =	vadd.f32 v29, v12;
	v5 =	vadd.f32 v27, v5;
	v27 =	vld [tilespmem:s26+$0xFFFFFFA0]  }
0xde: {  	s29 =	simm.s32 $0x86F0;
	v12 =	vmul.f32 v45, v45;
	v0 =	vadd.f32 v11, v0;
	v11 =	vmul.f32 v43, v43;
	v29 =	vld [tilespmem:s26+$0xFFFFFFE0]  }
0xdf: {  	s31 =	simm.s32 $0xE6F0;
	v14 =	vadd.f32 v33, v14;
	v21 =	vadd.f32 v35, v21;
	v25 =	vmul.f32 v39, v39;
	v32 =	vld [tilespmem:s29+$0xFFFFFF90]  }
0xe0: {  	v10 =	vadd.f32 v12, v10;
	v34 =	vld [tilespmem:s31+$0xFFFFFF90];
	v59 =	vadd.f32 v11, v6;
	v6 =	vmul.f32 v47, v47  }
0xe1: {  	v12 =	vmul.f32 v51, v51;
	v4 =	vadd.f32 v25, v4;
	v25 =	vld [tilespmem:s26+$0xFFFFFFF0];
	v11 =	vmul.f32 v49, v49  }
0xe2: {  	v23 =	vadd.f32 v1, v23;
	v36 =	vld [tilespmem:s29+$0xFFFFFFD0];
	v18 =	vadd.f32 v6, v18;
	v6 =	vmul.f32 v37, v37  }
0xe3: {  	v38 =	vld [tilespmem:s31+$0xFFFFFFD0];
	v19 =	vadd.f32 v12, v19;
	v20 =	vadd.f32 v11, v20;
	v11 =	vmul.f32 v61, v61  }
0xe4: {  	v39 =	vld [tilespmem:s29+$0xFFFFFFB0];
	v12 =	vmul.f32 v40, v40;
	v22 =	vadd.f32 v6, v22;
	v1 =	vmul.f32 v24, v24  }
0xe5: {  	v42 =	vld [tilespmem:s31+$0xFFFFFFB0];
	v17 =	vadd.f32 v11, v17;
	v6 =	vmul.f32 v28, v28;
	v11 =	vmul.f32 v26, v26  }
0xe6: {  	v43 =	vld [tilespmem:s31+$0xFFFFFFF0];
	v16 =	vadd.f32 v12, v16;
	v15 =	vadd.f32 v1, v15;
	v1 =	vmul.f32 v25, v25  }
0xe7: {  	v41 =	vld [tilespmem:s29+$0xFFFFFFF0];
	v12 =	vmul.f32 v27, v27;
	v13 =	vadd.f32 v6, v13;
	v11 =	vadd.f32 v11, v2  }
0xe8: {  	v45 =	vld [tilespmem:s29+$0xFFFFFFA0];
	v2 =	vmul.f32 v29, v29;
	v6 =	vadd.f32 v1, v7;
	v7 =	vmul.f32 v32, v32  }
0xe9: {  	v46 =	vld [tilespmem:s31+$0xFFFFFFA0];
	v61 =	vmul.f32 v36, v36;
	v1 =	vadd.f32 v12, v8;
	v8 =	vmul.f32 v34, v34  }
0xea: {  	v47 =	vld [tilespmem:s29+$0xFFFFFFE0];
	v12 =	vadd.f32 v2, v30;
	v2 =	vadd.f32 v7, v9;
	v9 =	vmul.f32 v38, v38  }
0xeb: {  	v35 =	vld [tilespmem:s31+$0xFFFFFFE0];
	v62 =	vmul.f32 v43, v43;
	v7 =	vadd.f32 v8, v3;
	v8 =	vmul.f32 v39, v39  }
0xec: {  	v37 =	vld [tilespmem:s29+$0xFFFFFFC0];
	v30 =	vmul.f32 v42, v42;
	v4 =	vadd.f32 v9, v4;
	v9 =	vmul.f32 v41, v41  }
0xed: {  	v33 =	vld [tilespmem:s31+$0xFFFFFFC0];
	v63 =	vmul.f32 v45, v45;
	v3 =	vadd.f32 v61, v0;
	v0 =	vadd.f32 v8, v5  }
0xee: {  	v44 =	vmul.f32 v46, v46;
	v8 =	vadd.f32 v30, v31;
	v31 =	vld [tilespmem:s29+$0x0];
	v5 =	vadd.f32 v9, v59  }
0xef: {  	s20 =	simm.s32 $0x40;
	s12 =	simm.s32 $0x80;
	v40 =	vmul.f32 v47, v47;
	v30 =	vld [tilespmem:s31+$0x0];
	v9 =	vadd.f32 v62, v10;
	v10 =	vadd.f32 v63, v60  }
.LBB2_4:
0xf0: {  	p0 =	sne.s32 s12, $0xFC0;
	v48 =	vld [tilespmem:s26+$0xFFFFFFC0];
	v32 =	vsub.f32 v32, v34;
	v34 =	vsub.f32 v36, v38;
	v36 =	vmul.f32 v35, v35  }
0xf1: {  	v39 =	vsub.f32 v39, v42;
	v18 =	vadd.f32 v44, v18;
	v38 =	vld [tilespmem:s26+$0x0];
	v42 =	vmul.f32 v37, v37  }
0xf2: {  	v24 =	vmul.f32 v32, v24;
	v28 =	vmul.f32 v34, v28;
	v32 =	vsub.f32 v41, v43  }
0xf3: {  	v35 =	vsub.f32 v47, v35;
	v34 =	vsub.f32 v45, v46;
	v26 =	vmul.f32 v39, v26  }
0xf4: {  	v37 =	vsub.f32 v37, v33;
	v25 =	vmul.f32 v32, v25;
	v32 =	vsub.f32 v31, v30  }
0xf5: {  	v29 =	vmul.f32 v35, v29;
	v19 =	vadd.f32 v42, v19;
	v27 =	vmul.f32 v34, v27  }
0xf6: {  	v20 =	vadd.f32 v40, v20;
	v34 =	vmul.f32 v37, v48;
	v32 =	vmul.f32 v32, v38  }
0xf7: {  	v24 =	vadd.f32 v28, v24;
	v25 =	vadd.f32 v25, v26;
	v26 =	vmul.f32 v48, v48  }
0xf8: {  	v27 =	vadd.f32 v29, v27;
	v29 =	vmul.f32 v33, v33;
	v28 =	vadd.f32 v32, v34  }
0xf9: {  	v31 =	vmul.f32 v31, v31;
	v21 =	vadd.f32 v26, v21;
	v26 =	vmul.f32 v38, v38  }
0xfa: {  	v24 =	vadd.f32 v25, v24;
	v25 =	vadd.f32 v28, v27;
	v27 =	vmul.f32 v30, v30  }
0xfb: {  	s13 =	sand.u32 $0xE00, s20;
	s24 =	sadd.s32 $0x10, s24;
	s20 =	smov.u32 s12;
	v23 =	vadd.f32 v36, v23;
	v22 =	vadd.f32 v29, v22  }
0xfc: {  	s25 =	sand.u32 $0x70, s24;
	s13 =	sshrl.u32 s13, $0x2;
	v17 =	vadd.f32 v26, v17;
	v24 =	vadd.f32 v25, v24  }
0xfd: {  	s13 =	sor.u32 s25, s13;
	v16 =	vadd.f32 v31, v16;
	v14 =	vadd.f32 v27, v14  }
0xfe: {  	s26 =	sadd.s32 $0x80, s26;
	[tilespmem:s13+$0x12A00] =	vst v24  }
0xff: {  	v24 =	vld [tilespmem:s26+$0xFFFFFF90]  }
0x100: {  	v28 =	vld [tilespmem:s26+$0xFFFFFFD0]  }
0x101: {  	v26 =	vld [tilespmem:s26+$0xFFFFFFB0]  }
0x102: {  	v25 =	vld [tilespmem:s26+$0xFFFFFFF0]  }
0x103: {  	v27 =	vld [tilespmem:s26+$0xFFFFFFA0]  }
0x104: {  	s29 =	sadd.s32 $0x80, s29;
	v29 =	vld [tilespmem:s26+$0xFFFFFFE0];
	v30 =	vmul.f32 v24, v24  }
0x105: {  	s31 =	sadd.s32 $0x80, s31;
	v32 =	vld [tilespmem:s29+$0xFFFFFF90];
	v31 =	vmul.f32 v28, v28  }
0x106: {  	v34 =	vld [tilespmem:s31+$0xFFFFFF90];
	v15 =	vadd.f32 v30, v15;
	v30 =	vmul.f32 v26, v26  }
0x107: {  	v36 =	vld [tilespmem:s29+$0xFFFFFFD0];
	v13 =	vadd.f32 v31, v13;
	v31 =	vmul.f32 v25, v25  }
0x108: {  	v38 =	vld [tilespmem:s31+$0xFFFFFFD0];
	v33 =	vmul.f32 v27, v27;
	v11 =	vadd.f32 v30, v11  }
0x109: {  	v39 =	vld [tilespmem:s29+$0xFFFFFFB0];
	v30 =	vmul.f32 v29, v29;
	v6 =	vadd.f32 v31, v6  }
0x10a: {  	v42 =	vld [tilespmem:s31+$0xFFFFFFB0];
	v31 =	vmul.f32 v32, v32;
	v1 =	vadd.f32 v33, v1  }
0x10b: {  	v41 =	vld [tilespmem:s29+$0xFFFFFFF0];
	v33 =	vmul.f32 v34, v34;
	v12 =	vadd.f32 v30, v12  }
0x10c: {  	v43 =	vld [tilespmem:s31+$0xFFFFFFF0];
	v2 =	vadd.f32 v31, v2;
	v30 =	vmul.f32 v36, v36  }
0x10d: {  	v45 =	vld [tilespmem:s29+$0xFFFFFFA0];
	v7 =	vadd.f32 v33, v7;
	v31 =	vmul.f32 v38, v38  }
0x10e: {  	v46 =	vld [tilespmem:s31+$0xFFFFFFA0];
	v33 =	vmul.f32 v39, v39;
	v3 =	vadd.f32 v30, v3  }
0x10f: {  	v47 =	vld [tilespmem:s29+$0xFFFFFFE0];
	v30 =	vmul.f32 v42, v42;
	v4 =	vadd.f32 v31, v4  }
.Ltmp1:
0x110: {  	v35 =	vld [tilespmem:s31+$0xFFFFFFE0];
	v0 =	vadd.f32 v33, v0;
	v31 =	vmul.f32 v41, v41;
	(pc) =	sbr.rel @p0 .LBB2_4-.Ltmp1, $4  }
0x111: {  	v37 =	vld [tilespmem:s29+$0xFFFFFFC0];
	v8 =	vadd.f32 v30, v8;
	v30 =	vmul.f32 v43, v43  }
0x112: {  	v33 =	vld [tilespmem:s31+$0xFFFFFFC0];
	v40 =	vmul.f32 v45, v45;
	v5 =	vadd.f32 v31, v5  }
0x113: {  	v31 =	vld [tilespmem:s29+$0x0];
	v44 =	vmul.f32 v46, v46;
	v9 =	vadd.f32 v30, v9  }
0x114: {  	s12 =	sadd.s32 $0x40, s12;
	v30 =	vld [tilespmem:s31+$0x0];
	v10 =	vadd.f32 v40, v10;
	v40 =	vmul.f32 v47, v47  }
0x115: {  	v48 =	vld [tilespmem:s26+$0xFFFFFFC0];
	v32 =	vsub.f32 v32, v34  }
0x116: {  	v62 =	vsub.f32 v36, v38;
	v63 =	vld [tilespmem:s26+$0x0];
	v50 =	vsub.f32 v39, v42  }
0x117: {  	v51 =	vsub.f32 v41, v43;
	v52 =	vsub.f32 v45, v46;
	v24 =	vmul.f32 v32, v24  }
0x118: {  	v53 =	vsub.f32 v47, v35;
	v28 =	vmul.f32 v62, v28;
	v26 =	vmul.f32 v50, v26  }
0x119: {  	v54 =	vsub.f32 v37, v33;
	v25 =	vmul.f32 v51, v25;
	v55 =	vsub.f32 v31, v30  }
0x11a: {  	v27 =	vmul.f32 v52, v27;
	v29 =	vmul.f32 v53, v29  }
0x11b: {  	v56 =	vmul.f32 v54, v48;
	v32 =	vmul.f32 v55, v63  }
0x11c: {  	v24 =	vadd.f32 v28, v24;
	v25 =	vadd.f32 v25, v26  }
0x11d: {  	v26 =	vadd.f32 v29, v27;
	v27 =	vadd.f32 v32, v56;
	_ =	sdelay $0x1  }
0x11e: {  	v24 =	vadd.f32 v25, v24;
	v25 =	vadd.f32 v27, v26  }
0x11f: {  	s12 =	sand.u32 $0xE00, s20;
	s13 =	sadd.s32 $0x10, s24  }
0x120: {  	s13 =	sand.u32 $0x70, s13;
	s12 =	sshrl.u32 s12, $0x2;
	v24 =	vadd.f32 v25, v24  }
0x121: {  	s12 =	sor.u32 s13, s12  }
0x122: {  	[tilespmem:s12+$0x12A00] =	vst v24  }
0x123: {  	_ =	swait.ge [sflag:s14], $0x2000  }
0x124: {  	[sflag:s14] =	ssyncset.done $0x0  }
0x125: {  	[sflag:s14] =	ssyncadd.s32 $0xFFFFE000  }
0x126: {  	_ =	swait.ge [sflag:s14], $0x2000  }
0x127: {  	[sflag:s14] =	ssyncset.done $0x0  }
0x128: {  	[sflag:s14] =	ssyncadd.s32 $0xFFFFE000  }
0x129: {  	_ =	swait.ge [sflag:s14], $0x2000  }
0x12a: {  	[sflag:s14] =	ssyncset.done $0x0  }
0x12b: {  	s20 =	simm.s32 $0x100;
	[sflag:s14] =	ssyncadd.s32 $0xFFFFE000  }
0x12c: {  	[tilespmem:s19], [sflag:$0x1] =	stream.indirect.gather [hbm4b:s0+s15], $0x80, s20, s15, $0xb8;
	[tilespmem:$0x14680] =	vst v63  }
0x12d: {  	s24 =	simm.s32 $0x300  }
0x12e: {  	[tilespmem:s21], [sflag:$0x1] =	stream.indirect.gather [hbm4b:s1+s15], $0x80, s24, s15, $0xb8;
	[tilespmem:$0x14680] =	vst v63  }
0x12f: {  	s25 =	simm.s32 $0x500;
	s26 =	simm.s32 $0x0  }
0x130: {  	[tilespmem:s23], [sflag:$0x1] =	stream.indirect.gather [hbm4b:s1+s15], $0x80, s25, s15, $0xb8;
	[tilespmem:$0x14680] =	vst v63  }
0x131: {  	v24 =	vld [tilespmem:s26+$0x4600]  }
0x132: {  	v25 =	vld [tilespmem:s26+$0x4640]  }
0x133: {  	v26 =	vld [tilespmem:s26+$0x4620]  }
0x134: {  	v27 =	vld [tilespmem:s26+$0x4660]  }
0x135: {  	v28 =	vld [tilespmem:s26+$0x4610]  }
0x136: {  	v29 =	vld [tilespmem:s26+$0x4650]  }
0x137: {  	v32 =	vld [tilespmem:s26+$0xA600]  }
0x138: {  	v34 =	vld [tilespmem:s26+$0x10600]  }
0x139: {  	v38 =	vld [tilespmem:s26+$0xA640]  }
0x13a: {  	v39 =	vld [tilespmem:s26+$0x10640]  }
0x13b: {  	v41 =	vld [tilespmem:s26+$0xA620]  }
0x13c: {  	v42 =	vld [tilespmem:s26+$0x10620]  }
0x13d: {  	v43 =	vld [tilespmem:s26+$0xA660]  }
0x13e: {  	v45 =	vld [tilespmem:s26+$0x10660]  }
0x13f: {  	v46 =	vld [tilespmem:s26+$0xA610]  }
0x140: {  	v47 =	vld [tilespmem:s26+$0x10610]  }
0x141: {  	v49 =	vld [tilespmem:s26+$0xA650]  }
0x142: {  	v58 =	vmul.f32 v35, v35;
	v18 =	vadd.f32 v44, v18;
	v50 =	vld [tilespmem:s26+$0x10650]  }
0x143: {  	v57 =	vmul.f32 v37, v37;
	v40 =	vadd.f32 v40, v20;
	v59 =	vmul.f32 v33, v33;
	v51 =	vld [tilespmem:s26+$0xA630]  }
0x144: {  	v23 =	vadd.f32 v58, v23;
	v48 =	vmul.f32 v48, v48;
	v20 =	vmul.f32 v63, v63;
	v37 =	vld [tilespmem:s26+$0x10630]  }
0x145: {  	v19 =	vadd.f32 v57, v19;
	v22 =	vadd.f32 v59, v22;
	v44 =	vld [tilespmem:s26+$0xA670]  }
0x146: {  	v21 =	vadd.f32 v48, v21;
	v52 =	vadd.f32 v20, v17;
	v33 =	vld [tilespmem:s26+$0x10670]  }
0x147: {  	v35 =	vld [tilespmem:s26+$0x4630];
	v60 =	vsub.f32 v32, v34;
	v61 =	vsub.f32 v38, v39  }
0x148: {  	v53 =	vld [tilespmem:s26+$0x4670];
	v17 =	vsub.f32 v41, v42;
	v63 =	vsub.f32 v43, v45  }
0x149: {  	v31 =	vmul.f32 v31, v31;
	v54 =	vsub.f32 v46, v47;
	v55 =	vsub.f32 v49, v50  }
0x14a: {  	v56 =	vsub.f32 v51, v37;
	v20 =	vmul.f32 v60, v24;
	v62 =	vmul.f32 v61, v25  }
0x14b: {  	v57 =	vsub.f32 v44, v33;
	v17 =	vmul.f32 v17, v26;
	v48 =	vmul.f32 v63, v27  }
0x14c: {  	v31 =	vadd.f32 v31, v16;
	v16 =	vmul.f32 v54, v28;
	v60 =	vmul.f32 v55, v29  }
0x14d: {  	v61 =	vmul.f32 v56, v35;
	v20 =	vadd.f32 v62, v20;
	v62 =	vmul.f32 v57, v53  }
0x14e: {  	v30 =	vmul.f32 v30, v30;
	v24 =	vmul.f32 v24, v24;
	v17 =	vadd.f32 v48, v17  }
0x14f: {  	v16 =	vadd.f32 v60, v16;
	v36 =	vadd.f32 v62, v61  }
0x150: {  	v14 =	vadd.f32 v30, v14;
	v30 =	vadd.f32 v24, v15;
	v15 =	vmul.f32 v25, v25  }
0x151: {  	s24 =	simm.s32 $0x0;
	v17 =	vadd.f32 v17, v20;
	v20 =	vmul.f32 v26, v26;
	v16 =	vadd.f32 v36, v16  }
0x152: {  	s29 =	sand.u32 $0xE00, s24;
	v48 =	vadd.f32 v15, v13;
	v13 =	vmul.f32 v27, v27;
	v15 =	vmul.f32 v28, v28  }
0x153: {  	s31 =	sand.u32 $0x70, s24;
	s12 =	sshrl.u32 s29, $0x2;
	v11 =	vadd.f32 v20, v11;
	v20 =	vmul.f32 v29, v29;
	v16 =	vadd.f32 v16, v17  }
0x154: {  	s12 =	sor.u32 s31, s12;
	v6 =	vadd.f32 v13, v6;
	v13 =	vmul.f32 v32, v32;
	v1 =	vadd.f32 v15, v1  }
0x155: {  	s20 =	simm.s32 $0x80;
	v17 =	vmul.f32 v34, v34;
	v34 =	vadd.f32 v20, v12;
	v12 =	vmul.f32 v38, v38;
	[tilespmem:s12+$0x12E00] =	vst v16  }
0x156: {  	v54 =	vadd.f32 v13, v2;
	v2 =	vmul.f32 v39, v39;
	v13 =	vmul.f32 v45, v45;
	v24 =	vld [tilespmem:s20+$0x4600]  }
0x157: {  	v63 =	vadd.f32 v17, v7;
	v7 =	vmul.f32 v41, v41;
	v3 =	vadd.f32 v12, v3;
	v28 =	vld [tilespmem:s20+$0x4640]  }
0x158: {  	v12 =	vmul.f32 v42, v42;
	v4 =	vadd.f32 v2, v4;
	v2 =	vmul.f32 v43, v43;
	v26 =	vld [tilespmem:s20+$0x4620]  }
0x159: {  	v62 =	vadd.f32 v13, v9;
	v9 =	vmul.f32 v33, v33;
	v25 =	vld [tilespmem:s20+$0x4660];
	v60 =	vadd.f32 v7, v0  }
0x15a: {  	v27 =	vld [tilespmem:s20+$0x4610];
	v0 =	vmul.f32 v46, v46;
	v5 =	vadd.f32 v2, v5;
	v2 =	vmul.f32 v47, v47  }
0x15b: {  	v29 =	vld [tilespmem:s20+$0x4650];
	v61 =	vadd.f32 v12, v8;
	v7 =	vmul.f32 v51, v51;
	v8 =	vmul.f32 v50, v50  }
0x15c: {  	v32 =	vld [tilespmem:s20+$0xA600];
	v13 =	vadd.f32 v9, v14;
	v16 =	vadd.f32 v0, v10;
	v0 =	vmul.f32 v49, v49  }
0x15d: {  	v39 =	vld [tilespmem:s20+$0xA620];
	v17 =	vadd.f32 v2, v18;
	v2 =	vmul.f32 v35, v35;
	v20 =	vadd.f32 v7, v19  }
0x15e: {  	v35 =	vld [tilespmem:s20+$0x10600];
	v7 =	vmul.f32 v44, v44;
	v18 =	vadd.f32 v0, v40;
	v0 =	vmul.f32 v37, v37  }
0x15f: {  	v36 =	vld [tilespmem:s20+$0xA640];
	v23 =	vadd.f32 v8, v23;
	v21 =	vadd.f32 v2, v21;
	v2 =	vmul.f32 v53, v53  }
0x160: {  	v38 =	vld [tilespmem:s20+$0x10640];
	v15 =	vadd.f32 v7, v31;
	v22 =	vadd.f32 v0, v22;
	v0 =	vmul.f32 v24, v24  }
0x161: {  	v41 =	vld [tilespmem:s20+$0x10620];
	v7 =	vmul.f32 v26, v26;
	v19 =	vadd.f32 v2, v52;
	v2 =	vmul.f32 v28, v28  }
0x162: {  	v43 =	vld [tilespmem:s20+$0x10660];
	v8 =	vmul.f32 v27, v27;
	v14 =	vadd.f32 v0, v30;
	v0 =	vmul.f32 v25, v25  }
0x163: {  	v40 =	vld [tilespmem:s20+$0xA660];
	v10 =	vmul.f32 v39, v39;
	v9 =	vmul.f32 v35, v35;
	v12 =	vadd.f32 v2, v48  }
0x164: {  	v45 =	vld [tilespmem:s20+$0xA610];
	v2 =	vadd.f32 v7, v11;
	v6 =	vadd.f32 v0, v6;
	v0 =	vmul.f32 v32, v32  }
0x165: {  	v46 =	vld [tilespmem:s20+$0x10610];
	v7 =	vmul.f32 v29, v29;
	v11 =	vadd.f32 v8, v1;
	v1 =	vmul.f32 v36, v36  }
0x166: {  	v33 =	vld [tilespmem:s20+$0xA650];
	v8 =	vadd.f32 v0, v54;
	v0 =	vadd.f32 v9, v63;
	v9 =	vmul.f32 v38, v38  }
0x167: {  	v30 =	vmul.f32 v41, v41;
	v7 =	vadd.f32 v7, v34;
	v1 =	vadd.f32 v1, v3;
	v34 =	vld [tilespmem:s20+$0x10650]  }
0x168: {  	v37 =	vld [tilespmem:s20+$0xA630];
	v63 =	vmul.f32 v43, v43;
	v3 =	vadd.f32 v9, v4;
	v4 =	vmul.f32 v40, v40  }
0x169: {  	v31 =	vld [tilespmem:s20+$0x10630];
	v44 =	vmul.f32 v45, v45;
	v9 =	vadd.f32 v10, v60;
	v10 =	vadd.f32 v30, v61  }
0x16a: {  	s26 =	simm.s32 $0x0;
	s12 =	simm.s32 $0x400;
	v42 =	vmul.f32 v46, v46;
	v30 =	vld [tilespmem:s20+$0xA670];
	v4 =	vadd.f32 v4, v5;
	v5 =	vadd.f32 v63, v62  }
.LBB2_6:
0x16b: {  	p0 =	sne.s32 s12, $0x7E00;
	v47 =	vld [tilespmem:s20+$0x10670];
	v16 =	vadd.f32 v44, v16;
	v44 =	vmul.f32 v33, v33  }
0x16c: {  	v32 =	vsub.f32 v32, v35;
	v35 =	vsub.f32 v36, v38;
	v48 =	vld [tilespmem:s20+$0x4630];
	v36 =	vmul.f32 v34, v34  }
0x16d: {  	v39 =	vsub.f32 v39, v41;
	v17 =	vadd.f32 v42, v17;
	v38 =	vld [tilespmem:s20+$0x4670];
	v41 =	vmul.f32 v37, v37  }
0x16e: {  	v24 =	vmul.f32 v32, v24;
	v28 =	vmul.f32 v35, v28;
	v32 =	vsub.f32 v40, v43  }
0x16f: {  	v33 =	vsub.f32 v33, v34;
	v35 =	vsub.f32 v45, v46;
	v26 =	vmul.f32 v39, v26  }
0x170: {  	v34 =	vsub.f32 v37, v31;
	v25 =	vmul.f32 v32, v25;
	v32 =	vsub.f32 v30, v47  }
0x171: {  	v29 =	vmul.f32 v33, v29;
	v27 =	vmul.f32 v35, v27;
	v20 =	vadd.f32 v41, v20  }
0x172: {  	v18 =	vadd.f32 v44, v18;
	v33 =	vmul.f32 v34, v48;
	v32 =	vmul.f32 v32, v38  }
0x173: {  	v24 =	vadd.f32 v28, v24;
	v25 =	vadd.f32 v25, v26;
	v26 =	vmul.f32 v48, v48  }
0x174: {  	v27 =	vadd.f32 v29, v27;
	v29 =	vmul.f32 v31, v31;
	v28 =	vadd.f32 v32, v33  }
0x175: {  	v30 =	vmul.f32 v30, v30;
	v21 =	vadd.f32 v26, v21;
	v26 =	vmul.f32 v38, v38  }
0x176: {  	s24 =	sadd.s32 $0x40, s24;
	v24 =	vadd.f32 v25, v24;
	v25 =	vadd.f32 v28, v27;
	v27 =	vmul.f32 v47, v47  }
0x177: {  	s26 =	sadd.s32 $0x10, s26;
	s13 =	sand.u32 $0xE00, s24;
	v23 =	vadd.f32 v36, v23;
	v22 =	vadd.f32 v29, v22  }
0x178: {  	s20 =	sand.u32 $0x70, s26;
	s13 =	sshrl.u32 s13, $0x2;
	v19 =	vadd.f32 v26, v19;
	v24 =	vadd.f32 v25, v24  }
0x179: {  	s13 =	sor.u32 s20, s13;
	v15 =	vadd.f32 v30, v15;
	v13 =	vadd.f32 v27, v13  }
0x17a: {  	s20 =	sshra.s32 s12, $0x2;
	[tilespmem:s13+$0x12E00] =	vst v24  }
0x17b: {  	v24 =	vld [tilespmem:s20+$0x4600]  }
0x17c: {  	v28 =	vld [tilespmem:s20+$0x4640]  }
0x17d: {  	v26 =	vld [tilespmem:s20+$0x4620]  }
0x17e: {  	v25 =	vld [tilespmem:s20+$0x4660]  }
0x17f: {  	v27 =	vld [tilespmem:s20+$0x4610]  }
0x180: {  	v29 =	vld [tilespmem:s20+$0x4650];
	v30 =	vmul.f32 v24, v24  }
0x181: {  	v32 =	vld [tilespmem:s20+$0xA600];
	v31 =	vmul.f32 v28, v28  }
0x182: {  	v35 =	vld [tilespmem:s20+$0x10600];
	v14 =	vadd.f32 v30, v14;
	v30 =	vmul.f32 v26, v26  }
0x183: {  	v36 =	vld [tilespmem:s20+$0xA640];
	v12 =	vadd.f32 v31, v12;
	v31 =	vmul.f32 v25, v25  }
0x184: {  	v38 =	vld [tilespmem:s20+$0x10640];
	v33 =	vmul.f32 v27, v27;
	v2 =	vadd.f32 v30, v2  }
0x185: {  	v39 =	vld [tilespmem:s20+$0xA620];
	v30 =	vmul.f32 v29, v29;
	v6 =	vadd.f32 v31, v6  }
0x186: {  	v41 =	vld [tilespmem:s20+$0x10620];
	v31 =	vmul.f32 v32, v32;
	v11 =	vadd.f32 v33, v11  }
0x187: {  	v40 =	vld [tilespmem:s20+$0xA660];
	v33 =	vmul.f32 v35, v35;
	v7 =	vadd.f32 v30, v7  }
0x188: {  	v43 =	vld [tilespmem:s20+$0x10660];
	v8 =	vadd.f32 v31, v8;
	v30 =	vmul.f32 v36, v36  }
0x189: {  	v45 =	vld [tilespmem:s20+$0xA610];
	v0 =	vadd.f32 v33, v0;
	v31 =	vmul.f32 v38, v38  }
0x18a: {  	v46 =	vld [tilespmem:s20+$0x10610];
	v37 =	vmul.f32 v39, v39;
	v1 =	vadd.f32 v30, v1  }
.Ltmp2:
0x18b: {  	v33 =	vld [tilespmem:s20+$0xA650];
	v30 =	vmul.f32 v41, v41;
	v3 =	vadd.f32 v31, v3;
	(pc) =	sbr.rel @p0 .LBB2_6-.Ltmp2, $4  }
0x18c: {  	v34 =	vld [tilespmem:s20+$0x10650];
	v9 =	vadd.f32 v37, v9;
	v42 =	vmul.f32 v40, v40  }
0x18d: {  	v37 =	vld [tilespmem:s20+$0xA630];
	v10 =	vadd.f32 v30, v10;
	v47 =	vmul.f32 v43, v43  }
0x18e: {  	v31 =	vld [tilespmem:s20+$0x10630];
	v44 =	vmul.f32 v45, v45;
	v4 =	vadd.f32 v42, v4  }
0x18f: {  	s12 =	sadd.s32 $0x200, s12;
	v30 =	vld [tilespmem:s20+$0xA670];
	v42 =	vmul.f32 v46, v46;
	v5 =	vadd.f32 v47, v5  }
0x190: {  	v47 =	vld [tilespmem:s20+$0x10670]  }
0x191: {  	v48 =	vld [tilespmem:s20+$0x4630];
	v32 =	vsub.f32 v32, v35  }
0x192: {  	v62 =	vsub.f32 v36, v38;
	v63 =	vld [tilespmem:s20+$0x4670];
	v50 =	vsub.f32 v39, v41  }
0x193: {  	v51 =	vsub.f32 v40, v43;
	v52 =	vsub.f32 v45, v46;
	v24 =	vmul.f32 v32, v24  }
0x194: {  	v53 =	vsub.f32 v33, v34;
	v28 =	vmul.f32 v62, v28;
	v26 =	vmul.f32 v50, v26  }
0x195: {  	v25 =	vmul.f32 v51, v25;
	v54 =	vsub.f32 v37, v31;
	v55 =	vsub.f32 v30, v47  }
0x196: {  	v27 =	vmul.f32 v52, v27;
	v29 =	vmul.f32 v53, v29  }
0x197: {  	v56 =	vmul.f32 v54, v48;
	v32 =	vmul.f32 v55, v63  }
0x198: {  	v24 =	vadd.f32 v28, v24;
	v25 =	vadd.f32 v25, v26  }
0x199: {  	v26 =	vadd.f32 v29, v27;
	v27 =	vadd.f32 v32, v56;
	_ =	sdelay $0x1  }
0x19a: {  	s12 =	sadd.s32 $0x40, s24;
	v24 =	vadd.f32 v25, v24;
	v25 =	vadd.f32 v27, v26  }
0x19b: {  	s13 =	sadd.s32 $0x10, s26;
	s12 =	sand.u32 $0xE00, s12  }
0x19c: {  	s13 =	sand.u32 $0x70, s13;
	s12 =	sshrl.u32 s12, $0x2;
	v24 =	vadd.f32 v25, v24  }
0x19d: {  	s12 =	sor.u32 s13, s12  }
0x19e: {  	[tilespmem:s12+$0x12E00] =	vst v24  }
0x19f: {  	_ =	swait.ge [sflag:s14], $0x2000  }
0x1a0: {  	[sflag:s14] =	ssyncset.done $0x0  }
0x1a1: {  	[sflag:s14] =	ssyncadd.s32 $0xFFFFE000  }
0x1a2: {  	_ =	swait.ge [sflag:s14], $0x2000  }
0x1a3: {  	[sflag:s14] =	ssyncset.done $0x0  }
0x1a4: {  	[sflag:s14] =	ssyncadd.s32 $0xFFFFE000  }
0x1a5: {  	_ =	swait.ge [sflag:s14], $0x2000  }
0x1a6: {  	[sflag:s14] =	ssyncset.done $0x0  }
0x1a7: {  	s20 =	simm.s32 $0x140;
	s13 =	simm.s32 $0x4600;
	[sflag:s14] =	ssyncadd.s32 $0xFFFFE000  }
0x1a8: {  	[tilespmem:s13], [sflag:$0x1] =	stream.indirect.gather [hbm4b:s0+s15], $0x80, s20, s15, $0xb8;
	[tilespmem:$0x14680] =	vst v63  }
0x1a9: {  	s24 =	simm.s32 $0x340  }
0x1aa: {  	[tilespmem:s28], [sflag:$0x1] =	stream.indirect.gather [hbm4b:s1+s15], $0x80, s24, s15, $0xb8;
	[tilespmem:$0x14680] =	vst v63  }
0x1ab: {  	s25 =	simm.s32 $0x540;
	s26 =	simm.s32 $0x640  }
0x1ac: {  	[tilespmem:s30], [sflag:$0x1] =	stream.indirect.gather [hbm4b:s1+s15], $0x80, s25, s15, $0xb8;
	[tilespmem:$0x14680] =	vst v63  }
0x1ad: {  	v24 =	vld [tilespmem:s26+$0xFFFFFFC0]  }
0x1ae: {  	v25 =	vld [tilespmem:s26+$0x0]  }
0x1af: {  	v26 =	vld [tilespmem:s26+$0xFFFFFFE0]  }
0x1b0: {  	v27 =	vld [tilespmem:s26+$0x20]  }
0x1b1: {  	v28 =	vld [tilespmem:s26+$0xFFFFFFD0]  }
0x1b2: {  	s20 =	simm.s32 $0x6640;
	v29 =	vld [tilespmem:s26+$0x10]  }
0x1b3: {  	s24 =	simm.s32 $0xC640;
	v32 =	vld [tilespmem:s20+$0xFFFFFFC0]  }
0x1b4: {  	v35 =	vld [tilespmem:s24+$0xFFFFFFC0]  }
0x1b5: {  	v38 =	vld [tilespmem:s20+$0x0]  }
0x1b6: {  	v39 =	vld [tilespmem:s24+$0x0]  }
0x1b7: {  	v40 =	vld [tilespmem:s20+$0xFFFFFFE0]  }
0x1b8: {  	v41 =	vld [tilespmem:s24+$0xFFFFFFE0]  }
0x1b9: {  	v43 =	vld [tilespmem:s20+$0x20]  }
0x1ba: {  	v45 =	vld [tilespmem:s24+$0x20]  }
0x1bb: {  	v46 =	vld [tilespmem:s20+$0xFFFFFFD0]  }
0x1bc: {  	v49 =	vld [tilespmem:s24+$0xFFFFFFD0]  }
0x1bd: {  	v50 =	vld [tilespmem:s20+$0x10]  }
0x1be: {  	v57 =	vmul.f32 v33, v33;
	v16 =	vadd.f32 v44, v16;
	v59 =	vmul.f32 v34, v34;
	v51 =	vld [tilespmem:s24+$0x10]  }
0x1bf: {  	v17 =	vadd.f32 v42, v17;
	v31 =	vmul.f32 v31, v31;
	v60 =	vmul.f32 v48, v48;
	v48 =	vld [tilespmem:s20+$0xFFFFFFF0]  }
0x1c0: {  	v58 =	vmul.f32 v37, v37;
	v42 =	vadd.f32 v57, v18;
	v18 =	vmul.f32 v63, v63;
	v37 =	vld [tilespmem:s24+$0xFFFFFFF0]  }
0x1c1: {  	v23 =	vadd.f32 v59, v23;
	v22 =	vadd.f32 v31, v22;
	v44 =	vld [tilespmem:s20+$0x30]  }
0x1c2: {  	v21 =	vadd.f32 v60, v21;
	v52 =	vadd.f32 v18, v19;
	v31 =	vld [tilespmem:s24+$0x30]  }
0x1c3: {  	v33 =	vld [tilespmem:s26+$0xFFFFFFF0];
	v61 =	vsub.f32 v32, v35;
	v62 =	vsub.f32 v38, v39  }
0x1c4: {  	v53 =	vld [tilespmem:s26+$0x30];
	v18 =	vsub.f32 v40, v41;
	v60 =	vsub.f32 v43, v45  }
0x1c5: {  	v30 =	vmul.f32 v30, v30;
	v54 =	vsub.f32 v46, v49;
	v55 =	vsub.f32 v50, v51  }
0x1c6: {  	v56 =	vsub.f32 v48, v37;
	v19 =	vmul.f32 v61, v24;
	v63 =	vmul.f32 v62, v25  }
0x1c7: {  	v57 =	vsub.f32 v44, v31;
	v18 =	vmul.f32 v18, v26;
	v36 =	vmul.f32 v60, v27  }
0x1c8: {  	v15 =	vadd.f32 v30, v15;
	v30 =	vmul.f32 v54, v28;
	v61 =	vmul.f32 v55, v29  }
0x1c9: {  	v62 =	vmul.f32 v56, v33;
	v19 =	vadd.f32 v63, v19;
	v63 =	vmul.f32 v57, v53  }
0x1ca: {  	v20 =	vadd.f32 v58, v20;
	v24 =	vmul.f32 v24, v24;
	v18 =	vadd.f32 v36, v18  }
0x1cb: {  	v30 =	vadd.f32 v61, v30;
	v34 =	vadd.f32 v63, v62  }
0x1cc: {  	v57 =	vmul.f32 v47, v47;
	v58 =	vadd.f32 v24, v14;
	v14 =	vmul.f32 v25, v25  }
0x1cd: {  	s24 =	simm.s32 $0x0;
	v24 =	vmul.f32 v26, v26;
	v18 =	vadd.f32 v18, v19;
	v19 =	vadd.f32 v34, v30  }
0x1ce: {  	s25 =	sand.u32 $0xE00, s24;
	v25 =	vmul.f32 v28, v28;
	v12 =	vadd.f32 v14, v12;
	v14 =	vmul.f32 v27, v27  }
0x1cf: {  	s26 =	sand.u32 $0x70, s24;
	s12 =	sshrl.u32 s25, $0x2;
	v26 =	vmul.f32 v29, v29;
	v13 =	vadd.f32 v57, v13;
	v18 =	vadd.f32 v19, v18  }
0x1d0: {  	s12 =	sor.u32 s26, s12;
	v2 =	vadd.f32 v24, v2;
	v6 =	vadd.f32 v14, v6;
	v14 =	vmul.f32 v32, v32  }
0x1d1: {  	s26 =	simm.s32 $0x6C0;
	v11 =	vadd.f32 v25, v11;
	v30 =	vadd.f32 v26, v7;
	v7 =	vmul.f32 v38, v38;
	[tilespmem:s12+$0x13200] =	vst v18  }
0x1d2: {  	v19 =	vmul.f32 v35, v35;
	v32 =	vadd.f32 v14, v8;
	v8 =	vmul.f32 v39, v39;
	v24 =	vld [tilespmem:s26+$0xFFFFFFC0]  }
0x1d3: {  	v14 =	vmul.f32 v40, v40;
	v1 =	vadd.f32 v7, v1;
	v7 =	vmul.f32 v45, v45;
	v28 =	vld [tilespmem:s26+$0x0]  }
0x1d4: {  	v0 =	vadd.f32 v19, v0;
	v18 =	vmul.f32 v41, v41;
	v39 =	vadd.f32 v8, v3;
	v26 =	vld [tilespmem:s26+$0xFFFFFFE0]  }
0x1d5: {  	v3 =	vmul.f32 v43, v43;
	v59 =	vadd.f32 v14, v9;
	v8 =	vmul.f32 v46, v46;
	v25 =	vld [tilespmem:s26+$0x20]  }
0x1d6: {  	v61 =	vadd.f32 v7, v5;
	v5 =	vmul.f32 v48, v48;
	v7 =	vmul.f32 v51, v51;
	v27 =	vld [tilespmem:s26+$0xFFFFFFD0]  }
0x1d7: {  	s31 =	simm.s32 $0xC6C0;
	v29 =	vld [tilespmem:s26+$0x10];
	v10 =	vadd.f32 v18, v10;
	v60 =	vadd.f32 v3, v4;
	v3 =	vmul.f32 v49, v49  }
0x1d8: {  	s29 =	simm.s32 $0x66C0;
	v35 =	vld [tilespmem:s31+$0xFFFFFFC0];
	v4 =	vmul.f32 v50, v50;
	v62 =	vadd.f32 v8, v16;
	v8 =	vmul.f32 v33, v33  }
0x1d9: {  	v36 =	vld [tilespmem:s29+$0x0];
	v19 =	vadd.f32 v5, v20;
	v5 =	vmul.f32 v44, v44;
	v23 =	vadd.f32 v7, v23  }
0x1da: {  	v45 =	vld [tilespmem:s29+$0xFFFFFFD0];
	v18 =	vadd.f32 v3, v17;
	v3 =	vmul.f32 v37, v37;
	v20 =	vadd.f32 v4, v42  }
0x1db: {  	v38 =	vld [tilespmem:s31+$0x0];
	v21 =	vadd.f32 v8, v21;
	v4 =	vmul.f32 v53, v53;
	v8 =	vmul.f32 v31, v31  }
0x1dc: {  	v33 =	vld [tilespmem:s29+$0xFFFFFFC0];
	v16 =	vadd.f32 v5, v15;
	v22 =	vadd.f32 v3, v22;
	v3 =	vmul.f32 v24, v24  }
0x1dd: {  	v40 =	vld [tilespmem:s29+$0xFFFFFFE0];
	v17 =	vadd.f32 v4, v52;
	v4 =	vmul.f32 v28, v28;
	v5 =	vmul.f32 v26, v26  }
0x1de: {  	v41 =	vld [tilespmem:s29+$0x20];
	v14 =	vadd.f32 v8, v13;
	v15 =	vadd.f32 v3, v58;
	v3 =	vmul.f32 v25, v25  }
0x1df: {  	v42 =	vld [tilespmem:s31+$0xFFFFFFE0];
	v63 =	vmul.f32 v45, v45;
	v13 =	vadd.f32 v4, v12;
	v4 =	vmul.f32 v27, v27  }
0x1e0: {  	v44 =	vld [tilespmem:s31+$0x20];
	v2 =	vadd.f32 v5, v2;
	v5 =	vmul.f32 v29, v29;
	v7 =	vadd.f32 v3, v6  }
0x1e1: {  	v46 =	vld [tilespmem:s31+$0xFFFFFFD0];
	v3 =	vmul.f32 v33, v33;
	v8 =	vadd.f32 v4, v11;
	v4 =	vmul.f32 v35, v35  }
0x1e2: {  	v47 =	vld [tilespmem:s29+$0x10];
	v12 =	vmul.f32 v40, v40;
	v6 =	vmul.f32 v36, v36;
	v11 =	vadd.f32 v5, v30  }
0x1e3: {  	v34 =	vld [tilespmem:s31+$0x10];
	v5 =	vmul.f32 v38, v38;
	v9 =	vadd.f32 v3, v32;
	v3 =	vadd.f32 v4, v0  }
0x1e4: {  	v37 =	vld [tilespmem:s29+$0xFFFFFFF0];
	v0 =	vadd.f32 v6, v1;
	v1 =	vmul.f32 v42, v42;
	v6 =	vmul.f32 v41, v41  }
0x1e5: {  	v31 =	vld [tilespmem:s29+$0x30];
	v30 =	vmul.f32 v44, v44;
	v4 =	vadd.f32 v5, v39;
	v5 =	vadd.f32 v12, v59  }
0x1e6: {  	v43 =	vmul.f32 v46, v46;
	v32 =	vld [tilespmem:s31+$0xFFFFFFF0];
	v12 =	vadd.f32 v1, v10;
	v6 =	vadd.f32 v6, v60  }
0x1e7: {  	s20 =	simm.s32 $0x40;
	s12 =	simm.s32 $0x80;
	v39 =	vmul.f32 v47, v47;
	v10 =	vadd.f32 v30, v61;
	v30 =	vld [tilespmem:s31+$0x30];
	v1 =	vadd.f32 v63, v62  }
.LBB2_8:
0x1e8: {  	p0 =	sne.s32 s12, $0xFC0;
	v48 =	vld [tilespmem:s26+$0xFFFFFFF0];
	v33 =	vsub.f32 v33, v35;
	v35 =	vsub.f32 v36, v38;
	v36 =	vmul.f32 v34, v34  }
0x1e9: {  	v40 =	vsub.f32 v40, v42;
	v18 =	vadd.f32 v43, v18;
	v38 =	vld [tilespmem:s26+$0x30];
	v42 =	vmul.f32 v37, v37  }
0x1ea: {  	v24 =	vmul.f32 v33, v24;
	v28 =	vmul.f32 v35, v28;
	v33 =	vsub.f32 v41, v44  }
0x1eb: {  	v34 =	vsub.f32 v47, v34;
	v35 =	vsub.f32 v45, v46;
	v26 =	vmul.f32 v40, v26  }
0x1ec: {  	v37 =	vsub.f32 v37, v32;
	v25 =	vmul.f32 v33, v25;
	v33 =	vsub.f32 v31, v30  }
0x1ed: {  	v29 =	vmul.f32 v34, v29;
	v19 =	vadd.f32 v42, v19;
	v27 =	vmul.f32 v35, v27  }
0x1ee: {  	v20 =	vadd.f32 v39, v20;
	v34 =	vmul.f32 v37, v48;
	v33 =	vmul.f32 v33, v38  }
0x1ef: {  	v24 =	vadd.f32 v28, v24;
	v25 =	vadd.f32 v25, v26;
	v26 =	vmul.f32 v48, v48  }
0x1f0: {  	v27 =	vadd.f32 v29, v27;
	v29 =	vmul.f32 v32, v32;
	v28 =	vadd.f32 v33, v34  }
0x1f1: {  	v31 =	vmul.f32 v31, v31;
	v21 =	vadd.f32 v26, v21;
	v26 =	vmul.f32 v38, v38  }
0x1f2: {  	v24 =	vadd.f32 v25, v24;
	v25 =	vadd.f32 v28, v27;
	v27 =	vmul.f32 v30, v30  }
0x1f3: {  	s13 =	sand.u32 $0xE00, s20;
	s24 =	sadd.s32 $0x10, s24;
	s20 =	smov.u32 s12;
	v23 =	vadd.f32 v36, v23;
	v22 =	vadd.f32 v29, v22  }
0x1f4: {  	s25 =	sand.u32 $0x70, s24;
	s13 =	sshrl.u32 s13, $0x2;
	v17 =	vadd.f32 v26, v17;
	v24 =	vadd.f32 v25, v24  }
0x1f5: {  	s13 =	sor.u32 s25, s13;
	v16 =	vadd.f32 v31, v16;
	v14 =	vadd.f32 v27, v14  }
0x1f6: {  	s26 =	sadd.s32 $0x80, s26;
	[tilespmem:s13+$0x13200] =	vst v24  }
0x1f7: {  	v24 =	vld [tilespmem:s26+$0xFFFFFFC0]  }
0x1f8: {  	v28 =	vld [tilespmem:s26+$0x0]  }
0x1f9: {  	v26 =	vld [tilespmem:s26+$0xFFFFFFE0]  }
0x1fa: {  	v25 =	vld [tilespmem:s26+$0x20]  }
0x1fb: {  	v27 =	vld [tilespmem:s26+$0xFFFFFFD0]  }
0x1fc: {  	s29 =	sadd.s32 $0x80, s29;
	v29 =	vld [tilespmem:s26+$0x10];
	v30 =	vmul.f32 v24, v24  }
0x1fd: {  	s31 =	sadd.s32 $0x80, s31;
	v33 =	vld [tilespmem:s29+$0xFFFFFFC0];
	v31 =	vmul.f32 v28, v28  }
0x1fe: {  	v35 =	vld [tilespmem:s31+$0xFFFFFFC0];
	v15 =	vadd.f32 v30, v15;
	v30 =	vmul.f32 v26, v26  }
0x1ff: {  	v36 =	vld [tilespmem:s29+$0x0];
	v13 =	vadd.f32 v31, v13;
	v31 =	vmul.f32 v25, v25  }
0x200: {  	v38 =	vld [tilespmem:s31+$0x0];
	v32 =	vmul.f32 v27, v27;
	v2 =	vadd.f32 v30, v2  }
0x201: {  	v40 =	vld [tilespmem:s29+$0xFFFFFFE0];
	v30 =	vmul.f32 v29, v29;
	v7 =	vadd.f32 v31, v7  }
0x202: {  	v42 =	vld [tilespmem:s31+$0xFFFFFFE0];
	v31 =	vmul.f32 v33, v33;
	v8 =	vadd.f32 v32, v8  }
0x203: {  	v41 =	vld [tilespmem:s29+$0x20];
	v32 =	vmul.f32 v35, v35;
	v11 =	vadd.f32 v30, v11  }
0x204: {  	v44 =	vld [tilespmem:s31+$0x20];
	v9 =	vadd.f32 v31, v9;
	v30 =	vmul.f32 v36, v36  }
0x205: {  	v45 =	vld [tilespmem:s29+$0xFFFFFFD0];
	v3 =	vadd.f32 v32, v3;
	v31 =	vmul.f32 v38, v38  }
0x206: {  	v46 =	vld [tilespmem:s31+$0xFFFFFFD0];
	v32 =	vmul.f32 v40, v40;
	v0 =	vadd.f32 v30, v0  }
0x207: {  	v47 =	vld [tilespmem:s29+$0x10];
	v30 =	vmul.f32 v42, v42;
	v4 =	vadd.f32 v31, v4  }
.Ltmp3:
0x208: {  	v34 =	vld [tilespmem:s31+$0x10];
	v5 =	vadd.f32 v32, v5;
	v31 =	vmul.f32 v41, v41;
	(pc) =	sbr.rel @p0 .LBB2_8-.Ltmp3, $4  }
0x209: {  	v37 =	vld [tilespmem:s29+$0xFFFFFFF0];
	v12 =	vadd.f32 v30, v12;
	v30 =	vmul.f32 v44, v44  }
0x20a: {  	v32 =	vld [tilespmem:s31+$0xFFFFFFF0];
	v39 =	vmul.f32 v45, v45;
	v6 =	vadd.f32 v31, v6  }
0x20b: {  	v31 =	vld [tilespmem:s29+$0x30];
	v43 =	vmul.f32 v46, v46;
	v10 =	vadd.f32 v30, v10  }
0x20c: {  	s12 =	sadd.s32 $0x40, s12;
	v30 =	vld [tilespmem:s31+$0x30];
	v1 =	vadd.f32 v39, v1;
	v39 =	vmul.f32 v47, v47  }
0x20d: {  	v48 =	vld [tilespmem:s26+$0xFFFFFFF0];
	v33 =	vsub.f32 v33, v35  }
0x20e: {  	v62 =	vsub.f32 v36, v38;
	v63 =	vld [tilespmem:s26+$0x30];
	v42 =	vsub.f32 v40, v42  }
0x20f: {  	v49 =	vsub.f32 v41, v44;
	v50 =	vsub.f32 v45, v46;
	v24 =	vmul.f32 v33, v24  }
0x210: {  	v51 =	vsub.f32 v47, v34;
	v28 =	vmul.f32 v62, v28;
	v26 =	vmul.f32 v42, v26  }
0x211: {  	v52 =	vsub.f32 v37, v32;
	v25 =	vmul.f32 v49, v25;
	v53 =	vsub.f32 v31, v30  }
0x212: {  	v27 =	vmul.f32 v50, v27;
	v29 =	vmul.f32 v51, v29  }
0x213: {  	v54 =	vmul.f32 v52, v48;
	v33 =	vmul.f32 v53, v63  }
0x214: {  	v24 =	vadd.f32 v28, v24;
	v25 =	vadd.f32 v25, v26  }
0x215: {  	v26 =	vadd.f32 v29, v27;
	v27 =	vadd.f32 v33, v54;
	_ =	sdelay $0x1  }
0x216: {  	v24 =	vadd.f32 v25, v24;
	v25 =	vadd.f32 v27, v26  }
0x217: {  	s12 =	sand.u32 $0xE00, s20;
	s13 =	sadd.s32 $0x10, s24  }
0x218: {  	s13 =	sand.u32 $0x70, s13;
	s12 =	sshrl.u32 s12, $0x2;
	v24 =	vadd.f32 v25, v24  }
0x219: {  	s12 =	sor.u32 s13, s12  }
0x21a: {  	s24 =	simm.s32 $0x0;
	s25 =	simm.s32 $0x12600;
	[tilespmem:s12+$0x13200] =	vst v24  }
0x21b: {  	[hbm4b:s8+s24] =	stream.linear.scatter [tilespmem:s25], [sflag:$0x2], $0x1000, $0x38;
	[tilespmem:$0x14680] =	vst v63  }
0x21c: {  	_ =	swait.ge [sflag:s14], $0x2000  }
0x21d: {  	[sflag:s14] =	ssyncset.done $0x0  }
0x21e: {  	[sflag:s14] =	ssyncadd.s32 $0xFFFFE000  }
0x21f: {  	_ =	swait.ge [sflag:s14], $0x2000  }
0x220: {  	[sflag:s14] =	ssyncset.done $0x0  }
0x221: {  	[sflag:s14] =	ssyncadd.s32 $0xFFFFE000  }
0x222: {  	_ =	swait.ge [sflag:s14], $0x2000  }
0x223: {  	[sflag:s14] =	ssyncset.done $0x0  }
0x224: {  	s26 =	simm.s32 $0x180;
	[sflag:s14] =	ssyncadd.s32 $0xFFFFE000  }
0x225: {  	[tilespmem:s16], [sflag:$0x1] =	stream.indirect.gather [hbm4b:s0+s15], $0x80, s26, s15, $0xb8;
	[tilespmem:$0x14680] =	vst v63  }
0x226: {  	s13 =	simm.s32 $0x380  }
0x227: {  	[tilespmem:s17], [sflag:$0x1] =	stream.indirect.gather [hbm4b:s1+s15], $0x80, s13, s15, $0xb8;
	[tilespmem:$0x14680] =	vst v63  }
0x228: {  	s20 =	simm.s32 $0x580;
	s12 =	simm.s32 $0x2670  }
0x229: {  	[tilespmem:s18], [sflag:$0x1] =	stream.indirect.gather [hbm4b:s1+s15], $0x80, s20, s15, $0xb8;
	[tilespmem:$0x14680] =	vst v63  }
0x22a: {  	v24 =	vld [tilespmem:s12+$0xFFFFFF90]  }
0x22b: {  	v25 =	vld [tilespmem:s12+$0xFFFFFFD0]  }
0x22c: {  	v26 =	vld [tilespmem:s12+$0xFFFFFFB0]  }
0x22d: {  	v27 =	vld [tilespmem:s12+$0xFFFFFFF0]  }
0x22e: {  	v28 =	vld [tilespmem:s12+$0xFFFFFFA0]  }
0x22f: {  	s25 =	simm.s32 $0x8670;
	v29 =	vld [tilespmem:s12+$0xFFFFFFE0]  }
0x230: {  	s26 =	simm.s32 $0xE670;
	v33 =	vld [tilespmem:s25+$0xFFFFFF90]  }
0x231: {  	v35 =	vld [tilespmem:s26+$0xFFFFFF90]  }
0x232: {  	v38 =	vld [tilespmem:s25+$0xFFFFFFD0]  }
0x233: {  	v40 =	vld [tilespmem:s26+$0xFFFFFFD0]  }
0x234: {  	v41 =	vld [tilespmem:s25+$0xFFFFFFB0]  }
0x235: {  	v42 =	vld [tilespmem:s26+$0xFFFFFFB0]  }
0x236: {  	v44 =	vld [tilespmem:s25+$0xFFFFFFF0]  }
0x237: {  	v45 =	vld [tilespmem:s26+$0xFFFFFFF0]  }
0x238: {  	v46 =	vld [tilespmem:s25+$0xFFFFFFA0]  }
0x239: {  	v47 =	vld [tilespmem:s26+$0xFFFFFFA0]  }
0x23a: {  	v49 =	vld [tilespmem:s25+$0xFFFFFFE0]  }
0x23b: {  	v50 =	vld [tilespmem:s26+$0xFFFFFFE0]  }
0x23c: {  	v56 =	vmul.f32 v34, v34;
	v18 =	vadd.f32 v43, v18;
	v55 =	vmul.f32 v37, v37;
	v51 =	vld [tilespmem:s25+$0xFFFFFFC0]  }
0x23d: {  	v20 =	vadd.f32 v39, v20;
	v57 =	vmul.f32 v32, v32;
	v48 =	vmul.f32 v48, v48;
	v37 =	vld [tilespmem:s26+$0xFFFFFFC0]  }
0x23e: {  	v23 =	vadd.f32 v56, v23;
	v19 =	vadd.f32 v55, v19;
	v39 =	vld [tilespmem:s25+$0x0]  }
0x23f: {  	v22 =	vadd.f32 v57, v22;
	v21 =	vadd.f32 v48, v21;
	v43 =	vld [tilespmem:s26+$0x0]  }
0x240: {  	v31 =	vmul.f32 v31, v31;
	v32 =	vld [tilespmem:s12+$0xFFFFFFC0];
	v58 =	vsub.f32 v33, v35;
	v59 =	vsub.f32 v38, v40  }
0x241: {  	v30 =	vmul.f32 v30, v30;
	v60 =	vld [tilespmem:s12+$0x0];
	v52 =	vsub.f32 v41, v42;
	v53 =	vsub.f32 v44, v45  }
0x242: {  	v36 =	vmul.f32 v63, v63;
	v54 =	vsub.f32 v46, v47;
	v55 =	vsub.f32 v49, v50  }
0x243: {  	v56 =	vsub.f32 v51, v37;
	v34 =	vmul.f32 v58, v24;
	v48 =	vmul.f32 v59, v25  }
0x244: {  	v57 =	vsub.f32 v39, v43;
	v52 =	vmul.f32 v52, v26;
	v53 =	vmul.f32 v53, v27  }
0x245: {  	v16 =	vadd.f32 v31, v16;
	v31 =	vmul.f32 v54, v28;
	v61 =	vmul.f32 v55, v29  }
0x246: {  	v62 =	vmul.f32 v56, v32;
	v63 =	vmul.f32 v57, v60  }
0x247: {  	v24 =	vmul.f32 v24, v24;
	v34 =	vadd.f32 v48, v34;
	v52 =	vadd.f32 v53, v52  }
0x248: {  	v31 =	vadd.f32 v61, v31;
	v48 =	vadd.f32 v63, v62  }
0x249: {  	v14 =	vadd.f32 v30, v14;
	v15 =	vadd.f32 v24, v15;
	v24 =	vmul.f32 v25, v25  }
0x24a: {  	v26 =	vmul.f32 v26, v26;
	v25 =	vadd.f32 v52, v34;
	v30 =	vadd.f32 v48, v31  }
0x24b: {  	s25 =	sand.u32 $0xE00, s24;
	v56 =	vmul.f32 v46, v46;
	v13 =	vadd.f32 v24, v13;
	v24 =	vmul.f32 v27, v27  }
0x24c: {  	s26 =	sand.u32 $0x70, s24;
	s12 =	sshrl.u32 s25, $0x2;
	v59 =	vmul.f32 v32, v32;
	v2 =	vadd.f32 v26, v2;
	v25 =	vadd.f32 v30, v25  }
0x24d: {  	s12 =	sor.u32 s26, s12;
	v26 =	vmul.f32 v35, v35;
	v7 =	vadd.f32 v24, v7;
	v24 =	vmul.f32 v33, v33  }
0x24e: {  	v17 =	vadd.f32 v36, v17;
	s26 =	simm.s32 $0x26F0;
	v27 =	vmul.f32 v28, v28;
	v28 =	vmul.f32 v29, v29;
	[tilespmem:s12+$0x13600] =	vst v25  }
0x24f: {  	v58 =	vadd.f32 v56, v1;
	v29 =	vmul.f32 v42, v42;
	v9 =	vadd.f32 v24, v9;
	v24 =	vld [tilespmem:s26+$0xFFFFFF90]  }
0x250: {  	v8 =	vadd.f32 v27, v8;
	v30 =	vadd.f32 v28, v11;
	v27 =	vmul.f32 v41, v41;
	v28 =	vld [tilespmem:s26+$0xFFFFFFD0]  }
0x251: {  	v1 =	vmul.f32 v50, v50;
	v3 =	vadd.f32 v26, v3;
	v11 =	vmul.f32 v38, v38;
	v26 =	vld [tilespmem:s26+$0xFFFFFFB0]  }
0x252: {  	v31 =	vadd.f32 v29, v12;
	v12 =	vmul.f32 v45, v45;
	v5 =	vadd.f32 v27, v5;
	v27 =	vld [tilespmem:s26+$0xFFFFFFA0]  }
0x253: {  	s29 =	simm.s32 $0x86F0;
	v21 =	vadd.f32 v59, v21;
	v0 =	vadd.f32 v11, v0;
	v11 =	vmul.f32 v44, v44;
	v29 =	vld [tilespmem:s26+$0xFFFFFFE0]  }
0x254: {  	s31 =	simm.s32 $0xE6F0;
	v25 =	vmul.f32 v40, v40;
	v10 =	vadd.f32 v12, v10;
	v12 =	vmul.f32 v51, v51;
	v32 =	vld [tilespmem:s29+$0xFFFFFF90]  }
0x255: {  	v23 =	vadd.f32 v1, v23;
	v34 =	vld [tilespmem:s31+$0xFFFFFF90];
	v57 =	vadd.f32 v11, v6;
	v6 =	vmul.f32 v47, v47  }
0x256: {  	v4 =	vadd.f32 v25, v4;
	v25 =	vld [tilespmem:s26+$0xFFFFFFF0];
	v11 =	vmul.f32 v49, v49;
	v19 =	vadd.f32 v12, v19  }
0x257: {  	v36 =	vld [tilespmem:s29+$0xFFFFFFD0];
	v12 =	vmul.f32 v39, v39;
	v18 =	vadd.f32 v6, v18;
	v6 =	vmul.f32 v37, v37  }
0x258: {  	v38 =	vld [tilespmem:s31+$0xFFFFFFD0];
	v20 =	vadd.f32 v11, v20;
	v11 =	vmul.f32 v60, v60;
	v60 =	vmul.f32 v43, v43  }
0x259: {  	v42 =	vld [tilespmem:s31+$0xFFFFFFB0];
	v16 =	vadd.f32 v12, v16;
	v22 =	vadd.f32 v6, v22;
	v1 =	vmul.f32 v24, v24  }
0x25a: {  	v45 =	vld [tilespmem:s29+$0xFFFFFFA0];
	v17 =	vadd.f32 v11, v17;
	v6 =	vmul.f32 v28, v28;
	v11 =	vmul.f32 v26, v26  }
0x25b: {  	v39 =	vld [tilespmem:s29+$0xFFFFFFB0];
	v14 =	vadd.f32 v60, v14;
	v15 =	vadd.f32 v1, v15;
	v1 =	vmul.f32 v25, v25  }
0x25c: {  	v41 =	vld [tilespmem:s29+$0xFFFFFFF0];
	v12 =	vmul.f32 v27, v27;
	v13 =	vadd.f32 v6, v13;
	v11 =	vadd.f32 v11, v2  }
0x25d: {  	v43 =	vld [tilespmem:s31+$0xFFFFFFF0];
	v2 =	vmul.f32 v29, v29;
	v6 =	vadd.f32 v1, v7;
	v7 =	vmul.f32 v32, v32  }
0x25e: {  	v46 =	vld [tilespmem:s31+$0xFFFFFFA0];
	v61 =	vmul.f32 v36, v36;
	v1 =	vadd.f32 v12, v8;
	v8 =	vmul.f32 v34, v34  }
0x25f: {  	v47 =	vld [tilespmem:s29+$0xFFFFFFE0];
	v12 =	vadd.f32 v2, v30;
	v2 =	vadd.f32 v7, v9;
	v9 =	vmul.f32 v38, v38  }
0x260: {  	v35 =	vld [tilespmem:s31+$0xFFFFFFE0];
	v63 =	vmul.f32 v45, v45;
	v7 =	vadd.f32 v8, v3;
	v8 =	vmul.f32 v39, v39  }
0x261: {  	v37 =	vld [tilespmem:s29+$0xFFFFFFC0];
	v30 =	vmul.f32 v42, v42;
	v4 =	vadd.f32 v9, v4;
	v9 =	vmul.f32 v41, v41  }
0x262: {  	v33 =	vld [tilespmem:s31+$0xFFFFFFC0];
	v62 =	vmul.f32 v43, v43;
	v3 =	vadd.f32 v61, v0;
	v0 =	vadd.f32 v8, v5  }
0x263: {  	v44 =	vmul.f32 v46, v46;
	v8 =	vadd.f32 v30, v31;
	v31 =	vld [tilespmem:s29+$0x0];
	v5 =	vadd.f32 v9, v57  }
0x264: {  	s20 =	simm.s32 $0x40;
	s12 =	simm.s32 $0x80;
	v40 =	vmul.f32 v47, v47;
	v30 =	vld [tilespmem:s31+$0x0];
	v9 =	vadd.f32 v62, v10;
	v10 =	vadd.f32 v63, v58  }
.LBB2_10:
0x265: {  	p0 =	sne.s32 s12, $0xFC0;
	v48 =	vld [tilespmem:s26+$0xFFFFFFC0];
	v32 =	vsub.f32 v32, v34;
	v34 =	vsub.f32 v36, v38;
	v36 =	vmul.f32 v35, v35  }
0x266: {  	v39 =	vsub.f32 v39, v42;
	v18 =	vadd.f32 v44, v18;
	v38 =	vld [tilespmem:s26+$0x0];
	v42 =	vmul.f32 v37, v37  }
0x267: {  	v24 =	vmul.f32 v32, v24;
	v28 =	vmul.f32 v34, v28;
	v32 =	vsub.f32 v41, v43  }
0x268: {  	v35 =	vsub.f32 v47, v35;
	v34 =	vsub.f32 v45, v46;
	v26 =	vmul.f32 v39, v26  }
0x269: {  	v37 =	vsub.f32 v37, v33;
	v25 =	vmul.f32 v32, v25;
	v32 =	vsub.f32 v31, v30  }
0x26a: {  	v29 =	vmul.f32 v35, v29;
	v19 =	vadd.f32 v42, v19;
	v27 =	vmul.f32 v34, v27  }
0x26b: {  	v20 =	vadd.f32 v40, v20;
	v34 =	vmul.f32 v37, v48;
	v32 =	vmul.f32 v32, v38  }
0x26c: {  	v24 =	vadd.f32 v28, v24;
	v25 =	vadd.f32 v25, v26;
	v26 =	vmul.f32 v48, v48  }
0x26d: {  	v27 =	vadd.f32 v29, v27;
	v29 =	vmul.f32 v33, v33;
	v28 =	vadd.f32 v32, v34  }
0x26e: {  	v31 =	vmul.f32 v31, v31;
	v21 =	vadd.f32 v26, v21;
	v26 =	vmul.f32 v38, v38  }
0x26f: {  	v24 =	vadd.f32 v25, v24;
	v25 =	vadd.f32 v28, v27;
	v27 =	vmul.f32 v30, v30  }
0x270: {  	s13 =	sand.u32 $0xE00, s20;
	s24 =	sadd.s32 $0x10, s24;
	s20 =	smov.u32 s12;
	v23 =	vadd.f32 v36, v23;
	v22 =	vadd.f32 v29, v22  }
0x271: {  	s25 =	sand.u32 $0x70, s24;
	s13 =	sshrl.u32 s13, $0x2;
	v17 =	vadd.f32 v26, v17;
	v24 =	vadd.f32 v25, v24  }
0x272: {  	s13 =	sor.u32 s25, s13;
	v16 =	vadd.f32 v31, v16;
	v14 =	vadd.f32 v27, v14  }
0x273: {  	s26 =	sadd.s32 $0x80, s26;
	[tilespmem:s13+$0x13600] =	vst v24  }
0x274: {  	v24 =	vld [tilespmem:s26+$0xFFFFFF90]  }
0x275: {  	v28 =	vld [tilespmem:s26+$0xFFFFFFD0]  }
0x276: {  	v26 =	vld [tilespmem:s26+$0xFFFFFFB0]  }
0x277: {  	v25 =	vld [tilespmem:s26+$0xFFFFFFF0]  }
0x278: {  	v27 =	vld [tilespmem:s26+$0xFFFFFFA0]  }
0x279: {  	s29 =	sadd.s32 $0x80, s29;
	v29 =	vld [tilespmem:s26+$0xFFFFFFE0];
	v30 =	vmul.f32 v24, v24  }
0x27a: {  	s31 =	sadd.s32 $0x80, s31;
	v32 =	vld [tilespmem:s29+$0xFFFFFF90];
	v31 =	vmul.f32 v28, v28  }
0x27b: {  	v34 =	vld [tilespmem:s31+$0xFFFFFF90];
	v15 =	vadd.f32 v30, v15;
	v30 =	vmul.f32 v26, v26  }
0x27c: {  	v36 =	vld [tilespmem:s29+$0xFFFFFFD0];
	v13 =	vadd.f32 v31, v13;
	v31 =	vmul.f32 v25, v25  }
0x27d: {  	v38 =	vld [tilespmem:s31+$0xFFFFFFD0];
	v33 =	vmul.f32 v27, v27;
	v11 =	vadd.f32 v30, v11  }
0x27e: {  	v39 =	vld [tilespmem:s29+$0xFFFFFFB0];
	v30 =	vmul.f32 v29, v29;
	v6 =	vadd.f32 v31, v6  }
0x27f: {  	v42 =	vld [tilespmem:s31+$0xFFFFFFB0];
	v31 =	vmul.f32 v32, v32;
	v1 =	vadd.f32 v33, v1  }
0x280: {  	v41 =	vld [tilespmem:s29+$0xFFFFFFF0];
	v33 =	vmul.f32 v34, v34;
	v12 =	vadd.f32 v30, v12  }
0x281: {  	v43 =	vld [tilespmem:s31+$0xFFFFFFF0];
	v2 =	vadd.f32 v31, v2;
	v30 =	vmul.f32 v36, v36  }
0x282: {  	v45 =	vld [tilespmem:s29+$0xFFFFFFA0];
	v7 =	vadd.f32 v33, v7;
	v31 =	vmul.f32 v38, v38  }
0x283: {  	v46 =	vld [tilespmem:s31+$0xFFFFFFA0];
	v33 =	vmul.f32 v39, v39;
	v3 =	vadd.f32 v30, v3  }
0x284: {  	v47 =	vld [tilespmem:s29+$0xFFFFFFE0];
	v30 =	vmul.f32 v42, v42;
	v4 =	vadd.f32 v31, v4  }
.Ltmp4:
0x285: {  	v35 =	vld [tilespmem:s31+$0xFFFFFFE0];
	v0 =	vadd.f32 v33, v0;
	v31 =	vmul.f32 v41, v41;
	(pc) =	sbr.rel @p0 .LBB2_10-.Ltmp4, $4  }
0x286: {  	v37 =	vld [tilespmem:s29+$0xFFFFFFC0];
	v8 =	vadd.f32 v30, v8;
	v30 =	vmul.f32 v43, v43  }
0x287: {  	v33 =	vld [tilespmem:s31+$0xFFFFFFC0];
	v40 =	vmul.f32 v45, v45;
	v5 =	vadd.f32 v31, v5  }
0x288: {  	v31 =	vld [tilespmem:s29+$0x0];
	v44 =	vmul.f32 v46, v46;
	v9 =	vadd.f32 v30, v9  }
0x289: {  	s12 =	sadd.s32 $0x40, s12;
	v30 =	vld [tilespmem:s31+$0x0];
	v10 =	vadd.f32 v40, v10;
	v40 =	vmul.f32 v47, v47  }
0x28a: {  	v48 =	vld [tilespmem:s26+$0xFFFFFFC0];
	v32 =	vsub.f32 v32, v34  }
0x28b: {  	v62 =	vsub.f32 v36, v38;
	v63 =	vld [tilespmem:s26+$0x0];
	v50 =	vsub.f32 v39, v42  }
0x28c: {  	v51 =	vsub.f32 v41, v43;
	v52 =	vsub.f32 v45, v46;
	v24 =	vmul.f32 v32, v24  }
0x28d: {  	v53 =	vsub.f32 v47, v35;
	v28 =	vmul.f32 v62, v28;
	v26 =	vmul.f32 v50, v26  }
0x28e: {  	v54 =	vsub.f32 v37, v33;
	v25 =	vmul.f32 v51, v25;
	v55 =	vsub.f32 v31, v30  }
0x28f: {  	v27 =	vmul.f32 v52, v27;
	v29 =	vmul.f32 v53, v29  }
0x290: {  	v56 =	vmul.f32 v54, v48;
	v32 =	vmul.f32 v55, v63  }
0x291: {  	v24 =	vadd.f32 v28, v24;
	v25 =	vadd.f32 v25, v26  }
0x292: {  	v26 =	vadd.f32 v29, v27;
	v27 =	vadd.f32 v32, v56;
	_ =	sdelay $0x1  }
0x293: {  	v24 =	vadd.f32 v25, v24;
	v25 =	vadd.f32 v27, v26  }
0x294: {  	s12 =	sand.u32 $0xE00, s20;
	s13 =	sadd.s32 $0x10, s24  }
0x295: {  	s13 =	sand.u32 $0x70, s13;
	s12 =	sshrl.u32 s12, $0x2;
	v24 =	vadd.f32 v25, v24  }
0x296: {  	s12 =	sor.u32 s13, s12  }
0x297: {  	[tilespmem:s12+$0x13600] =	vst v24  }
0x298: {  	_ =	swait.ge [sflag:s14], $0x2000  }
0x299: {  	[sflag:s14] =	ssyncset.done $0x0  }
0x29a: {  	[sflag:s14] =	ssyncadd.s32 $0xFFFFE000  }
0x29b: {  	_ =	swait.ge [sflag:s14], $0x2000  }
0x29c: {  	[sflag:s14] =	ssyncset.done $0x0  }
0x29d: {  	[sflag:s14] =	ssyncadd.s32 $0xFFFFE000  }
0x29e: {  	_ =	swait.ge [sflag:s14], $0x2000  }
0x29f: {  	[sflag:s14] =	ssyncset.done $0x0  }
0x2a0: {  	s20 =	simm.s32 $0x1C0;
	[sflag:s14] =	ssyncadd.s32 $0xFFFFE000  }
0x2a1: {  	[tilespmem:s19], [sflag:$0x1] =	stream.indirect.gather [hbm4b:s0+s15], $0x80, s20, s15, $0xb8;
	[tilespmem:$0x14680] =	vst v63  }
0x2a2: {  	s24 =	simm.s32 $0x3C0  }
0x2a3: {  	[tilespmem:s21], [sflag:$0x1] =	stream.indirect.gather [hbm4b:s1+s15], $0x80, s24, s15, $0xb8;
	[tilespmem:$0x14680] =	vst v63  }
0x2a4: {  	s25 =	simm.s32 $0x5C0;
	s26 =	simm.s32 $0x0  }
0x2a5: {  	[tilespmem:s23], [sflag:$0x1] =	stream.indirect.gather [hbm4b:s1+s15], $0x80, s25, s15, $0xb8;
	[tilespmem:$0x14680] =	vst v63  }
0x2a6: {  	v24 =	vld [tilespmem:s26+$0x4600]  }
0x2a7: {  	v25 =	vld [tilespmem:s26+$0x4640]  }
0x2a8: {  	v26 =	vld [tilespmem:s26+$0x4620]  }
0x2a9: {  	v27 =	vld [tilespmem:s26+$0x4660]  }
0x2aa: {  	v28 =	vld [tilespmem:s26+$0x4610]  }
0x2ab: {  	v29 =	vld [tilespmem:s26+$0x4650]  }
0x2ac: {  	v32 =	vld [tilespmem:s26+$0xA600]  }
0x2ad: {  	v34 =	vld [tilespmem:s26+$0x10600]  }
0x2ae: {  	v38 =	vld [tilespmem:s26+$0xA640]  }
0x2af: {  	v39 =	vld [tilespmem:s26+$0x10640]  }
0x2b0: {  	v41 =	vld [tilespmem:s26+$0xA620]  }
0x2b1: {  	v42 =	vld [tilespmem:s26+$0x10620]  }
0x2b2: {  	v43 =	vld [tilespmem:s26+$0xA660]  }
0x2b3: {  	v45 =	vld [tilespmem:s26+$0x10660]  }
0x2b4: {  	v46 =	vld [tilespmem:s26+$0xA610]  }
0x2b5: {  	v47 =	vld [tilespmem:s26+$0x10610]  }
0x2b6: {  	v49 =	vld [tilespmem:s26+$0xA650]  }
0x2b7: {  	v58 =	vmul.f32 v35, v35;
	v18 =	vadd.f32 v44, v18;
	v50 =	vld [tilespmem:s26+$0x10650]  }
0x2b8: {  	v57 =	vmul.f32 v37, v37;
	v40 =	vadd.f32 v40, v20;
	v59 =	vmul.f32 v33, v33;
	v51 =	vld [tilespmem:s26+$0xA630]  }
0x2b9: {  	v23 =	vadd.f32 v58, v23;
	v48 =	vmul.f32 v48, v48;
	v20 =	vmul.f32 v63, v63;
	v37 =	vld [tilespmem:s26+$0x10630]  }
0x2ba: {  	v19 =	vadd.f32 v57, v19;
	v22 =	vadd.f32 v59, v22;
	v44 =	vld [tilespmem:s26+$0xA670]  }
0x2bb: {  	v21 =	vadd.f32 v48, v21;
	v52 =	vadd.f32 v20, v17;
	v33 =	vld [tilespmem:s26+$0x10670]  }
0x2bc: {  	v35 =	vld [tilespmem:s26+$0x4630];
	v60 =	vsub.f32 v32, v34;
	v61 =	vsub.f32 v38, v39  }
0x2bd: {  	v53 =	vld [tilespmem:s26+$0x4670];
	v17 =	vsub.f32 v41, v42;
	v63 =	vsub.f32 v43, v45  }
0x2be: {  	v31 =	vmul.f32 v31, v31;
	v54 =	vsub.f32 v46, v47;
	v55 =	vsub.f32 v49, v50  }
0x2bf: {  	v56 =	vsub.f32 v51, v37;
	v20 =	vmul.f32 v60, v24;
	v62 =	vmul.f32 v61, v25  }
0x2c0: {  	v57 =	vsub.f32 v44, v33;
	v17 =	vmul.f32 v17, v26;
	v48 =	vmul.f32 v63, v27  }
0x2c1: {  	v31 =	vadd.f32 v31, v16;
	v16 =	vmul.f32 v54, v28;
	v60 =	vmul.f32 v55, v29  }
0x2c2: {  	v61 =	vmul.f32 v56, v35;
	v20 =	vadd.f32 v62, v20;
	v62 =	vmul.f32 v57, v53  }
0x2c3: {  	v30 =	vmul.f32 v30, v30;
	v24 =	vmul.f32 v24, v24;
	v17 =	vadd.f32 v48, v17  }
0x2c4: {  	v16 =	vadd.f32 v60, v16;
	v36 =	vadd.f32 v62, v61  }
0x2c5: {  	v14 =	vadd.f32 v30, v14;
	v30 =	vadd.f32 v24, v15;
	v15 =	vmul.f32 v25, v25  }
0x2c6: {  	s24 =	simm.s32 $0x0;
	v17 =	vadd.f32 v17, v20;
	v20 =	vmul.f32 v26, v26;
	v16 =	vadd.f32 v36, v16  }
0x2c7: {  	s29 =	sand.u32 $0xE00, s24;
	v48 =	vadd.f32 v15, v13;
	v13 =	vmul.f32 v27, v27;
	v15 =	vmul.f32 v28, v28  }
0x2c8: {  	s31 =	sand.u32 $0x70, s24;
	s12 =	sshrl.u32 s29, $0x2;
	v11 =	vadd.f32 v20, v11;
	v20 =	vmul.f32 v29, v29;
	v16 =	vadd.f32 v16, v17  }
0x2c9: {  	s12 =	sor.u32 s31, s12;
	v6 =	vadd.f32 v13, v6;
	v13 =	vmul.f32 v32, v32;
	v1 =	vadd.f32 v15, v1  }
0x2ca: {  	s20 =	simm.s32 $0x80;
	v17 =	vmul.f32 v34, v34;
	v54 =	vadd.f32 v20, v12;
	v12 =	vmul.f32 v38, v38;
	[tilespmem:s12+$0x13A00] =	vst v16  }
0x2cb: {  	v55 =	vadd.f32 v13, v2;
	v2 =	vmul.f32 v39, v39;
	v13 =	vmul.f32 v45, v45;
	v24 =	vld [tilespmem:s20+$0x4600]  }
0x2cc: {  	v63 =	vadd.f32 v17, v7;
	v7 =	vmul.f32 v41, v41;
	v3 =	vadd.f32 v12, v3;
	v28 =	vld [tilespmem:s20+$0x4640]  }
0x2cd: {  	v12 =	vmul.f32 v42, v42;
	v4 =	vadd.f32 v2, v4;
	v2 =	vmul.f32 v43, v43;
	v26 =	vld [tilespmem:s20+$0x4620]  }
0x2ce: {  	v62 =	vadd.f32 v13, v9;
	v9 =	vmul.f32 v33, v33;
	v25 =	vld [tilespmem:s20+$0x4660];
	v60 =	vadd.f32 v7, v0  }
0x2cf: {  	v27 =	vld [tilespmem:s20+$0x4610];
	v0 =	vmul.f32 v46, v46;
	v5 =	vadd.f32 v2, v5;
	v2 =	vmul.f32 v47, v47  }
0x2d0: {  	v29 =	vld [tilespmem:s20+$0x4650];
	v61 =	vadd.f32 v12, v8;
	v7 =	vmul.f32 v51, v51;
	v8 =	vmul.f32 v50, v50  }
0x2d1: {  	v32 =	vld [tilespmem:s20+$0xA600];
	v13 =	vadd.f32 v9, v14;
	v16 =	vadd.f32 v0, v10;
	v0 =	vmul.f32 v49, v49  }
0x2d2: {  	v34 =	vld [tilespmem:s20+$0x10600];
	v17 =	vadd.f32 v2, v18;
	v2 =	vmul.f32 v35, v35;
	v20 =	vadd.f32 v7, v19  }
0x2d3: {  	v39 =	vld [tilespmem:s20+$0xA620];
	v7 =	vmul.f32 v44, v44;
	v18 =	vadd.f32 v0, v40;
	v0 =	vmul.f32 v37, v37  }
0x2d4: {  	v36 =	vld [tilespmem:s20+$0xA640];
	v23 =	vadd.f32 v8, v23;
	v21 =	vadd.f32 v2, v21;
	v2 =	vmul.f32 v53, v53  }
0x2d5: {  	v38 =	vld [tilespmem:s20+$0x10640];
	v15 =	vadd.f32 v7, v31;
	v22 =	vadd.f32 v0, v22;
	v0 =	vmul.f32 v24, v24  }
0x2d6: {  	v41 =	vld [tilespmem:s20+$0x10620];
	v7 =	vmul.f32 v26, v26;
	v19 =	vadd.f32 v2, v52;
	v2 =	vmul.f32 v28, v28  }
0x2d7: {  	v43 =	vld [tilespmem:s20+$0x10660];
	v8 =	vmul.f32 v27, v27;
	v14 =	vadd.f32 v0, v30;
	v0 =	vmul.f32 v25, v25  }
0x2d8: {  	v40 =	vld [tilespmem:s20+$0xA660];
	v9 =	vmul.f32 v34, v34;
	v10 =	vmul.f32 v39, v39;
	v12 =	vadd.f32 v2, v48  }
0x2d9: {  	v44 =	vld [tilespmem:s20+$0xA610];
	v2 =	vadd.f32 v7, v11;
	v6 =	vadd.f32 v0, v6;
	v0 =	vmul.f32 v32, v32  }
0x2da: {  	v46 =	vld [tilespmem:s20+$0x10610];
	v7 =	vmul.f32 v29, v29;
	v11 =	vadd.f32 v8, v1;
	v1 =	vmul.f32 v36, v36  }
0x2db: {  	v33 =	vld [tilespmem:s20+$0xA650];
	v8 =	vadd.f32 v0, v55;
	v0 =	vadd.f32 v9, v63;
	v9 =	vmul.f32 v38, v38  }
0x2dc: {  	v35 =	vld [tilespmem:s20+$0x10650];
	v30 =	vmul.f32 v41, v41;
	v7 =	vadd.f32 v7, v54;
	v1 =	vadd.f32 v1, v3  }
0x2dd: {  	v37 =	vld [tilespmem:s20+$0xA630];
	v63 =	vmul.f32 v43, v43;
	v3 =	vadd.f32 v9, v4;
	v4 =	vmul.f32 v40, v40  }
0x2de: {  	v31 =	vld [tilespmem:s20+$0x10630];
	v45 =	vmul.f32 v44, v44;
	v9 =	vadd.f32 v10, v60;
	v10 =	vadd.f32 v30, v61  }
0x2df: {  	s26 =	simm.s32 $0x0;
	s12 =	simm.s32 $0x400;
	v42 =	vmul.f32 v46, v46;
	v30 =	vld [tilespmem:s20+$0xA670];
	v4 =	vadd.f32 v4, v5;
	v5 =	vadd.f32 v63, v62  }
.LBB2_12:
0x2e0: {  	p0 =	sne.s32 s12, $0x7E00;
	v47 =	vld [tilespmem:s20+$0x10670];
	v16 =	vadd.f32 v45, v16;
	v45 =	vmul.f32 v33, v33  }
0x2e1: {  	v32 =	vsub.f32 v32, v34;
	v34 =	vsub.f32 v36, v38;
	v48 =	vld [tilespmem:s20+$0x4630];
	v36 =	vmul.f32 v35, v35  }
0x2e2: {  	v39 =	vsub.f32 v39, v41;
	v17 =	vadd.f32 v42, v17;
	v38 =	vld [tilespmem:s20+$0x4670];
	v41 =	vmul.f32 v37, v37  }
0x2e3: {  	v24 =	vmul.f32 v32, v24;
	v28 =	vmul.f32 v34, v28;
	v32 =	vsub.f32 v40, v43  }
0x2e4: {  	v33 =	vsub.f32 v33, v35;
	v34 =	vsub.f32 v44, v46;
	v26 =	vmul.f32 v39, v26  }
0x2e5: {  	v35 =	vsub.f32 v37, v31;
	v25 =	vmul.f32 v32, v25;
	v32 =	vsub.f32 v30, v47  }
0x2e6: {  	v29 =	vmul.f32 v33, v29;
	v27 =	vmul.f32 v34, v27;
	v20 =	vadd.f32 v41, v20  }
0x2e7: {  	v18 =	vadd.f32 v45, v18;
	v33 =	vmul.f32 v35, v48;
	v32 =	vmul.f32 v32, v38  }
0x2e8: {  	v24 =	vadd.f32 v28, v24;
	v25 =	vadd.f32 v25, v26;
	v26 =	vmul.f32 v48, v48  }
0x2e9: {  	v27 =	vadd.f32 v29, v27;
	v29 =	vmul.f32 v31, v31;
	v28 =	vadd.f32 v32, v33  }
0x2ea: {  	v30 =	vmul.f32 v30, v30;
	v21 =	vadd.f32 v26, v21;
	v26 =	vmul.f32 v38, v38  }
0x2eb: {  	s24 =	sadd.s32 $0x40, s24;
	v24 =	vadd.f32 v25, v24;
	v25 =	vadd.f32 v28, v27;
	v27 =	vmul.f32 v47, v47  }
0x2ec: {  	s26 =	sadd.s32 $0x10, s26;
	s13 =	sand.u32 $0xE00, s24;
	v23 =	vadd.f32 v36, v23;
	v22 =	vadd.f32 v29, v22  }
0x2ed: {  	s20 =	sand.u32 $0x70, s26;
	s13 =	sshrl.u32 s13, $0x2;
	v19 =	vadd.f32 v26, v19;
	v24 =	vadd.f32 v25, v24  }
0x2ee: {  	s13 =	sor.u32 s20, s13;
	v15 =	vadd.f32 v30, v15;
	v13 =	vadd.f32 v27, v13  }
0x2ef: {  	s20 =	sshra.s32 s12, $0x2;
	[tilespmem:s13+$0x13A00] =	vst v24  }
0x2f0: {  	v24 =	vld [tilespmem:s20+$0x4600]  }
0x2f1: {  	v28 =	vld [tilespmem:s20+$0x4640]  }
0x2f2: {  	v26 =	vld [tilespmem:s20+$0x4620]  }
0x2f3: {  	v25 =	vld [tilespmem:s20+$0x4660]  }
0x2f4: {  	v27 =	vld [tilespmem:s20+$0x4610]  }
0x2f5: {  	v29 =	vld [tilespmem:s20+$0x4650];
	v30 =	vmul.f32 v24, v24  }
0x2f6: {  	v32 =	vld [tilespmem:s20+$0xA600];
	v31 =	vmul.f32 v28, v28  }
0x2f7: {  	v34 =	vld [tilespmem:s20+$0x10600];
	v14 =	vadd.f32 v30, v14;
	v30 =	vmul.f32 v26, v26  }
0x2f8: {  	v36 =	vld [tilespmem:s20+$0xA640];
	v12 =	vadd.f32 v31, v12;
	v31 =	vmul.f32 v25, v25  }
0x2f9: {  	v38 =	vld [tilespmem:s20+$0x10640];
	v33 =	vmul.f32 v27, v27;
	v2 =	vadd.f32 v30, v2  }
0x2fa: {  	v39 =	vld [tilespmem:s20+$0xA620];
	v30 =	vmul.f32 v29, v29;
	v6 =	vadd.f32 v31, v6  }
0x2fb: {  	v41 =	vld [tilespmem:s20+$0x10620];
	v31 =	vmul.f32 v32, v32;
	v11 =	vadd.f32 v33, v11  }
0x2fc: {  	v40 =	vld [tilespmem:s20+$0xA660];
	v33 =	vmul.f32 v34, v34;
	v7 =	vadd.f32 v30, v7  }
0x2fd: {  	v43 =	vld [tilespmem:s20+$0x10660];
	v8 =	vadd.f32 v31, v8;
	v30 =	vmul.f32 v36, v36  }
0x2fe: {  	v44 =	vld [tilespmem:s20+$0xA610];
	v0 =	vadd.f32 v33, v0;
	v31 =	vmul.f32 v38, v38  }
0x2ff: {  	v46 =	vld [tilespmem:s20+$0x10610];
	v37 =	vmul.f32 v39, v39;
	v1 =	vadd.f32 v30, v1  }
.Ltmp5:
0x300: {  	v33 =	vld [tilespmem:s20+$0xA650];
	v30 =	vmul.f32 v41, v41;
	v3 =	vadd.f32 v31, v3;
	(pc) =	sbr.rel @p0 .LBB2_12-.Ltmp5, $4  }
0x301: {  	v35 =	vld [tilespmem:s20+$0x10650];
	v9 =	vadd.f32 v37, v9;
	v42 =	vmul.f32 v40, v40  }
0x302: {  	v37 =	vld [tilespmem:s20+$0xA630];
	v10 =	vadd.f32 v30, v10;
	v47 =	vmul.f32 v43, v43  }
0x303: {  	v31 =	vld [tilespmem:s20+$0x10630];
	v45 =	vmul.f32 v44, v44;
	v4 =	vadd.f32 v42, v4  }
0x304: {  	s12 =	sadd.s32 $0x200, s12;
	v30 =	vld [tilespmem:s20+$0xA670];
	v42 =	vmul.f32 v46, v46;
	v5 =	vadd.f32 v47, v5  }
0x305: {  	v47 =	vld [tilespmem:s20+$0x10670]  }
0x306: {  	v48 =	vld [tilespmem:s20+$0x4630];
	v32 =	vsub.f32 v32, v34  }
0x307: {  	v62 =	vsub.f32 v36, v38;
	v63 =	vld [tilespmem:s20+$0x4670];
	v49 =	vsub.f32 v39, v41  }
0x308: {  	v50 =	vsub.f32 v40, v43;
	v51 =	vsub.f32 v44, v46;
	v24 =	vmul.f32 v32, v24  }
0x309: {  	v52 =	vsub.f32 v33, v35;
	v28 =	vmul.f32 v62, v28;
	v26 =	vmul.f32 v49, v26  }
0x30a: {  	v25 =	vmul.f32 v50, v25;
	v53 =	vsub.f32 v37, v31;
	v54 =	vsub.f32 v30, v47  }
0x30b: {  	v27 =	vmul.f32 v51, v27;
	v29 =	vmul.f32 v52, v29  }
0x30c: {  	v55 =	vmul.f32 v53, v48;
	v32 =	vmul.f32 v54, v63  }
0x30d: {  	v24 =	vadd.f32 v28, v24;
	v25 =	vadd.f32 v25, v26  }
0x30e: {  	v26 =	vadd.f32 v29, v27;
	v27 =	vadd.f32 v32, v55;
	_ =	sdelay $0x1  }
0x30f: {  	s12 =	sadd.s32 $0x40, s24;
	v24 =	vadd.f32 v25, v24;
	v25 =	vadd.f32 v27, v26  }
0x310: {  	s13 =	sadd.s32 $0x10, s26;
	s12 =	sand.u32 $0xE00, s12  }
0x311: {  	s13 =	sand.u32 $0x70, s13;
	s12 =	sshrl.u32 s12, $0x2;
	v24 =	vadd.f32 v25, v24  }
0x312: {  	s12 =	sor.u32 s13, s12  }
0x313: {  	[tilespmem:s12+$0x13A00] =	vst v24  }
0x314: {  	_ =	swait.ge [sflag:s14], $0x2000  }
0x315: {  	[sflag:s14] =	ssyncset.done $0x0  }
0x316: {  	[sflag:s14] =	ssyncadd.s32 $0xFFFFE000  }
0x317: {  	_ =	swait.ge [sflag:s14], $0x2000  }
0x318: {  	[sflag:s14] =	ssyncset.done $0x0  }
0x319: {  	[sflag:s14] =	ssyncadd.s32 $0xFFFFE000  }
0x31a: {  	_ =	swait.ge [sflag:s14], $0x2000  }
0x31b: {  	[sflag:s14] =	ssyncset.done $0x0  }
0x31c: {  	s26 =	simm.s32 $0x640;
	[sflag:s14] =	ssyncadd.s32 $0xFFFFE000  }
0x31d: {  	v24 =	vld [tilespmem:s26+$0xFFFFFFC0]  }
0x31e: {  	v25 =	vld [tilespmem:s26+$0x0]  }
0x31f: {  	v26 =	vld [tilespmem:s26+$0xFFFFFFE0]  }
0x320: {  	v27 =	vld [tilespmem:s26+$0x20]  }
0x321: {  	v28 =	vld [tilespmem:s26+$0xFFFFFFD0]  }
0x322: {  	s20 =	simm.s32 $0x6640;
	v29 =	vld [tilespmem:s26+$0x10]  }
0x323: {  	s24 =	simm.s32 $0xC640;
	v32 =	vld [tilespmem:s20+$0xFFFFFFC0]  }
0x324: {  	v34 =	vld [tilespmem:s24+$0xFFFFFFC0]  }
0x325: {  	v38 =	vld [tilespmem:s20+$0x0]  }
0x326: {  	v39 =	vld [tilespmem:s24+$0x0]  }
0x327: {  	v40 =	vld [tilespmem:s20+$0xFFFFFFE0]  }
0x328: {  	v41 =	vld [tilespmem:s24+$0xFFFFFFE0]  }
0x329: {  	v43 =	vld [tilespmem:s20+$0x20]  }
0x32a: {  	v44 =	vld [tilespmem:s24+$0x20]  }
0x32b: {  	v46 =	vld [tilespmem:s20+$0xFFFFFFD0]  }
0x32c: {  	v49 =	vld [tilespmem:s24+$0xFFFFFFD0]  }
0x32d: {  	v50 =	vld [tilespmem:s20+$0x10]  }
0x32e: {  	v56 =	vmul.f32 v33, v33;
	v57 =	vmul.f32 v37, v37;
	v51 =	vld [tilespmem:s24+$0x10]  }
0x32f: {  	v16 =	vadd.f32 v45, v16;
	v31 =	vmul.f32 v31, v31;
	v59 =	vmul.f32 v48, v48;
	v48 =	vld [tilespmem:s20+$0xFFFFFFF0]  }
0x330: {  	v17 =	vadd.f32 v42, v17;
	v33 =	vadd.f32 v56, v18;
	v18 =	vmul.f32 v63, v63;
	v37 =	vld [tilespmem:s24+$0xFFFFFFF0]  }
0x331: {  	v20 =	vadd.f32 v57, v20;
	v22 =	vadd.f32 v31, v22;
	v42 =	vld [tilespmem:s20+$0x30]  }
0x332: {  	v21 =	vadd.f32 v59, v21;
	v52 =	vadd.f32 v18, v19;
	v31 =	vld [tilespmem:s24+$0x30]  }
0x333: {  	v58 =	vmul.f32 v35, v35;
	v35 =	vld [tilespmem:s26+$0xFFFFFFF0];
	v60 =	vsub.f32 v32, v34;
	v61 =	vsub.f32 v38, v39  }
0x334: {  	v53 =	vld [tilespmem:s26+$0x30];
	v18 =	vsub.f32 v40, v41;
	v63 =	vsub.f32 v43, v44  }
0x335: {  	v30 =	vmul.f32 v30, v30;
	v54 =	vsub.f32 v46, v49;
	v55 =	vsub.f32 v50, v51  }
0x336: {  	v56 =	vsub.f32 v48, v37;
	v19 =	vmul.f32 v60, v24;
	v62 =	vmul.f32 v61, v25  }
0x337: {  	v57 =	vsub.f32 v42, v31;
	v18 =	vmul.f32 v18, v26;
	v45 =	vmul.f32 v63, v27  }
0x338: {  	v15 =	vadd.f32 v30, v15;
	v30 =	vmul.f32 v54, v28;
	v59 =	vmul.f32 v55, v29  }
0x339: {  	v23 =	vadd.f32 v58, v23;
	v60 =	vmul.f32 v56, v35;
	v61 =	vmul.f32 v57, v53  }
0x33a: {  	v24 =	vmul.f32 v24, v24;
	v19 =	vadd.f32 v62, v19;
	v18 =	vadd.f32 v45, v18  }
0x33b: {  	v30 =	vadd.f32 v59, v30;
	v36 =	vadd.f32 v61, v60  }
0x33c: {  	v62 =	vmul.f32 v47, v47;
	v63 =	vadd.f32 v24, v14;
	v14 =	vmul.f32 v25, v25  }
0x33d: {  	s24 =	simm.s32 $0x0;
	v24 =	vmul.f32 v26, v26;
	v18 =	vadd.f32 v18, v19;
	v19 =	vadd.f32 v36, v30  }
0x33e: {  	s25 =	sand.u32 $0xE00, s24;
	v25 =	vmul.f32 v28, v28;
	v26 =	vmul.f32 v29, v29;
	v13 =	vadd.f32 v62, v13  }
0x33f: {  	s26 =	sand.u32 $0x70, s24;
	s12 =	sshrl.u32 s25, $0x2;
	v12 =	vadd.f32 v14, v12;
	v14 =	vmul.f32 v27, v27;
	v18 =	vadd.f32 v19, v18  }
0x340: {  	s12 =	sor.u32 s26, s12;
	v2 =	vadd.f32 v24, v2;
	v30 =	vadd.f32 v26, v7;
	v7 =	vmul.f32 v38, v38  }
0x341: {  	s26 =	simm.s32 $0x6C0;
	v6 =	vadd.f32 v14, v6;
	v14 =	vmul.f32 v32, v32;
	v19 =	vmul.f32 v34, v34;
	[tilespmem:s12+$0x13E00] =	vst v18  }
0x342: {  	v11 =	vadd.f32 v25, v11;
	v1 =	vadd.f32 v7, v1;
	v7 =	vmul.f32 v44, v44;
	v24 =	vld [tilespmem:s26+$0xFFFFFFC0]  }
0x343: {  	v57 =	vadd.f32 v14, v8;
	v8 =	vmul.f32 v39, v39;
	v0 =	vadd.f32 v19, v0;
	v28 =	vld [tilespmem:s26+$0x0]  }
0x344: {  	v14 =	vmul.f32 v40, v40;
	v18 =	vmul.f32 v41, v41;
	v61 =	vadd.f32 v7, v5;
	v26 =	vld [tilespmem:s26+$0xFFFFFFE0]  }
0x345: {  	v5 =	vmul.f32 v48, v48;
	v7 =	vmul.f32 v51, v51;
	v25 =	vld [tilespmem:s26+$0x20];
	v58 =	vadd.f32 v8, v3  }
0x346: {  	v27 =	vld [tilespmem:s26+$0xFFFFFFD0];
	v3 =	vmul.f32 v43, v43;
	v59 =	vadd.f32 v14, v9;
	v10 =	vadd.f32 v18, v10  }
0x347: {  	s29 =	simm.s32 $0x66C0;
	v29 =	vld [tilespmem:s26+$0x10];
	v8 =	vmul.f32 v46, v46;
	v19 =	vadd.f32 v5, v20;
	v5 =	vmul.f32 v42, v42  }
0x348: {  	s31 =	simm.s32 $0xC6C0;
	v32 =	vld [tilespmem:s29+$0xFFFFFFC0];
	v23 =	vadd.f32 v7, v23;
	v60 =	vadd.f32 v3, v4;
	v3 =	vmul.f32 v49, v49  }
0x349: {  	v34 =	vld [tilespmem:s31+$0xFFFFFFC0];
	v4 =	vmul.f32 v50, v50;
	v62 =	vadd.f32 v8, v16;
	v8 =	vmul.f32 v35, v35  }
0x34a: {  	v36 =	vld [tilespmem:s29+$0x0];
	v16 =	vadd.f32 v5, v15;
	v18 =	vadd.f32 v3, v17;
	v3 =	vmul.f32 v37, v37  }
0x34b: {  	v39 =	vld [tilespmem:s29+$0xFFFFFFE0];
	v20 =	vadd.f32 v4, v33;
	v21 =	vadd.f32 v8, v21;
	v4 =	vmul.f32 v53, v53  }
0x34c: {  	v38 =	vld [tilespmem:s31+$0x0];
	v8 =	vmul.f32 v31, v31;
	v22 =	vadd.f32 v3, v22;
	v3 =	vmul.f32 v24, v24  }
0x34d: {  	v45 =	vld [tilespmem:s29+$0xFFFFFFD0];
	v5 =	vmul.f32 v26, v26;
	v17 =	vadd.f32 v4, v52;
	v4 =	vmul.f32 v28, v28  }
0x34e: {  	v41 =	vld [tilespmem:s29+$0x20];
	v14 =	vadd.f32 v8, v13;
	v15 =	vadd.f32 v3, v63;
	v3 =	vmul.f32 v25, v25  }
0x34f: {  	v42 =	vld [tilespmem:s31+$0xFFFFFFE0];
	v2 =	vadd.f32 v5, v2;
	v13 =	vadd.f32 v4, v12;
	v4 =	vmul.f32 v27, v27  }
0x350: {  	v43 =	vld [tilespmem:s31+$0x20];
	v5 =	vmul.f32 v29, v29;
	v12 =	vmul.f32 v39, v39;
	v7 =	vadd.f32 v3, v6  }
0x351: {  	v47 =	vld [tilespmem:s29+$0x10];
	v3 =	vmul.f32 v32, v32;
	v8 =	vadd.f32 v4, v11;
	v4 =	vmul.f32 v34, v34  }
0x352: {  	v46 =	vld [tilespmem:s31+$0xFFFFFFD0];
	v63 =	vmul.f32 v45, v45;
	v6 =	vmul.f32 v36, v36;
	v11 =	vadd.f32 v5, v30  }
0x353: {  	v35 =	vld [tilespmem:s31+$0x10];
	v5 =	vmul.f32 v38, v38;
	v9 =	vadd.f32 v3, v57;
	v3 =	vadd.f32 v4, v0  }
0x354: {  	v37 =	vld [tilespmem:s29+$0xFFFFFFF0];
	v0 =	vadd.f32 v6, v1;
	v1 =	vmul.f32 v42, v42;
	v6 =	vmul.f32 v41, v41  }
0x355: {  	v33 =	vld [tilespmem:s31+$0xFFFFFFF0];
	v30 =	vmul.f32 v43, v43;
	v4 =	vadd.f32 v5, v58;
	v5 =	vadd.f32 v12, v59  }
0x356: {  	v31 =	vld [tilespmem:s29+$0x30];
	v40 =	vmul.f32 v47, v47;
	v12 =	vadd.f32 v1, v10;
	v6 =	vadd.f32 v6, v60  }
0x357: {  	s20 =	simm.s32 $0x40;
	s12 =	simm.s32 $0x80;
	v44 =	vmul.f32 v46, v46;
	v10 =	vadd.f32 v30, v61;
	v30 =	vld [tilespmem:s31+$0x30];
	v1 =	vadd.f32 v63, v62  }
.LBB2_14:
0x358: {  	p0 =	sne.s32 s12, $0xFC0;
	v48 =	vld [tilespmem:s26+$0xFFFFFFF0];
	v32 =	vsub.f32 v32, v34;
	v34 =	vsub.f32 v36, v38;
	v36 =	vmul.f32 v35, v35  }
0x359: {  	v39 =	vsub.f32 v39, v42;
	v18 =	vadd.f32 v44, v18;
	v38 =	vld [tilespmem:s26+$0x30];
	v42 =	vmul.f32 v37, v37  }
0x35a: {  	v24 =	vmul.f32 v32, v24;
	v28 =	vmul.f32 v34, v28;
	v32 =	vsub.f32 v41, v43  }
0x35b: {  	v35 =	vsub.f32 v47, v35;
	v34 =	vsub.f32 v45, v46;
	v26 =	vmul.f32 v39, v26  }
0x35c: {  	v37 =	vsub.f32 v37, v33;
	v25 =	vmul.f32 v32, v25;
	v32 =	vsub.f32 v31, v30  }
0x35d: {  	v29 =	vmul.f32 v35, v29;
	v19 =	vadd.f32 v42, v19;
	v27 =	vmul.f32 v34, v27  }
0x35e: {  	v20 =	vadd.f32 v40, v20;
	v34 =	vmul.f32 v37, v48;
	v32 =	vmul.f32 v32, v38  }
0x35f: {  	v24 =	vadd.f32 v28, v24;
	v25 =	vadd.f32 v25, v26;
	v26 =	vmul.f32 v48, v48  }
0x360: {  	v27 =	vadd.f32 v29, v27;
	v29 =	vmul.f32 v33, v33;
	v28 =	vadd.f32 v32, v34  }
0x361: {  	v31 =	vmul.f32 v31, v31;
	v21 =	vadd.f32 v26, v21;
	v26 =	vmul.f32 v38, v38  }
0x362: {  	v24 =	vadd.f32 v25, v24;
	v25 =	vadd.f32 v28, v27;
	v27 =	vmul.f32 v30, v30  }
0x363: {  	s13 =	sand.u32 $0xE00, s20;
	s24 =	sadd.s32 $0x10, s24;
	s20 =	smov.u32 s12;
	v23 =	vadd.f32 v36, v23;
	v22 =	vadd.f32 v29, v22  }
0x364: {  	s25 =	sand.u32 $0x70, s24;
	s13 =	sshrl.u32 s13, $0x2;
	v17 =	vadd.f32 v26, v17;
	v24 =	vadd.f32 v25, v24  }
0x365: {  	s13 =	sor.u32 s25, s13;
	v16 =	vadd.f32 v31, v16;
	v14 =	vadd.f32 v27, v14  }
0x366: {  	s26 =	sadd.s32 $0x80, s26;
	[tilespmem:s13+$0x13E00] =	vst v24  }
0x367: {  	v24 =	vld [tilespmem:s26+$0xFFFFFFC0]  }
0x368: {  	v28 =	vld [tilespmem:s26+$0x0]  }
0x369: {  	v26 =	vld [tilespmem:s26+$0xFFFFFFE0]  }
0x36a: {  	v25 =	vld [tilespmem:s26+$0x20]  }
0x36b: {  	v27 =	vld [tilespmem:s26+$0xFFFFFFD0]  }
0x36c: {  	s29 =	sadd.s32 $0x80, s29;
	v29 =	vld [tilespmem:s26+$0x10];
	v30 =	vmul.f32 v24, v24  }
0x36d: {  	s31 =	sadd.s32 $0x80, s31;
	v32 =	vld [tilespmem:s29+$0xFFFFFFC0];
	v31 =	vmul.f32 v28, v28  }
0x36e: {  	v34 =	vld [tilespmem:s31+$0xFFFFFFC0];
	v15 =	vadd.f32 v30, v15;
	v30 =	vmul.f32 v26, v26  }
0x36f: {  	v36 =	vld [tilespmem:s29+$0x0];
	v13 =	vadd.f32 v31, v13;
	v31 =	vmul.f32 v25, v25  }
0x370: {  	v38 =	vld [tilespmem:s31+$0x0];
	v33 =	vmul.f32 v27, v27;
	v2 =	vadd.f32 v30, v2  }
0x371: {  	v39 =	vld [tilespmem:s29+$0xFFFFFFE0];
	v30 =	vmul.f32 v29, v29;
	v7 =	vadd.f32 v31, v7  }
0x372: {  	v42 =	vld [tilespmem:s31+$0xFFFFFFE0];
	v31 =	vmul.f32 v32, v32;
	v8 =	vadd.f32 v33, v8  }
0x373: {  	v41 =	vld [tilespmem:s29+$0x20];
	v33 =	vmul.f32 v34, v34;
	v11 =	vadd.f32 v30, v11  }
0x374: {  	v43 =	vld [tilespmem:s31+$0x20];
	v9 =	vadd.f32 v31, v9;
	v30 =	vmul.f32 v36, v36  }
0x375: {  	v45 =	vld [tilespmem:s29+$0xFFFFFFD0];
	v3 =	vadd.f32 v33, v3;
	v31 =	vmul.f32 v38, v38  }
0x376: {  	v46 =	vld [tilespmem:s31+$0xFFFFFFD0];
	v33 =	vmul.f32 v39, v39;
	v0 =	vadd.f32 v30, v0  }
0x377: {  	v47 =	vld [tilespmem:s29+$0x10];
	v30 =	vmul.f32 v42, v42;
	v4 =	vadd.f32 v31, v4  }
.Ltmp6:
0x378: {  	v35 =	vld [tilespmem:s31+$0x10];
	v5 =	vadd.f32 v33, v5;
	v31 =	vmul.f32 v41, v41;
	(pc) =	sbr.rel @p0 .LBB2_14-.Ltmp6, $4  }
0x379: {  	v37 =	vld [tilespmem:s29+$0xFFFFFFF0];
	v12 =	vadd.f32 v30, v12;
	v30 =	vmul.f32 v43, v43  }
0x37a: {  	v33 =	vld [tilespmem:s31+$0xFFFFFFF0];
	v40 =	vmul.f32 v45, v45;
	v6 =	vadd.f32 v31, v6  }
0x37b: {  	v31 =	vld [tilespmem:s29+$0x30];
	v44 =	vmul.f32 v46, v46;
	v10 =	vadd.f32 v30, v10  }
0x37c: {  	s12 =	sadd.s32 $0x40, s12;
	v30 =	vld [tilespmem:s31+$0x30];
	v1 =	vadd.f32 v40, v1;
	v40 =	vmul.f32 v47, v47  }
0x37d: {  	v48 =	vld [tilespmem:s26+$0xFFFFFFF0];
	v32 =	vsub.f32 v32, v34  }
0x37e: {  	v53 =	vsub.f32 v36, v38;
	v54 =	vld [tilespmem:s26+$0x30];
	v55 =	vsub.f32 v39, v42  }
0x37f: {  	v56 =	vsub.f32 v41, v43;
	v57 =	vsub.f32 v45, v46;
	v24 =	vmul.f32 v32, v24  }
0x380: {  	v58 =	vsub.f32 v47, v35;
	v28 =	vmul.f32 v53, v28;
	v26 =	vmul.f32 v55, v26  }
0x381: {  	v59 =	vsub.f32 v37, v33;
	v25 =	vmul.f32 v56, v25;
	v60 =	vsub.f32 v31, v30  }
0x382: {  	v27 =	vmul.f32 v57, v27;
	v29 =	vmul.f32 v58, v29  }
0x383: {  	v61 =	vmul.f32 v59, v48;
	v32 =	vmul.f32 v60, v54  }
0x384: {  	v24 =	vadd.f32 v28, v24;
	v25 =	vadd.f32 v25, v26  }
0x385: {  	v26 =	vadd.f32 v29, v27;
	v27 =	vadd.f32 v32, v61;
	_ =	sdelay $0x1  }
0x386: {  	v24 =	vadd.f32 v25, v24;
	v25 =	vadd.f32 v27, v26  }
0x387: {  	s12 =	sand.u32 $0xE00, s20;
	s13 =	sadd.s32 $0x10, s24  }
0x388: {  	s13 =	sand.u32 $0x70, s13;
	s12 =	sshrl.u32 s12, $0x2;
	v24 =	vadd.f32 v25, v24  }
0x389: {  	s12 =	sor.u32 s13, s12  }
0x38a: {  	[tilespmem:s12+$0x13E00] =	vst v24  }
0x38b: {  	_ =	swait.ge [sflag:s14], $0x2000  }
0x38c: {  	[sflag:s14] =	ssyncset.done $0x0  }
0x38d: {  	[sflag:s14] =	ssyncadd.s32 $0xFFFFE000  }
0x38e: {  	_ =	swait.ge [sflag:s14], $0x2000  }
0x38f: {  	[sflag:s14] =	ssyncset.done $0x0  }
0x390: {  	[sflag:s14] =	ssyncadd.s32 $0xFFFFE000  }
0x391: {  	_ =	swait.ge [sflag:s14], $0x2000  }
0x392: {  	[sflag:s14] =	ssyncset.done $0x0  }
0x393: {  	s26 =	simm.s32 $0x2670;
	[sflag:s14] =	ssyncadd.s32 $0xFFFFE000  }
0x394: {  	v24 =	vld [tilespmem:s26+$0xFFFFFF90]  }
0x395: {  	v25 =	vld [tilespmem:s26+$0xFFFFFFD0]  }
0x396: {  	v26 =	vld [tilespmem:s26+$0xFFFFFFB0]  }
0x397: {  	v27 =	vld [tilespmem:s26+$0xFFFFFFF0]  }
0x398: {  	v28 =	vld [tilespmem:s26+$0xFFFFFFA0]  }
0x399: {  	s20 =	simm.s32 $0x8670;
	v29 =	vld [tilespmem:s26+$0xFFFFFFE0]  }
0x39a: {  	s24 =	simm.s32 $0xE670;
	v32 =	vld [tilespmem:s20+$0xFFFFFF90]  }
0x39b: {  	v34 =	vld [tilespmem:s24+$0xFFFFFF90]  }
0x39c: {  	v38 =	vld [tilespmem:s20+$0xFFFFFFD0]  }
0x39d: {  	v39 =	vld [tilespmem:s24+$0xFFFFFFD0]  }
0x39e: {  	v41 =	vld [tilespmem:s20+$0xFFFFFFB0]  }
0x39f: {  	v62 =	vld [tilespmem:s24+$0xFFFFFFB0]  }
0x3a0: {  	v63 =	vld [tilespmem:s20+$0xFFFFFFF0]  }
0x3a1: {  	v45 =	vld [tilespmem:s24+$0xFFFFFFF0]  }
0x3a2: {  	v46 =	vld [tilespmem:s20+$0xFFFFFFA0]  }
0x3a3: {  	v47 =	vld [tilespmem:s24+$0xFFFFFFA0]  }
0x3a4: {  	v49 =	vld [tilespmem:s20+$0xFFFFFFE0]  }
0x3a5: {  	v18 =	vadd.f32 v44, v18;
	v55 =	vmul.f32 v37, v37;
	v50 =	vld [tilespmem:s24+$0xFFFFFFE0]  }
0x3a6: {  	v20 =	vadd.f32 v40, v20;
	v56 =	vmul.f32 v35, v35;
	v57 =	vmul.f32 v33, v33;
	v51 =	vld [tilespmem:s20+$0xFFFFFFC0]  }
0x3a7: {  	v19 =	vadd.f32 v55, v19;
	v48 =	vmul.f32 v48, v48;
	v36 =	vmul.f32 v54, v54;
	v37 =	vld [tilespmem:s24+$0xFFFFFFC0]  }
0x3a8: {  	v22 =	vadd.f32 v57, v22;
	v33 =	vadd.f32 v56, v23;
	v40 =	vld [tilespmem:s20+$0x0]  }
0x3a9: {  	v21 =	vadd.f32 v48, v21;
	v36 =	vadd.f32 v36, v17;
	v35 =	vld [tilespmem:s24+$0x0]  }
0x3aa: {  	v44 =	vld [tilespmem:s26+$0xFFFFFFC0];
	v23 =	vsub.f32 v32, v34;
	v58 =	vsub.f32 v38, v39  }
0x3ab: {  	v31 =	vmul.f32 v31, v31;
	v52 =	vld [tilespmem:s26+$0x0];
	v17 =	vsub.f32 v41, v62;
	v53 =	vsub.f32 v63, v45  }
0x3ac: {  	v30 =	vmul.f32 v30, v30;
	v54 =	vsub.f32 v46, v47;
	v55 =	vsub.f32 v49, v50  }
0x3ad: {  	v56 =	vsub.f32 v51, v37;
	v23 =	vmul.f32 v23, v24;
	v48 =	vmul.f32 v58, v25  }
0x3ae: {  	v57 =	vsub.f32 v40, v35;
	v17 =	vmul.f32 v17, v26;
	v53 =	vmul.f32 v53, v27  }
0x3af: {  	v16 =	vadd.f32 v31, v16;
	v31 =	vmul.f32 v54, v28;
	v59 =	vmul.f32 v55, v29  }
0x3b0: {  	v60 =	vmul.f32 v56, v44;
	v61 =	vmul.f32 v57, v52  }
0x3b1: {  	v24 =	vmul.f32 v24, v24;
	v23 =	vadd.f32 v48, v23;
	v17 =	vadd.f32 v53, v17  }
0x3b2: {  	v31 =	vadd.f32 v59, v31;
	v48 =	vadd.f32 v61, v60  }
0x3b3: {  	v14 =	vadd.f32 v30, v14;
	v15 =	vadd.f32 v24, v15;
	v24 =	vmul.f32 v25, v25  }
0x3b4: {  	s24 =	simm.s32 $0x0;
	v17 =	vadd.f32 v17, v23;
	v23 =	vadd.f32 v48, v31  }
0x3b5: {  	s25 =	sand.u32 $0xE00, s24;
	v25 =	vmul.f32 v26, v26;
	v26 =	vmul.f32 v28, v28;
	v13 =	vadd.f32 v24, v13  }
0x3b6: {  	s26 =	sand.u32 $0x70, s24;
	s12 =	sshrl.u32 s25, $0x2;
	v24 =	vmul.f32 v27, v27;
	v27 =	vmul.f32 v29, v29;
	v17 =	vadd.f32 v23, v17  }
0x3b7: {  	s12 =	sor.u32 s26, s12;
	v28 =	vadd.f32 v25, v2;
	v2 =	vmul.f32 v32, v32;
	v8 =	vadd.f32 v26, v8  }
0x3b8: {  	s26 =	simm.s32 $0x26F0;
	v48 =	vadd.f32 v24, v7;
	v7 =	vmul.f32 v34, v34;
	v11 =	vadd.f32 v27, v11;
	[tilespmem:s12+$0x14200] =	vst v17  }
0x3b9: {  	v34 =	vadd.f32 v2, v9;
	v2 =	vmul.f32 v38, v38;
	v9 =	vmul.f32 v39, v39;
	v23 =	vld [tilespmem:s26+$0xFFFFFF90]  }
0x3ba: {  	v53 =	vadd.f32 v7, v3;
	v3 =	vmul.f32 v41, v41;
	v7 =	vmul.f32 v62, v62;
	v27 =	vld [tilespmem:s26+$0xFFFFFFD0]  }
0x3bb: {  	v42 =	vadd.f32 v2, v0;
	v62 =	vadd.f32 v9, v4;
	v0 =	vmul.f32 v63, v63;
	v25 =	vld [tilespmem:s26+$0xFFFFFFB0]  }
0x3bc: {  	v2 =	vmul.f32 v45, v45;
	v4 =	vmul.f32 v51, v51;
	v24 =	vld [tilespmem:s26+$0xFFFFFFF0];
	v63 =	vadd.f32 v3, v5  }
0x3bd: {  	v26 =	vld [tilespmem:s26+$0xFFFFFFA0];
	v12 =	vadd.f32 v7, v12;
	v3 =	vmul.f32 v46, v46;
	v46 =	vadd.f32 v0, v6  }
0x3be: {  	s29 =	simm.s32 $0x86F0;
	v29 =	vld [tilespmem:s26+$0xFFFFFFE0];
	v0 =	vmul.f32 v47, v47;
	v60 =	vadd.f32 v2, v10;
	v2 =	vmul.f32 v49, v49  }
0x3bf: {  	s31 =	simm.s32 $0xE6F0;
	v30 =	vld [tilespmem:s29+$0xFFFFFF90];
	v9 =	vadd.f32 v4, v19;
	v5 =	vmul.f32 v35, v35;
	v61 =	vadd.f32 v3, v1  }
0x3c0: {  	v31 =	vld [tilespmem:s31+$0xFFFFFF90];
	v3 =	vmul.f32 v44, v44;
	v17 =	vadd.f32 v0, v18;
	v0 =	vmul.f32 v37, v37  }
0x3c1: {  	v32 =	vld [tilespmem:s29+$0xFFFFFFD0];
	v1 =	vmul.f32 v50, v50;
	v10 =	vadd.f32 v2, v20;
	v2 =	vmul.f32 v52, v52  }
0x3c2: {  	v38 =	vld [tilespmem:s31+$0xFFFFFFB0];
	v6 =	vadd.f32 v3, v21;
	v3 =	vmul.f32 v40, v40;
	v7 =	vadd.f32 v0, v22  }
0x3c3: {  	v39 =	vld [tilespmem:s31+$0xFFFFFFF0];
	v4 =	vadd.f32 v1, v33;
	v18 =	vmul.f32 v23, v23;
	v0 =	vadd.f32 v5, v14  }
0x3c4: {  	v35 =	vld [tilespmem:s31+$0xFFFFFFD0];
	v14 =	vmul.f32 v24, v24;
	v1 =	vadd.f32 v3, v16;
	v3 =	vmul.f32 v27, v27  }
0x3c5: {  	v2 =	vadd.f32 v2, v36;
	v36 =	vld [tilespmem:s29+$0xFFFFFFB0];
	v19 =	vmul.f32 v29, v29;
	v16 =	vmul.f32 v25, v25  }
0x3c6: {  	v37 =	vld [tilespmem:s29+$0xFFFFFFF0];
	v15 =	vadd.f32 v18, v15;
	v5 =	vadd.f32 v3, v13;
	v13 =	vmul.f32 v26, v26  }
0x3c7: {  	v41 =	vld [tilespmem:s29+$0xFFFFFFA0];
	v21 =	vmul.f32 v32, v32;
	v16 =	vadd.f32 v16, v28;
	v3 =	vadd.f32 v14, v48  }
0x3c8: {  	v43 =	vld [tilespmem:s31+$0xFFFFFFA0];
	v14 =	vmul.f32 v30, v30;
	v18 =	vadd.f32 v13, v8;
	v13 =	vmul.f32 v31, v31  }
0x3c9: {  	v44 =	vld [tilespmem:s29+$0xFFFFFFE0];
	v28 =	vmul.f32 v38, v38;
	v8 =	vadd.f32 v19, v11;
	v11 =	vmul.f32 v35, v35  }
0x3ca: {  	v40 =	vld [tilespmem:s31+$0xFFFFFFE0];
	v22 =	vmul.f32 v36, v36;
	v19 =	vadd.f32 v14, v34;
	v20 =	vadd.f32 v13, v53  }
0x3cb: {  	v45 =	vld [tilespmem:s29+$0xFFFFFFC0];
	v13 =	vadd.f32 v21, v42;
	v14 =	vadd.f32 v11, v62;
	v11 =	vmul.f32 v37, v37  }
0x3cc: {  	v33 =	vld [tilespmem:s31+$0x0];
	v21 =	vadd.f32 v22, v63;
	v62 =	vmul.f32 v39, v39;
	v63 =	vmul.f32 v41, v41  }
0x3cd: {  	v47 =	vmul.f32 v43, v43;
	v34 =	vld [tilespmem:s29+$0x0];
	v22 =	vadd.f32 v28, v12;
	v11 =	vadd.f32 v11, v46  }
0x3ce: {  	s20 =	simm.s32 $0x40;
	s12 =	simm.s32 $0x80;
	v42 =	vld [tilespmem:s31+$0xFFFFFFC0];
	v12 =	vadd.f32 v62, v60;
	v28 =	vadd.f32 v63, v61;
	v46 =	vmul.f32 v44, v44  }
.LBB2_16:
0x3cf: {  	p0 =	sne.s32 s12, $0xFC0;
	v48 =	vld [tilespmem:s26+$0xFFFFFFC0];
	v30 =	vsub.f32 v30, v31;
	v31 =	vsub.f32 v32, v35;
	v32 =	vmul.f32 v40, v40  }
0x3d0: {  	v36 =	vsub.f32 v36, v38;
	v17 =	vadd.f32 v47, v17;
	v35 =	vld [tilespmem:s26+$0x0];
	v38 =	vmul.f32 v45, v45  }
0x3d1: {  	v23 =	vmul.f32 v30, v23;
	v27 =	vmul.f32 v31, v27;
	v30 =	vsub.f32 v37, v39  }
0x3d2: {  	v31 =	vsub.f32 v41, v43;
	v25 =	vmul.f32 v36, v25;
	v36 =	vsub.f32 v44, v40  }
0x3d3: {  	v37 =	vsub.f32 v45, v42;
	v24 =	vmul.f32 v30, v24;
	v30 =	vsub.f32 v34, v33  }
0x3d4: {  	v9 =	vadd.f32 v38, v9;
	v26 =	vmul.f32 v31, v26;
	v29 =	vmul.f32 v36, v29  }
0x3d5: {  	v10 =	vadd.f32 v46, v10;
	v31 =	vmul.f32 v37, v48;
	v30 =	vmul.f32 v30, v35  }
0x3d6: {  	v23 =	vadd.f32 v27, v23;
	v24 =	vadd.f32 v24, v25;
	v25 =	vmul.f32 v48, v48  }
0x3d7: {  	v26 =	vadd.f32 v29, v26;
	v29 =	vmul.f32 v42, v42;
	v27 =	vadd.f32 v30, v31  }
0x3d8: {  	v6 =	vadd.f32 v25, v6;
	v25 =	vmul.f32 v35, v35;
	v30 =	vmul.f32 v34, v34  }
0x3d9: {  	v23 =	vadd.f32 v24, v23;
	v24 =	vadd.f32 v27, v26;
	v26 =	vmul.f32 v33, v33  }
0x3da: {  	s13 =	sand.u32 $0xE00, s20;
	s24 =	sadd.s32 $0x10, s24;
	s20 =	smov.u32 s12;
	v4 =	vadd.f32 v32, v4;
	v7 =	vadd.f32 v29, v7  }
0x3db: {  	s25 =	sand.u32 $0x70, s24;
	s13 =	sshrl.u32 s13, $0x2;
	v2 =	vadd.f32 v25, v2;
	v23 =	vadd.f32 v24, v23  }
0x3dc: {  	s13 =	sor.u32 s25, s13;
	v1 =	vadd.f32 v30, v1;
	v0 =	vadd.f32 v26, v0  }
0x3dd: {  	s26 =	sadd.s32 $0x80, s26;
	[tilespmem:s13+$0x14200] =	vst v23  }
0x3de: {  	v23 =	vld [tilespmem:s26+$0xFFFFFF90]  }
0x3df: {  	v27 =	vld [tilespmem:s26+$0xFFFFFFD0]  }
0x3e0: {  	v25 =	vld [tilespmem:s26+$0xFFFFFFB0]  }
0x3e1: {  	v24 =	vld [tilespmem:s26+$0xFFFFFFF0]  }
0x3e2: {  	v26 =	vld [tilespmem:s26+$0xFFFFFFA0]  }
0x3e3: {  	s29 =	sadd.s32 $0x80, s29;
	v29 =	vld [tilespmem:s26+$0xFFFFFFE0];
	v32 =	vmul.f32 v23, v23  }
0x3e4: {  	s31 =	sadd.s32 $0x80, s31;
	v30 =	vld [tilespmem:s29+$0xFFFFFF90];
	v33 =	vmul.f32 v27, v27  }
0x3e5: {  	v31 =	vld [tilespmem:s31+$0xFFFFFF90];
	v15 =	vadd.f32 v32, v15;
	v34 =	vmul.f32 v25, v25  }
0x3e6: {  	v32 =	vld [tilespmem:s29+$0xFFFFFFD0];
	v5 =	vadd.f32 v33, v5;
	v33 =	vmul.f32 v24, v24  }
0x3e7: {  	v35 =	vld [tilespmem:s31+$0xFFFFFFD0];
	v37 =	vmul.f32 v26, v26;
	v16 =	vadd.f32 v34, v16  }
0x3e8: {  	v36 =	vld [tilespmem:s29+$0xFFFFFFB0];
	v34 =	vmul.f32 v29, v29;
	v3 =	vadd.f32 v33, v3  }
0x3e9: {  	v38 =	vld [tilespmem:s31+$0xFFFFFFB0];
	v33 =	vmul.f32 v30, v30;
	v18 =	vadd.f32 v37, v18  }
0x3ea: {  	v37 =	vld [tilespmem:s29+$0xFFFFFFF0];
	v40 =	vmul.f32 v31, v31;
	v8 =	vadd.f32 v34, v8  }
0x3eb: {  	v39 =	vld [tilespmem:s31+$0xFFFFFFF0];
	v19 =	vadd.f32 v33, v19;
	v33 =	vmul.f32 v32, v32  }
0x3ec: {  	v41 =	vld [tilespmem:s29+$0xFFFFFFA0];
	v20 =	vadd.f32 v40, v20;
	v34 =	vmul.f32 v35, v35  }
0x3ed: {  	v43 =	vld [tilespmem:s31+$0xFFFFFFA0];
	v42 =	vmul.f32 v36, v36;
	v13 =	vadd.f32 v33, v13  }
0x3ee: {  	v44 =	vld [tilespmem:s29+$0xFFFFFFE0];
	v33 =	vmul.f32 v38, v38;
	v14 =	vadd.f32 v34, v14  }
.Ltmp7:
0x3ef: {  	v40 =	vld [tilespmem:s31+$0xFFFFFFE0];
	v21 =	vadd.f32 v42, v21;
	v34 =	vmul.f32 v37, v37;
	(pc) =	sbr.rel @p0 .LBB2_16-.Ltmp7, $4  }
0x3f0: {  	v45 =	vld [tilespmem:s29+$0xFFFFFFC0];
	v22 =	vadd.f32 v33, v22;
	v33 =	vmul.f32 v39, v39  }
0x3f1: {  	v42 =	vld [tilespmem:s31+$0xFFFFFFC0];
	v46 =	vmul.f32 v41, v41;
	v11 =	vadd.f32 v34, v11  }
0x3f2: {  	v34 =	vld [tilespmem:s29+$0x0];
	v47 =	vmul.f32 v43, v43;
	v12 =	vadd.f32 v33, v12  }
0x3f3: {  	s12 =	sadd.s32 $0x40, s12;
	v33 =	vld [tilespmem:s31+$0x0];
	v28 =	vadd.f32 v46, v28;
	v46 =	vmul.f32 v44, v44  }
0x3f4: {  	v30 =	vsub.f32 v30, v31;
	v59 =	vsub.f32 v32, v35  }
0x3f5: {  	v61 =	vsub.f32 v36, v38;
	v17 =	vadd.f32 v47, v17  }
0x3f6: {  	v48 =	vld [tilespmem:s26+$0xFFFFFFC0];
	v63 =	vsub.f32 v37, v39;
	v41 =	vsub.f32 v41, v43  }
0x3f7: {  	v60 =	vld [tilespmem:s26+$0x0];
	v43 =	vsub.f32 v44, v40;
	v15 =	vadd.f32 v18, v15;
	v62 =	vmul.f32 v45, v45  }
0x3f8: {  	v10 =	vadd.f32 v46, v10;
	v52 =	vadd.f32 v28, v19;
	v23 =	vmul.f32 v30, v23  }
0x3f9: {  	v27 =	vmul.f32 v59, v27;
	v25 =	vmul.f32 v61, v25;
	v44 =	vsub.f32 v45, v42  }
0x3fa: {  	v24 =	vmul.f32 v63, v24;
	v26 =	vmul.f32 v41, v26;
	v45 =	vsub.f32 v34, v33  }
0x3fb: {  	v29 =	vmul.f32 v43, v29;
	v15 =	vadd.f32 v16, v15;
	v53 =	vadd.f32 v17, v20  }
0x3fc: {  	v9 =	vadd.f32 v62, v9;
	v47 =	vmul.f32 v44, v48;
	v30 =	vmul.f32 v45, v60  }
0x3fd: {  	v23 =	vadd.f32 v27, v23;
	v24 =	vadd.f32 v24, v25  }
0x3fe: {  	v26 =	vadd.f32 v29, v26;
	v48 =	vmul.f32 v48, v48;
	v49 =	vadd.f32 v30, v47  }
0x3ff: {  	v50 =	vmul.f32 v42, v42;
	v18 =	vadd.f32 v21, v52;
	v23 =	vadd.f32 v24, v23  }
0x400: {  	v6 =	vadd.f32 v48, v6;
	v51 =	vadd.f32 v49, v26  }
0x401: {  	v54 =	vmul.f32 v40, v40;
	s12 =	sand.u32 $0xE00, s20;
	s13 =	sadd.s32 $0x10, s24;
	v7 =	vadd.f32 v50, v7;
	v56 =	vadd.f32 v22, v53  }
0x402: {  	s13 =	sand.u32 $0x70, s13;
	s12 =	sshrl.u32 s12, $0x2;
	v6 =	vadd.f32 v6, v15;
	v55 =	vadd.f32 v51, v23  }
0x403: {  	v4 =	vadd.f32 v54, v4;
	s12 =	sor.u32 s13, s12;
	v59 =	vmul.f32 v34, v34;
	v9 =	vadd.f32 v9, v18  }
0x404: {  	s29 =	simm.s32 $0x13600;
	v58 =	vadd.f32 v7, v56;
	v5 =	vadd.f32 v5, v6;
	[tilespmem:s12+$0x14200] =	vst v55  }
0x405: {  	v57 =	vmul.f32 v60, v60;
	v1 =	vadd.f32 v59, v1;
	v9 =	vadd.f32 v13, v9;
	[hbm4b:s9+s4] =	stream.linear.scatter [tilespmem:s29], [sflag:$0x3], $0x1000, $0x38;
	[tilespmem:$0x14680] =	vst v63  }
0x406: {  	v6 =	vadd.f32 v14, v58;
	v5 =	vadd.f32 v8, v5;
	_ =	swait.ge [sflag:s3], $0x1000  }
0x407: {  	v60 =	vmul.f32 v33, v33;
	v2 =	vadd.f32 v57, v2;
	v61 =	vadd.f32 v10, v9;
	[sflag:s3] =	ssyncset.done $0x0  }
0x408: {  	v4 =	vadd.f32 v4, v6;
	v3 =	vadd.f32 v3, v5;
	[sflag:s3] =	ssyncadd.s32 $0xFFFFF000  }
0x409: {  	v0 =	vadd.f32 v60, v0;
	v62 =	vadd.f32 v11, v61;
	_ =	swait.ge [sflag:s2], $0x1000  }
0x40a: {  	v63 =	vadd.f32 v12, v4;
	v2 =	vadd.f32 v2, v3;
	[sflag:s2] =	ssyncset.done $0x0  }
0x40b: {  	v1 =	vadd.f32 v1, v62;
	[sflag:s2] =	ssyncadd.s32 $0xFFFFF000  }
0x40c: {  	s22 =	sadd.s32 $0x1, s22;
	v0 =	vadd.f32 v0, v63;
	[tilespmem:$0x14600] =	vst v2  }
0x40d: {  	p0 =	sne.s32 s22, s11;
	[tilespmem:$0x14610] =	vst v1  }
.Ltmp8:
0x40e: {  	s31 =	simm.s32 $0x14600;
	[tilespmem:$0x14620] =	vst v0;
	(pc) =	sbr.rel @p0 .LBB2_1-.Ltmp8, $4  }
0x40f: {  	[hbm4b:s10+s4] =	stream.linear.scatter [tilespmem:s31], [sflag:$0x3], $0x80, $0x38;
	[tilespmem:$0x14680] =	vst v63  }
0x410: {  	_ =	swait.ge [sflag:s3], $0x80  }
0x411: {  	[sflag:s3] =	ssyncset.done $0x0  }
0x412: {  	[sflag:s3] =	ssyncadd.s32 $0xFFFFFF80  }
0x413: {  	_ =	sfence.sel $0x180000  }
0x414: {  	[bflag:$0x0] =	sbarrier.arrive $0xFFFF  }
0x415: {  	_ =	strace $0x90000047  }
0x416: {  	s0 =	stileid.u32;
	[bflag:$0x2] =	sbarrier.arrive $0xFFFF  }
0x417: {  	p0 =	sne.s32 s0, $0x0;
	s0 =	rddreg [dreg:$0x6]  }
0x418: {  	s0 =	sadd.s32 @!p0 $0x100000, s0  }
0x419: {  	[sflag:s0] =	ssyncadd.tile.s32 @!p0 $0x1;
	_ =	shalt  }
.Lfunc_end2:
_tile_overlayer_lowered:
.L_overlay_start_2:
0x41a: {  	(tag) =	ssettag $0x2  }
0x41b: {  	s0 =	rddreg [dreg:$0x0];
	s2 =	stileid.u32  }
0x41c: {  	s1 =	rddreg [dreg:$0x1];
	p0 =	sne.s32 s2, $0x0  }
0x41d: {  	s3 =	rddreg [dreg:$0x2];
	[bflag:$0x3] =	sbarrier.arrive $0xFFFF;
	s2 =	simm.s32 @!p0 $0x1C03  }
0x41e: {  	[timem:s3], [sflag:s2] =	dma.local @!p0 [hbm:s0], s1  }
0x41f: {  	s0 =	simm.s32 @!p0 $0x3  }
0x420: {  	_ =	swait.ge @!p0 [sflag:s0], s1  }
0x421: {  	s1 =	ssub.s32 @!p0 $0x0, s1;
	[sflag:s0] =	ssyncset.done @!p0 $0x0  }
0x422: {  	[sflag:s0] =	ssyncadd.s32 @!p0 s1  }
0x423: {  	[bflag:$0x3] =	sbarrier.arrive $0xFFFF  }
0x424: {  	_ =	shalt  }

</sc_bundles>
